<compile_context>
chip_gen: v7x
topology: tpu7x:2x2x1
jax: 0.10.2.dev20260603
libtpu: 0.0.44.dev20260713+nightly
codegen_flags: <defaults>
</compile_context>

<pallas_src>
import functools

import jax
import jax.numpy as jnp
from jax import lax
from jax.experimental import pallas as pl
from jax.experimental.pallas import tpu as pltpu
from jax.experimental.pallas import tpu_sc as plsc

SIG = 2048
LANES = 16
CH = 8


@functools.partial(jax.jit, static_argnums=(3,))
def _sc_interp(x, pp, tbl, B):
    info = plsc.get_sparse_core_info()
    nw = info.num_cores * info.num_subcores
    rows_per_w = B // nw
    n_chunks = rows_per_w // CH

    mesh = plsc.VectorSubcoreMesh(core_axis_name="c", subcore_axis_name="s")

    @functools.partial(
        pl.kernel,
        out_type=jax.ShapeDtypeStruct((B, SIG), jnp.float32),
        mesh=mesh,
        compiler_params=pltpu.CompilerParams(
            needs_layout_passes=False,
            use_tc_tiling_on_sc=True,
        ),
        scratch_types=[
            pltpu.VMEM((2, CH, SIG), jnp.float32),
            pltpu.VMEM((2, CH, SIG), jnp.float32),
            pltpu.VMEM((rows_per_w * LANES,), jnp.float32),
            pltpu.VMEM((5, SIG), jnp.float32),
            pltpu.SemaphoreType.DMA,
            pltpu.SemaphoreType.DMA,
            pltpu.SemaphoreType.DMA,
            pltpu.SemaphoreType.DMA,
        ],
    )
    def run(x_hbm, p_hbm, t_hbm, out_hbm, xbuf, obuf, pbuf, tbl_v,
            isem0, isem1, osem0, osem1):
        c = lax.axis_index("c")
        s = lax.axis_index("s")
        w = s * info.num_cores + c
        base = w * rows_per_w
        pltpu.sync_copy(t_hbm, tbl_v)
        pltpu.sync_copy(p_hbm.at[pl.ds(base * LANES, rows_per_w * LANES)], pbuf)

        lane_f = lax.iota(jnp.int32, LANES).astype(jnp.float32)
        zero16 = jnp.zeros((LANES,), jnp.int32)
        magic = jnp.float32(12582912.0)
        isems = (isem0, isem1)
        osems = (osem0, osem1)

        for b in range(2):
            pltpu.async_copy(
                x_hbm.at[pl.ds(base + b * CH, CH)], xbuf.at[b], isems[b]
            )

        def outer(g2, carry):
            for b in range(2):
                g = g2 * 2 + b
                row0 = base + g * CH
                xb = xbuf.at[b]
                ob = obuf.at[b]
                pltpu.make_async_copy(
                    x_hbm.at[pl.ds(row0, CH)], xb, isems[b]
                ).wait()
                @pl.when(g2 > 0)
                def _():
                    pltpu.make_async_copy(
                        ob, out_hbm.at[pl.ds(row0, CH)], osems[b]
                    ).wait()

                for r in range(0, CH, 2):
                    pbase_v = zero16 + (g * CH + r) * LANES
                    pa0 = plsc.load_gather(pbuf, [pbase_v])
                    pa1 = plsc.load_gather(pbuf, [pbase_v + 1])
                    pa2 = plsc.load_gather(pbuf, [pbase_v + 2])
                    pa3 = plsc.load_gather(pbuf, [pbase_v + 3])
                    pa4 = plsc.load_gather(pbuf, [pbase_v + 4])
                    pb0 = plsc.load_gather(pbuf, [pbase_v + LANES])
                    pb1 = plsc.load_gather(pbuf, [pbase_v + LANES + 1])
                    pb2 = plsc.load_gather(pbuf, [pbase_v + LANES + 2])
                    pb3 = plsc.load_gather(pbuf, [pbase_v + LANES + 3])
                    pb4 = plsc.load_gather(pbuf, [pbase_v + LANES + 4])
                    ra_v = zero16 + r
                    rb_v = zero16 + (r + 1)

                    @plsc.parallel_loop(0, SIG // LANES, unroll=2)
                    def vec_body(j):
                        col0 = j * LANES
                        b4 = tbl_v[0, pl.ds(col0, LANES)]
                        b3 = tbl_v[1, pl.ds(col0, LANES)]
                        b2 = tbl_v[2, pl.ds(col0, LANES)]
                        b1 = tbl_v[3, pl.ds(col0, LANES)]
                        fi = lane_f + (col0).astype(jnp.float32)
                        ca = ((pa0 * b4 + pa1 * b3) + (pa2 * b2 + pa3 * b1)) + pa4
                        cb = ((pb0 * b4 + pb1 * b3) + (pb2 * b2 + pb3 * b1)) + pb4
                        cvia = (ca + magic) - magic
                        cvib = (cb + magic) - magic
                        ka = ca - cvia
                        kb = cb - cvib
                        posfa = jnp.minimum(jnp.maximum(fi - cvia, 1.0), 2047.0)
                        posfb = jnp.minimum(jnp.maximum(fi - cvib, 1.0), 2047.0)
                        posa = posfa.astype(jnp.int32)
                        posb = posfb.astype(jnp.int32)
                        xa1 = plsc.load_gather(xb, [ra_v, posa])
                        xa2 = plsc.load_gather(xb, [ra_v, posa - 1])
                        xb1 = plsc.load_gather(xb, [rb_v, posb])
                        xb2 = plsc.load_gather(xb, [rb_v, posb - 1])
                        oa = (1.0 - ka) * xa1 + ka * xa2
                        ob_ = (1.0 - kb) * xb1 + kb * xb2
                        ob[r, pl.ds(col0, LANES)] = oa
                        ob[r + 1, pl.ds(col0, LANES)] = ob_

                pltpu.async_copy(ob, out_hbm.at[pl.ds(row0, CH)], osems[b])

                @pl.when(g2 < n_chunks // 2 - 1)
                def _():
                    pltpu.async_copy(
                        x_hbm.at[pl.ds(row0 + 2 * CH, CH)], xb, isems[b]
                    )

            return carry

        lax.fori_loop(0, n_chunks // 2, outer, 0)

        for b in range(2):
            pltpu.make_async_copy(
                obuf.at[b], out_hbm.at[pl.ds(base, CH)], osems[b]
            ).wait()

    return run(x, pp, tbl)


def kernel(x, params):
    scaler = jnp.array([[1e12, 1e8, 1e4, 1.0, 10.0]], dtype=jnp.float32)
    p = params / scaler
    pb = p.astype(jnp.bfloat16).astype(jnp.float32)
    pp = jnp.pad(pb, ((0, 0), (0, LANES - 5))).reshape(-1)
    si = jnp.arange(0, SIG, dtype=jnp.float32)
    tbl_bf = (
        jnp.stack([si**4, si**3, si**2, si], axis=0)
        .astype(jnp.bfloat16)
        .astype(jnp.float32)
    )
    tbl = jnp.concatenate([tbl_bf, si[None, :]], axis=0)
    return _sc_interp(x, pp, tbl, x.shape[0])

# --- scband reference (transcript-rebuilt; emitter-appended) ---
"""Pipeline reference for scband-parametric-interpolation-5961414606875 (READ-ONLY COPY).

The authoritative reference and input builder live on the scoring server;
editing this copy changes nothing except your own understanding.
"""

import jax, jax.numpy as jnp
import numpy as np

SIG_LEN = 2048


def setup_inputs(seed: int = 0) -> dict:
    key = jax.random.key(seed)
    k1, k2 = jax.random.split(key)
    x = jax.random.normal(k1, (16384, SIG_LEN), dtype=jnp.float32)
    params = jax.random.normal(k2, (16384, 5), dtype=jnp.float32)
    return {"x": x, "params": params}


def reference(x, params):
    scaler = jnp.array([[1000000000000.0, 100000000.0, 10000.0, 1.0, 10.0]], dtype=jnp.float32)
    sig_idx = jnp.arange(0, SIG_LEN, dtype=jnp.float32)
    p = params / scaler  # [B, 5]
    # curve_val[b, i] = p0*i^4 + p1*i^3 + p2*i^2 + p3*i + p4
    powers = jnp.stack([sig_idx ** 4, sig_idx ** 3, sig_idx ** 2, sig_idx, jnp.ones_like(sig_idx)], axis=0)  # [5, SIG_LEN]
    curve_val = p @ powers  # [B, SIG_LEN]
    curve_val_int = jnp.round(curve_val)
    k = curve_val - curve_val_int
    k = jnp.stack([1.0 - k, k], axis=-1)  # [B, SIG_LEN, 2]
    new_pos = jnp.clip(sig_idx[None, :] - curve_val_int, 1.0, 2047.0).astype(jnp.int32)  # [B, SIG_LEN]
    aranged_x1 = jnp.take_along_axis(x, new_pos, axis=1)
    aranged_x2 = jnp.take_along_axis(x, new_pos - 1, axis=1)
    xx = jnp.stack([aranged_x1, aranged_x2], axis=-1)  # [B, SIG_LEN, 2]
    output = jnp.sum(xx * k, axis=-1)  # [B, SIG_LEN]
    return output

if __name__ == "__main__":
    import jax
    _d = setup_inputs()
    print(jax.jit(kernel)(*tuple(_d.values())))

</pallas_src>

<mosaic_0001>
#map = affine_map<(d0, d1) -> (0, 0)>
#map1 = affine_map<(d0, d1) -> (0)>
module attributes {stable_mosaic.version = 14 : i64} {
  func.func @run(%arg0: i32, %arg1: i32, %arg2: memref<16384x2048xf32, #tpu.memory_space<hbm>>, %arg3: memref<262144xf32, #tpu.memory_space<hbm>>, %arg4: memref<5x2048xf32, #tpu.memory_space<hbm>>, %arg5: memref<16384x2048xf32, #tpu.memory_space<hbm>>, %arg6: memref<2x8x2048xf32, #tpu.memory_space<vmem>>, %arg7: memref<2x8x2048xf32, #tpu.memory_space<vmem>>, %arg8: memref<8192xf32, #tpu.memory_space<vmem>>, %arg9: memref<5x2048xf32, #tpu.memory_space<vmem>>, %arg10: memref<!tpu.dma_semaphore, #tpu.memory_space<semaphore_mem>>, %arg11: memref<!tpu.dma_semaphore, #tpu.memory_space<semaphore_mem>>, %arg12: memref<!tpu.dma_semaphore, #tpu.memory_space<semaphore_mem>>, %arg13: memref<!tpu.dma_semaphore, #tpu.memory_space<semaphore_mem>>) attributes {dimension_semantics = [#tpu.dimension_semantics<core_parallel>, #tpu.dimension_semantics<subcore_parallel>], iteration_bounds = array<i64: 2, 16>, scalar_prefetch = 0 : i64, scratch_operands = 8 : i64, tpu.core_type = #tpu.core_type<sc_vector_subcore>, window_params = [{transform_indices = #map}, {transform_indices = #map1}, {transform_indices = #map}, {transform_indices = #map}]} {
    %mul3A = arith.constant 2 : i32
    %mul3A_0 = arith.muli %arg1, %mul3A : i32
    %add3A = arith.addi %mul3A_0, %arg0 : i32
    %mul3A_1 = arith.constant 512 : i32
    %mul3A_2 = arith.muli %add3A, %mul3A_1 : i32
    "tpu.region"() ({
      %run_scoped3A = tpu.sem_alloc : memref<!tpu.dma_semaphore, #tpu.memory_space<semaphore_mem>>
      tpu.enqueue_dma source(%arg4 : memref<5x2048xf32, #tpu.memory_space<hbm>>) target(%arg9 : memref<5x2048xf32, #tpu.memory_space<vmem>>) target_semaphore(%run_scoped3A : memref<!tpu.dma_semaphore, #tpu.memory_space<semaphore_mem>>)
      tpu.wait_dma2 semaphore(%run_scoped3A : memref<!tpu.dma_semaphore, #tpu.memory_space<semaphore_mem>>) src(%arg4 : memref<5x2048xf32, #tpu.memory_space<hbm>>) dst(%arg9 : memref<5x2048xf32, #tpu.memory_space<vmem>>)
      tpu.yield
    }) : () -> ()
    %mul3A_3 = arith.constant 16 : i32
    %mul3A_4 = arith.muli %mul3A_2, %mul3A_3 : i32
    "tpu.region"() ({
      %run_scoped3A = tpu.sem_alloc : memref<!tpu.dma_semaphore, #tpu.memory_space<semaphore_mem>>
      %dma_start3A_66 = tpu.memref_slice %arg3[%mul3A_4] : memref<262144xf32, #tpu.memory_space<hbm>> -> memref<8192xf32, #tpu.memory_space<hbm>>
      %dma_start3A_67 = tpu.memref_slice %arg3[%mul3A_4] : memref<262144xf32, #tpu.memory_space<hbm>> -> memref<8192xf32, #tpu.memory_space<hbm>>
      tpu.enqueue_dma source(%dma_start3A_67 : memref<8192xf32, #tpu.memory_space<hbm>>) target(%arg8 : memref<8192xf32, #tpu.memory_space<vmem>>) target_semaphore(%run_scoped3A : memref<!tpu.dma_semaphore, #tpu.memory_space<semaphore_mem>>)
      %dma_wait3A_68 = tpu.memref_slice %arg3[%mul3A_4] : memref<262144xf32, #tpu.memory_space<hbm>> -> memref<8192xf32, #tpu.memory_space<hbm>>
      %dma_wait3A_69 = tpu.memref_slice %arg3[%mul3A_4] : memref<262144xf32, #tpu.memory_space<hbm>> -> memref<8192xf32, #tpu.memory_space<hbm>>
      tpu.wait_dma2 semaphore(%run_scoped3A : memref<!tpu.dma_semaphore, #tpu.memory_space<semaphore_mem>>) src(%dma_wait3A_69 : memref<8192xf32, #tpu.memory_space<hbm>>) dst(%arg8 : memref<8192xf32, #tpu.memory_space<vmem>>)
      tpu.yield
    }) : () -> ()
    %iota3A = tpu.iota {dimensions = array<i32: 0>} : vector<16xi32>
    %convert_element_type3A = arith.sitofp %iota3A : vector<16xi32> to vector<16xf32>
    %broadcast_in_dim3A = arith.constant 0 : i32
    %broadcast_in_dim3A_5 = vector.broadcast %broadcast_in_dim3A : i32 to vector<16xi32>
    %add3A_6 = arith.constant 0 : i32
    %add3A_7 = arith.addi %mul3A_2, %add3A_6 : i32
    %dma_start3A = arith.constant 0 : i32
    %dma_start3A_8 = arith.constant 0 : i32
    %dma_start3A_9 = arith.constant 0 : i32
    %dma_start3A_10 = tpu.memref_slice %arg6[%dma_start3A, %dma_start3A_8, %dma_start3A_9] : memref<2x8x2048xf32, #tpu.memory_space<vmem>> -> memref<1x8x2048xf32, #tpu.memory_space<vmem>>
    %dma_start3A_11 = tpu.memref_squeeze %dma_start3A_10 : memref<1x8x2048xf32, #tpu.memory_space<vmem>> -> memref<8x2048xf32, #tpu.memory_space<vmem>>
    %dma_start3A_12 = arith.constant 0 : i32
    %dma_start3A_13 = tpu.memref_slice %arg2[%add3A_7, %dma_start3A_12] : memref<16384x2048xf32, #tpu.memory_space<hbm>> -> memref<8x2048xf32, #tpu.memory_space<hbm>>
    %dma_start3A_14 = arith.constant 0 : i32
    %dma_start3A_15 = arith.constant 0 : i32
    %dma_start3A_16 = tpu.memref_slice %arg6[%dma_start3A, %dma_start3A_14, %dma_start3A_15] : memref<2x8x2048xf32, #tpu.memory_space<vmem>> -> memref<1x8x2048xf32, #tpu.memory_space<vmem>>
    %dma_start3A_17 = tpu.memref_squeeze %dma_start3A_16 : memref<1x8x2048xf32, #tpu.memory_space<vmem>> -> memref<8x2048xf32, #tpu.memory_space<vmem>>
    %dma_start3A_18 = arith.constant 0 : i32
    %dma_start3A_19 = tpu.memref_slice %arg2[%add3A_7, %dma_start3A_18] : memref<16384x2048xf32, #tpu.memory_space<hbm>> -> memref<8x2048xf32, #tpu.memory_space<hbm>>
    tpu.enqueue_dma source(%dma_start3A_19 : memref<8x2048xf32, #tpu.memory_space<hbm>>) target(%dma_start3A_17 : memref<8x2048xf32, #tpu.memory_space<vmem>>) target_semaphore(%arg10 : memref<!tpu.dma_semaphore, #tpu.memory_space<semaphore_mem>>)
    %add3A_20 = arith.constant 8 : i32
    %add3A_21 = arith.addi %mul3A_2, %add3A_20 : i32
    %dma_start3A_22 = arith.constant 1 : i32
    %dma_start3A_23 = arith.constant 0 : i32
    %dma_start3A_24 = arith.constant 0 : i32
    %dma_start3A_25 = tpu.memref_slice %arg6[%dma_start3A_22, %dma_start3A_23, %dma_start3A_24] : memref<2x8x2048xf32, #tpu.memory_space<vmem>> -> memref<1x8x2048xf32, #tpu.memory_space<vmem>>
    %dma_start3A_26 = tpu.memref_squeeze %dma_start3A_25 : memref<1x8x2048xf32, #tpu.memory_space<vmem>> -> memref<8x2048xf32, #tpu.memory_space<vmem>>
    %dma_start3A_27 = arith.constant 0 : i32
    %dma_start3A_28 = tpu.memref_slice %arg2[%add3A_21, %dma_start3A_27] : memref<16384x2048xf32, #tpu.memory_space<hbm>> -> memref<8x2048xf32, #tpu.memory_space<hbm>>
    %dma_start3A_29 = arith.constant 0 : i32
    %dma_start3A_30 = arith.constant 0 : i32
    %dma_start3A_31 = tpu.memref_slice %arg6[%dma_start3A_22, %dma_start3A_29, %dma_start3A_30] : memref<2x8x2048xf32, #tpu.memory_space<vmem>> -> memref<1x8x2048xf32, #tpu.memory_space<vmem>>
    %dma_start3A_32 = tpu.memref_squeeze %dma_start3A_31 : memref<1x8x2048xf32, #tpu.memory_space<vmem>> -> memref<8x2048xf32, #tpu.memory_space<vmem>>
    %dma_start3A_33 = arith.constant 0 : i32
    %dma_start3A_34 = tpu.memref_slice %arg2[%add3A_21, %dma_start3A_33] : memref<16384x2048xf32, #tpu.memory_space<hbm>> -> memref<8x2048xf32, #tpu.memory_space<hbm>>
    tpu.enqueue_dma source(%dma_start3A_34 : memref<8x2048xf32, #tpu.memory_space<hbm>>) target(%dma_start3A_32 : memref<8x2048xf32, #tpu.memory_space<vmem>>) target_semaphore(%arg11 : memref<!tpu.dma_semaphore, #tpu.memory_space<semaphore_mem>>)
    %scan3A = arith.constant 0 : i32
    %scan3A_35 = arith.constant 0x4B400000 : f32
    %scan3A_36 = arith.constant 0 : i32
    %scan3A_37 = arith.constant 32 : i32
    %scan3A_38 = arith.addi %scan3A_36, %scan3A_37 : i32
    %scan3A_39 = arith.constant 1 : i32
    scf.for %scan3A_66 = %scan3A_36 to %scan3A_38 step %scan3A_39  : i32 {
      %mul3A_67 = arith.constant 2 : i32
      %mul3A_68 = arith.muli %scan3A_66, %mul3A_67 : i32
      %add3A_69 = arith.constant 0 : i32
      %add3A_70 = arith.addi %mul3A_68, %add3A_69 : i32
      %mul3A_71 = arith.constant 8 : i32
      %mul3A_72 = arith.muli %add3A_70, %mul3A_71 : i32
      %add3A_73 = arith.addi %mul3A_2, %mul3A_72 : i32
      %dma_wait3A_74 = arith.constant 0 : i32
      %dma_wait3A_75 = arith.constant 0 : i32
      %dma_wait3A_76 = arith.constant 0 : i32
      %dma_wait3A_77 = tpu.memref_slice %arg6[%dma_wait3A_74, %dma_wait3A_75, %dma_wait3A_76] : memref<2x8x2048xf32, #tpu.memory_space<vmem>> -> memref<1x8x2048xf32, #tpu.memory_space<vmem>>
      %dma_wait3A_78 = tpu.memref_squeeze %dma_wait3A_77 : memref<1x8x2048xf32, #tpu.memory_space<vmem>> -> memref<8x2048xf32, #tpu.memory_space<vmem>>
      %dma_wait3A_79 = arith.constant 0 : i32
      %dma_wait3A_80 = tpu.memref_slice %arg2[%add3A_73, %dma_wait3A_79] : memref<16384x2048xf32, #tpu.memory_space<hbm>> -> memref<8x2048xf32, #tpu.memory_space<hbm>>
      %dma_wait3A_81 = arith.constant 0 : i32
      %dma_wait3A_82 = arith.constant 0 : i32
      %dma_wait3A_83 = tpu.memref_slice %arg6[%dma_wait3A_74, %dma_wait3A_81, %dma_wait3A_82] : memref<2x8x2048xf32, #tpu.memory_space<vmem>> -> memref<1x8x2048xf32, #tpu.memory_space<vmem>>
      %dma_wait3A_84 = tpu.memref_squeeze %dma_wait3A_83 : memref<1x8x2048xf32, #tpu.memory_space<vmem>> -> memref<8x2048xf32, #tpu.memory_space<vmem>>
      %dma_wait3A_85 = arith.constant 0 : i32
      %dma_wait3A_86 = tpu.memref_slice %arg2[%add3A_73, %dma_wait3A_85] : memref<16384x2048xf32, #tpu.memory_space<hbm>> -> memref<8x2048xf32, #tpu.memory_space<hbm>>
      tpu.wait_dma2 semaphore(%arg10 : memref<!tpu.dma_semaphore, #tpu.memory_space<semaphore_mem>>) src(%dma_wait3A_86 : memref<8x2048xf32, #tpu.memory_space<hbm>>) dst(%dma_wait3A_84 : memref<8x2048xf32, #tpu.memory_space<vmem>>)
      %gt3A = arith.constant 0 : i32
      %gt3A_87 = arith.cmpi sgt, %scan3A_66, %gt3A : i32
      %convert_element_type3A_88 = arith.extui %gt3A_87 : i1 to i32
      %cond3A = arith.constant 0 : i32
      %cond3A_89 = arith.constant 0 : i32
      %cond3A_90 = arith.cmpi ne, %convert_element_type3A_88, %cond3A_89 : i32
      scf.if %cond3A_90 {
        %dma_wait3A_696 = arith.constant 0 : i32
        %dma_wait3A_697 = arith.constant 0 : i32
        %dma_wait3A_698 = tpu.memref_slice %arg7[%cond3A, %dma_wait3A_696, %dma_wait3A_697] : memref<2x8x2048xf32, #tpu.memory_space<vmem>> -> memref<1x8x2048xf32, #tpu.memory_space<vmem>>
        %dma_wait3A_699 = tpu.memref_squeeze %dma_wait3A_698 : memref<1x8x2048xf32, #tpu.memory_space<vmem>> -> memref<8x2048xf32, #tpu.memory_space<vmem>>
        %dma_wait3A_700 = arith.constant 0 : i32
        %dma_wait3A_701 = tpu.memref_slice %arg5[%add3A_73, %dma_wait3A_700] : memref<16384x2048xf32, #tpu.memory_space<hbm>> -> memref<8x2048xf32, #tpu.memory_space<hbm>>
        %dma_wait3A_702 = arith.constant 0 : i32
        %dma_wait3A_703 = tpu.memref_slice %arg5[%add3A_73, %dma_wait3A_702] : memref<16384x2048xf32, #tpu.memory_space<hbm>> -> memref<8x2048xf32, #tpu.memory_space<hbm>>
        %dma_wait3A_704 = arith.constant 0 : i32
        %dma_wait3A_705 = arith.constant 0 : i32
        %dma_wait3A_706 = tpu.memref_slice %arg7[%cond3A, %dma_wait3A_704, %dma_wait3A_705] : memref<2x8x2048xf32, #tpu.memory_space<vmem>> -> memref<1x8x2048xf32, #tpu.memory_space<vmem>>
        %dma_wait3A_707 = tpu.memref_squeeze %dma_wait3A_706 : memref<1x8x2048xf32, #tpu.memory_space<vmem>> -> memref<8x2048xf32, #tpu.memory_space<vmem>>
        tpu.wait_dma2 semaphore(%arg12 : memref<!tpu.dma_semaphore, #tpu.memory_space<semaphore_mem>>) src(%dma_wait3A_707 : memref<8x2048xf32, #tpu.memory_space<vmem>>) dst(%dma_wait3A_703 : memref<8x2048xf32, #tpu.memory_space<hbm>>)
      } else {
      }
      %mul3A_91 = arith.constant 8 : i32
      %mul3A_92 = arith.muli %add3A_70, %mul3A_91 : i32
      %add3A_93 = arith.constant 0 : i32
      %add3A_94 = arith.addi %mul3A_92, %add3A_93 : i32
      %mul3A_95 = arith.constant 16 : i32
      %mul3A_96 = arith.muli %add3A_94, %mul3A_95 : i32
      %add3A_97 = vector.broadcast %mul3A_96 : i32 to vector<16xi32>
      %add3A_98 = arith.addi %broadcast_in_dim3A_5, %add3A_97 : vector<16xi32>
      %gather3A = tpu.vector_load_idx %arg8[%add3A_98] : memref<8192xf32, #tpu.memory_space<vmem>>[vector<16xi32>], vector<16xf32>,
      %add3A_99 = arith.constant 1 : i32
      %add3A_100 = vector.broadcast %add3A_99 : i32 to vector<16xi32>
      %add3A_101 = arith.addi %add3A_98, %add3A_100 : vector<16xi32>
      %gather3A_102 = tpu.vector_load_idx %arg8[%add3A_101] : memref<8192xf32, #tpu.memory_space<vmem>>[vector<16xi32>], vector<16xf32>,
      %add3A_103 = arith.constant 2 : i32
      %add3A_104 = vector.broadcast %add3A_103 : i32 to vector<16xi32>
      %add3A_105 = arith.addi %add3A_98, %add3A_104 : vector<16xi32>
      %gather3A_106 = tpu.vector_load_idx %arg8[%add3A_105] : memref<8192xf32, #tpu.memory_space<vmem>>[vector<16xi32>], vector<16xf32>,
      %add3A_107 = arith.constant 3 : i32
      %add3A_108 = vector.broadcast %add3A_107 : i32 to vector<16xi32>
      %add3A_109 = arith.addi %add3A_98, %add3A_108 : vector<16xi32>
      %gather3A_110 = tpu.vector_load_idx %arg8[%add3A_109] : memref<8192xf32, #tpu.memory_space<vmem>>[vector<16xi32>], vector<16xf32>,
      %add3A_111 = arith.constant 4 : i32
      %add3A_112 = vector.broadcast %add3A_111 : i32 to vector<16xi32>
      %add3A_113 = arith.addi %add3A_98, %add3A_112 : vector<16xi32>
      %gather3A_114 = tpu.vector_load_idx %arg8[%add3A_113] : memref<8192xf32, #tpu.memory_space<vmem>>[vector<16xi32>], vector<16xf32>,
      %add3A_115 = arith.constant 16 : i32
      %add3A_116 = vector.broadcast %add3A_115 : i32 to vector<16xi32>
      %add3A_117 = arith.addi %add3A_98, %add3A_116 : vector<16xi32>
      %gather3A_118 = tpu.vector_load_idx %arg8[%add3A_117] : memref<8192xf32, #tpu.memory_space<vmem>>[vector<16xi32>], vector<16xf32>,
      %add3A_119 = arith.constant 16 : i32
      %add3A_120 = vector.broadcast %add3A_119 : i32 to vector<16xi32>
      %add3A_121 = arith.addi %add3A_98, %add3A_120 : vector<16xi32>
      %add3A_122 = arith.constant 1 : i32
      %add3A_123 = vector.broadcast %add3A_122 : i32 to vector<16xi32>
      %add3A_124 = arith.addi %add3A_121, %add3A_123 : vector<16xi32>
      %gather3A_125 = tpu.vector_load_idx %arg8[%add3A_124] : memref<8192xf32, #tpu.memory_space<vmem>>[vector<16xi32>], vector<16xf32>,
      %add3A_126 = arith.constant 16 : i32
      %add3A_127 = vector.broadcast %add3A_126 : i32 to vector<16xi32>
      %add3A_128 = arith.addi %add3A_98, %add3A_127 : vector<16xi32>
      %add3A_129 = arith.constant 2 : i32
      %add3A_130 = vector.broadcast %add3A_129 : i32 to vector<16xi32>
      %add3A_131 = arith.addi %add3A_128, %add3A_130 : vector<16xi32>
      %gather3A_132 = tpu.vector_load_idx %arg8[%add3A_131] : memref<8192xf32, #tpu.memory_space<vmem>>[vector<16xi32>], vector<16xf32>,
      %add3A_133 = arith.constant 16 : i32
      %add3A_134 = vector.broadcast %add3A_133 : i32 to vector<16xi32>
      %add3A_135 = arith.addi %add3A_98, %add3A_134 : vector<16xi32>
      %add3A_136 = arith.constant 3 : i32
      %add3A_137 = vector.broadcast %add3A_136 : i32 to vector<16xi32>
      %add3A_138 = arith.addi %add3A_135, %add3A_137 : vector<16xi32>
      %gather3A_139 = tpu.vector_load_idx %arg8[%add3A_138] : memref<8192xf32, #tpu.memory_space<vmem>>[vector<16xi32>], vector<16xf32>,
      %add3A_140 = arith.constant 16 : i32
      %add3A_141 = vector.broadcast %add3A_140 : i32 to vector<16xi32>
      %add3A_142 = arith.addi %add3A_98, %add3A_141 : vector<16xi32>
      %add3A_143 = arith.constant 4 : i32
      %add3A_144 = vector.broadcast %add3A_143 : i32 to vector<16xi32>
      %add3A_145 = arith.addi %add3A_142, %add3A_144 : vector<16xi32>
      %gather3A_146 = tpu.vector_load_idx %arg8[%add3A_145] : memref<8192xf32, #tpu.memory_space<vmem>>[vector<16xi32>], vector<16xf32>,
      %add3A_147 = arith.constant 0 : i32
      %add3A_148 = vector.broadcast %add3A_147 : i32 to vector<16xi32>
      %add3A_149 = arith.addi %broadcast_in_dim3A_5, %add3A_148 : vector<16xi32>
      %add3A_150 = arith.constant 1 : i32
      %add3A_151 = vector.broadcast %add3A_150 : i32 to vector<16xi32>
      %add3A_152 = arith.addi %broadcast_in_dim3A_5, %add3A_151 : vector<16xi32>
      %parallel_loop3A = arith.constant 0 : i32
      %parallel_loop3A_153 = arith.constant 128 : i32
      %parallel_loop3A_154 = arith.constant 1 : i32
      %parallel_loop3A_155 = arith.constant 0 : i32
      %parallel_loop3A_156 = arith.constant 0 : i32
      scf.for %parallel_loop3A_696 = %parallel_loop3A to %parallel_loop3A_153 step %parallel_loop3A_154  : i32 {
        %parallel_loop3A_697 = arith.constant 16 : i32
        %parallel_loop3A_698 = arith.muli %parallel_loop3A_696, %parallel_loop3A_697 : i32
        %parallel_loop3A_699 = arith.constant 0 : i32
        %parallel_loop3A_700 = arith.index_cast %parallel_loop3A_699 : i32 to index
        %parallel_loop3A_701 = arith.index_cast %parallel_loop3A_698 : i32 to index
        %parallel_loop3A_702 = tpu.vector_load %arg9[%parallel_loop3A_700, %parallel_loop3A_701] {strides = array<i32>} : memref<5x2048xf32, #tpu.memory_space<vmem>>, vector<16xf32>,
        %parallel_loop3A_703 = arith.constant 1 : i32
        %parallel_loop3A_704 = arith.index_cast %parallel_loop3A_703 : i32 to index
        %parallel_loop3A_705 = arith.index_cast %parallel_loop3A_698 : i32 to index
        %parallel_loop3A_706 = tpu.vector_load %arg9[%parallel_loop3A_704, %parallel_loop3A_705] {strides = array<i32>} : memref<5x2048xf32, #tpu.memory_space<vmem>>, vector<16xf32>,
        %parallel_loop3A_707 = arith.constant 2 : i32
        %parallel_loop3A_708 = arith.index_cast %parallel_loop3A_707 : i32 to index
        %parallel_loop3A_709 = arith.index_cast %parallel_loop3A_698 : i32 to index
        %parallel_loop3A_710 = tpu.vector_load %arg9[%parallel_loop3A_708, %parallel_loop3A_709] {strides = array<i32>} : memref<5x2048xf32, #tpu.memory_space<vmem>>, vector<16xf32>,
        %parallel_loop3A_711 = arith.constant 3 : i32
        %parallel_loop3A_712 = arith.index_cast %parallel_loop3A_711 : i32 to index
        %parallel_loop3A_713 = arith.index_cast %parallel_loop3A_698 : i32 to index
        %parallel_loop3A_714 = tpu.vector_load %arg9[%parallel_loop3A_712, %parallel_loop3A_713] {strides = array<i32>} : memref<5x2048xf32, #tpu.memory_space<vmem>>, vector<16xf32>,
        %parallel_loop3A_715 = arith.sitofp %parallel_loop3A_698 : i32 to f32
        %parallel_loop3A_716 = vector.broadcast %parallel_loop3A_715 : f32 to vector<16xf32>
        %parallel_loop3A_717 = arith.addf %convert_element_type3A, %parallel_loop3A_716 : vector<16xf32>
        %parallel_loop3A_718 = arith.mulf %gather3A, %parallel_loop3A_702 : vector<16xf32>
        %parallel_loop3A_719 = arith.mulf %gather3A_102, %parallel_loop3A_706 : vector<16xf32>
        %parallel_loop3A_720 = arith.addf %parallel_loop3A_718, %parallel_loop3A_719 : vector<16xf32>
        %parallel_loop3A_721 = arith.mulf %gather3A_106, %parallel_loop3A_710 : vector<16xf32>
        %parallel_loop3A_722 = arith.mulf %gather3A_110, %parallel_loop3A_714 : vector<16xf32>
        %parallel_loop3A_723 = arith.addf %parallel_loop3A_721, %parallel_loop3A_722 : vector<16xf32>
        %parallel_loop3A_724 = arith.addf %parallel_loop3A_720, %parallel_loop3A_723 : vector<16xf32>
        %parallel_loop3A_725 = arith.addf %parallel_loop3A_724, %gather3A_114 : vector<16xf32>
        %parallel_loop3A_726 = arith.mulf %gather3A_118, %parallel_loop3A_702 : vector<16xf32>
        %parallel_loop3A_727 = arith.mulf %gather3A_125, %parallel_loop3A_706 : vector<16xf32>
        %parallel_loop3A_728 = arith.addf %parallel_loop3A_726, %parallel_loop3A_727 : vector<16xf32>
        %parallel_loop3A_729 = arith.mulf %gather3A_132, %parallel_loop3A_710 : vector<16xf32>
        %parallel_loop3A_730 = arith.mulf %gather3A_139, %parallel_loop3A_714 : vector<16xf32>
        %parallel_loop3A_731 = arith.addf %parallel_loop3A_729, %parallel_loop3A_730 : vector<16xf32>
        %parallel_loop3A_732 = arith.addf %parallel_loop3A_728, %parallel_loop3A_731 : vector<16xf32>
        %parallel_loop3A_733 = arith.addf %parallel_loop3A_732, %gather3A_146 : vector<16xf32>
        %parallel_loop3A_734 = vector.broadcast %scan3A_35 : f32 to vector<16xf32>
        %parallel_loop3A_735 = arith.addf %parallel_loop3A_725, %parallel_loop3A_734 : vector<16xf32>
        %parallel_loop3A_736 = vector.broadcast %scan3A_35 : f32 to vector<16xf32>
        %parallel_loop3A_737 = arith.subf %parallel_loop3A_735, %parallel_loop3A_736 : vector<16xf32>
        %parallel_loop3A_738 = vector.broadcast %scan3A_35 : f32 to vector<16xf32>
        %parallel_loop3A_739 = arith.addf %parallel_loop3A_733, %parallel_loop3A_738 : vector<16xf32>
        %parallel_loop3A_740 = vector.broadcast %scan3A_35 : f32 to vector<16xf32>
        %parallel_loop3A_741 = arith.subf %parallel_loop3A_739, %parallel_loop3A_740 : vector<16xf32>
        %parallel_loop3A_742 = arith.subf %parallel_loop3A_725, %parallel_loop3A_737 : vector<16xf32>
        %parallel_loop3A_743 = arith.subf %parallel_loop3A_733, %parallel_loop3A_741 : vector<16xf32>
        %parallel_loop3A_744 = arith.subf %parallel_loop3A_717, %parallel_loop3A_737 : vector<16xf32>
        %parallel_loop3A_745 = arith.constant 1.000000e+00 : f32
        %parallel_loop3A_746 = vector.broadcast %parallel_loop3A_745 : f32 to vector<16xf32>
        %parallel_loop3A_747 = arith.maximumf %parallel_loop3A_744, %parallel_loop3A_746 : vector<16xf32>
        %parallel_loop3A_748 = arith.constant 2.047000e+03 : f32
        %parallel_loop3A_749 = vector.broadcast %parallel_loop3A_748 : f32 to vector<16xf32>
        %parallel_loop3A_750 = arith.minimumf %parallel_loop3A_747, %parallel_loop3A_749 : vector<16xf32>
        %parallel_loop3A_751 = arith.subf %parallel_loop3A_717, %parallel_loop3A_741 : vector<16xf32>
        %parallel_loop3A_752 = arith.constant 1.000000e+00 : f32
        %parallel_loop3A_753 = vector.broadcast %parallel_loop3A_752 : f32 to vector<16xf32>
        %parallel_loop3A_754 = arith.maximumf %parallel_loop3A_751, %parallel_loop3A_753 : vector<16xf32>
        %parallel_loop3A_755 = arith.constant 2.047000e+03 : f32
        %parallel_loop3A_756 = vector.broadcast %parallel_loop3A_755 : f32 to vector<16xf32>
        %parallel_loop3A_757 = arith.minimumf %parallel_loop3A_754, %parallel_loop3A_756 : vector<16xf32>
        %parallel_loop3A_758 = arith.fptosi %parallel_loop3A_750 : vector<16xf32> to vector<16xi32>
        %parallel_loop3A_759 = arith.fptosi %parallel_loop3A_757 : vector<16xf32> to vector<16xi32>
        %parallel_loop3A_760 = arith.constant 0 : i32
        %parallel_loop3A_761 = arith.constant 0 : i32
        %parallel_loop3A_762 = tpu.memref_slice %arg6[%parallel_loop3A_155, %parallel_loop3A_760, %parallel_loop3A_761] : memref<2x8x2048xf32, #tpu.memory_space<vmem>> -> memref<1x8x2048xf32, #tpu.memory_space<vmem>>
        %parallel_loop3A_763 = tpu.memref_squeeze %parallel_loop3A_762 : memref<1x8x2048xf32, #tpu.memory_space<vmem>> -> memref<8x2048xf32, #tpu.memory_space<vmem>>
        %parallel_loop3A_764 = tpu.vector_load_idx %parallel_loop3A_763[%add3A_149, %parallel_loop3A_758] : memref<8x2048xf32, #tpu.memory_space<vmem>>[vector<16xi32>, vector<16xi32>], vector<16xf32>,
        %parallel_loop3A_765 = arith.constant 1 : i32
        %parallel_loop3A_766 = vector.broadcast %parallel_loop3A_765 : i32 to vector<16xi32>
        %parallel_loop3A_767 = arith.subi %parallel_loop3A_758, %parallel_loop3A_766 : vector<16xi32>
        %parallel_loop3A_768 = arith.constant 0 : i32
        %parallel_loop3A_769 = arith.constant 0 : i32
        %parallel_loop3A_770 = tpu.memref_slice %arg6[%parallel_loop3A_155, %parallel_loop3A_768, %parallel_loop3A_769] : memref<2x8x2048xf32, #tpu.memory_space<vmem>> -> memref<1x8x2048xf32, #tpu.memory_space<vmem>>
        %parallel_loop3A_771 = tpu.memref_squeeze %parallel_loop3A_770 : memref<1x8x2048xf32, #tpu.memory_space<vmem>> -> memref<8x2048xf32, #tpu.memory_space<vmem>>
        %parallel_loop3A_772 = tpu.vector_load_idx %parallel_loop3A_771[%add3A_149, %parallel_loop3A_767] : memref<8x2048xf32, #tpu.memory_space<vmem>>[vector<16xi32>, vector<16xi32>], vector<16xf32>,
        %parallel_loop3A_773 = arith.constant 0 : i32
        %parallel_loop3A_774 = arith.constant 0 : i32
        %parallel_loop3A_775 = tpu.memref_slice %arg6[%parallel_loop3A_155, %parallel_loop3A_773, %parallel_loop3A_774] : memref<2x8x2048xf32, #tpu.memory_space<vmem>> -> memref<1x8x2048xf32, #tpu.memory_space<vmem>>
        %parallel_loop3A_776 = tpu.memref_squeeze %parallel_loop3A_775 : memref<1x8x2048xf32, #tpu.memory_space<vmem>> -> memref<8x2048xf32, #tpu.memory_space<vmem>>
        %parallel_loop3A_777 = tpu.vector_load_idx %parallel_loop3A_776[%add3A_152, %parallel_loop3A_759] : memref<8x2048xf32, #tpu.memory_space<vmem>>[vector<16xi32>, vector<16xi32>], vector<16xf32>,
        %parallel_loop3A_778 = arith.constant 1 : i32
        %parallel_loop3A_779 = vector.broadcast %parallel_loop3A_778 : i32 to vector<16xi32>
        %parallel_loop3A_780 = arith.subi %parallel_loop3A_759, %parallel_loop3A_779 : vector<16xi32>
        %parallel_loop3A_781 = arith.constant 0 : i32
        %parallel_loop3A_782 = arith.constant 0 : i32
        %parallel_loop3A_783 = tpu.memref_slice %arg6[%parallel_loop3A_155, %parallel_loop3A_781, %parallel_loop3A_782] : memref<2x8x2048xf32, #tpu.memory_space<vmem>> -> memref<1x8x2048xf32, #tpu.memory_space<vmem>>
        %parallel_loop3A_784 = tpu.memref_squeeze %parallel_loop3A_783 : memref<1x8x2048xf32, #tpu.memory_space<vmem>> -> memref<8x2048xf32, #tpu.memory_space<vmem>>
        %parallel_loop3A_785 = tpu.vector_load_idx %parallel_loop3A_784[%add3A_152, %parallel_loop3A_780] : memref<8x2048xf32, #tpu.memory_space<vmem>>[vector<16xi32>, vector<16xi32>], vector<16xf32>,
        %parallel_loop3A_786 = arith.constant 1.000000e+00 : f32
        %parallel_loop3A_787 = vector.broadcast %parallel_loop3A_786 : f32 to vector<16xf32>
        %parallel_loop3A_788 = arith.subf %parallel_loop3A_787, %parallel_loop3A_742 : vector<16xf32>
        %parallel_loop3A_789 = arith.mulf %parallel_loop3A_788, %parallel_loop3A_764 : vector<16xf32>
        %parallel_loop3A_790 = arith.mulf %parallel_loop3A_742, %parallel_loop3A_772 : vector<16xf32>
        %parallel_loop3A_791 = arith.addf %parallel_loop3A_789, %parallel_loop3A_790 : vector<16xf32>
        %parallel_loop3A_792 = arith.constant 1.000000e+00 : f32
        %parallel_loop3A_793 = vector.broadcast %parallel_loop3A_792 : f32 to vector<16xf32>
        %parallel_loop3A_794 = arith.subf %parallel_loop3A_793, %parallel_loop3A_743 : vector<16xf32>
        %parallel_loop3A_795 = arith.mulf %parallel_loop3A_794, %parallel_loop3A_777 : vector<16xf32>
        %parallel_loop3A_796 = arith.mulf %parallel_loop3A_743, %parallel_loop3A_785 : vector<16xf32>
        %parallel_loop3A_797 = arith.addf %parallel_loop3A_795, %parallel_loop3A_796 : vector<16xf32>
        %parallel_loop3A_798 = arith.constant 0 : i32
        %parallel_loop3A_799 = arith.constant 0 : i32
        %parallel_loop3A_800 = arith.constant 0 : i32
        %parallel_loop3A_801 = tpu.memref_slice %arg7[%parallel_loop3A_156, %parallel_loop3A_799, %parallel_loop3A_800] : memref<2x8x2048xf32, #tpu.memory_space<vmem>> -> memref<1x8x2048xf32, #tpu.memory_space<vmem>>
        %parallel_loop3A_802 = tpu.memref_squeeze %parallel_loop3A_801 : memref<1x8x2048xf32, #tpu.memory_space<vmem>> -> memref<8x2048xf32, #tpu.memory_space<vmem>>
        %parallel_loop3A_803 = arith.index_cast %parallel_loop3A_798 : i32 to index
        %parallel_loop3A_804 = arith.index_cast %parallel_loop3A_698 : i32 to index
        %parallel_loop3A_805 = tpu.vector_load %parallel_loop3A_802[%parallel_loop3A_803, %parallel_loop3A_804] {strides = array<i32>} : memref<8x2048xf32, #tpu.memory_space<vmem>>, vector<16xf32>,
        tpu.vector_store %parallel_loop3A_802[%parallel_loop3A_803, %parallel_loop3A_804], %parallel_loop3A_791 {strides = array<i32>} : memref<8x2048xf32, #tpu.memory_space<vmem>>, vector<16xf32>,
        %parallel_loop3A_806 = arith.constant 1 : i32
        %parallel_loop3A_807 = arith.constant 0 : i32
        %parallel_loop3A_808 = arith.constant 0 : i32
        %parallel_loop3A_809 = tpu.memref_slice %arg7[%parallel_loop3A_156, %parallel_loop3A_807, %parallel_loop3A_808] : memref<2x8x2048xf32, #tpu.memory_space<vmem>> -> memref<1x8x2048xf32, #tpu.memory_space<vmem>>
        %parallel_loop3A_810 = tpu.memref_squeeze %parallel_loop3A_809 : memref<1x8x2048xf32, #tpu.memory_space<vmem>> -> memref<8x2048xf32, #tpu.memory_space<vmem>>
        %parallel_loop3A_811 = arith.index_cast %parallel_loop3A_806 : i32 to index
        %parallel_loop3A_812 = arith.index_cast %parallel_loop3A_698 : i32 to index
        %parallel_loop3A_813 = tpu.vector_load %parallel_loop3A_810[%parallel_loop3A_811, %parallel_loop3A_812] {strides = array<i32>} : memref<8x2048xf32, #tpu.memory_space<vmem>>, vector<16xf32>,
        tpu.vector_store %parallel_loop3A_810[%parallel_loop3A_811, %parallel_loop3A_812], %parallel_loop3A_797 {strides = array<i32>} : memref<8x2048xf32, #tpu.memory_space<vmem>>, vector<16xf32>,
      } {sc.loop_unroll_factor = 2 : i64, sc.parallel_access}
      %mul3A_157 = arith.constant 8 : i32
      %mul3A_158 = arith.muli %add3A_70, %mul3A_157 : i32
      %add3A_159 = arith.constant 2 : i32
      %add3A_160 = arith.addi %mul3A_158, %add3A_159 : i32
      %mul3A_161 = arith.constant 16 : i32
      %mul3A_162 = arith.muli %add3A_160, %mul3A_161 : i32
      %add3A_163 = vector.broadcast %mul3A_162 : i32 to vector<16xi32>
      %add3A_164 = arith.addi %broadcast_in_dim3A_5, %add3A_163 : vector<16xi32>
      %gather3A_165 = tpu.vector_load_idx %arg8[%add3A_164] : memref<8192xf32, #tpu.memory_space<vmem>>[vector<16xi32>], vector<16xf32>,
      %add3A_166 = arith.constant 1 : i32
      %add3A_167 = vector.broadcast %add3A_166 : i32 to vector<16xi32>
      %add3A_168 = arith.addi %add3A_164, %add3A_167 : vector<16xi32>
      %gather3A_169 = tpu.vector_load_idx %arg8[%add3A_168] : memref<8192xf32, #tpu.memory_space<vmem>>[vector<16xi32>], vector<16xf32>,
      %add3A_170 = arith.constant 2 : i32
      %add3A_171 = vector.broadcast %add3A_170 : i32 to vector<16xi32>
      %add3A_172 = arith.addi %add3A_164, %add3A_171 : vector<16xi32>
      %gather3A_173 = tpu.vector_load_idx %arg8[%add3A_172] : memref<8192xf32, #tpu.memory_space<vmem>>[vector<16xi32>], vector<16xf32>,
      %add3A_174 = arith.constant 3 : i32
      %add3A_175 = vector.broadcast %add3A_174 : i32 to vector<16xi32>
      %add3A_176 = arith.addi %add3A_164, %add3A_175 : vector<16xi32>
      %gather3A_177 = tpu.vector_load_idx %arg8[%add3A_176] : memref<8192xf32, #tpu.memory_space<vmem>>[vector<16xi32>], vector<16xf32>,
      %add3A_178 = arith.constant 4 : i32
      %add3A_179 = vector.broadcast %add3A_178 : i32 to vector<16xi32>
      %add3A_180 = arith.addi %add3A_164, %add3A_179 : vector<16xi32>
      %gather3A_181 = tpu.vector_load_idx %arg8[%add3A_180] : memref<8192xf32, #tpu.memory_space<vmem>>[vector<16xi32>], vector<16xf32>,
      %add3A_182 = arith.constant 16 : i32
      %add3A_183 = vector.broadcast %add3A_182 : i32 to vector<16xi32>
      %add3A_184 = arith.addi %add3A_164, %add3A_183 : vector<16xi32>
      %gather3A_185 = tpu.vector_load_idx %arg8[%add3A_184] : memref<8192xf32, #tpu.memory_space<vmem>>[vector<16xi32>], vector<16xf32>,
      %add3A_186 = arith.constant 16 : i32
      %add3A_187 = vector.broadcast %add3A_186 : i32 to vector<16xi32>
      %add3A_188 = arith.addi %add3A_164, %add3A_187 : vector<16xi32>
      %add3A_189 = arith.constant 1 : i32
      %add3A_190 = vector.broadcast %add3A_189 : i32 to vector<16xi32>
      %add3A_191 = arith.addi %add3A_188, %add3A_190 : vector<16xi32>
      %gather3A_192 = tpu.vector_load_idx %arg8[%add3A_191] : memref<8192xf32, #tpu.memory_space<vmem>>[vector<16xi32>], vector<16xf32>,
      %add3A_193 = arith.constant 16 : i32
      %add3A_194 = vector.broadcast %add3A_193 : i32 to vector<16xi32>
      %add3A_195 = arith.addi %add3A_164, %add3A_194 : vector<16xi32>
      %add3A_196 = arith.constant 2 : i32
      %add3A_197 = vector.broadcast %add3A_196 : i32 to vector<16xi32>
      %add3A_198 = arith.addi %add3A_195, %add3A_197 : vector<16xi32>
      %gather3A_199 = tpu.vector_load_idx %arg8[%add3A_198] : memref<8192xf32, #tpu.memory_space<vmem>>[vector<16xi32>], vector<16xf32>,
      %add3A_200 = arith.constant 16 : i32
      %add3A_201 = vector.broadcast %add3A_200 : i32 to vector<16xi32>
      %add3A_202 = arith.addi %add3A_164, %add3A_201 : vector<16xi32>
      %add3A_203 = arith.constant 3 : i32
      %add3A_204 = vector.broadcast %add3A_203 : i32 to vector<16xi32>
      %add3A_205 = arith.addi %add3A_202, %add3A_204 : vector<16xi32>
      %gather3A_206 = tpu.vector_load_idx %arg8[%add3A_205] : memref<8192xf32, #tpu.memory_space<vmem>>[vector<16xi32>], vector<16xf32>,
      %add3A_207 = arith.constant 16 : i32
      %add3A_208 = vector.broadcast %add3A_207 : i32 to vector<16xi32>
      %add3A_209 = arith.addi %add3A_164, %add3A_208 : vector<16xi32>
      %add3A_210 = arith.constant 4 : i32
      %add3A_211 = vector.broadcast %add3A_210 : i32 to vector<16xi32>
      %add3A_212 = arith.addi %add3A_209, %add3A_211 : vector<16xi32>
      %gather3A_213 = tpu.vector_load_idx %arg8[%add3A_212] : memref<8192xf32, #tpu.memory_space<vmem>>[vector<16xi32>], vector<16xf32>,
      %add3A_214 = arith.constant 2 : i32
      %add3A_215 = vector.broadcast %add3A_214 : i32 to vector<16xi32>
      %add3A_216 = arith.addi %broadcast_in_dim3A_5, %add3A_215 : vector<16xi32>
      %add3A_217 = arith.constant 3 : i32
      %add3A_218 = vector.broadcast %add3A_217 : i32 to vector<16xi32>
      %add3A_219 = arith.addi %broadcast_in_dim3A_5, %add3A_218 : vector<16xi32>
      %parallel_loop3A_220 = arith.constant 0 : i32
      %parallel_loop3A_221 = arith.constant 128 : i32
      %parallel_loop3A_222 = arith.constant 1 : i32
      %parallel_loop3A_223 = arith.constant 0 : i32
      %parallel_loop3A_224 = arith.constant 0 : i32
      scf.for %parallel_loop3A_696 = %parallel_loop3A_220 to %parallel_loop3A_221 step %parallel_loop3A_222  : i32 {
        %parallel_loop3A_697 = arith.constant 16 : i32
        %parallel_loop3A_698 = arith.muli %parallel_loop3A_696, %parallel_loop3A_697 : i32
        %parallel_loop3A_699 = arith.constant 0 : i32
        %parallel_loop3A_700 = arith.index_cast %parallel_loop3A_699 : i32 to index
        %parallel_loop3A_701 = arith.index_cast %parallel_loop3A_698 : i32 to index
        %parallel_loop3A_702 = tpu.vector_load %arg9[%parallel_loop3A_700, %parallel_loop3A_701] {strides = array<i32>} : memref<5x2048xf32, #tpu.memory_space<vmem>>, vector<16xf32>,
        %parallel_loop3A_703 = arith.constant 1 : i32
        %parallel_loop3A_704 = arith.index_cast %parallel_loop3A_703 : i32 to index
        %parallel_loop3A_705 = arith.index_cast %parallel_loop3A_698 : i32 to index
        %parallel_loop3A_706 = tpu.vector_load %arg9[%parallel_loop3A_704, %parallel_loop3A_705] {strides = array<i32>} : memref<5x2048xf32, #tpu.memory_space<vmem>>, vector<16xf32>,
        %parallel_loop3A_707 = arith.constant 2 : i32
        %parallel_loop3A_708 = arith.index_cast %parallel_loop3A_707 : i32 to index
        %parallel_loop3A_709 = arith.index_cast %parallel_loop3A_698 : i32 to index
        %parallel_loop3A_710 = tpu.vector_load %arg9[%parallel_loop3A_708, %parallel_loop3A_709] {strides = array<i32>} : memref<5x2048xf32, #tpu.memory_space<vmem>>, vector<16xf32>,
        %parallel_loop3A_711 = arith.constant 3 : i32
        %parallel_loop3A_712 = arith.index_cast %parallel_loop3A_711 : i32 to index
        %parallel_loop3A_713 = arith.index_cast %parallel_loop3A_698 : i32 to index
        %parallel_loop3A_714 = tpu.vector_load %arg9[%parallel_loop3A_712, %parallel_loop3A_713] {strides = array<i32>} : memref<5x2048xf32, #tpu.memory_space<vmem>>, vector<16xf32>,
        %parallel_loop3A_715 = arith.sitofp %parallel_loop3A_698 : i32 to f32
        %parallel_loop3A_716 = vector.broadcast %parallel_loop3A_715 : f32 to vector<16xf32>
        %parallel_loop3A_717 = arith.addf %convert_element_type3A, %parallel_loop3A_716 : vector<16xf32>
        %parallel_loop3A_718 = arith.mulf %gather3A_165, %parallel_loop3A_702 : vector<16xf32>
        %parallel_loop3A_719 = arith.mulf %gather3A_169, %parallel_loop3A_706 : vector<16xf32>
        %parallel_loop3A_720 = arith.addf %parallel_loop3A_718, %parallel_loop3A_719 : vector<16xf32>
        %parallel_loop3A_721 = arith.mulf %gather3A_173, %parallel_loop3A_710 : vector<16xf32>
        %parallel_loop3A_722 = arith.mulf %gather3A_177, %parallel_loop3A_714 : vector<16xf32>
        %parallel_loop3A_723 = arith.addf %parallel_loop3A_721, %parallel_loop3A_722 : vector<16xf32>
        %parallel_loop3A_724 = arith.addf %parallel_loop3A_720, %parallel_loop3A_723 : vector<16xf32>
        %parallel_loop3A_725 = arith.addf %parallel_loop3A_724, %gather3A_181 : vector<16xf32>
        %parallel_loop3A_726 = arith.mulf %gather3A_185, %parallel_loop3A_702 : vector<16xf32>
        %parallel_loop3A_727 = arith.mulf %gather3A_192, %parallel_loop3A_706 : vector<16xf32>
        %parallel_loop3A_728 = arith.addf %parallel_loop3A_726, %parallel_loop3A_727 : vector<16xf32>
        %parallel_loop3A_729 = arith.mulf %gather3A_199, %parallel_loop3A_710 : vector<16xf32>
        %parallel_loop3A_730 = arith.mulf %gather3A_206, %parallel_loop3A_714 : vector<16xf32>
        %parallel_loop3A_731 = arith.addf %parallel_loop3A_729, %parallel_loop3A_730 : vector<16xf32>
        %parallel_loop3A_732 = arith.addf %parallel_loop3A_728, %parallel_loop3A_731 : vector<16xf32>
        %parallel_loop3A_733 = arith.addf %parallel_loop3A_732, %gather3A_213 : vector<16xf32>
        %parallel_loop3A_734 = vector.broadcast %scan3A_35 : f32 to vector<16xf32>
        %parallel_loop3A_735 = arith.addf %parallel_loop3A_725, %parallel_loop3A_734 : vector<16xf32>
        %parallel_loop3A_736 = vector.broadcast %scan3A_35 : f32 to vector<16xf32>
        %parallel_loop3A_737 = arith.subf %parallel_loop3A_735, %parallel_loop3A_736 : vector<16xf32>
        %parallel_loop3A_738 = vector.broadcast %scan3A_35 : f32 to vector<16xf32>
        %parallel_loop3A_739 = arith.addf %parallel_loop3A_733, %parallel_loop3A_738 : vector<16xf32>
        %parallel_loop3A_740 = vector.broadcast %scan3A_35 : f32 to vector<16xf32>
        %parallel_loop3A_741 = arith.subf %parallel_loop3A_739, %parallel_loop3A_740 : vector<16xf32>
        %parallel_loop3A_742 = arith.subf %parallel_loop3A_725, %parallel_loop3A_737 : vector<16xf32>
        %parallel_loop3A_743 = arith.subf %parallel_loop3A_733, %parallel_loop3A_741 : vector<16xf32>
        %parallel_loop3A_744 = arith.subf %parallel_loop3A_717, %parallel_loop3A_737 : vector<16xf32>
        %parallel_loop3A_745 = arith.constant 1.000000e+00 : f32
        %parallel_loop3A_746 = vector.broadcast %parallel_loop3A_745 : f32 to vector<16xf32>
        %parallel_loop3A_747 = arith.maximumf %parallel_loop3A_744, %parallel_loop3A_746 : vector<16xf32>
        %parallel_loop3A_748 = arith.constant 2.047000e+03 : f32
        %parallel_loop3A_749 = vector.broadcast %parallel_loop3A_748 : f32 to vector<16xf32>
        %parallel_loop3A_750 = arith.minimumf %parallel_loop3A_747, %parallel_loop3A_749 : vector<16xf32>
        %parallel_loop3A_751 = arith.subf %parallel_loop3A_717, %parallel_loop3A_741 : vector<16xf32>
        %parallel_loop3A_752 = arith.constant 1.000000e+00 : f32
        %parallel_loop3A_753 = vector.broadcast %parallel_loop3A_752 : f32 to vector<16xf32>
        %parallel_loop3A_754 = arith.maximumf %parallel_loop3A_751, %parallel_loop3A_753 : vector<16xf32>
        %parallel_loop3A_755 = arith.constant 2.047000e+03 : f32
        %parallel_loop3A_756 = vector.broadcast %parallel_loop3A_755 : f32 to vector<16xf32>
        %parallel_loop3A_757 = arith.minimumf %parallel_loop3A_754, %parallel_loop3A_756 : vector<16xf32>
        %parallel_loop3A_758 = arith.fptosi %parallel_loop3A_750 : vector<16xf32> to vector<16xi32>
        %parallel_loop3A_759 = arith.fptosi %parallel_loop3A_757 : vector<16xf32> to vector<16xi32>
        %parallel_loop3A_760 = arith.constant 0 : i32
        %parallel_loop3A_761 = arith.constant 0 : i32
        %parallel_loop3A_762 = tpu.memref_slice %arg6[%parallel_loop3A_223, %parallel_loop3A_760, %parallel_loop3A_761] : memref<2x8x2048xf32, #tpu.memory_space<vmem>> -> memref<1x8x2048xf32, #tpu.memory_space<vmem>>
        %parallel_loop3A_763 = tpu.memref_squeeze %parallel_loop3A_762 : memref<1x8x2048xf32, #tpu.memory_space<vmem>> -> memref<8x2048xf32, #tpu.memory_space<vmem>>
        %parallel_loop3A_764 = tpu.vector_load_idx %parallel_loop3A_763[%add3A_216, %parallel_loop3A_758] : memref<8x2048xf32, #tpu.memory_space<vmem>>[vector<16xi32>, vector<16xi32>], vector<16xf32>,
        %parallel_loop3A_765 = arith.constant 1 : i32
        %parallel_loop3A_766 = vector.broadcast %parallel_loop3A_765 : i32 to vector<16xi32>
        %parallel_loop3A_767 = arith.subi %parallel_loop3A_758, %parallel_loop3A_766 : vector<16xi32>
        %parallel_loop3A_768 = arith.constant 0 : i32
        %parallel_loop3A_769 = arith.constant 0 : i32
        %parallel_loop3A_770 = tpu.memref_slice %arg6[%parallel_loop3A_223, %parallel_loop3A_768, %parallel_loop3A_769] : memref<2x8x2048xf32, #tpu.memory_space<vmem>> -> memref<1x8x2048xf32, #tpu.memory_space<vmem>>
        %parallel_loop3A_771 = tpu.memref_squeeze %parallel_loop3A_770 : memref<1x8x2048xf32, #tpu.memory_space<vmem>> -> memref<8x2048xf32, #tpu.memory_space<vmem>>
        %parallel_loop3A_772 = tpu.vector_load_idx %parallel_loop3A_771[%add3A_216, %parallel_loop3A_767] : memref<8x2048xf32, #tpu.memory_space<vmem>>[vector<16xi32>, vector<16xi32>], vector<16xf32>,
        %parallel_loop3A_773 = arith.constant 0 : i32
        %parallel_loop3A_774 = arith.constant 0 : i32
        %parallel_loop3A_775 = tpu.memref_slice %arg6[%parallel_loop3A_223, %parallel_loop3A_773, %parallel_loop3A_774] : memref<2x8x2048xf32, #tpu.memory_space<vmem>> -> memref<1x8x2048xf32, #tpu.memory_space<vmem>>
        %parallel_loop3A_776 = tpu.memref_squeeze %parallel_loop3A_775 : memref<1x8x2048xf32, #tpu.memory_space<vmem>> -> memref<8x2048xf32, #tpu.memory_space<vmem>>
        %parallel_loop3A_777 = tpu.vector_load_idx %parallel_loop3A_776[%add3A_219, %parallel_loop3A_759] : memref<8x2048xf32, #tpu.memory_space<vmem>>[vector<16xi32>, vector<16xi32>], vector<16xf32>,
        %parallel_loop3A_778 = arith.constant 1 : i32
        %parallel_loop3A_779 = vector.broadcast %parallel_loop3A_778 : i32 to vector<16xi32>
        %parallel_loop3A_780 = arith.subi %parallel_loop3A_759, %parallel_loop3A_779 : vector<16xi32>
        %parallel_loop3A_781 = arith.constant 0 : i32
        %parallel_loop3A_782 = arith.constant 0 : i32
        %parallel_loop3A_783 = tpu.memref_slice %arg6[%parallel_loop3A_223, %parallel_loop3A_781, %parallel_loop3A_782] : memref<2x8x2048xf32, #tpu.memory_space<vmem>> -> memref<1x8x2048xf32, #tpu.memory_space<vmem>>
        %parallel_loop3A_784 = tpu.memref_squeeze %parallel_loop3A_783 : memref<1x8x2048xf32, #tpu.memory_space<vmem>> -> memref<8x2048xf32, #tpu.memory_space<vmem>>
        %parallel_loop3A_785 = tpu.vector_load_idx %parallel_loop3A_784[%add3A_219, %parallel_loop3A_780] : memref<8x2048xf32, #tpu.memory_space<vmem>>[vector<16xi32>, vector<16xi32>], vector<16xf32>,
        %parallel_loop3A_786 = arith.constant 1.000000e+00 : f32
        %parallel_loop3A_787 = vector.broadcast %parallel_loop3A_786 : f32 to vector<16xf32>
        %parallel_loop3A_788 = arith.subf %parallel_loop3A_787, %parallel_loop3A_742 : vector<16xf32>
        %parallel_loop3A_789 = arith.mulf %parallel_loop3A_788, %parallel_loop3A_764 : vector<16xf32>
        %parallel_loop3A_790 = arith.mulf %parallel_loop3A_742, %parallel_loop3A_772 : vector<16xf32>
        %parallel_loop3A_791 = arith.addf %parallel_loop3A_789, %parallel_loop3A_790 : vector<16xf32>
        %parallel_loop3A_792 = arith.constant 1.000000e+00 : f32
        %parallel_loop3A_793 = vector.broadcast %parallel_loop3A_792 : f32 to vector<16xf32>
        %parallel_loop3A_794 = arith.subf %parallel_loop3A_793, %parallel_loop3A_743 : vector<16xf32>
        %parallel_loop3A_795 = arith.mulf %parallel_loop3A_794, %parallel_loop3A_777 : vector<16xf32>
        %parallel_loop3A_796 = arith.mulf %parallel_loop3A_743, %parallel_loop3A_785 : vector<16xf32>
        %parallel_loop3A_797 = arith.addf %parallel_loop3A_795, %parallel_loop3A_796 : vector<16xf32>
        %parallel_loop3A_798 = arith.constant 2 : i32
        %parallel_loop3A_799 = arith.constant 0 : i32
        %parallel_loop3A_800 = arith.constant 0 : i32
        %parallel_loop3A_801 = tpu.memref_slice %arg7[%parallel_loop3A_224, %parallel_loop3A_799, %parallel_loop3A_800] : memref<2x8x2048xf32, #tpu.memory_space<vmem>> -> memref<1x8x2048xf32, #tpu.memory_space<vmem>>
        %parallel_loop3A_802 = tpu.memref_squeeze %parallel_loop3A_801 : memref<1x8x2048xf32, #tpu.memory_space<vmem>> -> memref<8x2048xf32, #tpu.memory_space<vmem>>
        %parallel_loop3A_803 = arith.index_cast %parallel_loop3A_798 : i32 to index
        %parallel_loop3A_804 = arith.index_cast %parallel_loop3A_698 : i32 to index
        %parallel_loop3A_805 = tpu.vector_load %parallel_loop3A_802[%parallel_loop3A_803, %parallel_loop3A_804] {strides = array<i32>} : memref<8x2048xf32, #tpu.memory_space<vmem>>, vector<16xf32>,
        tpu.vector_store %parallel_loop3A_802[%parallel_loop3A_803, %parallel_loop3A_804], %parallel_loop3A_791 {strides = array<i32>} : memref<8x2048xf32, #tpu.memory_space<vmem>>, vector<16xf32>,
        %parallel_loop3A_806 = arith.constant 3 : i32
        %parallel_loop3A_807 = arith.constant 0 : i32
        %parallel_loop3A_808 = arith.constant 0 : i32
        %parallel_loop3A_809 = tpu.memref_slice %arg7[%parallel_loop3A_224, %parallel_loop3A_807, %parallel_loop3A_808] : memref<2x8x2048xf32, #tpu.memory_space<vmem>> -> memref<1x8x2048xf32, #tpu.memory_space<vmem>>
        %parallel_loop3A_810 = tpu.memref_squeeze %parallel_loop3A_809 : memref<1x8x2048xf32, #tpu.memory_space<vmem>> -> memref<8x2048xf32, #tpu.memory_space<vmem>>
        %parallel_loop3A_811 = arith.index_cast %parallel_loop3A_806 : i32 to index
        %parallel_loop3A_812 = arith.index_cast %parallel_loop3A_698 : i32 to index
        %parallel_loop3A_813 = tpu.vector_load %parallel_loop3A_810[%parallel_loop3A_811, %parallel_loop3A_812] {strides = array<i32>} : memref<8x2048xf32, #tpu.memory_space<vmem>>, vector<16xf32>,
        tpu.vector_store %parallel_loop3A_810[%parallel_loop3A_811, %parallel_loop3A_812], %parallel_loop3A_797 {strides = array<i32>} : memref<8x2048xf32, #tpu.memory_space<vmem>>, vector<16xf32>,
      } {sc.loop_unroll_factor = 2 : i64, sc.parallel_access}
      %mul3A_225 = arith.constant 8 : i32
      %mul3A_226 = arith.muli %add3A_70, %mul3A_225 : i32
      %add3A_227 = arith.constant 4 : i32
      %add3A_228 = arith.addi %mul3A_226, %add3A_227 : i32
      %mul3A_229 = arith.constant 16 : i32
      %mul3A_230 = arith.muli %add3A_228, %mul3A_229 : i32
      %add3A_231 = vector.broadcast %mul3A_230 : i32 to vector<16xi32>
      %add3A_232 = arith.addi %broadcast_in_dim3A_5, %add3A_231 : vector<16xi32>
      %gather3A_233 = tpu.vector_load_idx %arg8[%add3A_232] : memref<8192xf32, #tpu.memory_space<vmem>>[vector<16xi32>], vector<16xf32>,
      %add3A_234 = arith.constant 1 : i32
      %add3A_235 = vector.broadcast %add3A_234 : i32 to vector<16xi32>
      %add3A_236 = arith.addi %add3A_232, %add3A_235 : vector<16xi32>
      %gather3A_237 = tpu.vector_load_idx %arg8[%add3A_236] : memref<8192xf32, #tpu.memory_space<vmem>>[vector<16xi32>], vector<16xf32>,
      %add3A_238 = arith.constant 2 : i32
      %add3A_239 = vector.broadcast %add3A_238 : i32 to vector<16xi32>
      %add3A_240 = arith.addi %add3A_232, %add3A_239 : vector<16xi32>
      %gather3A_241 = tpu.vector_load_idx %arg8[%add3A_240] : memref<8192xf32, #tpu.memory_space<vmem>>[vector<16xi32>], vector<16xf32>,
      %add3A_242 = arith.constant 3 : i32
      %add3A_243 = vector.broadcast %add3A_242 : i32 to vector<16xi32>
      %add3A_244 = arith.addi %add3A_232, %add3A_243 : vector<16xi32>
      %gather3A_245 = tpu.vector_load_idx %arg8[%add3A_244] : memref<8192xf32, #tpu.memory_space<vmem>>[vector<16xi32>], vector<16xf32>,
      %add3A_246 = arith.constant 4 : i32
      %add3A_247 = vector.broadcast %add3A_246 : i32 to vector<16xi32>
      %add3A_248 = arith.addi %add3A_232, %add3A_247 : vector<16xi32>
      %gather3A_249 = tpu.vector_load_idx %arg8[%add3A_248] : memref<8192xf32, #tpu.memory_space<vmem>>[vector<16xi32>], vector<16xf32>,
      %add3A_250 = arith.constant 16 : i32
      %add3A_251 = vector.broadcast %add3A_250 : i32 to vector<16xi32>
      %add3A_252 = arith.addi %add3A_232, %add3A_251 : vector<16xi32>
      %gather3A_253 = tpu.vector_load_idx %arg8[%add3A_252] : memref<8192xf32, #tpu.memory_space<vmem>>[vector<16xi32>], vector<16xf32>,
      %add3A_254 = arith.constant 16 : i32
      %add3A_255 = vector.broadcast %add3A_254 : i32 to vector<16xi32>
      %add3A_256 = arith.addi %add3A_232, %add3A_255 : vector<16xi32>
      %add3A_257 = arith.constant 1 : i32
      %add3A_258 = vector.broadcast %add3A_257 : i32 to vector<16xi32>
      %add3A_259 = arith.addi %add3A_256, %add3A_258 : vector<16xi32>
      %gather3A_260 = tpu.vector_load_idx %arg8[%add3A_259] : memref<8192xf32, #tpu.memory_space<vmem>>[vector<16xi32>], vector<16xf32>,
      %add3A_261 = arith.constant 16 : i32
      %add3A_262 = vector.broadcast %add3A_261 : i32 to vector<16xi32>
      %add3A_263 = arith.addi %add3A_232, %add3A_262 : vector<16xi32>
      %add3A_264 = arith.constant 2 : i32
      %add3A_265 = vector.broadcast %add3A_264 : i32 to vector<16xi32>
      %add3A_266 = arith.addi %add3A_263, %add3A_265 : vector<16xi32>
      %gather3A_267 = tpu.vector_load_idx %arg8[%add3A_266] : memref<8192xf32, #tpu.memory_space<vmem>>[vector<16xi32>], vector<16xf32>,
      %add3A_268 = arith.constant 16 : i32
      %add3A_269 = vector.broadcast %add3A_268 : i32 to vector<16xi32>
      %add3A_270 = arith.addi %add3A_232, %add3A_269 : vector<16xi32>
      %add3A_271 = arith.constant 3 : i32
      %add3A_272 = vector.broadcast %add3A_271 : i32 to vector<16xi32>
      %add3A_273 = arith.addi %add3A_270, %add3A_272 : vector<16xi32>
      %gather3A_274 = tpu.vector_load_idx %arg8[%add3A_273] : memref<8192xf32, #tpu.memory_space<vmem>>[vector<16xi32>], vector<16xf32>,
      %add3A_275 = arith.constant 16 : i32
      %add3A_276 = vector.broadcast %add3A_275 : i32 to vector<16xi32>
      %add3A_277 = arith.addi %add3A_232, %add3A_276 : vector<16xi32>
      %add3A_278 = arith.constant 4 : i32
      %add3A_279 = vector.broadcast %add3A_278 : i32 to vector<16xi32>
      %add3A_280 = arith.addi %add3A_277, %add3A_279 : vector<16xi32>
      %gather3A_281 = tpu.vector_load_idx %arg8[%add3A_280] : memref<8192xf32, #tpu.memory_space<vmem>>[vector<16xi32>], vector<16xf32>,
      %add3A_282 = arith.constant 4 : i32
      %add3A_283 = vector.broadcast %add3A_282 : i32 to vector<16xi32>
      %add3A_284 = arith.addi %broadcast_in_dim3A_5, %add3A_283 : vector<16xi32>
      %add3A_285 = arith.constant 5 : i32
      %add3A_286 = vector.broadcast %add3A_285 : i32 to vector<16xi32>
      %add3A_287 = arith.addi %broadcast_in_dim3A_5, %add3A_286 : vector<16xi32>
      %parallel_loop3A_288 = arith.constant 0 : i32
      %parallel_loop3A_289 = arith.constant 128 : i32
      %parallel_loop3A_290 = arith.constant 1 : i32
      %parallel_loop3A_291 = arith.constant 0 : i32
      %parallel_loop3A_292 = arith.constant 0 : i32
      scf.for %parallel_loop3A_696 = %parallel_loop3A_288 to %parallel_loop3A_289 step %parallel_loop3A_290  : i32 {
        %parallel_loop3A_697 = arith.constant 16 : i32
        %parallel_loop3A_698 = arith.muli %parallel_loop3A_696, %parallel_loop3A_697 : i32
        %parallel_loop3A_699 = arith.constant 0 : i32
        %parallel_loop3A_700 = arith.index_cast %parallel_loop3A_699 : i32 to index
        %parallel_loop3A_701 = arith.index_cast %parallel_loop3A_698 : i32 to index
        %parallel_loop3A_702 = tpu.vector_load %arg9[%parallel_loop3A_700, %parallel_loop3A_701] {strides = array<i32>} : memref<5x2048xf32, #tpu.memory_space<vmem>>, vector<16xf32>,
        %parallel_loop3A_703 = arith.constant 1 : i32
        %parallel_loop3A_704 = arith.index_cast %parallel_loop3A_703 : i32 to index
        %parallel_loop3A_705 = arith.index_cast %parallel_loop3A_698 : i32 to index
        %parallel_loop3A_706 = tpu.vector_load %arg9[%parallel_loop3A_704, %parallel_loop3A_705] {strides = array<i32>} : memref<5x2048xf32, #tpu.memory_space<vmem>>, vector<16xf32>,
        %parallel_loop3A_707 = arith.constant 2 : i32
        %parallel_loop3A_708 = arith.index_cast %parallel_loop3A_707 : i32 to index
        %parallel_loop3A_709 = arith.index_cast %parallel_loop3A_698 : i32 to index
        %parallel_loop3A_710 = tpu.vector_load %arg9[%parallel_loop3A_708, %parallel_loop3A_709] {strides = array<i32>} : memref<5x2048xf32, #tpu.memory_space<vmem>>, vector<16xf32>,
        %parallel_loop3A_711 = arith.constant 3 : i32
        %parallel_loop3A_712 = arith.index_cast %parallel_loop3A_711 : i32 to index
        %parallel_loop3A_713 = arith.index_cast %parallel_loop3A_698 : i32 to index
        %parallel_loop3A_714 = tpu.vector_load %arg9[%parallel_loop3A_712, %parallel_loop3A_713] {strides = array<i32>} : memref<5x2048xf32, #tpu.memory_space<vmem>>, vector<16xf32>,
        %parallel_loop3A_715 = arith.sitofp %parallel_loop3A_698 : i32 to f32
        %parallel_loop3A_716 = vector.broadcast %parallel_loop3A_715 : f32 to vector<16xf32>
        %parallel_loop3A_717 = arith.addf %convert_element_type3A, %parallel_loop3A_716 : vector<16xf32>
        %parallel_loop3A_718 = arith.mulf %gather3A_233, %parallel_loop3A_702 : vector<16xf32>
        %parallel_loop3A_719 = arith.mulf %gather3A_237, %parallel_loop3A_706 : vector<16xf32>
        %parallel_loop3A_720 = arith.addf %parallel_loop3A_718, %parallel_loop3A_719 : vector<16xf32>
        %parallel_loop3A_721 = arith.mulf %gather3A_241, %parallel_loop3A_710 : vector<16xf32>
        %parallel_loop3A_722 = arith.mulf %gather3A_245, %parallel_loop3A_714 : vector<16xf32>
        %parallel_loop3A_723 = arith.addf %parallel_loop3A_721, %parallel_loop3A_722 : vector<16xf32>
        %parallel_loop3A_724 = arith.addf %parallel_loop3A_720, %parallel_loop3A_723 : vector<16xf32>
        %parallel_loop3A_725 = arith.addf %parallel_loop3A_724, %gather3A_249 : vector<16xf32>
        %parallel_loop3A_726 = arith.mulf %gather3A_253, %parallel_loop3A_702 : vector<16xf32>
        %parallel_loop3A_727 = arith.mulf %gather3A_260, %parallel_loop3A_706 : vector<16xf32>
        %parallel_loop3A_728 = arith.addf %parallel_loop3A_726, %parallel_loop3A_727 : vector<16xf32>
        %parallel_loop3A_729 = arith.mulf %gather3A_267, %parallel_loop3A_710 : vector<16xf32>
        %parallel_loop3A_730 = arith.mulf %gather3A_274, %parallel_loop3A_714 : vector<16xf32>
        %parallel_loop3A_731 = arith.addf %parallel_loop3A_729, %parallel_loop3A_730 : vector<16xf32>
        %parallel_loop3A_732 = arith.addf %parallel_loop3A_728, %parallel_loop3A_731 : vector<16xf32>
        %parallel_loop3A_733 = arith.addf %parallel_loop3A_732, %gather3A_281 : vector<16xf32>
        %parallel_loop3A_734 = vector.broadcast %scan3A_35 : f32 to vector<16xf32>
        %parallel_loop3A_735 = arith.addf %parallel_loop3A_725, %parallel_loop3A_734 : vector<16xf32>
        %parallel_loop3A_736 = vector.broadcast %scan3A_35 : f32 to vector<16xf32>
        %parallel_loop3A_737 = arith.subf %parallel_loop3A_735, %parallel_loop3A_736 : vector<16xf32>
        %parallel_loop3A_738 = vector.broadcast %scan3A_35 : f32 to vector<16xf32>
        %parallel_loop3A_739 = arith.addf %parallel_loop3A_733, %parallel_loop3A_738 : vector<16xf32>
        %parallel_loop3A_740 = vector.broadcast %scan3A_35 : f32 to vector<16xf32>
        %parallel_loop3A_741 = arith.subf %parallel_loop3A_739, %parallel_loop3A_740 : vector<16xf32>
        %parallel_loop3A_742 = arith.subf %parallel_loop3A_725, %parallel_loop3A_737 : vector<16xf32>
        %parallel_loop3A_743 = arith.subf %parallel_loop3A_733, %parallel_loop3A_741 : vector<16xf32>
        %parallel_loop3A_744 = arith.subf %parallel_loop3A_717, %parallel_loop3A_737 : vector<16xf32>
        %parallel_loop3A_745 = arith.constant 1.000000e+00 : f32
        %parallel_loop3A_746 = vector.broadcast %parallel_loop3A_745 : f32 to vector<16xf32>
        %parallel_loop3A_747 = arith.maximumf %parallel_loop3A_744, %parallel_loop3A_746 : vector<16xf32>
        %parallel_loop3A_748 = arith.constant 2.047000e+03 : f32
        %parallel_loop3A_749 = vector.broadcast %parallel_loop3A_748 : f32 to vector<16xf32>
        %parallel_loop3A_750 = arith.minimumf %parallel_loop3A_747, %parallel_loop3A_749 : vector<16xf32>
        %parallel_loop3A_751 = arith.subf %parallel_loop3A_717, %parallel_loop3A_741 : vector<16xf32>
        %parallel_loop3A_752 = arith.constant 1.000000e+00 : f32
        %parallel_loop3A_753 = vector.broadcast %parallel_loop3A_752 : f32 to vector<16xf32>
        %parallel_loop3A_754 = arith.maximumf %parallel_loop3A_751, %parallel_loop3A_753 : vector<16xf32>
        %parallel_loop3A_755 = arith.constant 2.047000e+03 : f32
        %parallel_loop3A_756 = vector.broadcast %parallel_loop3A_755 : f32 to vector<16xf32>
        %parallel_loop3A_757 = arith.minimumf %parallel_loop3A_754, %parallel_loop3A_756 : vector<16xf32>
        %parallel_loop3A_758 = arith.fptosi %parallel_loop3A_750 : vector<16xf32> to vector<16xi32>
        %parallel_loop3A_759 = arith.fptosi %parallel_loop3A_757 : vector<16xf32> to vector<16xi32>
        %parallel_loop3A_760 = arith.constant 0 : i32
        %parallel_loop3A_761 = arith.constant 0 : i32
        %parallel_loop3A_762 = tpu.memref_slice %arg6[%parallel_loop3A_291, %parallel_loop3A_760, %parallel_loop3A_761] : memref<2x8x2048xf32, #tpu.memory_space<vmem>> -> memref<1x8x2048xf32, #tpu.memory_space<vmem>>
        %parallel_loop3A_763 = tpu.memref_squeeze %parallel_loop3A_762 : memref<1x8x2048xf32, #tpu.memory_space<vmem>> -> memref<8x2048xf32, #tpu.memory_space<vmem>>
        %parallel_loop3A_764 = tpu.vector_load_idx %parallel_loop3A_763[%add3A_284, %parallel_loop3A_758] : memref<8x2048xf32, #tpu.memory_space<vmem>>[vector<16xi32>, vector<16xi32>], vector<16xf32>,
        %parallel_loop3A_765 = arith.constant 1 : i32
        %parallel_loop3A_766 = vector.broadcast %parallel_loop3A_765 : i32 to vector<16xi32>
        %parallel_loop3A_767 = arith.subi %parallel_loop3A_758, %parallel_loop3A_766 : vector<16xi32>
        %parallel_loop3A_768 = arith.constant 0 : i32
        %parallel_loop3A_769 = arith.constant 0 : i32
        %parallel_loop3A_770 = tpu.memref_slice %arg6[%parallel_loop3A_291, %parallel_loop3A_768, %parallel_loop3A_769] : memref<2x8x2048xf32, #tpu.memory_space<vmem>> -> memref<1x8x2048xf32, #tpu.memory_space<vmem>>
        %parallel_loop3A_771 = tpu.memref_squeeze %parallel_loop3A_770 : memref<1x8x2048xf32, #tpu.memory_space<vmem>> -> memref<8x2048xf32, #tpu.memory_space<vmem>>
        %parallel_loop3A_772 = tpu.vector_load_idx %parallel_loop3A_771[%add3A_284, %parallel_loop3A_767] : memref<8x2048xf32, #tpu.memory_space<vmem>>[vector<16xi32>, vector<16xi32>], vector<16xf32>,
        %parallel_loop3A_773 = arith.constant 0 : i32
        %parallel_loop3A_774 = arith.constant 0 : i32
        %parallel_loop3A_775 = tpu.memref_slice %arg6[%parallel_loop3A_291, %parallel_loop3A_773, %parallel_loop3A_774] : memref<2x8x2048xf32, #tpu.memory_space<vmem>> -> memref<1x8x2048xf32, #tpu.memory_space<vmem>>
        %parallel_loop3A_776 = tpu.memref_squeeze %parallel_loop3A_775 : memref<1x8x2048xf32, #tpu.memory_space<vmem>> -> memref<8x2048xf32, #tpu.memory_space<vmem>>
        %parallel_loop3A_777 = tpu.vector_load_idx %parallel_loop3A_776[%add3A_287, %parallel_loop3A_759] : memref<8x2048xf32, #tpu.memory_space<vmem>>[vector<16xi32>, vector<16xi32>], vector<16xf32>,
        %parallel_loop3A_778 = arith.constant 1 : i32
        %parallel_loop3A_779 = vector.broadcast %parallel_loop3A_778 : i32 to vector<16xi32>
        %parallel_loop3A_780 = arith.subi %parallel_loop3A_759, %parallel_loop3A_779 : vector<16xi32>
        %parallel_loop3A_781 = arith.constant 0 : i32
        %parallel_loop3A_782 = arith.constant 0 : i32
        %parallel_loop3A_783 = tpu.memref_slice %arg6[%parallel_loop3A_291, %parallel_loop3A_781, %parallel_loop3A_782] : memref<2x8x2048xf32, #tpu.memory_space<vmem>> -> memref<1x8x2048xf32, #tpu.memory_space<vmem>>
        %parallel_loop3A_784 = tpu.memref_squeeze %parallel_loop3A_783 : memref<1x8x2048xf32, #tpu.memory_space<vmem>> -> memref<8x2048xf32, #tpu.memory_space<vmem>>
        %parallel_loop3A_785 = tpu.vector_load_idx %parallel_loop3A_784[%add3A_287, %parallel_loop3A_780] : memref<8x2048xf32, #tpu.memory_space<vmem>>[vector<16xi32>, vector<16xi32>], vector<16xf32>,
        %parallel_loop3A_786 = arith.constant 1.000000e+00 : f32
        %parallel_loop3A_787 = vector.broadcast %parallel_loop3A_786 : f32 to vector<16xf32>
        %parallel_loop3A_788 = arith.subf %parallel_loop3A_787, %parallel_loop3A_742 : vector<16xf32>
        %parallel_loop3A_789 = arith.mulf %parallel_loop3A_788, %parallel_loop3A_764 : vector<16xf32>
        %parallel_loop3A_790 = arith.mulf %parallel_loop3A_742, %parallel_loop3A_772 : vector<16xf32>
        %parallel_loop3A_791 = arith.addf %parallel_loop3A_789, %parallel_loop3A_790 : vector<16xf32>
        %parallel_loop3A_792 = arith.constant 1.000000e+00 : f32
        %parallel_loop3A_793 = vector.broadcast %parallel_loop3A_792 : f32 to vector<16xf32>
        %parallel_loop3A_794 = arith.subf %parallel_loop3A_793, %parallel_loop3A_743 : vector<16xf32>
        %parallel_loop3A_795 = arith.mulf %parallel_loop3A_794, %parallel_loop3A_777 : vector<16xf32>
        %parallel_loop3A_796 = arith.mulf %parallel_loop3A_743, %parallel_loop3A_785 : vector<16xf32>
        %parallel_loop3A_797 = arith.addf %parallel_loop3A_795, %parallel_loop3A_796 : vector<16xf32>
        %parallel_loop3A_798 = arith.constant 4 : i32
        %parallel_loop3A_799 = arith.constant 0 : i32
        %parallel_loop3A_800 = arith.constant 0 : i32
        %parallel_loop3A_801 = tpu.memref_slice %arg7[%parallel_loop3A_292, %parallel_loop3A_799, %parallel_loop3A_800] : memref<2x8x2048xf32, #tpu.memory_space<vmem>> -> memref<1x8x2048xf32, #tpu.memory_space<vmem>>
        %parallel_loop3A_802 = tpu.memref_squeeze %parallel_loop3A_801 : memref<1x8x2048xf32, #tpu.memory_space<vmem>> -> memref<8x2048xf32, #tpu.memory_space<vmem>>
        %parallel_loop3A_803 = arith.index_cast %parallel_loop3A_798 : i32 to index
        %parallel_loop3A_804 = arith.index_cast %parallel_loop3A_698 : i32 to index
        %parallel_loop3A_805 = tpu.vector_load %parallel_loop3A_802[%parallel_loop3A_803, %parallel_loop3A_804] {strides = array<i32>} : memref<8x2048xf32, #tpu.memory_space<vmem>>, vector<16xf32>,
        tpu.vector_store %parallel_loop3A_802[%parallel_loop3A_803, %parallel_loop3A_804], %parallel_loop3A_791 {strides = array<i32>} : memref<8x2048xf32, #tpu.memory_space<vmem>>, vector<16xf32>,
        %parallel_loop3A_806 = arith.constant 5 : i32
        %parallel_loop3A_807 = arith.constant 0 : i32
        %parallel_loop3A_808 = arith.constant 0 : i32
        %parallel_loop3A_809 = tpu.memref_slice %arg7[%parallel_loop3A_292, %parallel_loop3A_807, %parallel_loop3A_808] : memref<2x8x2048xf32, #tpu.memory_space<vmem>> -> memref<1x8x2048xf32, #tpu.memory_space<vmem>>
        %parallel_loop3A_810 = tpu.memref_squeeze %parallel_loop3A_809 : memref<1x8x2048xf32, #tpu.memory_space<vmem>> -> memref<8x2048xf32, #tpu.memory_space<vmem>>
        %parallel_loop3A_811 = arith.index_cast %parallel_loop3A_806 : i32 to index
        %parallel_loop3A_812 = arith.index_cast %parallel_loop3A_698 : i32 to index
        %parallel_loop3A_813 = tpu.vector_load %parallel_loop3A_810[%parallel_loop3A_811, %parallel_loop3A_812] {strides = array<i32>} : memref<8x2048xf32, #tpu.memory_space<vmem>>, vector<16xf32>,
        tpu.vector_store %parallel_loop3A_810[%parallel_loop3A_811, %parallel_loop3A_812], %parallel_loop3A_797 {strides = array<i32>} : memref<8x2048xf32, #tpu.memory_space<vmem>>, vector<16xf32>,
      } {sc.loop_unroll_factor = 2 : i64, sc.parallel_access}
      %mul3A_293 = arith.constant 8 : i32
      %mul3A_294 = arith.muli %add3A_70, %mul3A_293 : i32
      %add3A_295 = arith.constant 6 : i32
      %add3A_296 = arith.addi %mul3A_294, %add3A_295 : i32
      %mul3A_297 = arith.constant 16 : i32
      %mul3A_298 = arith.muli %add3A_296, %mul3A_297 : i32
      %add3A_299 = vector.broadcast %mul3A_298 : i32 to vector<16xi32>
      %add3A_300 = arith.addi %broadcast_in_dim3A_5, %add3A_299 : vector<16xi32>
      %gather3A_301 = tpu.vector_load_idx %arg8[%add3A_300] : memref<8192xf32, #tpu.memory_space<vmem>>[vector<16xi32>], vector<16xf32>,
      %add3A_302 = arith.constant 1 : i32
      %add3A_303 = vector.broadcast %add3A_302 : i32 to vector<16xi32>
      %add3A_304 = arith.addi %add3A_300, %add3A_303 : vector<16xi32>
      %gather3A_305 = tpu.vector_load_idx %arg8[%add3A_304] : memref<8192xf32, #tpu.memory_space<vmem>>[vector<16xi32>], vector<16xf32>,
      %add3A_306 = arith.constant 2 : i32
      %add3A_307 = vector.broadcast %add3A_306 : i32 to vector<16xi32>
      %add3A_308 = arith.addi %add3A_300, %add3A_307 : vector<16xi32>
      %gather3A_309 = tpu.vector_load_idx %arg8[%add3A_308] : memref<8192xf32, #tpu.memory_space<vmem>>[vector<16xi32>], vector<16xf32>,
      %add3A_310 = arith.constant 3 : i32
      %add3A_311 = vector.broadcast %add3A_310 : i32 to vector<16xi32>
      %add3A_312 = arith.addi %add3A_300, %add3A_311 : vector<16xi32>
      %gather3A_313 = tpu.vector_load_idx %arg8[%add3A_312] : memref<8192xf32, #tpu.memory_space<vmem>>[vector<16xi32>], vector<16xf32>,
      %add3A_314 = arith.constant 4 : i32
      %add3A_315 = vector.broadcast %add3A_314 : i32 to vector<16xi32>
      %add3A_316 = arith.addi %add3A_300, %add3A_315 : vector<16xi32>
      %gather3A_317 = tpu.vector_load_idx %arg8[%add3A_316] : memref<8192xf32, #tpu.memory_space<vmem>>[vector<16xi32>], vector<16xf32>,
      %add3A_318 = arith.constant 16 : i32
      %add3A_319 = vector.broadcast %add3A_318 : i32 to vector<16xi32>
      %add3A_320 = arith.addi %add3A_300, %add3A_319 : vector<16xi32>
      %gather3A_321 = tpu.vector_load_idx %arg8[%add3A_320] : memref<8192xf32, #tpu.memory_space<vmem>>[vector<16xi32>], vector<16xf32>,
      %add3A_322 = arith.constant 16 : i32
      %add3A_323 = vector.broadcast %add3A_322 : i32 to vector<16xi32>
      %add3A_324 = arith.addi %add3A_300, %add3A_323 : vector<16xi32>
      %add3A_325 = arith.constant 1 : i32
      %add3A_326 = vector.broadcast %add3A_325 : i32 to vector<16xi32>
      %add3A_327 = arith.addi %add3A_324, %add3A_326 : vector<16xi32>
      %gather3A_328 = tpu.vector_load_idx %arg8[%add3A_327] : memref<8192xf32, #tpu.memory_space<vmem>>[vector<16xi32>], vector<16xf32>,
      %add3A_329 = arith.constant 16 : i32
      %add3A_330 = vector.broadcast %add3A_329 : i32 to vector<16xi32>
      %add3A_331 = arith.addi %add3A_300, %add3A_330 : vector<16xi32>
      %add3A_332 = arith.constant 2 : i32
      %add3A_333 = vector.broadcast %add3A_332 : i32 to vector<16xi32>
      %add3A_334 = arith.addi %add3A_331, %add3A_333 : vector<16xi32>
      %gather3A_335 = tpu.vector_load_idx %arg8[%add3A_334] : memref<8192xf32, #tpu.memory_space<vmem>>[vector<16xi32>], vector<16xf32>,
      %add3A_336 = arith.constant 16 : i32
      %add3A_337 = vector.broadcast %add3A_336 : i32 to vector<16xi32>
      %add3A_338 = arith.addi %add3A_300, %add3A_337 : vector<16xi32>
      %add3A_339 = arith.constant 3 : i32
      %add3A_340 = vector.broadcast %add3A_339 : i32 to vector<16xi32>
      %add3A_341 = arith.addi %add3A_338, %add3A_340 : vector<16xi32>
      %gather3A_342 = tpu.vector_load_idx %arg8[%add3A_341] : memref<8192xf32, #tpu.memory_space<vmem>>[vector<16xi32>], vector<16xf32>,
      %add3A_343 = arith.constant 16 : i32
      %add3A_344 = vector.broadcast %add3A_343 : i32 to vector<16xi32>
      %add3A_345 = arith.addi %add3A_300, %add3A_344 : vector<16xi32>
      %add3A_346 = arith.constant 4 : i32
      %add3A_347 = vector.broadcast %add3A_346 : i32 to vector<16xi32>
      %add3A_348 = arith.addi %add3A_345, %add3A_347 : vector<16xi32>
      %gather3A_349 = tpu.vector_load_idx %arg8[%add3A_348] : memref<8192xf32, #tpu.memory_space<vmem>>[vector<16xi32>], vector<16xf32>,
      %add3A_350 = arith.constant 6 : i32
      %add3A_351 = vector.broadcast %add3A_350 : i32 to vector<16xi32>
      %add3A_352 = arith.addi %broadcast_in_dim3A_5, %add3A_351 : vector<16xi32>
      %add3A_353 = arith.constant 7 : i32
      %add3A_354 = vector.broadcast %add3A_353 : i32 to vector<16xi32>
      %add3A_355 = arith.addi %broadcast_in_dim3A_5, %add3A_354 : vector<16xi32>
      %parallel_loop3A_356 = arith.constant 0 : i32
      %parallel_loop3A_357 = arith.constant 128 : i32
      %parallel_loop3A_358 = arith.constant 1 : i32
      %parallel_loop3A_359 = arith.constant 0 : i32
      %parallel_loop3A_360 = arith.constant 0 : i32
      scf.for %parallel_loop3A_696 = %parallel_loop3A_356 to %parallel_loop3A_357 step %parallel_loop3A_358  : i32 {
        %parallel_loop3A_697 = arith.constant 16 : i32
        %parallel_loop3A_698 = arith.muli %parallel_loop3A_696, %parallel_loop3A_697 : i32
        %parallel_loop3A_699 = arith.constant 0 : i32
        %parallel_loop3A_700 = arith.index_cast %parallel_loop3A_699 : i32 to index
        %parallel_loop3A_701 = arith.index_cast %parallel_loop3A_698 : i32 to index
        %parallel_loop3A_702 = tpu.vector_load %arg9[%parallel_loop3A_700, %parallel_loop3A_701] {strides = array<i32>} : memref<5x2048xf32, #tpu.memory_space<vmem>>, vector<16xf32>,
        %parallel_loop3A_703 = arith.constant 1 : i32
        %parallel_loop3A_704 = arith.index_cast %parallel_loop3A_703 : i32 to index
        %parallel_loop3A_705 = arith.index_cast %parallel_loop3A_698 : i32 to index
        %parallel_loop3A_706 = tpu.vector_load %arg9[%parallel_loop3A_704, %parallel_loop3A_705] {strides = array<i32>} : memref<5x2048xf32, #tpu.memory_space<vmem>>, vector<16xf32>,
        %parallel_loop3A_707 = arith.constant 2 : i32
        %parallel_loop3A_708 = arith.index_cast %parallel_loop3A_707 : i32 to index
        %parallel_loop3A_709 = arith.index_cast %parallel_loop3A_698 : i32 to index
        %parallel_loop3A_710 = tpu.vector_load %arg9[%parallel_loop3A_708, %parallel_loop3A_709] {strides = array<i32>} : memref<5x2048xf32, #tpu.memory_space<vmem>>, vector<16xf32>,
        %parallel_loop3A_711 = arith.constant 3 : i32
        %parallel_loop3A_712 = arith.index_cast %parallel_loop3A_711 : i32 to index
        %parallel_loop3A_713 = arith.index_cast %parallel_loop3A_698 : i32 to index
        %parallel_loop3A_714 = tpu.vector_load %arg9[%parallel_loop3A_712, %parallel_loop3A_713] {strides = array<i32>} : memref<5x2048xf32, #tpu.memory_space<vmem>>, vector<16xf32>,
        %parallel_loop3A_715 = arith.sitofp %parallel_loop3A_698 : i32 to f32
        %parallel_loop3A_716 = vector.broadcast %parallel_loop3A_715 : f32 to vector<16xf32>
        %parallel_loop3A_717 = arith.addf %convert_element_type3A, %parallel_loop3A_716 : vector<16xf32>
        %parallel_loop3A_718 = arith.mulf %gather3A_301, %parallel_loop3A_702 : vector<16xf32>
        %parallel_loop3A_719 = arith.mulf %gather3A_305, %parallel_loop3A_706 : vector<16xf32>
        %parallel_loop3A_720 = arith.addf %parallel_loop3A_718, %parallel_loop3A_719 : vector<16xf32>
        %parallel_loop3A_721 = arith.mulf %gather3A_309, %parallel_loop3A_710 : vector<16xf32>
        %parallel_loop3A_722 = arith.mulf %gather3A_313, %parallel_loop3A_714 : vector<16xf32>
        %parallel_loop3A_723 = arith.addf %parallel_loop3A_721, %parallel_loop3A_722 : vector<16xf32>
        %parallel_loop3A_724 = arith.addf %parallel_loop3A_720, %parallel_loop3A_723 : vector<16xf32>
        %parallel_loop3A_725 = arith.addf %parallel_loop3A_724, %gather3A_317 : vector<16xf32>
        %parallel_loop3A_726 = arith.mulf %gather3A_321, %parallel_loop3A_702 : vector<16xf32>
        %parallel_loop3A_727 = arith.mulf %gather3A_328, %parallel_loop3A_706 : vector<16xf32>
        %parallel_loop3A_728 = arith.addf %parallel_loop3A_726, %parallel_loop3A_727 : vector<16xf32>
        %parallel_loop3A_729 = arith.mulf %gather3A_335, %parallel_loop3A_710 : vector<16xf32>
        %parallel_loop3A_730 = arith.mulf %gather3A_342, %parallel_loop3A_714 : vector<16xf32>
        %parallel_loop3A_731 = arith.addf %parallel_loop3A_729, %parallel_loop3A_730 : vector<16xf32>
        %parallel_loop3A_732 = arith.addf %parallel_loop3A_728, %parallel_loop3A_731 : vector<16xf32>
        %parallel_loop3A_733 = arith.addf %parallel_loop3A_732, %gather3A_349 : vector<16xf32>
        %parallel_loop3A_734 = vector.broadcast %scan3A_35 : f32 to vector<16xf32>
        %parallel_loop3A_735 = arith.addf %parallel_loop3A_725, %parallel_loop3A_734 : vector<16xf32>
        %parallel_loop3A_736 = vector.broadcast %scan3A_35 : f32 to vector<16xf32>
        %parallel_loop3A_737 = arith.subf %parallel_loop3A_735, %parallel_loop3A_736 : vector<16xf32>
        %parallel_loop3A_738 = vector.broadcast %scan3A_35 : f32 to vector<16xf32>
        %parallel_loop3A_739 = arith.addf %parallel_loop3A_733, %parallel_loop3A_738 : vector<16xf32>
        %parallel_loop3A_740 = vector.broadcast %scan3A_35 : f32 to vector<16xf32>
        %parallel_loop3A_741 = arith.subf %parallel_loop3A_739, %parallel_loop3A_740 : vector<16xf32>
        %parallel_loop3A_742 = arith.subf %parallel_loop3A_725, %parallel_loop3A_737 : vector<16xf32>
        %parallel_loop3A_743 = arith.subf %parallel_loop3A_733, %parallel_loop3A_741 : vector<16xf32>
        %parallel_loop3A_744 = arith.subf %parallel_loop3A_717, %parallel_loop3A_737 : vector<16xf32>
        %parallel_loop3A_745 = arith.constant 1.000000e+00 : f32
        %parallel_loop3A_746 = vector.broadcast %parallel_loop3A_745 : f32 to vector<16xf32>
        %parallel_loop3A_747 = arith.maximumf %parallel_loop3A_744, %parallel_loop3A_746 : vector<16xf32>
        %parallel_loop3A_748 = arith.constant 2.047000e+03 : f32
        %parallel_loop3A_749 = vector.broadcast %parallel_loop3A_748 : f32 to vector<16xf32>
        %parallel_loop3A_750 = arith.minimumf %parallel_loop3A_747, %parallel_loop3A_749 : vector<16xf32>
        %parallel_loop3A_751 = arith.subf %parallel_loop3A_717, %parallel_loop3A_741 : vector<16xf32>
        %parallel_loop3A_752 = arith.constant 1.000000e+00 : f32
        %parallel_loop3A_753 = vector.broadcast %parallel_loop3A_752 : f32 to vector<16xf32>
        %parallel_loop3A_754 = arith.maximumf %parallel_loop3A_751, %parallel_loop3A_753 : vector<16xf32>
        %parallel_loop3A_755 = arith.constant 2.047000e+03 : f32
        %parallel_loop3A_756 = vector.broadcast %parallel_loop3A_755 : f32 to vector<16xf32>
        %parallel_loop3A_757 = arith.minimumf %parallel_loop3A_754, %parallel_loop3A_756 : vector<16xf32>
        %parallel_loop3A_758 = arith.fptosi %parallel_loop3A_750 : vector<16xf32> to vector<16xi32>
        %parallel_loop3A_759 = arith.fptosi %parallel_loop3A_757 : vector<16xf32> to vector<16xi32>
        %parallel_loop3A_760 = arith.constant 0 : i32
        %parallel_loop3A_761 = arith.constant 0 : i32
        %parallel_loop3A_762 = tpu.memref_slice %arg6[%parallel_loop3A_359, %parallel_loop3A_760, %parallel_loop3A_761] : memref<2x8x2048xf32, #tpu.memory_space<vmem>> -> memref<1x8x2048xf32, #tpu.memory_space<vmem>>
        %parallel_loop3A_763 = tpu.memref_squeeze %parallel_loop3A_762 : memref<1x8x2048xf32, #tpu.memory_space<vmem>> -> memref<8x2048xf32, #tpu.memory_space<vmem>>
        %parallel_loop3A_764 = tpu.vector_load_idx %parallel_loop3A_763[%add3A_352, %parallel_loop3A_758] : memref<8x2048xf32, #tpu.memory_space<vmem>>[vector<16xi32>, vector<16xi32>], vector<16xf32>,
        %parallel_loop3A_765 = arith.constant 1 : i32
        %parallel_loop3A_766 = vector.broadcast %parallel_loop3A_765 : i32 to vector<16xi32>
        %parallel_loop3A_767 = arith.subi %parallel_loop3A_758, %parallel_loop3A_766 : vector<16xi32>
        %parallel_loop3A_768 = arith.constant 0 : i32
        %parallel_loop3A_769 = arith.constant 0 : i32
        %parallel_loop3A_770 = tpu.memref_slice %arg6[%parallel_loop3A_359, %parallel_loop3A_768, %parallel_loop3A_769] : memref<2x8x2048xf32, #tpu.memory_space<vmem>> -> memref<1x8x2048xf32, #tpu.memory_space<vmem>>
        %parallel_loop3A_771 = tpu.memref_squeeze %parallel_loop3A_770 : memref<1x8x2048xf32, #tpu.memory_space<vmem>> -> memref<8x2048xf32, #tpu.memory_space<vmem>>
        %parallel_loop3A_772 = tpu.vector_load_idx %parallel_loop3A_771[%add3A_352, %parallel_loop3A_767] : memref<8x2048xf32, #tpu.memory_space<vmem>>[vector<16xi32>, vector<16xi32>], vector<16xf32>,
        %parallel_loop3A_773 = arith.constant 0 : i32
        %parallel_loop3A_774 = arith.constant 0 : i32
        %parallel_loop3A_775 = tpu.memref_slice %arg6[%parallel_loop3A_359, %parallel_loop3A_773, %parallel_loop3A_774] : memref<2x8x2048xf32, #tpu.memory_space<vmem>> -> memref<1x8x2048xf32, #tpu.memory_space<vmem>>
        %parallel_loop3A_776 = tpu.memref_squeeze %parallel_loop3A_775 : memref<1x8x2048xf32, #tpu.memory_space<vmem>> -> memref<8x2048xf32, #tpu.memory_space<vmem>>
        %parallel_loop3A_777 = tpu.vector_load_idx %parallel_loop3A_776[%add3A_355, %parallel_loop3A_759] : memref<8x2048xf32, #tpu.memory_space<vmem>>[vector<16xi32>, vector<16xi32>], vector<16xf32>,
        %parallel_loop3A_778 = arith.constant 1 : i32
        %parallel_loop3A_779 = vector.broadcast %parallel_loop3A_778 : i32 to vector<16xi32>
        %parallel_loop3A_780 = arith.subi %parallel_loop3A_759, %parallel_loop3A_779 : vector<16xi32>
        %parallel_loop3A_781 = arith.constant 0 : i32
        %parallel_loop3A_782 = arith.constant 0 : i32
        %parallel_loop3A_783 = tpu.memref_slice %arg6[%parallel_loop3A_359, %parallel_loop3A_781, %parallel_loop3A_782] : memref<2x8x2048xf32, #tpu.memory_space<vmem>> -> memref<1x8x2048xf32, #tpu.memory_space<vmem>>
        %parallel_loop3A_784 = tpu.memref_squeeze %parallel_loop3A_783 : memref<1x8x2048xf32, #tpu.memory_space<vmem>> -> memref<8x2048xf32, #tpu.memory_space<vmem>>
        %parallel_loop3A_785 = tpu.vector_load_idx %parallel_loop3A_784[%add3A_355, %parallel_loop3A_780] : memref<8x2048xf32, #tpu.memory_space<vmem>>[vector<16xi32>, vector<16xi32>], vector<16xf32>,
        %parallel_loop3A_786 = arith.constant 1.000000e+00 : f32
        %parallel_loop3A_787 = vector.broadcast %parallel_loop3A_786 : f32 to vector<16xf32>
        %parallel_loop3A_788 = arith.subf %parallel_loop3A_787, %parallel_loop3A_742 : vector<16xf32>
        %parallel_loop3A_789 = arith.mulf %parallel_loop3A_788, %parallel_loop3A_764 : vector<16xf32>
        %parallel_loop3A_790 = arith.mulf %parallel_loop3A_742, %parallel_loop3A_772 : vector<16xf32>
        %parallel_loop3A_791 = arith.addf %parallel_loop3A_789, %parallel_loop3A_790 : vector<16xf32>
        %parallel_loop3A_792 = arith.constant 1.000000e+00 : f32
        %parallel_loop3A_793 = vector.broadcast %parallel_loop3A_792 : f32 to vector<16xf32>
        %parallel_loop3A_794 = arith.subf %parallel_loop3A_793, %parallel_loop3A_743 : vector<16xf32>
        %parallel_loop3A_795 = arith.mulf %parallel_loop3A_794, %parallel_loop3A_777 : vector<16xf32>
        %parallel_loop3A_796 = arith.mulf %parallel_loop3A_743, %parallel_loop3A_785 : vector<16xf32>
        %parallel_loop3A_797 = arith.addf %parallel_loop3A_795, %parallel_loop3A_796 : vector<16xf32>
        %parallel_loop3A_798 = arith.constant 6 : i32
        %parallel_loop3A_799 = arith.constant 0 : i32
        %parallel_loop3A_800 = arith.constant 0 : i32
        %parallel_loop3A_801 = tpu.memref_slice %arg7[%parallel_loop3A_360, %parallel_loop3A_799, %parallel_loop3A_800] : memref<2x8x2048xf32, #tpu.memory_space<vmem>> -> memref<1x8x2048xf32, #tpu.memory_space<vmem>>
        %parallel_loop3A_802 = tpu.memref_squeeze %parallel_loop3A_801 : memref<1x8x2048xf32, #tpu.memory_space<vmem>> -> memref<8x2048xf32, #tpu.memory_space<vmem>>
        %parallel_loop3A_803 = arith.index_cast %parallel_loop3A_798 : i32 to index
        %parallel_loop3A_804 = arith.index_cast %parallel_loop3A_698 : i32 to index
        %parallel_loop3A_805 = tpu.vector_load %parallel_loop3A_802[%parallel_loop3A_803, %parallel_loop3A_804] {strides = array<i32>} : memref<8x2048xf32, #tpu.memory_space<vmem>>, vector<16xf32>,
        tpu.vector_store %parallel_loop3A_802[%parallel_loop3A_803, %parallel_loop3A_804], %parallel_loop3A_791 {strides = array<i32>} : memref<8x2048xf32, #tpu.memory_space<vmem>>, vector<16xf32>,
        %parallel_loop3A_806 = arith.constant 7 : i32
        %parallel_loop3A_807 = arith.constant 0 : i32
        %parallel_loop3A_808 = arith.constant 0 : i32
        %parallel_loop3A_809 = tpu.memref_slice %arg7[%parallel_loop3A_360, %parallel_loop3A_807, %parallel_loop3A_808] : memref<2x8x2048xf32, #tpu.memory_space<vmem>> -> memref<1x8x2048xf32, #tpu.memory_space<vmem>>
        %parallel_loop3A_810 = tpu.memref_squeeze %parallel_loop3A_809 : memref<1x8x2048xf32, #tpu.memory_space<vmem>> -> memref<8x2048xf32, #tpu.memory_space<vmem>>
        %parallel_loop3A_811 = arith.index_cast %parallel_loop3A_806 : i32 to index
        %parallel_loop3A_812 = arith.index_cast %parallel_loop3A_698 : i32 to index
        %parallel_loop3A_813 = tpu.vector_load %parallel_loop3A_810[%parallel_loop3A_811, %parallel_loop3A_812] {strides = array<i32>} : memref<8x2048xf32, #tpu.memory_space<vmem>>, vector<16xf32>,
        tpu.vector_store %parallel_loop3A_810[%parallel_loop3A_811, %parallel_loop3A_812], %parallel_loop3A_797 {strides = array<i32>} : memref<8x2048xf32, #tpu.memory_space<vmem>>, vector<16xf32>,
      } {sc.loop_unroll_factor = 2 : i64, sc.parallel_access}
      %dma_start3A_361 = arith.constant 0 : i32
      %dma_start3A_362 = arith.constant 0 : i32
      %dma_start3A_363 = arith.constant 0 : i32
      %dma_start3A_364 = tpu.memref_slice %arg7[%dma_start3A_361, %dma_start3A_362, %dma_start3A_363] : memref<2x8x2048xf32, #tpu.memory_space<vmem>> -> memref<1x8x2048xf32, #tpu.memory_space<vmem>>
      %dma_start3A_365 = tpu.memref_squeeze %dma_start3A_364 : memref<1x8x2048xf32, #tpu.memory_space<vmem>> -> memref<8x2048xf32, #tpu.memory_space<vmem>>
      %dma_start3A_366 = arith.constant 0 : i32
      %dma_start3A_367 = tpu.memref_slice %arg5[%add3A_73, %dma_start3A_366] : memref<16384x2048xf32, #tpu.memory_space<hbm>> -> memref<8x2048xf32, #tpu.memory_space<hbm>>
      %dma_start3A_368 = arith.constant 0 : i32
      %dma_start3A_369 = tpu.memref_slice %arg5[%add3A_73, %dma_start3A_368] : memref<16384x2048xf32, #tpu.memory_space<hbm>> -> memref<8x2048xf32, #tpu.memory_space<hbm>>
      %dma_start3A_370 = arith.constant 0 : i32
      %dma_start3A_371 = arith.constant 0 : i32
      %dma_start3A_372 = tpu.memref_slice %arg7[%dma_start3A_361, %dma_start3A_370, %dma_start3A_371] : memref<2x8x2048xf32, #tpu.memory_space<vmem>> -> memref<1x8x2048xf32, #tpu.memory_space<vmem>>
      %dma_start3A_373 = tpu.memref_squeeze %dma_start3A_372 : memref<1x8x2048xf32, #tpu.memory_space<vmem>> -> memref<8x2048xf32, #tpu.memory_space<vmem>>
      tpu.enqueue_dma source(%dma_start3A_373 : memref<8x2048xf32, #tpu.memory_space<vmem>>) target(%dma_start3A_369 : memref<8x2048xf32, #tpu.memory_space<hbm>>) target_semaphore(%arg12 : memref<!tpu.dma_semaphore, #tpu.memory_space<semaphore_mem>>)
      %lt3A = arith.constant 31 : i32
      %lt3A_374 = arith.cmpi slt, %scan3A_66, %lt3A : i32
      %convert_element_type3A_375 = arith.extui %lt3A_374 : i1 to i32
      %cond3A_376 = arith.constant 0 : i32
      %cond3A_377 = arith.constant 0 : i32
      %cond3A_378 = arith.cmpi ne, %convert_element_type3A_375, %cond3A_377 : i32
      scf.if %cond3A_378 {
        %add3A_696 = arith.constant 16 : i32
        %add3A_697 = arith.addi %add3A_73, %add3A_696 : i32
        %dma_start3A_698 = arith.constant 0 : i32
        %dma_start3A_699 = arith.constant 0 : i32
        %dma_start3A_700 = tpu.memref_slice %arg6[%cond3A_376, %dma_start3A_698, %dma_start3A_699] : memref<2x8x2048xf32, #tpu.memory_space<vmem>> -> memref<1x8x2048xf32, #tpu.memory_space<vmem>>
        %dma_start3A_701 = tpu.memref_squeeze %dma_start3A_700 : memref<1x8x2048xf32, #tpu.memory_space<vmem>> -> memref<8x2048xf32, #tpu.memory_space<vmem>>
        %dma_start3A_702 = arith.constant 0 : i32
        %dma_start3A_703 = tpu.memref_slice %arg2[%add3A_697, %dma_start3A_702] : memref<16384x2048xf32, #tpu.memory_space<hbm>> -> memref<8x2048xf32, #tpu.memory_space<hbm>>
        %dma_start3A_704 = arith.constant 0 : i32
        %dma_start3A_705 = arith.constant 0 : i32
        %dma_start3A_706 = tpu.memref_slice %arg6[%cond3A_376, %dma_start3A_704, %dma_start3A_705] : memref<2x8x2048xf32, #tpu.memory_space<vmem>> -> memref<1x8x2048xf32, #tpu.memory_space<vmem>>
        %dma_start3A_707 = tpu.memref_squeeze %dma_start3A_706 : memref<1x8x2048xf32, #tpu.memory_space<vmem>> -> memref<8x2048xf32, #tpu.memory_space<vmem>>
        %dma_start3A_708 = arith.constant 0 : i32
        %dma_start3A_709 = tpu.memref_slice %arg2[%add3A_697, %dma_start3A_708] : memref<16384x2048xf32, #tpu.memory_space<hbm>> -> memref<8x2048xf32, #tpu.memory_space<hbm>>
        tpu.enqueue_dma source(%dma_start3A_709 : memref<8x2048xf32, #tpu.memory_space<hbm>>) target(%dma_start3A_707 : memref<8x2048xf32, #tpu.memory_space<vmem>>) target_semaphore(%arg10 : memref<!tpu.dma_semaphore, #tpu.memory_space<semaphore_mem>>)
      } else {
      }
      %mul3A_379 = arith.constant 2 : i32
      %mul3A_380 = arith.muli %scan3A_66, %mul3A_379 : i32
      %add3A_381 = arith.constant 1 : i32
      %add3A_382 = arith.addi %mul3A_380, %add3A_381 : i32
      %mul3A_383 = arith.constant 8 : i32
      %mul3A_384 = arith.muli %add3A_382, %mul3A_383 : i32
      %add3A_385 = arith.addi %mul3A_2, %mul3A_384 : i32
      %dma_wait3A_386 = arith.constant 1 : i32
      %dma_wait3A_387 = arith.constant 0 : i32
      %dma_wait3A_388 = arith.constant 0 : i32
      %dma_wait3A_389 = tpu.memref_slice %arg6[%dma_wait3A_386, %dma_wait3A_387, %dma_wait3A_388] : memref<2x8x2048xf32, #tpu.memory_space<vmem>> -> memref<1x8x2048xf32, #tpu.memory_space<vmem>>
      %dma_wait3A_390 = tpu.memref_squeeze %dma_wait3A_389 : memref<1x8x2048xf32, #tpu.memory_space<vmem>> -> memref<8x2048xf32, #tpu.memory_space<vmem>>
      %dma_wait3A_391 = arith.constant 0 : i32
      %dma_wait3A_392 = tpu.memref_slice %arg2[%add3A_385, %dma_wait3A_391] : memref<16384x2048xf32, #tpu.memory_space<hbm>> -> memref<8x2048xf32, #tpu.memory_space<hbm>>
      %dma_wait3A_393 = arith.constant 0 : i32
      %dma_wait3A_394 = arith.constant 0 : i32
      %dma_wait3A_395 = tpu.memref_slice %arg6[%dma_wait3A_386, %dma_wait3A_393, %dma_wait3A_394] : memref<2x8x2048xf32, #tpu.memory_space<vmem>> -> memref<1x8x2048xf32, #tpu.memory_space<vmem>>
      %dma_wait3A_396 = tpu.memref_squeeze %dma_wait3A_395 : memref<1x8x2048xf32, #tpu.memory_space<vmem>> -> memref<8x2048xf32, #tpu.memory_space<vmem>>
      %dma_wait3A_397 = arith.constant 0 : i32
      %dma_wait3A_398 = tpu.memref_slice %arg2[%add3A_385, %dma_wait3A_397] : memref<16384x2048xf32, #tpu.memory_space<hbm>> -> memref<8x2048xf32, #tpu.memory_space<hbm>>
      tpu.wait_dma2 semaphore(%arg11 : memref<!tpu.dma_semaphore, #tpu.memory_space<semaphore_mem>>) src(%dma_wait3A_398 : memref<8x2048xf32, #tpu.memory_space<hbm>>) dst(%dma_wait3A_396 : memref<8x2048xf32, #tpu.memory_space<vmem>>)
      %gt3A_399 = arith.constant 0 : i32
      %gt3A_400 = arith.cmpi sgt, %scan3A_66, %gt3A_399 : i32
      %convert_element_type3A_401 = arith.extui %gt3A_400 : i1 to i32
      %cond3A_402 = arith.constant 1 : i32
      %cond3A_403 = arith.constant 0 : i32
      %cond3A_404 = arith.cmpi ne, %convert_element_type3A_401, %cond3A_403 : i32
      scf.if %cond3A_404 {
        %dma_wait3A_696 = arith.constant 0 : i32
        %dma_wait3A_697 = arith.constant 0 : i32
        %dma_wait3A_698 = tpu.memref_slice %arg7[%cond3A_402, %dma_wait3A_696, %dma_wait3A_697] : memref<2x8x2048xf32, #tpu.memory_space<vmem>> -> memref<1x8x2048xf32, #tpu.memory_space<vmem>>
        %dma_wait3A_699 = tpu.memref_squeeze %dma_wait3A_698 : memref<1x8x2048xf32, #tpu.memory_space<vmem>> -> memref<8x2048xf32, #tpu.memory_space<vmem>>
        %dma_wait3A_700 = arith.constant 0 : i32
        %dma_wait3A_701 = tpu.memref_slice %arg5[%add3A_385, %dma_wait3A_700] : memref<16384x2048xf32, #tpu.memory_space<hbm>> -> memref<8x2048xf32, #tpu.memory_space<hbm>>
        %dma_wait3A_702 = arith.constant 0 : i32
        %dma_wait3A_703 = tpu.memref_slice %arg5[%add3A_385, %dma_wait3A_702] : memref<16384x2048xf32, #tpu.memory_space<hbm>> -> memref<8x2048xf32, #tpu.memory_space<hbm>>
        %dma_wait3A_704 = arith.constant 0 : i32
        %dma_wait3A_705 = arith.constant 0 : i32
        %dma_wait3A_706 = tpu.memref_slice %arg7[%cond3A_402, %dma_wait3A_704, %dma_wait3A_705] : memref<2x8x2048xf32, #tpu.memory_space<vmem>> -> memref<1x8x2048xf32, #tpu.memory_space<vmem>>
        %dma_wait3A_707 = tpu.memref_squeeze %dma_wait3A_706 : memref<1x8x2048xf32, #tpu.memory_space<vmem>> -> memref<8x2048xf32, #tpu.memory_space<vmem>>
        tpu.wait_dma2 semaphore(%arg13 : memref<!tpu.dma_semaphore, #tpu.memory_space<semaphore_mem>>) src(%dma_wait3A_707 : memref<8x2048xf32, #tpu.memory_space<vmem>>) dst(%dma_wait3A_703 : memref<8x2048xf32, #tpu.memory_space<hbm>>)
      } else {
      }
      %mul3A_405 = arith.constant 8 : i32
      %mul3A_406 = arith.muli %add3A_382, %mul3A_405 : i32
      %add3A_407 = arith.constant 0 : i32
      %add3A_408 = arith.addi %mul3A_406, %add3A_407 : i32
      %mul3A_409 = arith.constant 16 : i32
      %mul3A_410 = arith.muli %add3A_408, %mul3A_409 : i32
      %add3A_411 = vector.broadcast %mul3A_410 : i32 to vector<16xi32>
      %add3A_412 = arith.addi %broadcast_in_dim3A_5, %add3A_411 : vector<16xi32>
      %gather3A_413 = tpu.vector_load_idx %arg8[%add3A_412] : memref<8192xf32, #tpu.memory_space<vmem>>[vector<16xi32>], vector<16xf32>,
      %add3A_414 = arith.constant 1 : i32
      %add3A_415 = vector.broadcast %add3A_414 : i32 to vector<16xi32>
      %add3A_416 = arith.addi %add3A_412, %add3A_415 : vector<16xi32>
      %gather3A_417 = tpu.vector_load_idx %arg8[%add3A_416] : memref<8192xf32, #tpu.memory_space<vmem>>[vector<16xi32>], vector<16xf32>,
      %add3A_418 = arith.constant 2 : i32
      %add3A_419 = vector.broadcast %add3A_418 : i32 to vector<16xi32>
      %add3A_420 = arith.addi %add3A_412, %add3A_419 : vector<16xi32>
      %gather3A_421 = tpu.vector_load_idx %arg8[%add3A_420] : memref<8192xf32, #tpu.memory_space<vmem>>[vector<16xi32>], vector<16xf32>,
      %add3A_422 = arith.constant 3 : i32
      %add3A_423 = vector.broadcast %add3A_422 : i32 to vector<16xi32>
      %add3A_424 = arith.addi %add3A_412, %add3A_423 : vector<16xi32>
      %gather3A_425 = tpu.vector_load_idx %arg8[%add3A_424] : memref<8192xf32, #tpu.memory_space<vmem>>[vector<16xi32>], vector<16xf32>,
      %add3A_426 = arith.constant 4 : i32
      %add3A_427 = vector.broadcast %add3A_426 : i32 to vector<16xi32>
      %add3A_428 = arith.addi %add3A_412, %add3A_427 : vector<16xi32>
      %gather3A_429 = tpu.vector_load_idx %arg8[%add3A_428] : memref<8192xf32, #tpu.memory_space<vmem>>[vector<16xi32>], vector<16xf32>,
      %add3A_430 = arith.constant 16 : i32
      %add3A_431 = vector.broadcast %add3A_430 : i32 to vector<16xi32>
      %add3A_432 = arith.addi %add3A_412, %add3A_431 : vector<16xi32>
      %gather3A_433 = tpu.vector_load_idx %arg8[%add3A_432] : memref<8192xf32, #tpu.memory_space<vmem>>[vector<16xi32>], vector<16xf32>,
      %add3A_434 = arith.constant 16 : i32
      %add3A_435 = vector.broadcast %add3A_434 : i32 to vector<16xi32>
      %add3A_436 = arith.addi %add3A_412, %add3A_435 : vector<16xi32>
      %add3A_437 = arith.constant 1 : i32
      %add3A_438 = vector.broadcast %add3A_437 : i32 to vector<16xi32>
      %add3A_439 = arith.addi %add3A_436, %add3A_438 : vector<16xi32>
      %gather3A_440 = tpu.vector_load_idx %arg8[%add3A_439] : memref<8192xf32, #tpu.memory_space<vmem>>[vector<16xi32>], vector<16xf32>,
      %add3A_441 = arith.constant 16 : i32
      %add3A_442 = vector.broadcast %add3A_441 : i32 to vector<16xi32>
      %add3A_443 = arith.addi %add3A_412, %add3A_442 : vector<16xi32>
      %add3A_444 = arith.constant 2 : i32
      %add3A_445 = vector.broadcast %add3A_444 : i32 to vector<16xi32>
      %add3A_446 = arith.addi %add3A_443, %add3A_445 : vector<16xi32>
      %gather3A_447 = tpu.vector_load_idx %arg8[%add3A_446] : memref<8192xf32, #tpu.memory_space<vmem>>[vector<16xi32>], vector<16xf32>,
      %add3A_448 = arith.constant 16 : i32
      %add3A_449 = vector.broadcast %add3A_448 : i32 to vector<16xi32>
      %add3A_450 = arith.addi %add3A_412, %add3A_449 : vector<16xi32>
      %add3A_451 = arith.constant 3 : i32
      %add3A_452 = vector.broadcast %add3A_451 : i32 to vector<16xi32>
      %add3A_453 = arith.addi %add3A_450, %add3A_452 : vector<16xi32>
      %gather3A_454 = tpu.vector_load_idx %arg8[%add3A_453] : memref<8192xf32, #tpu.memory_space<vmem>>[vector<16xi32>], vector<16xf32>,
      %add3A_455 = arith.constant 16 : i32
      %add3A_456 = vector.broadcast %add3A_455 : i32 to vector<16xi32>
      %add3A_457 = arith.addi %add3A_412, %add3A_456 : vector<16xi32>
      %add3A_458 = arith.constant 4 : i32
      %add3A_459 = vector.broadcast %add3A_458 : i32 to vector<16xi32>
      %add3A_460 = arith.addi %add3A_457, %add3A_459 : vector<16xi32>
      %gather3A_461 = tpu.vector_load_idx %arg8[%add3A_460] : memref<8192xf32, #tpu.memory_space<vmem>>[vector<16xi32>], vector<16xf32>,
      %add3A_462 = arith.constant 0 : i32
      %add3A_463 = vector.broadcast %add3A_462 : i32 to vector<16xi32>
      %add3A_464 = arith.addi %broadcast_in_dim3A_5, %add3A_463 : vector<16xi32>
      %add3A_465 = arith.constant 1 : i32
      %add3A_466 = vector.broadcast %add3A_465 : i32 to vector<16xi32>
      %add3A_467 = arith.addi %broadcast_in_dim3A_5, %add3A_466 : vector<16xi32>
      %parallel_loop3A_468 = arith.constant 0 : i32
      %parallel_loop3A_469 = arith.constant 128 : i32
      %parallel_loop3A_470 = arith.constant 1 : i32
      %parallel_loop3A_471 = arith.constant 1 : i32
      %parallel_loop3A_472 = arith.constant 1 : i32
      scf.for %parallel_loop3A_696 = %parallel_loop3A_468 to %parallel_loop3A_469 step %parallel_loop3A_470  : i32 {
        %parallel_loop3A_697 = arith.constant 16 : i32
        %parallel_loop3A_698 = arith.muli %parallel_loop3A_696, %parallel_loop3A_697 : i32
        %parallel_loop3A_699 = arith.constant 0 : i32
        %parallel_loop3A_700 = arith.index_cast %parallel_loop3A_699 : i32 to index
        %parallel_loop3A_701 = arith.index_cast %parallel_loop3A_698 : i32 to index
        %parallel_loop3A_702 = tpu.vector_load %arg9[%parallel_loop3A_700, %parallel_loop3A_701] {strides = array<i32>} : memref<5x2048xf32, #tpu.memory_space<vmem>>, vector<16xf32>,
        %parallel_loop3A_703 = arith.constant 1 : i32
        %parallel_loop3A_704 = arith.index_cast %parallel_loop3A_703 : i32 to index
        %parallel_loop3A_705 = arith.index_cast %parallel_loop3A_698 : i32 to index
        %parallel_loop3A_706 = tpu.vector_load %arg9[%parallel_loop3A_704, %parallel_loop3A_705] {strides = array<i32>} : memref<5x2048xf32, #tpu.memory_space<vmem>>, vector<16xf32>,
        %parallel_loop3A_707 = arith.constant 2 : i32
        %parallel_loop3A_708 = arith.index_cast %parallel_loop3A_707 : i32 to index
        %parallel_loop3A_709 = arith.index_cast %parallel_loop3A_698 : i32 to index
        %parallel_loop3A_710 = tpu.vector_load %arg9[%parallel_loop3A_708, %parallel_loop3A_709] {strides = array<i32>} : memref<5x2048xf32, #tpu.memory_space<vmem>>, vector<16xf32>,
        %parallel_loop3A_711 = arith.constant 3 : i32
        %parallel_loop3A_712 = arith.index_cast %parallel_loop3A_711 : i32 to index
        %parallel_loop3A_713 = arith.index_cast %parallel_loop3A_698 : i32 to index
        %parallel_loop3A_714 = tpu.vector_load %arg9[%parallel_loop3A_712, %parallel_loop3A_713] {strides = array<i32>} : memref<5x2048xf32, #tpu.memory_space<vmem>>, vector<16xf32>,
        %parallel_loop3A_715 = arith.sitofp %parallel_loop3A_698 : i32 to f32
        %parallel_loop3A_716 = vector.broadcast %parallel_loop3A_715 : f32 to vector<16xf32>
        %parallel_loop3A_717 = arith.addf %convert_element_type3A, %parallel_loop3A_716 : vector<16xf32>
        %parallel_loop3A_718 = arith.mulf %gather3A_413, %parallel_loop3A_702 : vector<16xf32>
        %parallel_loop3A_719 = arith.mulf %gather3A_417, %parallel_loop3A_706 : vector<16xf32>
        %parallel_loop3A_720 = arith.addf %parallel_loop3A_718, %parallel_loop3A_719 : vector<16xf32>
        %parallel_loop3A_721 = arith.mulf %gather3A_421, %parallel_loop3A_710 : vector<16xf32>
        %parallel_loop3A_722 = arith.mulf %gather3A_425, %parallel_loop3A_714 : vector<16xf32>
        %parallel_loop3A_723 = arith.addf %parallel_loop3A_721, %parallel_loop3A_722 : vector<16xf32>
        %parallel_loop3A_724 = arith.addf %parallel_loop3A_720, %parallel_loop3A_723 : vector<16xf32>
        %parallel_loop3A_725 = arith.addf %parallel_loop3A_724, %gather3A_429 : vector<16xf32>
        %parallel_loop3A_726 = arith.mulf %gather3A_433, %parallel_loop3A_702 : vector<16xf32>
        %parallel_loop3A_727 = arith.mulf %gather3A_440, %parallel_loop3A_706 : vector<16xf32>
        %parallel_loop3A_728 = arith.addf %parallel_loop3A_726, %parallel_loop3A_727 : vector<16xf32>
        %parallel_loop3A_729 = arith.mulf %gather3A_447, %parallel_loop3A_710 : vector<16xf32>
        %parallel_loop3A_730 = arith.mulf %gather3A_454, %parallel_loop3A_714 : vector<16xf32>
        %parallel_loop3A_731 = arith.addf %parallel_loop3A_729, %parallel_loop3A_730 : vector<16xf32>
        %parallel_loop3A_732 = arith.addf %parallel_loop3A_728, %parallel_loop3A_731 : vector<16xf32>
        %parallel_loop3A_733 = arith.addf %parallel_loop3A_732, %gather3A_461 : vector<16xf32>
        %parallel_loop3A_734 = vector.broadcast %scan3A_35 : f32 to vector<16xf32>
        %parallel_loop3A_735 = arith.addf %parallel_loop3A_725, %parallel_loop3A_734 : vector<16xf32>
        %parallel_loop3A_736 = vector.broadcast %scan3A_35 : f32 to vector<16xf32>
        %parallel_loop3A_737 = arith.subf %parallel_loop3A_735, %parallel_loop3A_736 : vector<16xf32>
        %parallel_loop3A_738 = vector.broadcast %scan3A_35 : f32 to vector<16xf32>
        %parallel_loop3A_739 = arith.addf %parallel_loop3A_733, %parallel_loop3A_738 : vector<16xf32>
        %parallel_loop3A_740 = vector.broadcast %scan3A_35 : f32 to vector<16xf32>
        %parallel_loop3A_741 = arith.subf %parallel_loop3A_739, %parallel_loop3A_740 : vector<16xf32>
        %parallel_loop3A_742 = arith.subf %parallel_loop3A_725, %parallel_loop3A_737 : vector<16xf32>
        %parallel_loop3A_743 = arith.subf %parallel_loop3A_733, %parallel_loop3A_741 : vector<16xf32>
        %parallel_loop3A_744 = arith.subf %parallel_loop3A_717, %parallel_loop3A_737 : vector<16xf32>
        %parallel_loop3A_745 = arith.constant 1.000000e+00 : f32
        %parallel_loop3A_746 = vector.broadcast %parallel_loop3A_745 : f32 to vector<16xf32>
        %parallel_loop3A_747 = arith.maximumf %parallel_loop3A_744, %parallel_loop3A_746 : vector<16xf32>
        %parallel_loop3A_748 = arith.constant 2.047000e+03 : f32
        %parallel_loop3A_749 = vector.broadcast %parallel_loop3A_748 : f32 to vector<16xf32>
        %parallel_loop3A_750 = arith.minimumf %parallel_loop3A_747, %parallel_loop3A_749 : vector<16xf32>
        %parallel_loop3A_751 = arith.subf %parallel_loop3A_717, %parallel_loop3A_741 : vector<16xf32>
        %parallel_loop3A_752 = arith.constant 1.000000e+00 : f32
        %parallel_loop3A_753 = vector.broadcast %parallel_loop3A_752 : f32 to vector<16xf32>
        %parallel_loop3A_754 = arith.maximumf %parallel_loop3A_751, %parallel_loop3A_753 : vector<16xf32>
        %parallel_loop3A_755 = arith.constant 2.047000e+03 : f32
        %parallel_loop3A_756 = vector.broadcast %parallel_loop3A_755 : f32 to vector<16xf32>
        %parallel_loop3A_757 = arith.minimumf %parallel_loop3A_754, %parallel_loop3A_756 : vector<16xf32>
        %parallel_loop3A_758 = arith.fptosi %parallel_loop3A_750 : vector<16xf32> to vector<16xi32>
        %parallel_loop3A_759 = arith.fptosi %parallel_loop3A_757 : vector<16xf32> to vector<16xi32>
        %parallel_loop3A_760 = arith.constant 0 : i32
        %parallel_loop3A_761 = arith.constant 0 : i32
        %parallel_loop3A_762 = tpu.memref_slice %arg6[%parallel_loop3A_471, %parallel_loop3A_760, %parallel_loop3A_761] : memref<2x8x2048xf32, #tpu.memory_space<vmem>> -> memref<1x8x2048xf32, #tpu.memory_space<vmem>>
        %parallel_loop3A_763 = tpu.memref_squeeze %parallel_loop3A_762 : memref<1x8x2048xf32, #tpu.memory_space<vmem>> -> memref<8x2048xf32, #tpu.memory_space<vmem>>
        %parallel_loop3A_764 = tpu.vector_load_idx %parallel_loop3A_763[%add3A_464, %parallel_loop3A_758] : memref<8x2048xf32, #tpu.memory_space<vmem>>[vector<16xi32>, vector<16xi32>], vector<16xf32>,
        %parallel_loop3A_765 = arith.constant 1 : i32
        %parallel_loop3A_766 = vector.broadcast %parallel_loop3A_765 : i32 to vector<16xi32>
        %parallel_loop3A_767 = arith.subi %parallel_loop3A_758, %parallel_loop3A_766 : vector<16xi32>
        %parallel_loop3A_768 = arith.constant 0 : i32
        %parallel_loop3A_769 = arith.constant 0 : i32
        %parallel_loop3A_770 = tpu.memref_slice %arg6[%parallel_loop3A_471, %parallel_loop3A_768, %parallel_loop3A_769] : memref<2x8x2048xf32, #tpu.memory_space<vmem>> -> memref<1x8x2048xf32, #tpu.memory_space<vmem>>
        %parallel_loop3A_771 = tpu.memref_squeeze %parallel_loop3A_770 : memref<1x8x2048xf32, #tpu.memory_space<vmem>> -> memref<8x2048xf32, #tpu.memory_space<vmem>>
        %parallel_loop3A_772 = tpu.vector_load_idx %parallel_loop3A_771[%add3A_464, %parallel_loop3A_767] : memref<8x2048xf32, #tpu.memory_space<vmem>>[vector<16xi32>, vector<16xi32>], vector<16xf32>,
        %parallel_loop3A_773 = arith.constant 0 : i32
        %parallel_loop3A_774 = arith.constant 0 : i32
        %parallel_loop3A_775 = tpu.memref_slice %arg6[%parallel_loop3A_471, %parallel_loop3A_773, %parallel_loop3A_774] : memref<2x8x2048xf32, #tpu.memory_space<vmem>> -> memref<1x8x2048xf32, #tpu.memory_space<vmem>>
        %parallel_loop3A_776 = tpu.memref_squeeze %parallel_loop3A_775 : memref<1x8x2048xf32, #tpu.memory_space<vmem>> -> memref<8x2048xf32, #tpu.memory_space<vmem>>
        %parallel_loop3A_777 = tpu.vector_load_idx %parallel_loop3A_776[%add3A_467, %parallel_loop3A_759] : memref<8x2048xf32, #tpu.memory_space<vmem>>[vector<16xi32>, vector<16xi32>], vector<16xf32>,
        %parallel_loop3A_778 = arith.constant 1 : i32
        %parallel_loop3A_779 = vector.broadcast %parallel_loop3A_778 : i32 to vector<16xi32>
        %parallel_loop3A_780 = arith.subi %parallel_loop3A_759, %parallel_loop3A_779 : vector<16xi32>
        %parallel_loop3A_781 = arith.constant 0 : i32
        %parallel_loop3A_782 = arith.constant 0 : i32
        %parallel_loop3A_783 = tpu.memref_slice %arg6[%parallel_loop3A_471, %parallel_loop3A_781, %parallel_loop3A_782] : memref<2x8x2048xf32, #tpu.memory_space<vmem>> -> memref<1x8x2048xf32, #tpu.memory_space<vmem>>
        %parallel_loop3A_784 = tpu.memref_squeeze %parallel_loop3A_783 : memref<1x8x2048xf32, #tpu.memory_space<vmem>> -> memref<8x2048xf32, #tpu.memory_space<vmem>>
        %parallel_loop3A_785 = tpu.vector_load_idx %parallel_loop3A_784[%add3A_467, %parallel_loop3A_780] : memref<8x2048xf32, #tpu.memory_space<vmem>>[vector<16xi32>, vector<16xi32>], vector<16xf32>,
        %parallel_loop3A_786 = arith.constant 1.000000e+00 : f32
        %parallel_loop3A_787 = vector.broadcast %parallel_loop3A_786 : f32 to vector<16xf32>
        %parallel_loop3A_788 = arith.subf %parallel_loop3A_787, %parallel_loop3A_742 : vector<16xf32>
        %parallel_loop3A_789 = arith.mulf %parallel_loop3A_788, %parallel_loop3A_764 : vector<16xf32>
        %parallel_loop3A_790 = arith.mulf %parallel_loop3A_742, %parallel_loop3A_772 : vector<16xf32>
        %parallel_loop3A_791 = arith.addf %parallel_loop3A_789, %parallel_loop3A_790 : vector<16xf32>
        %parallel_loop3A_792 = arith.constant 1.000000e+00 : f32
        %parallel_loop3A_793 = vector.broadcast %parallel_loop3A_792 : f32 to vector<16xf32>
        %parallel_loop3A_794 = arith.subf %parallel_loop3A_793, %parallel_loop3A_743 : vector<16xf32>
        %parallel_loop3A_795 = arith.mulf %parallel_loop3A_794, %parallel_loop3A_777 : vector<16xf32>
        %parallel_loop3A_796 = arith.mulf %parallel_loop3A_743, %parallel_loop3A_785 : vector<16xf32>
        %parallel_loop3A_797 = arith.addf %parallel_loop3A_795, %parallel_loop3A_796 : vector<16xf32>
        %parallel_loop3A_798 = arith.constant 0 : i32
        %parallel_loop3A_799 = arith.constant 0 : i32
        %parallel_loop3A_800 = arith.constant 0 : i32
        %parallel_loop3A_801 = tpu.memref_slice %arg7[%parallel_loop3A_472, %parallel_loop3A_799, %parallel_loop3A_800] : memref<2x8x2048xf32, #tpu.memory_space<vmem>> -> memref<1x8x2048xf32, #tpu.memory_space<vmem>>
        %parallel_loop3A_802 = tpu.memref_squeeze %parallel_loop3A_801 : memref<1x8x2048xf32, #tpu.memory_space<vmem>> -> memref<8x2048xf32, #tpu.memory_space<vmem>>
        %parallel_loop3A_803 = arith.index_cast %parallel_loop3A_798 : i32 to index
        %parallel_loop3A_804 = arith.index_cast %parallel_loop3A_698 : i32 to index
        %parallel_loop3A_805 = tpu.vector_load %parallel_loop3A_802[%parallel_loop3A_803, %parallel_loop3A_804] {strides = array<i32>} : memref<8x2048xf32, #tpu.memory_space<vmem>>, vector<16xf32>,
        tpu.vector_store %parallel_loop3A_802[%parallel_loop3A_803, %parallel_loop3A_804], %parallel_loop3A_791 {strides = array<i32>} : memref<8x2048xf32, #tpu.memory_space<vmem>>, vector<16xf32>,
        %parallel_loop3A_806 = arith.constant 1 : i32
        %parallel_loop3A_807 = arith.constant 0 : i32
        %parallel_loop3A_808 = arith.constant 0 : i32
        %parallel_loop3A_809 = tpu.memref_slice %arg7[%parallel_loop3A_472, %parallel_loop3A_807, %parallel_loop3A_808] : memref<2x8x2048xf32, #tpu.memory_space<vmem>> -> memref<1x8x2048xf32, #tpu.memory_space<vmem>>
        %parallel_loop3A_810 = tpu.memref_squeeze %parallel_loop3A_809 : memref<1x8x2048xf32, #tpu.memory_space<vmem>> -> memref<8x2048xf32, #tpu.memory_space<vmem>>
        %parallel_loop3A_811 = arith.index_cast %parallel_loop3A_806 : i32 to index
        %parallel_loop3A_812 = arith.index_cast %parallel_loop3A_698 : i32 to index
        %parallel_loop3A_813 = tpu.vector_load %parallel_loop3A_810[%parallel_loop3A_811, %parallel_loop3A_812] {strides = array<i32>} : memref<8x2048xf32, #tpu.memory_space<vmem>>, vector<16xf32>,
        tpu.vector_store %parallel_loop3A_810[%parallel_loop3A_811, %parallel_loop3A_812], %parallel_loop3A_797 {strides = array<i32>} : memref<8x2048xf32, #tpu.memory_space<vmem>>, vector<16xf32>,
      } {sc.loop_unroll_factor = 2 : i64, sc.parallel_access}
      %mul3A_473 = arith.constant 8 : i32
      %mul3A_474 = arith.muli %add3A_382, %mul3A_473 : i32
      %add3A_475 = arith.constant 2 : i32
      %add3A_476 = arith.addi %mul3A_474, %add3A_475 : i32
      %mul3A_477 = arith.constant 16 : i32
      %mul3A_478 = arith.muli %add3A_476, %mul3A_477 : i32
      %add3A_479 = vector.broadcast %mul3A_478 : i32 to vector<16xi32>
      %add3A_480 = arith.addi %broadcast_in_dim3A_5, %add3A_479 : vector<16xi32>
      %gather3A_481 = tpu.vector_load_idx %arg8[%add3A_480] : memref<8192xf32, #tpu.memory_space<vmem>>[vector<16xi32>], vector<16xf32>,
      %add3A_482 = arith.constant 1 : i32
      %add3A_483 = vector.broadcast %add3A_482 : i32 to vector<16xi32>
      %add3A_484 = arith.addi %add3A_480, %add3A_483 : vector<16xi32>
      %gather3A_485 = tpu.vector_load_idx %arg8[%add3A_484] : memref<8192xf32, #tpu.memory_space<vmem>>[vector<16xi32>], vector<16xf32>,
      %add3A_486 = arith.constant 2 : i32
      %add3A_487 = vector.broadcast %add3A_486 : i32 to vector<16xi32>
      %add3A_488 = arith.addi %add3A_480, %add3A_487 : vector<16xi32>
      %gather3A_489 = tpu.vector_load_idx %arg8[%add3A_488] : memref<8192xf32, #tpu.memory_space<vmem>>[vector<16xi32>], vector<16xf32>,
      %add3A_490 = arith.constant 3 : i32
      %add3A_491 = vector.broadcast %add3A_490 : i32 to vector<16xi32>
      %add3A_492 = arith.addi %add3A_480, %add3A_491 : vector<16xi32>
      %gather3A_493 = tpu.vector_load_idx %arg8[%add3A_492] : memref<8192xf32, #tpu.memory_space<vmem>>[vector<16xi32>], vector<16xf32>,
      %add3A_494 = arith.constant 4 : i32
      %add3A_495 = vector.broadcast %add3A_494 : i32 to vector<16xi32>
      %add3A_496 = arith.addi %add3A_480, %add3A_495 : vector<16xi32>
      %gather3A_497 = tpu.vector_load_idx %arg8[%add3A_496] : memref<8192xf32, #tpu.memory_space<vmem>>[vector<16xi32>], vector<16xf32>,
      %add3A_498 = arith.constant 16 : i32
      %add3A_499 = vector.broadcast %add3A_498 : i32 to vector<16xi32>
      %add3A_500 = arith.addi %add3A_480, %add3A_499 : vector<16xi32>
      %gather3A_501 = tpu.vector_load_idx %arg8[%add3A_500] : memref<8192xf32, #tpu.memory_space<vmem>>[vector<16xi32>], vector<16xf32>,
      %add3A_502 = arith.constant 16 : i32
      %add3A_503 = vector.broadcast %add3A_502 : i32 to vector<16xi32>
      %add3A_504 = arith.addi %add3A_480, %add3A_503 : vector<16xi32>
      %add3A_505 = arith.constant 1 : i32
      %add3A_506 = vector.broadcast %add3A_505 : i32 to vector<16xi32>
      %add3A_507 = arith.addi %add3A_504, %add3A_506 : vector<16xi32>
      %gather3A_508 = tpu.vector_load_idx %arg8[%add3A_507] : memref<8192xf32, #tpu.memory_space<vmem>>[vector<16xi32>], vector<16xf32>,
      %add3A_509 = arith.constant 16 : i32
      %add3A_510 = vector.broadcast %add3A_509 : i32 to vector<16xi32>
      %add3A_511 = arith.addi %add3A_480, %add3A_510 : vector<16xi32>
      %add3A_512 = arith.constant 2 : i32
      %add3A_513 = vector.broadcast %add3A_512 : i32 to vector<16xi32>
      %add3A_514 = arith.addi %add3A_511, %add3A_513 : vector<16xi32>
      %gather3A_515 = tpu.vector_load_idx %arg8[%add3A_514] : memref<8192xf32, #tpu.memory_space<vmem>>[vector<16xi32>], vector<16xf32>,
      %add3A_516 = arith.constant 16 : i32
      %add3A_517 = vector.broadcast %add3A_516 : i32 to vector<16xi32>
      %add3A_518 = arith.addi %add3A_480, %add3A_517 : vector<16xi32>
      %add3A_519 = arith.constant 3 : i32
      %add3A_520 = vector.broadcast %add3A_519 : i32 to vector<16xi32>
      %add3A_521 = arith.addi %add3A_518, %add3A_520 : vector<16xi32>
      %gather3A_522 = tpu.vector_load_idx %arg8[%add3A_521] : memref<8192xf32, #tpu.memory_space<vmem>>[vector<16xi32>], vector<16xf32>,
      %add3A_523 = arith.constant 16 : i32
      %add3A_524 = vector.broadcast %add3A_523 : i32 to vector<16xi32>
      %add3A_525 = arith.addi %add3A_480, %add3A_524 : vector<16xi32>
      %add3A_526 = arith.constant 4 : i32
      %add3A_527 = vector.broadcast %add3A_526 : i32 to vector<16xi32>
      %add3A_528 = arith.addi %add3A_525, %add3A_527 : vector<16xi32>
      %gather3A_529 = tpu.vector_load_idx %arg8[%add3A_528] : memref<8192xf32, #tpu.memory_space<vmem>>[vector<16xi32>], vector<16xf32>,
      %add3A_530 = arith.constant 2 : i32
      %add3A_531 = vector.broadcast %add3A_530 : i32 to vector<16xi32>
      %add3A_532 = arith.addi %broadcast_in_dim3A_5, %add3A_531 : vector<16xi32>
      %add3A_533 = arith.constant 3 : i32
      %add3A_534 = vector.broadcast %add3A_533 : i32 to vector<16xi32>
      %add3A_535 = arith.addi %broadcast_in_dim3A_5, %add3A_534 : vector<16xi32>
      %parallel_loop3A_536 = arith.constant 0 : i32
      %parallel_loop3A_537 = arith.constant 128 : i32
      %parallel_loop3A_538 = arith.constant 1 : i32
      %parallel_loop3A_539 = arith.constant 1 : i32
      %parallel_loop3A_540 = arith.constant 1 : i32
      scf.for %parallel_loop3A_696 = %parallel_loop3A_536 to %parallel_loop3A_537 step %parallel_loop3A_538  : i32 {
        %parallel_loop3A_697 = arith.constant 16 : i32
        %parallel_loop3A_698 = arith.muli %parallel_loop3A_696, %parallel_loop3A_697 : i32
        %parallel_loop3A_699 = arith.constant 0 : i32
        %parallel_loop3A_700 = arith.index_cast %parallel_loop3A_699 : i32 to index
        %parallel_loop3A_701 = arith.index_cast %parallel_loop3A_698 : i32 to index
        %parallel_loop3A_702 = tpu.vector_load %arg9[%parallel_loop3A_700, %parallel_loop3A_701] {strides = array<i32>} : memref<5x2048xf32, #tpu.memory_space<vmem>>, vector<16xf32>,
        %parallel_loop3A_703 = arith.constant 1 : i32
        %parallel_loop3A_704 = arith.index_cast %parallel_loop3A_703 : i32 to index
        %parallel_loop3A_705 = arith.index_cast %parallel_loop3A_698 : i32 to index
        %parallel_loop3A_706 = tpu.vector_load %arg9[%parallel_loop3A_704, %parallel_loop3A_705] {strides = array<i32>} : memref<5x2048xf32, #tpu.memory_space<vmem>>, vector<16xf32>,
        %parallel_loop3A_707 = arith.constant 2 : i32
        %parallel_loop3A_708 = arith.index_cast %parallel_loop3A_707 : i32 to index
        %parallel_loop3A_709 = arith.index_cast %parallel_loop3A_698 : i32 to index
        %parallel_loop3A_710 = tpu.vector_load %arg9[%parallel_loop3A_708, %parallel_loop3A_709] {strides = array<i32>} : memref<5x2048xf32, #tpu.memory_space<vmem>>, vector<16xf32>,
        %parallel_loop3A_711 = arith.constant 3 : i32
        %parallel_loop3A_712 = arith.index_cast %parallel_loop3A_711 : i32 to index
        %parallel_loop3A_713 = arith.index_cast %parallel_loop3A_698 : i32 to index
        %parallel_loop3A_714 = tpu.vector_load %arg9[%parallel_loop3A_712, %parallel_loop3A_713] {strides = array<i32>} : memref<5x2048xf32, #tpu.memory_space<vmem>>, vector<16xf32>,
        %parallel_loop3A_715 = arith.sitofp %parallel_loop3A_698 : i32 to f32
        %parallel_loop3A_716 = vector.broadcast %parallel_loop3A_715 : f32 to vector<16xf32>
        %parallel_loop3A_717 = arith.addf %convert_element_type3A, %parallel_loop3A_716 : vector<16xf32>
        %parallel_loop3A_718 = arith.mulf %gather3A_481, %parallel_loop3A_702 : vector<16xf32>
        %parallel_loop3A_719 = arith.mulf %gather3A_485, %parallel_loop3A_706 : vector<16xf32>
        %parallel_loop3A_720 = arith.addf %parallel_loop3A_718, %parallel_loop3A_719 : vector<16xf32>
        %parallel_loop3A_721 = arith.mulf %gather3A_489, %parallel_loop3A_710 : vector<16xf32>
        %parallel_loop3A_722 = arith.mulf %gather3A_493, %parallel_loop3A_714 : vector<16xf32>
        %parallel_loop3A_723 = arith.addf %parallel_loop3A_721, %parallel_loop3A_722 : vector<16xf32>
        %parallel_loop3A_724 = arith.addf %parallel_loop3A_720, %parallel_loop3A_723 : vector<16xf32>
        %parallel_loop3A_725 = arith.addf %parallel_loop3A_724, %gather3A_497 : vector<16xf32>
        %parallel_loop3A_726 = arith.mulf %gather3A_501, %parallel_loop3A_702 : vector<16xf32>
        %parallel_loop3A_727 = arith.mulf %gather3A_508, %parallel_loop3A_706 : vector<16xf32>
        %parallel_loop3A_728 = arith.addf %parallel_loop3A_726, %parallel_loop3A_727 : vector<16xf32>
        %parallel_loop3A_729 = arith.mulf %gather3A_515, %parallel_loop3A_710 : vector<16xf32>
        %parallel_loop3A_730 = arith.mulf %gather3A_522, %parallel_loop3A_714 : vector<16xf32>
        %parallel_loop3A_731 = arith.addf %parallel_loop3A_729, %parallel_loop3A_730 : vector<16xf32>
        %parallel_loop3A_732 = arith.addf %parallel_loop3A_728, %parallel_loop3A_731 : vector<16xf32>
        %parallel_loop3A_733 = arith.addf %parallel_loop3A_732, %gather3A_529 : vector<16xf32>
        %parallel_loop3A_734 = vector.broadcast %scan3A_35 : f32 to vector<16xf32>
        %parallel_loop3A_735 = arith.addf %parallel_loop3A_725, %parallel_loop3A_734 : vector<16xf32>
        %parallel_loop3A_736 = vector.broadcast %scan3A_35 : f32 to vector<16xf32>
        %parallel_loop3A_737 = arith.subf %parallel_loop3A_735, %parallel_loop3A_736 : vector<16xf32>
        %parallel_loop3A_738 = vector.broadcast %scan3A_35 : f32 to vector<16xf32>
        %parallel_loop3A_739 = arith.addf %parallel_loop3A_733, %parallel_loop3A_738 : vector<16xf32>
        %parallel_loop3A_740 = vector.broadcast %scan3A_35 : f32 to vector<16xf32>
        %parallel_loop3A_741 = arith.subf %parallel_loop3A_739, %parallel_loop3A_740 : vector<16xf32>
        %parallel_loop3A_742 = arith.subf %parallel_loop3A_725, %parallel_loop3A_737 : vector<16xf32>
        %parallel_loop3A_743 = arith.subf %parallel_loop3A_733, %parallel_loop3A_741 : vector<16xf32>
        %parallel_loop3A_744 = arith.subf %parallel_loop3A_717, %parallel_loop3A_737 : vector<16xf32>
        %parallel_loop3A_745 = arith.constant 1.000000e+00 : f32
        %parallel_loop3A_746 = vector.broadcast %parallel_loop3A_745 : f32 to vector<16xf32>
        %parallel_loop3A_747 = arith.maximumf %parallel_loop3A_744, %parallel_loop3A_746 : vector<16xf32>
        %parallel_loop3A_748 = arith.constant 2.047000e+03 : f32
        %parallel_loop3A_749 = vector.broadcast %parallel_loop3A_748 : f32 to vector<16xf32>
        %parallel_loop3A_750 = arith.minimumf %parallel_loop3A_747, %parallel_loop3A_749 : vector<16xf32>
        %parallel_loop3A_751 = arith.subf %parallel_loop3A_717, %parallel_loop3A_741 : vector<16xf32>
        %parallel_loop3A_752 = arith.constant 1.000000e+00 : f32
        %parallel_loop3A_753 = vector.broadcast %parallel_loop3A_752 : f32 to vector<16xf32>
        %parallel_loop3A_754 = arith.maximumf %parallel_loop3A_751, %parallel_loop3A_753 : vector<16xf32>
        %parallel_loop3A_755 = arith.constant 2.047000e+03 : f32
        %parallel_loop3A_756 = vector.broadcast %parallel_loop3A_755 : f32 to vector<16xf32>
        %parallel_loop3A_757 = arith.minimumf %parallel_loop3A_754, %parallel_loop3A_756 : vector<16xf32>
        %parallel_loop3A_758 = arith.fptosi %parallel_loop3A_750 : vector<16xf32> to vector<16xi32>
        %parallel_loop3A_759 = arith.fptosi %parallel_loop3A_757 : vector<16xf32> to vector<16xi32>
        %parallel_loop3A_760 = arith.constant 0 : i32
        %parallel_loop3A_761 = arith.constant 0 : i32
        %parallel_loop3A_762 = tpu.memref_slice %arg6[%parallel_loop3A_539, %parallel_loop3A_760, %parallel_loop3A_761] : memref<2x8x2048xf32, #tpu.memory_space<vmem>> -> memref<1x8x2048xf32, #tpu.memory_space<vmem>>
        %parallel_loop3A_763 = tpu.memref_squeeze %parallel_loop3A_762 : memref<1x8x2048xf32, #tpu.memory_space<vmem>> -> memref<8x2048xf32, #tpu.memory_space<vmem>>
        %parallel_loop3A_764 = tpu.vector_load_idx %parallel_loop3A_763[%add3A_532, %parallel_loop3A_758] : memref<8x2048xf32, #tpu.memory_space<vmem>>[vector<16xi32>, vector<16xi32>], vector<16xf32>,
        %parallel_loop3A_765 = arith.constant 1 : i32
        %parallel_loop3A_766 = vector.broadcast %parallel_loop3A_765 : i32 to vector<16xi32>
        %parallel_loop3A_767 = arith.subi %parallel_loop3A_758, %parallel_loop3A_766 : vector<16xi32>
        %parallel_loop3A_768 = arith.constant 0 : i32
        %parallel_loop3A_769 = arith.constant 0 : i32
        %parallel_loop3A_770 = tpu.memref_slice %arg6[%parallel_loop3A_539, %parallel_loop3A_768, %parallel_loop3A_769] : memref<2x8x2048xf32, #tpu.memory_space<vmem>> -> memref<1x8x2048xf32, #tpu.memory_space<vmem>>
        %parallel_loop3A_771 = tpu.memref_squeeze %parallel_loop3A_770 : memref<1x8x2048xf32, #tpu.memory_space<vmem>> -> memref<8x2048xf32, #tpu.memory_space<vmem>>
        %parallel_loop3A_772 = tpu.vector_load_idx %parallel_loop3A_771[%add3A_532, %parallel_loop3A_767] : memref<8x2048xf32, #tpu.memory_space<vmem>>[vector<16xi32>, vector<16xi32>], vector<16xf32>,
        %parallel_loop3A_773 = arith.constant 0 : i32
        %parallel_loop3A_774 = arith.constant 0 : i32
        %parallel_loop3A_775 = tpu.memref_slice %arg6[%parallel_loop3A_539, %parallel_loop3A_773, %parallel_loop3A_774] : memref<2x8x2048xf32, #tpu.memory_space<vmem>> -> memref<1x8x2048xf32, #tpu.memory_space<vmem>>
        %parallel_loop3A_776 = tpu.memref_squeeze %parallel_loop3A_775 : memref<1x8x2048xf32, #tpu.memory_space<vmem>> -> memref<8x2048xf32, #tpu.memory_space<vmem>>
        %parallel_loop3A_777 = tpu.vector_load_idx %parallel_loop3A_776[%add3A_535, %parallel_loop3A_759] : memref<8x2048xf32, #tpu.memory_space<vmem>>[vector<16xi32>, vector<16xi32>], vector<16xf32>,
        %parallel_loop3A_778 = arith.constant 1 : i32
        %parallel_loop3A_779 = vector.broadcast %parallel_loop3A_778 : i32 to vector<16xi32>
        %parallel_loop3A_780 = arith.subi %parallel_loop3A_759, %parallel_loop3A_779 : vector<16xi32>
        %parallel_loop3A_781 = arith.constant 0 : i32
        %parallel_loop3A_782 = arith.constant 0 : i32
        %parallel_loop3A_783 = tpu.memref_slice %arg6[%parallel_loop3A_539, %parallel_loop3A_781, %parallel_loop3A_782] : memref<2x8x2048xf32, #tpu.memory_space<vmem>> -> memref<1x8x2048xf32, #tpu.memory_space<vmem>>
        %parallel_loop3A_784 = tpu.memref_squeeze %parallel_loop3A_783 : memref<1x8x2048xf32, #tpu.memory_space<vmem>> -> memref<8x2048xf32, #tpu.memory_space<vmem>>
        %parallel_loop3A_785 = tpu.vector_load_idx %parallel_loop3A_784[%add3A_535, %parallel_loop3A_780] : memref<8x2048xf32, #tpu.memory_space<vmem>>[vector<16xi32>, vector<16xi32>], vector<16xf32>,
        %parallel_loop3A_786 = arith.constant 1.000000e+00 : f32
        %parallel_loop3A_787 = vector.broadcast %parallel_loop3A_786 : f32 to vector<16xf32>
        %parallel_loop3A_788 = arith.subf %parallel_loop3A_787, %parallel_loop3A_742 : vector<16xf32>
        %parallel_loop3A_789 = arith.mulf %parallel_loop3A_788, %parallel_loop3A_764 : vector<16xf32>
        %parallel_loop3A_790 = arith.mulf %parallel_loop3A_742, %parallel_loop3A_772 : vector<16xf32>
        %parallel_loop3A_791 = arith.addf %parallel_loop3A_789, %parallel_loop3A_790 : vector<16xf32>
        %parallel_loop3A_792 = arith.constant 1.000000e+00 : f32
        %parallel_loop3A_793 = vector.broadcast %parallel_loop3A_792 : f32 to vector<16xf32>
        %parallel_loop3A_794 = arith.subf %parallel_loop3A_793, %parallel_loop3A_743 : vector<16xf32>
        %parallel_loop3A_795 = arith.mulf %parallel_loop3A_794, %parallel_loop3A_777 : vector<16xf32>
        %parallel_loop3A_796 = arith.mulf %parallel_loop3A_743, %parallel_loop3A_785 : vector<16xf32>
        %parallel_loop3A_797 = arith.addf %parallel_loop3A_795, %parallel_loop3A_796 : vector<16xf32>
        %parallel_loop3A_798 = arith.constant 2 : i32
        %parallel_loop3A_799 = arith.constant 0 : i32
        %parallel_loop3A_800 = arith.constant 0 : i32
        %parallel_loop3A_801 = tpu.memref_slice %arg7[%parallel_loop3A_540, %parallel_loop3A_799, %parallel_loop3A_800] : memref<2x8x2048xf32, #tpu.memory_space<vmem>> -> memref<1x8x2048xf32, #tpu.memory_space<vmem>>
        %parallel_loop3A_802 = tpu.memref_squeeze %parallel_loop3A_801 : memref<1x8x2048xf32, #tpu.memory_space<vmem>> -> memref<8x2048xf32, #tpu.memory_space<vmem>>
        %parallel_loop3A_803 = arith.index_cast %parallel_loop3A_798 : i32 to index
        %parallel_loop3A_804 = arith.index_cast %parallel_loop3A_698 : i32 to index
        %parallel_loop3A_805 = tpu.vector_load %parallel_loop3A_802[%parallel_loop3A_803, %parallel_loop3A_804] {strides = array<i32>} : memref<8x2048xf32, #tpu.memory_space<vmem>>, vector<16xf32>,
        tpu.vector_store %parallel_loop3A_802[%parallel_loop3A_803, %parallel_loop3A_804], %parallel_loop3A_791 {strides = array<i32>} : memref<8x2048xf32, #tpu.memory_space<vmem>>, vector<16xf32>,
        %parallel_loop3A_806 = arith.constant 3 : i32
        %parallel_loop3A_807 = arith.constant 0 : i32
        %parallel_loop3A_808 = arith.constant 0 : i32
        %parallel_loop3A_809 = tpu.memref_slice %arg7[%parallel_loop3A_540, %parallel_loop3A_807, %parallel_loop3A_808] : memref<2x8x2048xf32, #tpu.memory_space<vmem>> -> memref<1x8x2048xf32, #tpu.memory_space<vmem>>
        %parallel_loop3A_810 = tpu.memref_squeeze %parallel_loop3A_809 : memref<1x8x2048xf32, #tpu.memory_space<vmem>> -> memref<8x2048xf32, #tpu.memory_space<vmem>>
        %parallel_loop3A_811 = arith.index_cast %parallel_loop3A_806 : i32 to index
        %parallel_loop3A_812 = arith.index_cast %parallel_loop3A_698 : i32 to index
        %parallel_loop3A_813 = tpu.vector_load %parallel_loop3A_810[%parallel_loop3A_811, %parallel_loop3A_812] {strides = array<i32>} : memref<8x2048xf32, #tpu.memory_space<vmem>>, vector<16xf32>,
        tpu.vector_store %parallel_loop3A_810[%parallel_loop3A_811, %parallel_loop3A_812], %parallel_loop3A_797 {strides = array<i32>} : memref<8x2048xf32, #tpu.memory_space<vmem>>, vector<16xf32>,
      } {sc.loop_unroll_factor = 2 : i64, sc.parallel_access}
      %mul3A_541 = arith.constant 8 : i32
      %mul3A_542 = arith.muli %add3A_382, %mul3A_541 : i32
      %add3A_543 = arith.constant 4 : i32
      %add3A_544 = arith.addi %mul3A_542, %add3A_543 : i32
      %mul3A_545 = arith.constant 16 : i32
      %mul3A_546 = arith.muli %add3A_544, %mul3A_545 : i32
      %add3A_547 = vector.broadcast %mul3A_546 : i32 to vector<16xi32>
      %add3A_548 = arith.addi %broadcast_in_dim3A_5, %add3A_547 : vector<16xi32>
      %gather3A_549 = tpu.vector_load_idx %arg8[%add3A_548] : memref<8192xf32, #tpu.memory_space<vmem>>[vector<16xi32>], vector<16xf32>,
      %add3A_550 = arith.constant 1 : i32
      %add3A_551 = vector.broadcast %add3A_550 : i32 to vector<16xi32>
      %add3A_552 = arith.addi %add3A_548, %add3A_551 : vector<16xi32>
      %gather3A_553 = tpu.vector_load_idx %arg8[%add3A_552] : memref<8192xf32, #tpu.memory_space<vmem>>[vector<16xi32>], vector<16xf32>,
      %add3A_554 = arith.constant 2 : i32
      %add3A_555 = vector.broadcast %add3A_554 : i32 to vector<16xi32>
      %add3A_556 = arith.addi %add3A_548, %add3A_555 : vector<16xi32>
      %gather3A_557 = tpu.vector_load_idx %arg8[%add3A_556] : memref<8192xf32, #tpu.memory_space<vmem>>[vector<16xi32>], vector<16xf32>,
      %add3A_558 = arith.constant 3 : i32
      %add3A_559 = vector.broadcast %add3A_558 : i32 to vector<16xi32>
      %add3A_560 = arith.addi %add3A_548, %add3A_559 : vector<16xi32>
      %gather3A_561 = tpu.vector_load_idx %arg8[%add3A_560] : memref<8192xf32, #tpu.memory_space<vmem>>[vector<16xi32>], vector<16xf32>,
      %add3A_562 = arith.constant 4 : i32
      %add3A_563 = vector.broadcast %add3A_562 : i32 to vector<16xi32>
      %add3A_564 = arith.addi %add3A_548, %add3A_563 : vector<16xi32>
      %gather3A_565 = tpu.vector_load_idx %arg8[%add3A_564] : memref<8192xf32, #tpu.memory_space<vmem>>[vector<16xi32>], vector<16xf32>,
      %add3A_566 = arith.constant 16 : i32
      %add3A_567 = vector.broadcast %add3A_566 : i32 to vector<16xi32>
      %add3A_568 = arith.addi %add3A_548, %add3A_567 : vector<16xi32>
      %gather3A_569 = tpu.vector_load_idx %arg8[%add3A_568] : memref<8192xf32, #tpu.memory_space<vmem>>[vector<16xi32>], vector<16xf32>,
      %add3A_570 = arith.constant 16 : i32
      %add3A_571 = vector.broadcast %add3A_570 : i32 to vector<16xi32>
      %add3A_572 = arith.addi %add3A_548, %add3A_571 : vector<16xi32>
      %add3A_573 = arith.constant 1 : i32
      %add3A_574 = vector.broadcast %add3A_573 : i32 to vector<16xi32>
      %add3A_575 = arith.addi %add3A_572, %add3A_574 : vector<16xi32>
      %gather3A_576 = tpu.vector_load_idx %arg8[%add3A_575] : memref<8192xf32, #tpu.memory_space<vmem>>[vector<16xi32>], vector<16xf32>,
      %add3A_577 = arith.constant 16 : i32
      %add3A_578 = vector.broadcast %add3A_577 : i32 to vector<16xi32>
      %add3A_579 = arith.addi %add3A_548, %add3A_578 : vector<16xi32>
      %add3A_580 = arith.constant 2 : i32
      %add3A_581 = vector.broadcast %add3A_580 : i32 to vector<16xi32>
      %add3A_582 = arith.addi %add3A_579, %add3A_581 : vector<16xi32>
      %gather3A_583 = tpu.vector_load_idx %arg8[%add3A_582] : memref<8192xf32, #tpu.memory_space<vmem>>[vector<16xi32>], vector<16xf32>,
      %add3A_584 = arith.constant 16 : i32
      %add3A_585 = vector.broadcast %add3A_584 : i32 to vector<16xi32>
      %add3A_586 = arith.addi %add3A_548, %add3A_585 : vector<16xi32>
      %add3A_587 = arith.constant 3 : i32
      %add3A_588 = vector.broadcast %add3A_587 : i32 to vector<16xi32>
      %add3A_589 = arith.addi %add3A_586, %add3A_588 : vector<16xi32>
      %gather3A_590 = tpu.vector_load_idx %arg8[%add3A_589] : memref<8192xf32, #tpu.memory_space<vmem>>[vector<16xi32>], vector<16xf32>,
      %add3A_591 = arith.constant 16 : i32
      %add3A_592 = vector.broadcast %add3A_591 : i32 to vector<16xi32>
      %add3A_593 = arith.addi %add3A_548, %add3A_592 : vector<16xi32>
      %add3A_594 = arith.constant 4 : i32
      %add3A_595 = vector.broadcast %add3A_594 : i32 to vector<16xi32>
      %add3A_596 = arith.addi %add3A_593, %add3A_595 : vector<16xi32>
      %gather3A_597 = tpu.vector_load_idx %arg8[%add3A_596] : memref<8192xf32, #tpu.memory_space<vmem>>[vector<16xi32>], vector<16xf32>,
      %add3A_598 = arith.constant 4 : i32
      %add3A_599 = vector.broadcast %add3A_598 : i32 to vector<16xi32>
      %add3A_600 = arith.addi %broadcast_in_dim3A_5, %add3A_599 : vector<16xi32>
      %add3A_601 = arith.constant 5 : i32
      %add3A_602 = vector.broadcast %add3A_601 : i32 to vector<16xi32>
      %add3A_603 = arith.addi %broadcast_in_dim3A_5, %add3A_602 : vector<16xi32>
      %parallel_loop3A_604 = arith.constant 0 : i32
      %parallel_loop3A_605 = arith.constant 128 : i32
      %parallel_loop3A_606 = arith.constant 1 : i32
      %parallel_loop3A_607 = arith.constant 1 : i32
      %parallel_loop3A_608 = arith.constant 1 : i32
      scf.for %parallel_loop3A_696 = %parallel_loop3A_604 to %parallel_loop3A_605 step %parallel_loop3A_606  : i32 {
        %parallel_loop3A_697 = arith.constant 16 : i32
        %parallel_loop3A_698 = arith.muli %parallel_loop3A_696, %parallel_loop3A_697 : i32
        %parallel_loop3A_699 = arith.constant 0 : i32
        %parallel_loop3A_700 = arith.index_cast %parallel_loop3A_699 : i32 to index
        %parallel_loop3A_701 = arith.index_cast %parallel_loop3A_698 : i32 to index
        %parallel_loop3A_702 = tpu.vector_load %arg9[%parallel_loop3A_700, %parallel_loop3A_701] {strides = array<i32>} : memref<5x2048xf32, #tpu.memory_space<vmem>>, vector<16xf32>,
        %parallel_loop3A_703 = arith.constant 1 : i32
        %parallel_loop3A_704 = arith.index_cast %parallel_loop3A_703 : i32 to index
        %parallel_loop3A_705 = arith.index_cast %parallel_loop3A_698 : i32 to index
        %parallel_loop3A_706 = tpu.vector_load %arg9[%parallel_loop3A_704, %parallel_loop3A_705] {strides = array<i32>} : memref<5x2048xf32, #tpu.memory_space<vmem>>, vector<16xf32>,
        %parallel_loop3A_707 = arith.constant 2 : i32
        %parallel_loop3A_708 = arith.index_cast %parallel_loop3A_707 : i32 to index
        %parallel_loop3A_709 = arith.index_cast %parallel_loop3A_698 : i32 to index
        %parallel_loop3A_710 = tpu.vector_load %arg9[%parallel_loop3A_708, %parallel_loop3A_709] {strides = array<i32>} : memref<5x2048xf32, #tpu.memory_space<vmem>>, vector<16xf32>,
        %parallel_loop3A_711 = arith.constant 3 : i32
        %parallel_loop3A_712 = arith.index_cast %parallel_loop3A_711 : i32 to index
        %parallel_loop3A_713 = arith.index_cast %parallel_loop3A_698 : i32 to index
        %parallel_loop3A_714 = tpu.vector_load %arg9[%parallel_loop3A_712, %parallel_loop3A_713] {strides = array<i32>} : memref<5x2048xf32, #tpu.memory_space<vmem>>, vector<16xf32>,
        %parallel_loop3A_715 = arith.sitofp %parallel_loop3A_698 : i32 to f32
        %parallel_loop3A_716 = vector.broadcast %parallel_loop3A_715 : f32 to vector<16xf32>
        %parallel_loop3A_717 = arith.addf %convert_element_type3A, %parallel_loop3A_716 : vector<16xf32>
        %parallel_loop3A_718 = arith.mulf %gather3A_549, %parallel_loop3A_702 : vector<16xf32>
        %parallel_loop3A_719 = arith.mulf %gather3A_553, %parallel_loop3A_706 : vector<16xf32>
        %parallel_loop3A_720 = arith.addf %parallel_loop3A_718, %parallel_loop3A_719 : vector<16xf32>
        %parallel_loop3A_721 = arith.mulf %gather3A_557, %parallel_loop3A_710 : vector<16xf32>
        %parallel_loop3A_722 = arith.mulf %gather3A_561, %parallel_loop3A_714 : vector<16xf32>
        %parallel_loop3A_723 = arith.addf %parallel_loop3A_721, %parallel_loop3A_722 : vector<16xf32>
        %parallel_loop3A_724 = arith.addf %parallel_loop3A_720, %parallel_loop3A_723 : vector<16xf32>
        %parallel_loop3A_725 = arith.addf %parallel_loop3A_724, %gather3A_565 : vector<16xf32>
        %parallel_loop3A_726 = arith.mulf %gather3A_569, %parallel_loop3A_702 : vector<16xf32>
        %parallel_loop3A_727 = arith.mulf %gather3A_576, %parallel_loop3A_706 : vector<16xf32>
        %parallel_loop3A_728 = arith.addf %parallel_loop3A_726, %parallel_loop3A_727 : vector<16xf32>
        %parallel_loop3A_729 = arith.mulf %gather3A_583, %parallel_loop3A_710 : vector<16xf32>
        %parallel_loop3A_730 = arith.mulf %gather3A_590, %parallel_loop3A_714 : vector<16xf32>
        %parallel_loop3A_731 = arith.addf %parallel_loop3A_729, %parallel_loop3A_730 : vector<16xf32>
        %parallel_loop3A_732 = arith.addf %parallel_loop3A_728, %parallel_loop3A_731 : vector<16xf32>
        %parallel_loop3A_733 = arith.addf %parallel_loop3A_732, %gather3A_597 : vector<16xf32>
        %parallel_loop3A_734 = vector.broadcast %scan3A_35 : f32 to vector<16xf32>
        %parallel_loop3A_735 = arith.addf %parallel_loop3A_725, %parallel_loop3A_734 : vector<16xf32>
        %parallel_loop3A_736 = vector.broadcast %scan3A_35 : f32 to vector<16xf32>
        %parallel_loop3A_737 = arith.subf %parallel_loop3A_735, %parallel_loop3A_736 : vector<16xf32>
        %parallel_loop3A_738 = vector.broadcast %scan3A_35 : f32 to vector<16xf32>
        %parallel_loop3A_739 = arith.addf %parallel_loop3A_733, %parallel_loop3A_738 : vector<16xf32>
        %parallel_loop3A_740 = vector.broadcast %scan3A_35 : f32 to vector<16xf32>
        %parallel_loop3A_741 = arith.subf %parallel_loop3A_739, %parallel_loop3A_740 : vector<16xf32>
        %parallel_loop3A_742 = arith.subf %parallel_loop3A_725, %parallel_loop3A_737 : vector<16xf32>
        %parallel_loop3A_743 = arith.subf %parallel_loop3A_733, %parallel_loop3A_741 : vector<16xf32>
        %parallel_loop3A_744 = arith.subf %parallel_loop3A_717, %parallel_loop3A_737 : vector<16xf32>
        %parallel_loop3A_745 = arith.constant 1.000000e+00 : f32
        %parallel_loop3A_746 = vector.broadcast %parallel_loop3A_745 : f32 to vector<16xf32>
        %parallel_loop3A_747 = arith.maximumf %parallel_loop3A_744, %parallel_loop3A_746 : vector<16xf32>
        %parallel_loop3A_748 = arith.constant 2.047000e+03 : f32
        %parallel_loop3A_749 = vector.broadcast %parallel_loop3A_748 : f32 to vector<16xf32>
        %parallel_loop3A_750 = arith.minimumf %parallel_loop3A_747, %parallel_loop3A_749 : vector<16xf32>
        %parallel_loop3A_751 = arith.subf %parallel_loop3A_717, %parallel_loop3A_741 : vector<16xf32>
        %parallel_loop3A_752 = arith.constant 1.000000e+00 : f32
        %parallel_loop3A_753 = vector.broadcast %parallel_loop3A_752 : f32 to vector<16xf32>
        %parallel_loop3A_754 = arith.maximumf %parallel_loop3A_751, %parallel_loop3A_753 : vector<16xf32>
        %parallel_loop3A_755 = arith.constant 2.047000e+03 : f32
        %parallel_loop3A_756 = vector.broadcast %parallel_loop3A_755 : f32 to vector<16xf32>
        %parallel_loop3A_757 = arith.minimumf %parallel_loop3A_754, %parallel_loop3A_756 : vector<16xf32>
        %parallel_loop3A_758 = arith.fptosi %parallel_loop3A_750 : vector<16xf32> to vector<16xi32>
        %parallel_loop3A_759 = arith.fptosi %parallel_loop3A_757 : vector<16xf32> to vector<16xi32>
        %parallel_loop3A_760 = arith.constant 0 : i32
        %parallel_loop3A_761 = arith.constant 0 : i32
        %parallel_loop3A_762 = tpu.memref_slice %arg6[%parallel_loop3A_607, %parallel_loop3A_760, %parallel_loop3A_761] : memref<2x8x2048xf32, #tpu.memory_space<vmem>> -> memref<1x8x2048xf32, #tpu.memory_space<vmem>>
        %parallel_loop3A_763 = tpu.memref_squeeze %parallel_loop3A_762 : memref<1x8x2048xf32, #tpu.memory_space<vmem>> -> memref<8x2048xf32, #tpu.memory_space<vmem>>
        %parallel_loop3A_764 = tpu.vector_load_idx %parallel_loop3A_763[%add3A_600, %parallel_loop3A_758] : memref<8x2048xf32, #tpu.memory_space<vmem>>[vector<16xi32>, vector<16xi32>], vector<16xf32>,
        %parallel_loop3A_765 = arith.constant 1 : i32
        %parallel_loop3A_766 = vector.broadcast %parallel_loop3A_765 : i32 to vector<16xi32>
        %parallel_loop3A_767 = arith.subi %parallel_loop3A_758, %parallel_loop3A_766 : vector<16xi32>
        %parallel_loop3A_768 = arith.constant 0 : i32
        %parallel_loop3A_769 = arith.constant 0 : i32
        %parallel_loop3A_770 = tpu.memref_slice %arg6[%parallel_loop3A_607, %parallel_loop3A_768, %parallel_loop3A_769] : memref<2x8x2048xf32, #tpu.memory_space<vmem>> -> memref<1x8x2048xf32, #tpu.memory_space<vmem>>
        %parallel_loop3A_771 = tpu.memref_squeeze %parallel_loop3A_770 : memref<1x8x2048xf32, #tpu.memory_space<vmem>> -> memref<8x2048xf32, #tpu.memory_space<vmem>>
        %parallel_loop3A_772 = tpu.vector_load_idx %parallel_loop3A_771[%add3A_600, %parallel_loop3A_767] : memref<8x2048xf32, #tpu.memory_space<vmem>>[vector<16xi32>, vector<16xi32>], vector<16xf32>,
        %parallel_loop3A_773 = arith.constant 0 : i32
        %parallel_loop3A_774 = arith.constant 0 : i32
        %parallel_loop3A_775 = tpu.memref_slice %arg6[%parallel_loop3A_607, %parallel_loop3A_773, %parallel_loop3A_774] : memref<2x8x2048xf32, #tpu.memory_space<vmem>> -> memref<1x8x2048xf32, #tpu.memory_space<vmem>>
        %parallel_loop3A_776 = tpu.memref_squeeze %parallel_loop3A_775 : memref<1x8x2048xf32, #tpu.memory_space<vmem>> -> memref<8x2048xf32, #tpu.memory_space<vmem>>
        %parallel_loop3A_777 = tpu.vector_load_idx %parallel_loop3A_776[%add3A_603, %parallel_loop3A_759] : memref<8x2048xf32, #tpu.memory_space<vmem>>[vector<16xi32>, vector<16xi32>], vector<16xf32>,
        %parallel_loop3A_778 = arith.constant 1 : i32
        %parallel_loop3A_779 = vector.broadcast %parallel_loop3A_778 : i32 to vector<16xi32>
        %parallel_loop3A_780 = arith.subi %parallel_loop3A_759, %parallel_loop3A_779 : vector<16xi32>
        %parallel_loop3A_781 = arith.constant 0 : i32
        %parallel_loop3A_782 = arith.constant 0 : i32
        %parallel_loop3A_783 = tpu.memref_slice %arg6[%parallel_loop3A_607, %parallel_loop3A_781, %parallel_loop3A_782] : memref<2x8x2048xf32, #tpu.memory_space<vmem>> -> memref<1x8x2048xf32, #tpu.memory_space<vmem>>
        %parallel_loop3A_784 = tpu.memref_squeeze %parallel_loop3A_783 : memref<1x8x2048xf32, #tpu.memory_space<vmem>> -> memref<8x2048xf32, #tpu.memory_space<vmem>>
        %parallel_loop3A_785 = tpu.vector_load_idx %parallel_loop3A_784[%add3A_603, %parallel_loop3A_780] : memref<8x2048xf32, #tpu.memory_space<vmem>>[vector<16xi32>, vector<16xi32>], vector<16xf32>,
        %parallel_loop3A_786 = arith.constant 1.000000e+00 : f32
        %parallel_loop3A_787 = vector.broadcast %parallel_loop3A_786 : f32 to vector<16xf32>
        %parallel_loop3A_788 = arith.subf %parallel_loop3A_787, %parallel_loop3A_742 : vector<16xf32>
        %parallel_loop3A_789 = arith.mulf %parallel_loop3A_788, %parallel_loop3A_764 : vector<16xf32>
        %parallel_loop3A_790 = arith.mulf %parallel_loop3A_742, %parallel_loop3A_772 : vector<16xf32>
        %parallel_loop3A_791 = arith.addf %parallel_loop3A_789, %parallel_loop3A_790 : vector<16xf32>
        %parallel_loop3A_792 = arith.constant 1.000000e+00 : f32
        %parallel_loop3A_793 = vector.broadcast %parallel_loop3A_792 : f32 to vector<16xf32>
        %parallel_loop3A_794 = arith.subf %parallel_loop3A_793, %parallel_loop3A_743 : vector<16xf32>
        %parallel_loop3A_795 = arith.mulf %parallel_loop3A_794, %parallel_loop3A_777 : vector<16xf32>
        %parallel_loop3A_796 = arith.mulf %parallel_loop3A_743, %parallel_loop3A_785 : vector<16xf32>
        %parallel_loop3A_797 = arith.addf %parallel_loop3A_795, %parallel_loop3A_796 : vector<16xf32>
        %parallel_loop3A_798 = arith.constant 4 : i32
        %parallel_loop3A_799 = arith.constant 0 : i32
        %parallel_loop3A_800 = arith.constant 0 : i32
        %parallel_loop3A_801 = tpu.memref_slice %arg7[%parallel_loop3A_608, %parallel_loop3A_799, %parallel_loop3A_800] : memref<2x8x2048xf32, #tpu.memory_space<vmem>> -> memref<1x8x2048xf32, #tpu.memory_space<vmem>>
        %parallel_loop3A_802 = tpu.memref_squeeze %parallel_loop3A_801 : memref<1x8x2048xf32, #tpu.memory_space<vmem>> -> memref<8x2048xf32, #tpu.memory_space<vmem>>
        %parallel_loop3A_803 = arith.index_cast %parallel_loop3A_798 : i32 to index
        %parallel_loop3A_804 = arith.index_cast %parallel_loop3A_698 : i32 to index
        %parallel_loop3A_805 = tpu.vector_load %parallel_loop3A_802[%parallel_loop3A_803, %parallel_loop3A_804] {strides = array<i32>} : memref<8x2048xf32, #tpu.memory_space<vmem>>, vector<16xf32>,
        tpu.vector_store %parallel_loop3A_802[%parallel_loop3A_803, %parallel_loop3A_804], %parallel_loop3A_791 {strides = array<i32>} : memref<8x2048xf32, #tpu.memory_space<vmem>>, vector<16xf32>,
        %parallel_loop3A_806 = arith.constant 5 : i32
        %parallel_loop3A_807 = arith.constant 0 : i32
        %parallel_loop3A_808 = arith.constant 0 : i32
        %parallel_loop3A_809 = tpu.memref_slice %arg7[%parallel_loop3A_608, %parallel_loop3A_807, %parallel_loop3A_808] : memref<2x8x2048xf32, #tpu.memory_space<vmem>> -> memref<1x8x2048xf32, #tpu.memory_space<vmem>>
        %parallel_loop3A_810 = tpu.memref_squeeze %parallel_loop3A_809 : memref<1x8x2048xf32, #tpu.memory_space<vmem>> -> memref<8x2048xf32, #tpu.memory_space<vmem>>
        %parallel_loop3A_811 = arith.index_cast %parallel_loop3A_806 : i32 to index
        %parallel_loop3A_812 = arith.index_cast %parallel_loop3A_698 : i32 to index
        %parallel_loop3A_813 = tpu.vector_load %parallel_loop3A_810[%parallel_loop3A_811, %parallel_loop3A_812] {strides = array<i32>} : memref<8x2048xf32, #tpu.memory_space<vmem>>, vector<16xf32>,
        tpu.vector_store %parallel_loop3A_810[%parallel_loop3A_811, %parallel_loop3A_812], %parallel_loop3A_797 {strides = array<i32>} : memref<8x2048xf32, #tpu.memory_space<vmem>>, vector<16xf32>,
      } {sc.loop_unroll_factor = 2 : i64, sc.parallel_access}
      %mul3A_609 = arith.constant 8 : i32
      %mul3A_610 = arith.muli %add3A_382, %mul3A_609 : i32
      %add3A_611 = arith.constant 6 : i32
      %add3A_612 = arith.addi %mul3A_610, %add3A_611 : i32
      %mul3A_613 = arith.constant 16 : i32
      %mul3A_614 = arith.muli %add3A_612, %mul3A_613 : i32
      %add3A_615 = vector.broadcast %mul3A_614 : i32 to vector<16xi32>
      %add3A_616 = arith.addi %broadcast_in_dim3A_5, %add3A_615 : vector<16xi32>
      %gather3A_617 = tpu.vector_load_idx %arg8[%add3A_616] : memref<8192xf32, #tpu.memory_space<vmem>>[vector<16xi32>], vector<16xf32>,
      %add3A_618 = arith.constant 1 : i32
      %add3A_619 = vector.broadcast %add3A_618 : i32 to vector<16xi32>
      %add3A_620 = arith.addi %add3A_616, %add3A_619 : vector<16xi32>
      %gather3A_621 = tpu.vector_load_idx %arg8[%add3A_620] : memref<8192xf32, #tpu.memory_space<vmem>>[vector<16xi32>], vector<16xf32>,
      %add3A_622 = arith.constant 2 : i32
      %add3A_623 = vector.broadcast %add3A_622 : i32 to vector<16xi32>
      %add3A_624 = arith.addi %add3A_616, %add3A_623 : vector<16xi32>
      %gather3A_625 = tpu.vector_load_idx %arg8[%add3A_624] : memref<8192xf32, #tpu.memory_space<vmem>>[vector<16xi32>], vector<16xf32>,
      %add3A_626 = arith.constant 3 : i32
      %add3A_627 = vector.broadcast %add3A_626 : i32 to vector<16xi32>
      %add3A_628 = arith.addi %add3A_616, %add3A_627 : vector<16xi32>
      %gather3A_629 = tpu.vector_load_idx %arg8[%add3A_628] : memref<8192xf32, #tpu.memory_space<vmem>>[vector<16xi32>], vector<16xf32>,
      %add3A_630 = arith.constant 4 : i32
      %add3A_631 = vector.broadcast %add3A_630 : i32 to vector<16xi32>
      %add3A_632 = arith.addi %add3A_616, %add3A_631 : vector<16xi32>
      %gather3A_633 = tpu.vector_load_idx %arg8[%add3A_632] : memref<8192xf32, #tpu.memory_space<vmem>>[vector<16xi32>], vector<16xf32>,
      %add3A_634 = arith.constant 16 : i32
      %add3A_635 = vector.broadcast %add3A_634 : i32 to vector<16xi32>
      %add3A_636 = arith.addi %add3A_616, %add3A_635 : vector<16xi32>
      %gather3A_637 = tpu.vector_load_idx %arg8[%add3A_636] : memref<8192xf32, #tpu.memory_space<vmem>>[vector<16xi32>], vector<16xf32>,
      %add3A_638 = arith.constant 16 : i32
      %add3A_639 = vector.broadcast %add3A_638 : i32 to vector<16xi32>
      %add3A_640 = arith.addi %add3A_616, %add3A_639 : vector<16xi32>
      %add3A_641 = arith.constant 1 : i32
      %add3A_642 = vector.broadcast %add3A_641 : i32 to vector<16xi32>
      %add3A_643 = arith.addi %add3A_640, %add3A_642 : vector<16xi32>
      %gather3A_644 = tpu.vector_load_idx %arg8[%add3A_643] : memref<8192xf32, #tpu.memory_space<vmem>>[vector<16xi32>], vector<16xf32>,
      %add3A_645 = arith.constant 16 : i32
      %add3A_646 = vector.broadcast %add3A_645 : i32 to vector<16xi32>
      %add3A_647 = arith.addi %add3A_616, %add3A_646 : vector<16xi32>
      %add3A_648 = arith.constant 2 : i32
      %add3A_649 = vector.broadcast %add3A_648 : i32 to vector<16xi32>
      %add3A_650 = arith.addi %add3A_647, %add3A_649 : vector<16xi32>
      %gather3A_651 = tpu.vector_load_idx %arg8[%add3A_650] : memref<8192xf32, #tpu.memory_space<vmem>>[vector<16xi32>], vector<16xf32>,
      %add3A_652 = arith.constant 16 : i32
      %add3A_653 = vector.broadcast %add3A_652 : i32 to vector<16xi32>
      %add3A_654 = arith.addi %add3A_616, %add3A_653 : vector<16xi32>
      %add3A_655 = arith.constant 3 : i32
      %add3A_656 = vector.broadcast %add3A_655 : i32 to vector<16xi32>
      %add3A_657 = arith.addi %add3A_654, %add3A_656 : vector<16xi32>
      %gather3A_658 = tpu.vector_load_idx %arg8[%add3A_657] : memref<8192xf32, #tpu.memory_space<vmem>>[vector<16xi32>], vector<16xf32>,
      %add3A_659 = arith.constant 16 : i32
      %add3A_660 = vector.broadcast %add3A_659 : i32 to vector<16xi32>
      %add3A_661 = arith.addi %add3A_616, %add3A_660 : vector<16xi32>
      %add3A_662 = arith.constant 4 : i32
      %add3A_663 = vector.broadcast %add3A_662 : i32 to vector<16xi32>
      %add3A_664 = arith.addi %add3A_661, %add3A_663 : vector<16xi32>
      %gather3A_665 = tpu.vector_load_idx %arg8[%add3A_664] : memref<8192xf32, #tpu.memory_space<vmem>>[vector<16xi32>], vector<16xf32>,
      %add3A_666 = arith.constant 6 : i32
      %add3A_667 = vector.broadcast %add3A_666 : i32 to vector<16xi32>
      %add3A_668 = arith.addi %broadcast_in_dim3A_5, %add3A_667 : vector<16xi32>
      %add3A_669 = arith.constant 7 : i32
      %add3A_670 = vector.broadcast %add3A_669 : i32 to vector<16xi32>
      %add3A_671 = arith.addi %broadcast_in_dim3A_5, %add3A_670 : vector<16xi32>
      %parallel_loop3A_672 = arith.constant 0 : i32
      %parallel_loop3A_673 = arith.constant 128 : i32
      %parallel_loop3A_674 = arith.constant 1 : i32
      %parallel_loop3A_675 = arith.constant 1 : i32
      %parallel_loop3A_676 = arith.constant 1 : i32
      scf.for %parallel_loop3A_696 = %parallel_loop3A_672 to %parallel_loop3A_673 step %parallel_loop3A_674  : i32 {
        %parallel_loop3A_697 = arith.constant 16 : i32
        %parallel_loop3A_698 = arith.muli %parallel_loop3A_696, %parallel_loop3A_697 : i32
        %parallel_loop3A_699 = arith.constant 0 : i32
        %parallel_loop3A_700 = arith.index_cast %parallel_loop3A_699 : i32 to index
        %parallel_loop3A_701 = arith.index_cast %parallel_loop3A_698 : i32 to index
        %parallel_loop3A_702 = tpu.vector_load %arg9[%parallel_loop3A_700, %parallel_loop3A_701] {strides = array<i32>} : memref<5x2048xf32, #tpu.memory_space<vmem>>, vector<16xf32>,
        %parallel_loop3A_703 = arith.constant 1 : i32
        %parallel_loop3A_704 = arith.index_cast %parallel_loop3A_703 : i32 to index
        %parallel_loop3A_705 = arith.index_cast %parallel_loop3A_698 : i32 to index
        %parallel_loop3A_706 = tpu.vector_load %arg9[%parallel_loop3A_704, %parallel_loop3A_705] {strides = array<i32>} : memref<5x2048xf32, #tpu.memory_space<vmem>>, vector<16xf32>,
        %parallel_loop3A_707 = arith.constant 2 : i32
        %parallel_loop3A_708 = arith.index_cast %parallel_loop3A_707 : i32 to index
        %parallel_loop3A_709 = arith.index_cast %parallel_loop3A_698 : i32 to index
        %parallel_loop3A_710 = tpu.vector_load %arg9[%parallel_loop3A_708, %parallel_loop3A_709] {strides = array<i32>} : memref<5x2048xf32, #tpu.memory_space<vmem>>, vector<16xf32>,
        %parallel_loop3A_711 = arith.constant 3 : i32
        %parallel_loop3A_712 = arith.index_cast %parallel_loop3A_711 : i32 to index
        %parallel_loop3A_713 = arith.index_cast %parallel_loop3A_698 : i32 to index
        %parallel_loop3A_714 = tpu.vector_load %arg9[%parallel_loop3A_712, %parallel_loop3A_713] {strides = array<i32>} : memref<5x2048xf32, #tpu.memory_space<vmem>>, vector<16xf32>,
        %parallel_loop3A_715 = arith.sitofp %parallel_loop3A_698 : i32 to f32
        %parallel_loop3A_716 = vector.broadcast %parallel_loop3A_715 : f32 to vector<16xf32>
        %parallel_loop3A_717 = arith.addf %convert_element_type3A, %parallel_loop3A_716 : vector<16xf32>
        %parallel_loop3A_718 = arith.mulf %gather3A_617, %parallel_loop3A_702 : vector<16xf32>
        %parallel_loop3A_719 = arith.mulf %gather3A_621, %parallel_loop3A_706 : vector<16xf32>
        %parallel_loop3A_720 = arith.addf %parallel_loop3A_718, %parallel_loop3A_719 : vector<16xf32>
        %parallel_loop3A_721 = arith.mulf %gather3A_625, %parallel_loop3A_710 : vector<16xf32>
        %parallel_loop3A_722 = arith.mulf %gather3A_629, %parallel_loop3A_714 : vector<16xf32>
        %parallel_loop3A_723 = arith.addf %parallel_loop3A_721, %parallel_loop3A_722 : vector<16xf32>
        %parallel_loop3A_724 = arith.addf %parallel_loop3A_720, %parallel_loop3A_723 : vector<16xf32>
        %parallel_loop3A_725 = arith.addf %parallel_loop3A_724, %gather3A_633 : vector<16xf32>
        %parallel_loop3A_726 = arith.mulf %gather3A_637, %parallel_loop3A_702 : vector<16xf32>
        %parallel_loop3A_727 = arith.mulf %gather3A_644, %parallel_loop3A_706 : vector<16xf32>
        %parallel_loop3A_728 = arith.addf %parallel_loop3A_726, %parallel_loop3A_727 : vector<16xf32>
        %parallel_loop3A_729 = arith.mulf %gather3A_651, %parallel_loop3A_710 : vector<16xf32>
        %parallel_loop3A_730 = arith.mulf %gather3A_658, %parallel_loop3A_714 : vector<16xf32>
        %parallel_loop3A_731 = arith.addf %parallel_loop3A_729, %parallel_loop3A_730 : vector<16xf32>
        %parallel_loop3A_732 = arith.addf %parallel_loop3A_728, %parallel_loop3A_731 : vector<16xf32>
        %parallel_loop3A_733 = arith.addf %parallel_loop3A_732, %gather3A_665 : vector<16xf32>
        %parallel_loop3A_734 = vector.broadcast %scan3A_35 : f32 to vector<16xf32>
        %parallel_loop3A_735 = arith.addf %parallel_loop3A_725, %parallel_loop3A_734 : vector<16xf32>
        %parallel_loop3A_736 = vector.broadcast %scan3A_35 : f32 to vector<16xf32>
        %parallel_loop3A_737 = arith.subf %parallel_loop3A_735, %parallel_loop3A_736 : vector<16xf32>
        %parallel_loop3A_738 = vector.broadcast %scan3A_35 : f32 to vector<16xf32>
        %parallel_loop3A_739 = arith.addf %parallel_loop3A_733, %parallel_loop3A_738 : vector<16xf32>
        %parallel_loop3A_740 = vector.broadcast %scan3A_35 : f32 to vector<16xf32>
        %parallel_loop3A_741 = arith.subf %parallel_loop3A_739, %parallel_loop3A_740 : vector<16xf32>
        %parallel_loop3A_742 = arith.subf %parallel_loop3A_725, %parallel_loop3A_737 : vector<16xf32>
        %parallel_loop3A_743 = arith.subf %parallel_loop3A_733, %parallel_loop3A_741 : vector<16xf32>
        %parallel_loop3A_744 = arith.subf %parallel_loop3A_717, %parallel_loop3A_737 : vector<16xf32>
        %parallel_loop3A_745 = arith.constant 1.000000e+00 : f32
        %parallel_loop3A_746 = vector.broadcast %parallel_loop3A_745 : f32 to vector<16xf32>
        %parallel_loop3A_747 = arith.maximumf %parallel_loop3A_744, %parallel_loop3A_746 : vector<16xf32>
        %parallel_loop3A_748 = arith.constant 2.047000e+03 : f32
        %parallel_loop3A_749 = vector.broadcast %parallel_loop3A_748 : f32 to vector<16xf32>
        %parallel_loop3A_750 = arith.minimumf %parallel_loop3A_747, %parallel_loop3A_749 : vector<16xf32>
        %parallel_loop3A_751 = arith.subf %parallel_loop3A_717, %parallel_loop3A_741 : vector<16xf32>
        %parallel_loop3A_752 = arith.constant 1.000000e+00 : f32
        %parallel_loop3A_753 = vector.broadcast %parallel_loop3A_752 : f32 to vector<16xf32>
        %parallel_loop3A_754 = arith.maximumf %parallel_loop3A_751, %parallel_loop3A_753 : vector<16xf32>
        %parallel_loop3A_755 = arith.constant 2.047000e+03 : f32
        %parallel_loop3A_756 = vector.broadcast %parallel_loop3A_755 : f32 to vector<16xf32>
        %parallel_loop3A_757 = arith.minimumf %parallel_loop3A_754, %parallel_loop3A_756 : vector<16xf32>
        %parallel_loop3A_758 = arith.fptosi %parallel_loop3A_750 : vector<16xf32> to vector<16xi32>
        %parallel_loop3A_759 = arith.fptosi %parallel_loop3A_757 : vector<16xf32> to vector<16xi32>
        %parallel_loop3A_760 = arith.constant 0 : i32
        %parallel_loop3A_761 = arith.constant 0 : i32
        %parallel_loop3A_762 = tpu.memref_slice %arg6[%parallel_loop3A_675, %parallel_loop3A_760, %parallel_loop3A_761] : memref<2x8x2048xf32, #tpu.memory_space<vmem>> -> memref<1x8x2048xf32, #tpu.memory_space<vmem>>
        %parallel_loop3A_763 = tpu.memref_squeeze %parallel_loop3A_762 : memref<1x8x2048xf32, #tpu.memory_space<vmem>> -> memref<8x2048xf32, #tpu.memory_space<vmem>>
        %parallel_loop3A_764 = tpu.vector_load_idx %parallel_loop3A_763[%add3A_668, %parallel_loop3A_758] : memref<8x2048xf32, #tpu.memory_space<vmem>>[vector<16xi32>, vector<16xi32>], vector<16xf32>,
        %parallel_loop3A_765 = arith.constant 1 : i32
        %parallel_loop3A_766 = vector.broadcast %parallel_loop3A_765 : i32 to vector<16xi32>
        %parallel_loop3A_767 = arith.subi %parallel_loop3A_758, %parallel_loop3A_766 : vector<16xi32>
        %parallel_loop3A_768 = arith.constant 0 : i32
        %parallel_loop3A_769 = arith.constant 0 : i32
        %parallel_loop3A_770 = tpu.memref_slice %arg6[%parallel_loop3A_675, %parallel_loop3A_768, %parallel_loop3A_769] : memref<2x8x2048xf32, #tpu.memory_space<vmem>> -> memref<1x8x2048xf32, #tpu.memory_space<vmem>>
        %parallel_loop3A_771 = tpu.memref_squeeze %parallel_loop3A_770 : memref<1x8x2048xf32, #tpu.memory_space<vmem>> -> memref<8x2048xf32, #tpu.memory_space<vmem>>
        %parallel_loop3A_772 = tpu.vector_load_idx %parallel_loop3A_771[%add3A_668, %parallel_loop3A_767] : memref<8x2048xf32, #tpu.memory_space<vmem>>[vector<16xi32>, vector<16xi32>], vector<16xf32>,
        %parallel_loop3A_773 = arith.constant 0 : i32
        %parallel_loop3A_774 = arith.constant 0 : i32
        %parallel_loop3A_775 = tpu.memref_slice %arg6[%parallel_loop3A_675, %parallel_loop3A_773, %parallel_loop3A_774] : memref<2x8x2048xf32, #tpu.memory_space<vmem>> -> memref<1x8x2048xf32, #tpu.memory_space<vmem>>
        %parallel_loop3A_776 = tpu.memref_squeeze %parallel_loop3A_775 : memref<1x8x2048xf32, #tpu.memory_space<vmem>> -> memref<8x2048xf32, #tpu.memory_space<vmem>>
        %parallel_loop3A_777 = tpu.vector_load_idx %parallel_loop3A_776[%add3A_671, %parallel_loop3A_759] : memref<8x2048xf32, #tpu.memory_space<vmem>>[vector<16xi32>, vector<16xi32>], vector<16xf32>,
        %parallel_loop3A_778 = arith.constant 1 : i32
        %parallel_loop3A_779 = vector.broadcast %parallel_loop3A_778 : i32 to vector<16xi32>
        %parallel_loop3A_780 = arith.subi %parallel_loop3A_759, %parallel_loop3A_779 : vector<16xi32>
        %parallel_loop3A_781 = arith.constant 0 : i32
        %parallel_loop3A_782 = arith.constant 0 : i32
        %parallel_loop3A_783 = tpu.memref_slice %arg6[%parallel_loop3A_675, %parallel_loop3A_781, %parallel_loop3A_782] : memref<2x8x2048xf32, #tpu.memory_space<vmem>> -> memref<1x8x2048xf32, #tpu.memory_space<vmem>>
        %parallel_loop3A_784 = tpu.memref_squeeze %parallel_loop3A_783 : memref<1x8x2048xf32, #tpu.memory_space<vmem>> -> memref<8x2048xf32, #tpu.memory_space<vmem>>
        %parallel_loop3A_785 = tpu.vector_load_idx %parallel_loop3A_784[%add3A_671, %parallel_loop3A_780] : memref<8x2048xf32, #tpu.memory_space<vmem>>[vector<16xi32>, vector<16xi32>], vector<16xf32>,
        %parallel_loop3A_786 = arith.constant 1.000000e+00 : f32
        %parallel_loop3A_787 = vector.broadcast %parallel_loop3A_786 : f32 to vector<16xf32>
        %parallel_loop3A_788 = arith.subf %parallel_loop3A_787, %parallel_loop3A_742 : vector<16xf32>
        %parallel_loop3A_789 = arith.mulf %parallel_loop3A_788, %parallel_loop3A_764 : vector<16xf32>
        %parallel_loop3A_790 = arith.mulf %parallel_loop3A_742, %parallel_loop3A_772 : vector<16xf32>
        %parallel_loop3A_791 = arith.addf %parallel_loop3A_789, %parallel_loop3A_790 : vector<16xf32>
        %parallel_loop3A_792 = arith.constant 1.000000e+00 : f32
        %parallel_loop3A_793 = vector.broadcast %parallel_loop3A_792 : f32 to vector<16xf32>
        %parallel_loop3A_794 = arith.subf %parallel_loop3A_793, %parallel_loop3A_743 : vector<16xf32>
        %parallel_loop3A_795 = arith.mulf %parallel_loop3A_794, %parallel_loop3A_777 : vector<16xf32>
        %parallel_loop3A_796 = arith.mulf %parallel_loop3A_743, %parallel_loop3A_785 : vector<16xf32>
        %parallel_loop3A_797 = arith.addf %parallel_loop3A_795, %parallel_loop3A_796 : vector<16xf32>
        %parallel_loop3A_798 = arith.constant 6 : i32
        %parallel_loop3A_799 = arith.constant 0 : i32
        %parallel_loop3A_800 = arith.constant 0 : i32
        %parallel_loop3A_801 = tpu.memref_slice %arg7[%parallel_loop3A_676, %parallel_loop3A_799, %parallel_loop3A_800] : memref<2x8x2048xf32, #tpu.memory_space<vmem>> -> memref<1x8x2048xf32, #tpu.memory_space<vmem>>
        %parallel_loop3A_802 = tpu.memref_squeeze %parallel_loop3A_801 : memref<1x8x2048xf32, #tpu.memory_space<vmem>> -> memref<8x2048xf32, #tpu.memory_space<vmem>>
        %parallel_loop3A_803 = arith.index_cast %parallel_loop3A_798 : i32 to index
        %parallel_loop3A_804 = arith.index_cast %parallel_loop3A_698 : i32 to index
        %parallel_loop3A_805 = tpu.vector_load %parallel_loop3A_802[%parallel_loop3A_803, %parallel_loop3A_804] {strides = array<i32>} : memref<8x2048xf32, #tpu.memory_space<vmem>>, vector<16xf32>,
        tpu.vector_store %parallel_loop3A_802[%parallel_loop3A_803, %parallel_loop3A_804], %parallel_loop3A_791 {strides = array<i32>} : memref<8x2048xf32, #tpu.memory_space<vmem>>, vector<16xf32>,
        %parallel_loop3A_806 = arith.constant 7 : i32
        %parallel_loop3A_807 = arith.constant 0 : i32
        %parallel_loop3A_808 = arith.constant 0 : i32
        %parallel_loop3A_809 = tpu.memref_slice %arg7[%parallel_loop3A_676, %parallel_loop3A_807, %parallel_loop3A_808] : memref<2x8x2048xf32, #tpu.memory_space<vmem>> -> memref<1x8x2048xf32, #tpu.memory_space<vmem>>
        %parallel_loop3A_810 = tpu.memref_squeeze %parallel_loop3A_809 : memref<1x8x2048xf32, #tpu.memory_space<vmem>> -> memref<8x2048xf32, #tpu.memory_space<vmem>>
        %parallel_loop3A_811 = arith.index_cast %parallel_loop3A_806 : i32 to index
        %parallel_loop3A_812 = arith.index_cast %parallel_loop3A_698 : i32 to index
        %parallel_loop3A_813 = tpu.vector_load %parallel_loop3A_810[%parallel_loop3A_811, %parallel_loop3A_812] {strides = array<i32>} : memref<8x2048xf32, #tpu.memory_space<vmem>>, vector<16xf32>,
        tpu.vector_store %parallel_loop3A_810[%parallel_loop3A_811, %parallel_loop3A_812], %parallel_loop3A_797 {strides = array<i32>} : memref<8x2048xf32, #tpu.memory_space<vmem>>, vector<16xf32>,
      } {sc.loop_unroll_factor = 2 : i64, sc.parallel_access}
      %dma_start3A_677 = arith.constant 1 : i32
      %dma_start3A_678 = arith.constant 0 : i32
      %dma_start3A_679 = arith.constant 0 : i32
      %dma_start3A_680 = tpu.memref_slice %arg7[%dma_start3A_677, %dma_start3A_678, %dma_start3A_679] : memref<2x8x2048xf32, #tpu.memory_space<vmem>> -> memref<1x8x2048xf32, #tpu.memory_space<vmem>>
      %dma_start3A_681 = tpu.memref_squeeze %dma_start3A_680 : memref<1x8x2048xf32, #tpu.memory_space<vmem>> -> memref<8x2048xf32, #tpu.memory_space<vmem>>
      %dma_start3A_682 = arith.constant 0 : i32
      %dma_start3A_683 = tpu.memref_slice %arg5[%add3A_385, %dma_start3A_682] : memref<16384x2048xf32, #tpu.memory_space<hbm>> -> memref<8x2048xf32, #tpu.memory_space<hbm>>
      %dma_start3A_684 = arith.constant 0 : i32
      %dma_start3A_685 = tpu.memref_slice %arg5[%add3A_385, %dma_start3A_684] : memref<16384x2048xf32, #tpu.memory_space<hbm>> -> memref<8x2048xf32, #tpu.memory_space<hbm>>
      %dma_start3A_686 = arith.constant 0 : i32
      %dma_start3A_687 = arith.constant 0 : i32
      %dma_start3A_688 = tpu.memref_slice %arg7[%dma_start3A_677, %dma_start3A_686, %dma_start3A_687] : memref<2x8x2048xf32, #tpu.memory_space<vmem>> -> memref<1x8x2048xf32, #tpu.memory_space<vmem>>
      %dma_start3A_689 = tpu.memref_squeeze %dma_start3A_688 : memref<1x8x2048xf32, #tpu.memory_space<vmem>> -> memref<8x2048xf32, #tpu.memory_space<vmem>>
      tpu.enqueue_dma source(%dma_start3A_689 : memref<8x2048xf32, #tpu.memory_space<vmem>>) target(%dma_start3A_685 : memref<8x2048xf32, #tpu.memory_space<hbm>>) target_semaphore(%arg13 : memref<!tpu.dma_semaphore, #tpu.memory_space<semaphore_mem>>)
      %lt3A_690 = arith.constant 31 : i32
      %lt3A_691 = arith.cmpi slt, %scan3A_66, %lt3A_690 : i32
      %convert_element_type3A_692 = arith.extui %lt3A_691 : i1 to i32
      %cond3A_693 = arith.constant 1 : i32
      %cond3A_694 = arith.constant 0 : i32
      %cond3A_695 = arith.cmpi ne, %convert_element_type3A_692, %cond3A_694 : i32
      scf.if %cond3A_695 {
        %add3A_696 = arith.constant 16 : i32
        %add3A_697 = arith.addi %add3A_385, %add3A_696 : i32
        %dma_start3A_698 = arith.constant 0 : i32
        %dma_start3A_699 = arith.constant 0 : i32
        %dma_start3A_700 = tpu.memref_slice %arg6[%cond3A_693, %dma_start3A_698, %dma_start3A_699] : memref<2x8x2048xf32, #tpu.memory_space<vmem>> -> memref<1x8x2048xf32, #tpu.memory_space<vmem>>
        %dma_start3A_701 = tpu.memref_squeeze %dma_start3A_700 : memref<1x8x2048xf32, #tpu.memory_space<vmem>> -> memref<8x2048xf32, #tpu.memory_space<vmem>>
        %dma_start3A_702 = arith.constant 0 : i32
        %dma_start3A_703 = tpu.memref_slice %arg2[%add3A_697, %dma_start3A_702] : memref<16384x2048xf32, #tpu.memory_space<hbm>> -> memref<8x2048xf32, #tpu.memory_space<hbm>>
        %dma_start3A_704 = arith.constant 0 : i32
        %dma_start3A_705 = arith.constant 0 : i32
        %dma_start3A_706 = tpu.memref_slice %arg6[%cond3A_693, %dma_start3A_704, %dma_start3A_705] : memref<2x8x2048xf32, #tpu.memory_space<vmem>> -> memref<1x8x2048xf32, #tpu.memory_space<vmem>>
        %dma_start3A_707 = tpu.memref_squeeze %dma_start3A_706 : memref<1x8x2048xf32, #tpu.memory_space<vmem>> -> memref<8x2048xf32, #tpu.memory_space<vmem>>
        %dma_start3A_708 = arith.constant 0 : i32
        %dma_start3A_709 = tpu.memref_slice %arg2[%add3A_697, %dma_start3A_708] : memref<16384x2048xf32, #tpu.memory_space<hbm>> -> memref<8x2048xf32, #tpu.memory_space<hbm>>
        tpu.enqueue_dma source(%dma_start3A_709 : memref<8x2048xf32, #tpu.memory_space<hbm>>) target(%dma_start3A_707 : memref<8x2048xf32, #tpu.memory_space<vmem>>) target_semaphore(%arg11 : memref<!tpu.dma_semaphore, #tpu.memory_space<semaphore_mem>>)
      } else {
      }
    }
    %scan3A_40 = arith.constant 32 : i32
    %dma_wait3A = arith.constant 0 : i32
    %dma_wait3A_41 = arith.constant 0 : i32
    %dma_wait3A_42 = arith.constant 0 : i32
    %dma_wait3A_43 = tpu.memref_slice %arg7[%dma_wait3A, %dma_wait3A_41, %dma_wait3A_42] : memref<2x8x2048xf32, #tpu.memory_space<vmem>> -> memref<1x8x2048xf32, #tpu.memory_space<vmem>>
    %dma_wait3A_44 = tpu.memref_squeeze %dma_wait3A_43 : memref<1x8x2048xf32, #tpu.memory_space<vmem>> -> memref<8x2048xf32, #tpu.memory_space<vmem>>
    %dma_wait3A_45 = arith.constant 0 : i32
    %dma_wait3A_46 = tpu.memref_slice %arg5[%mul3A_2, %dma_wait3A_45] : memref<16384x2048xf32, #tpu.memory_space<hbm>> -> memref<8x2048xf32, #tpu.memory_space<hbm>>
    %dma_wait3A_47 = arith.constant 0 : i32
    %dma_wait3A_48 = tpu.memref_slice %arg5[%mul3A_2, %dma_wait3A_47] : memref<16384x2048xf32, #tpu.memory_space<hbm>> -> memref<8x2048xf32, #tpu.memory_space<hbm>>
    %dma_wait3A_49 = arith.constant 0 : i32
    %dma_wait3A_50 = arith.constant 0 : i32
    %dma_wait3A_51 = tpu.memref_slice %arg7[%dma_wait3A, %dma_wait3A_49, %dma_wait3A_50] : memref<2x8x2048xf32, #tpu.memory_space<vmem>> -> memref<1x8x2048xf32, #tpu.memory_space<vmem>>
    %dma_wait3A_52 = tpu.memref_squeeze %dma_wait3A_51 : memref<1x8x2048xf32, #tpu.memory_space<vmem>> -> memref<8x2048xf32, #tpu.memory_space<vmem>>
    tpu.wait_dma2 semaphore(%arg12 : memref<!tpu.dma_semaphore, #tpu.memory_space<semaphore_mem>>) src(%dma_wait3A_52 : memref<8x2048xf32, #tpu.memory_space<vmem>>) dst(%dma_wait3A_48 : memref<8x2048xf32, #tpu.memory_space<hbm>>)
    %dma_wait3A_53 = arith.constant 1 : i32
    %dma_wait3A_54 = arith.constant 0 : i32
    %dma_wait3A_55 = arith.constant 0 : i32
    %dma_wait3A_56 = tpu.memref_slice %arg7[%dma_wait3A_53, %dma_wait3A_54, %dma_wait3A_55] : memref<2x8x2048xf32, #tpu.memory_space<vmem>> -> memref<1x8x2048xf32, #tpu.memory_space<vmem>>
    %dma_wait3A_57 = tpu.memref_squeeze %dma_wait3A_56 : memref<1x8x2048xf32, #tpu.memory_space<vmem>> -> memref<8x2048xf32, #tpu.memory_space<vmem>>
    %dma_wait3A_58 = arith.constant 0 : i32
    %dma_wait3A_59 = tpu.memref_slice %arg5[%mul3A_2, %dma_wait3A_58] : memref<16384x2048xf32, #tpu.memory_space<hbm>> -> memref<8x2048xf32, #tpu.memory_space<hbm>>
    %dma_wait3A_60 = arith.constant 0 : i32
    %dma_wait3A_61 = tpu.memref_slice %arg5[%mul3A_2, %dma_wait3A_60] : memref<16384x2048xf32, #tpu.memory_space<hbm>> -> memref<8x2048xf32, #tpu.memory_space<hbm>>
    %dma_wait3A_62 = arith.constant 0 : i32
    %dma_wait3A_63 = arith.constant 0 : i32
    %dma_wait3A_64 = tpu.memref_slice %arg7[%dma_wait3A_53, %dma_wait3A_62, %dma_wait3A_63] : memref<2x8x2048xf32, #tpu.memory_space<vmem>> -> memref<1x8x2048xf32, #tpu.memory_space<vmem>>
    %dma_wait3A_65 = tpu.memref_squeeze %dma_wait3A_64 : memref<1x8x2048xf32, #tpu.memory_space<vmem>> -> memref<8x2048xf32, #tpu.memory_space<vmem>>
    tpu.wait_dma2 semaphore(%arg13 : memref<!tpu.dma_semaphore, #tpu.memory_space<semaphore_mem>>) src(%dma_wait3A_65 : memref<8x2048xf32, #tpu.memory_space<vmem>>) dst(%dma_wait3A_61 : memref<8x2048xf32, #tpu.memory_space<hbm>>)
    return
  }
}

</mosaic_0001>

<sc_bundles>
// kernel: _sc_interp.3.cloned.1.call-start
scs
__scs_entry_jumppad:
0x0: {  	(pc) =	sbr.rel $0x88, $3  }
0x1: {  	(tag) =	ssettag $0x0;
	lr =	simm.s32 $0x1  }
0x2: {  	[smem:$0x3F9E] =	sst lr;
	_ =	strace $0xD0000000  }
0x3: {  	_ = 	snop  }
0x4: {  	_ = 	snop  }
0x5: {  	_ = 	snop  }
0x6: {  	_ = 	snop  }
0x7: {  	_ = 	snop  }
__scs_overlays_trampoline_lowered:
0x8: {  	[smem:$0x3FAD] =	sst s0  }
0x9: {  	[smem:$0x3FAE] =	sst s1  }
0xa: {  	[smem:$0x3FAF] =	sst s2  }
0xb: {  	[smem:$0x3FB0] =	sst s3  }
0xc: {  	[smem:$0x3FB1] =	sst s4  }
0xd: {  	[smem:$0x3FB2] =	sst s5  }
0xe: {  	[smem:$0x3FB3] =	sst s6  }
0xf: {  	[smem:$0x3FB4] =	sst s7  }
0x10: {  	[smem:$0x3FB5] =	sst s8  }
0x11: {  	[smem:$0x3FB6] =	sst s9;
	s0 =	simm.s32 @!p0 $0x0  }
0x12: {  	s1 =	sld [smem:$0x3F9C];
	s0 =	simm.s32 @p0 $0x1  }
0x13: {  	[smem:$0x3FB7] =	sst s0;
	s0 =	simm.s32 @!p1 $0x0  }
0x14: {  	s2 =	sld [smem:$0x3F9B];
	s0 =	simm.s32 @p1 $0x1  }
0x15: {  	[smem:$0x3FB8] =	sst s0;
	s0 =	simm.s32 @!p2 $0x0  }
0x16: {  	s3 =	sld [smem:$0x3FDB];
	s0 =	simm.s32 @p2 $0x1  }
0x17: {  	s4 =	simm.s32 $0x1BF5;
	[smem:$0x3FBA] =	sst s0  }
0x18: {  	s0 =	sld [smem:$0x3F9D];
	_ =	swait.ge [sflag:s4], $0x0  }
0x19: {  	s7 =	sld [smem:$0x3F9E]  }
0x1a: {  	s8 =	sadd.s32 $0xFFFFE003, lr  }
0x1b: {  	s9 =	sadd.s32 $0xFFFFFEF7, lr;
	s5 =	simm.s32 $0xFFFFFFFF;
	p2 =	slt.u32 s8, $0xFFFFF086  }
0x1c: {  	p1 =	slt.u32 s9, $0xF7A;
	s5 =	simm.s32 @!p2 $0x0  }
0x1d: {  	s5 =	simm.s32 @p1 $0x1;
	p0 =	seq.s32 s7, s2  }
0x1e: {  	s7 =	smul.u32 @!p0 $0xF7A, s2;
	p2 =	seq.s32 @!p0 s5, $0x0  }
0x1f: {  	s9 =	smul.u32 $0xF7A, s1;
	s8 =	simm.s32 @!p0 $0x1BF5;
	p2 =	por !p2, p0  }
0x20: {  	[sflag:s8] =	ssyncset.s32 @!p0 $0xFFFFF086;
	s6 =	sadd.s32 @!p0 s3, s7;
	s7 =	simm.s32 @!p0 $0x108  }
0x21: {  	s3 =	sadd.s32 s3, s9;
	s6 =	sadd.s32 @!p0 $0x88, s6;
	s7 =	simm.s32 @p2 $0x1082  }
0x22: {  	[simem:s7], [sflag:s8] =	dma.local @!p0 [hbm:s6], $0xF7A  }
0x23: {  	s9 =	sor.u32 $0xD0000000, s2;
	s6 =	simm.s32 $0x108;
	_ =	swait.ge @!p0 [sflag:s8], $0x0  }
0x24: {  	s3 =	sadd.s32 $0x88, s3;
	s6 =	simm.s32 @!p1 $0x1082;
	[sflag:s4] =	ssyncset.s32 $0xFFFFF086  }
0x25: {  	[simem:s6], [sflag:s4] =	dma.local [hbm:s3], $0xF7A  }
0x26: {  	[smem:$0x3F9E] =	sst s1;
	(tag) =	ssettag s2;
	_ =	strace s9  }
0x27: {  	s1 =	sld [smem:$0x3FAE]  }
0x28: {  	s2 =	sld [smem:$0x3FAF]  }
0x29: {  	s4 =	sld [smem:$0x3FB1]  }
0x2a: {  	p0 =	seq.s32 s5, $0x0;
	s5 =	sld [smem:$0x3FB2]  }
0x2b: {  	s6 =	sld [smem:$0x3FB3]  }
0x2c: {  	s7 =	sld [smem:$0x3FB4]  }
0x2d: {  	s3 =	simm.s32 $0x108;
	s8 =	sld [smem:$0x3FB5]  }
0x2e: {  	s3 =	simm.s32 @!p0 $0x1082;
	s9 =	sld [smem:$0x3FB6]  }
0x2f: {  	lr =	sadd.s32 s0, s3;
	s0 =	sld [smem:$0x3FAD]  }
0x30: {  	s3 =	sld [smem:$0x3FB0]  }
0x31: {  	[smem:$0x3FB9] =	sst s10  }
0x32: {  	s10 =	sld [smem:$0x3FB7];
	_ =	sdelay $0x3  }
0x33: {  	p0 =	seq.s32 s10, $0x1;
	s10 =	sld [smem:$0x3FB9];
	_ =	sdelay $0x3  }
0x34: {  	[smem:$0x3FB9] =	sst s10  }
0x35: {  	s10 =	sld [smem:$0x3FB8];
	_ =	sdelay $0x3  }
0x36: {  	p1 =	seq.s32 s10, $0x1;
	s10 =	sld [smem:$0x3FB9];
	_ =	sdelay $0x3  }
0x37: {  	[smem:$0x3FB9] =	sst s10  }
0x38: {  	s10 =	sld [smem:$0x3FBA]  }
0x39: {  	_ = 	snop;
	(pc) =	sbr.ind lr, $3  }
0x3a: {  	_ = 	snop  }
0x3b: {  	_ = 	snop  }
0x3c: {  	p2 =	seq.s32 s10, $0x1;
	s10 =	sld [smem:$0x3FB9]  }
0x3d: {  	_ =	shalt  }
0x3e: {  	_ =	shalt  }
0x3f: {  	_ =	shalt  }
0x40: {  	_ =	shalt  }
0x41: {  	_ =	shalt  }
0x42: {  	_ =	shalt  }
0x43: {  	_ =	shalt  }
0x44: {  	_ =	shalt  }
0x45: {  	_ =	shalt  }
0x46: {  	_ =	shalt  }
0x47: {  	_ =	shalt  }
0x48: {  	_ =	shalt  }
0x49: {  	_ =	shalt  }
0x4a: {  	_ =	shalt  }
0x4b: {  	_ =	shalt  }
0x4c: {  	_ =	shalt  }
0x4d: {  	_ =	shalt  }
0x4e: {  	_ =	shalt  }
0x4f: {  	_ =	shalt  }
0x50: {  	_ =	shalt  }
0x51: {  	_ =	shalt  }
0x52: {  	_ =	shalt  }
0x53: {  	_ =	shalt  }
0x54: {  	_ =	shalt  }
0x55: {  	_ =	shalt  }
0x56: {  	_ =	shalt  }
0x57: {  	_ =	shalt  }
0x58: {  	_ =	shalt  }
0x59: {  	_ =	shalt  }
0x5a: {  	_ =	shalt  }
0x5b: {  	_ =	shalt  }
0x5c: {  	_ =	shalt  }
0x5d: {  	_ =	shalt  }
0x5e: {  	_ =	shalt  }
0x5f: {  	_ =	shalt  }
0x60: {  	_ =	shalt  }
0x61: {  	_ =	shalt  }
0x62: {  	_ =	shalt  }
0x63: {  	_ =	shalt  }
0x64: {  	_ =	shalt  }
0x65: {  	_ =	shalt  }
0x66: {  	_ =	shalt  }
0x67: {  	_ =	shalt  }
0x68: {  	_ =	shalt  }
0x69: {  	_ =	shalt  }
0x6a: {  	_ =	shalt  }
0x6b: {  	_ =	shalt  }
0x6c: {  	_ =	shalt  }
0x6d: {  	_ =	shalt  }
0x6e: {  	_ =	shalt  }
0x6f: {  	_ =	shalt  }
0x70: {  	_ =	shalt  }
0x71: {  	_ =	shalt  }
0x72: {  	_ =	shalt  }
0x73: {  	_ =	shalt  }
0x74: {  	_ =	shalt  }
0x75: {  	_ =	shalt  }
0x76: {  	_ =	shalt  }
0x77: {  	_ =	shalt  }
0x78: {  	_ =	shalt  }
0x79: {  	_ =	shalt  }
0x7a: {  	_ =	shalt  }
0x7b: {  	_ =	shalt  }
0x7c: {  	_ =	shalt  }
0x7d: {  	_ =	shalt  }
0x7e: {  	_ =	shalt  }
0x7f: {  	_ =	shalt  }
0x80: {  	_ =	shalt  }
0x81: {  	_ =	shalt  }
0x82: {  	_ =	shalt  }
0x83: {  	_ =	shalt  }
0x84: {  	_ =	shalt  }
0x85: {  	_ =	shalt  }
0x86: {  	_ =	shalt  }
0x87: {  	_ =	shalt  }
.Lfunc_end0:
.L_simem_size_0:
called_computation_lowered:
.L_overlay_start_0:
0x88: {  	s2 =	sld [smem:$0x3FD9]  }
0x89: {  	s3 =	sld [smem:$0x3FFE];
	_ =	sdelay $0x1  }
0x8a: {  	s1 =	srdreg.scid  }
0x8b: {  	s0 =	sand.u32 $0x1, s1  }
0x8c: {  	s18 =	sshll.u32 s0, $0xA;
	s2 =	sadd.s32 s3, s2  }
0x8d: {  	s2 =	sadd.s32 s2, s18  }
0x8e: {  	[smem:$0x3FC5] =	sst s2  }
0x8f: {  	_ = 	snop  }
0x90: {  	s2 =	sld [smem:$0x3FC9]  }
0x91: {  	s19 =	sld [smem:$0x3FC8]  }
0x92: {  	s4 =	sld [smem:$0x3FC7]  }
0x93: {  	s5 =	sld [smem:$0x3FD0];
	(tm) =	ssettm $0x1  }
0x94: {  	s6 =	sld [smem:$0x3FFB];
	_ =	sdelay $0x3  }
0x95: {  	_ =	strace s6  }
0x96: {  	s6 =	sld [smem:$0x3FFC];
	_ =	sdelay $0x3  }
0x97: {  	_ =	strace s6  }
0x98: {  	s6 =	sld [smem:$0x3FFD];
	_ =	sdelay $0x3  }
0x99: {  	_ =	strace s6  }
0x9a: {  	_ =	strace $0x8FFFFFFF  }
0x9b: {  	s20 =	sld [smem:$0x3FDB];
	_ =	sdelay $0x1  }
0x9c: {  	s7 =	simm.s32 $_scs_section_size  }
0x9d: {  	s8 =	simm.s32 $_size__tile_overlayer_lowered;
	s9 =	simm.s32 $_tile_overlayer_lowered  }
0x9e: {  	s23 =	simm.s32 $0x1BFF;
	s22 =	sshll.u32 s9, $0x1;
	s6 =	sadd.s32 s7, s20  }
0x9f: {  	s10 =	simm.s32 $0x0;
	s21 =	sshll.u32 s8, $0x1;
	s8 =	sadd.s32 s22, s6  }
0xa0: {  	[timem:s10], [sflag:s23] =	dma.local [hbm:s8], s21  }
0xa1: {  	_ =	swait.ge [sflag:s23], s21  }
0xa2: {  	s7 =	ssub.s32 $0x0, s21;
	[sflag:s23] =	ssyncset.done $0x0  }
0xa3: {  	[sflag:s23] =	ssyncadd.s32 s7;
	_ =	sdelay $0x1  }
0xa4: {  	s24 =	simm.s32 $0x1B8B  }
0xa5: {  	_ =	swait.ge [sflag:s24], $0x1  }
0xa6: {  	[sflag:s24] =	ssyncset.done $0x0  }
0xa7: {  	s25 =	simm.s32 $0x1B8E;
	[sflag:s24] =	ssyncadd.s32 $0xFFFFFFFF  }
0xa8: {  	s26 =	simm.s32 $execute0_lowered;
	[smem:$0x3FD2] =	sst s25  }
0xa9: {  	s7 =	sshll.u32 s26, $0x1;
	_ =	strace $0x80000046;
	[dreg:$0x1] =	wrdreg $0xFFFFFFFF  }
0xaa: {  	s28 =	simm.s32 $_size_execute0_lowered;
	s6 =	sadd.s32 s6, s7;
	[dreg:$0x0] =	wrdreg $0x0  }
0xab: {  	s7 =	sshll.u32 s28, $0x1;
	[dreg:$0x2] =	wrdreg s6  }
0xac: {  	[dreg:$0x3] =	wrdreg s7  }
0xad: {  	[dreg:$0x4] =	wrdreg $0xC0  }
0xae: {  	_ =	task [dreg:s10], $0x5FFFF  }
0xaf: {  	[dreg:$0x1] =	wrdreg $0xFFFFFFFF  }
0xb0: {  	[dreg:$0x0] =	wrdreg $0x60  }
0xb1: {  	[dreg:$0x2] =	wrdreg s2  }
0xb2: {  	[dreg:$0x3] =	wrdreg s19  }
0xb3: {  	[dreg:$0x4] =	wrdreg s4  }
0xb4: {  	[dreg:$0x5] =	wrdreg s5  }
0xb5: {  	[dreg:$0x6] =	wrdreg $0x9  }
0xb6: {  	_ =	task.clear_ibuf [dreg:s10], $0x7FFFF;
	_ =	strace $0x90000046  }
0xb7: {  	s29 =	simm.s32 $0x9;
	_ =	strace $0x80000048  }
0xb8: {  	_ =	swait.ge [sflag:s29], $0x1  }
0xb9: {  	[sflag:s29] =	ssyncadd.s32 $0xFFFFFFFF  }
0xba: {  	_ =	strace $0x90000048  }
0xbb: {  	_ =	sfence  }
0xbc: {  	s30 =	sld [smem:$0x0];
	_ =	sdelay $0x2  }
0xbd: {  	s31 =	sshll.u32 s1, $0xD;
	s1 =	sshrl.u32 s1, $0x2  }
0xbe: {  	s3 =	sand.u32 $0x4000, s31;
	s1 =	sadd.s32 s1, s30  }
0xbf: {  	s0 =	sor.u32 s3, s0;
	s1 =	sshll.u32 s1, $0x11  }
0xc0: {  	s0 =	sor.u32 s1, s0  }
0xc1: {  	s0 =	sadd.s32 $0x8F2B, s0  }
0xc2: {  	[sflag:s0] =	ssyncadd.remote.s32 $0x1  }
0xc3: {  	_ =	sfence.sel $0xFFFF  }
0xc4: {  	[dreg:$0x0] =	wrdreg $0xFFFFFFFF;
	(pc) =	sbr.abs _section_cstart, $3  }
0xc5: {  	[dreg:$0x1] =	wrdreg $0xFFFFFFFF  }
0xc6: {  	_ =	task.clear_ibuf [dreg:s10], $0x2FFFF;
	_ =	strace $0x9FFFFFFF  }
0xc7: {  	(tm) =	ssettm $0x7FFFFFFF  }
tec
execute0_lowered:
.L_overlay_start_1:
0x0: {  	(tag) =	ssettag $0x1  }
0x1: {  	v0 =	vimm.f32 $1.500000000e+01;
	vm0 =	vcmask $0x300  }
0x2: {  	vm14 =	vcmask $0x704;
	v0 =	vsel vm0, $0x0, v0  }
0x3: {  	vm15 =	vcmask $0xB08;
	v0 =	vsel vm14, $0x3F800000, v0  }
0x4: {  	s0 =	rddreg [dreg:$0x0];
	vm4 =	vcmask $0xF0C;
	v0 =	vsel vm15, $0x40000000, v0  }
0x5: {  	s1 =	rddreg [dreg:$0x1];
	vm5 =	vcmask $0x1310;
	v0 =	vsel vm4, $0x40400000, v0  }
0x6: {  	s2 =	rddreg [dreg:$0x3];
	vm6 =	vcmask $0x1714;
	s3 =	srdreg.scid;
	v0 =	vsel vm5, $0x40800000, v0  }
0x7: {  	s5 =	stileid.u32;
	vm7 =	vcmask $0x1B18;
	s4 =	simm.s32 $0x0;
	s12 =	simm.s32 $0x5;
	v0 =	vsel vm6, $0x40A00000, v0  }
0x8: {  	vm8 =	vcmask $0x1F1C;
	s13 =	simm.s32 $0x10000;
	s14 =	simm.s32 $0x4000;
	s15 =	simm.s32 $0x1;
	v0 =	vsel vm7, $0x40C00000, v0  }
0x9: {  	vm9 =	vcmask $0x2320;
	s16 =	simm.s32 $0x8000;
	s3 =	sand.u32 $0x1, s3;
	s5 =	sshll.u32 s5, $0x1;
	v0 =	vsel vm8, $0x40E00000, v0  }
0xa: {  	vm10 =	vcmask $0x2724;
	s17 =	simm.s32 $0x2;
	s6 =	ssub.s32 $0x2, s3;
	s3 =	sor.u32 s3, s5;
	v0 =	vsel vm9, $0x41000000, v0  }
0xb: {  	vm11 =	vcmask $0x2B28;
	[smem:$0x7FF] =	sst s4;
	s5 =	sshll.u32 s3, $0x11;
	s3 =	sshll.u32 s3, $0xA;
	v0 =	vsel vm10, $0x41100000, v0  }
.Ltmp0:
0xc: {  	vm12 =	vcmask $0x2F2C;
	_ =	strace $0x80000047;
	s1 =	sadd.s32 s1, s3;
	v0 =	vsel vm11, $0x41200000, v0;
	(pc) =	sbr.rel .LBB2_1-.Ltmp0, $4  }
0xd: {  	vm13 =	vcmask $0x3330;
	s7 =	sshrl.u32 s6, $0x1;
	s29 =	sadd.s32 s0, s5;
	[dreg:$0x6] =	wrdreg s1;
	v0 =	vsel vm12, $0x41300000, v0  }
0xe: {  	vm14 =	vcmask $0x3734;
	s7 =	ssub.s32 s6, s7;
	[dreg:$0x5] =	wrdreg s29;
	s30 =	sadd.s32 $0x800, s29;
	v0 =	vsel vm13, $0x41400000, v0  }
0xf: {  	s18 =	simm.s32 $0xC000;
	vm15 =	vcmask $0x3B38;
	s31 =	smax.u32 s7, $0x1;
	[dreg:$0x7] =	wrdreg s30;
	v0 =	vsel vm14, $0x41500000, v0  }
0x10: {  	s21 =	simm.s32 $0x0;
	s9 =	sadd.s32 $0x1000, s0;
	[dreg:$0x8] =	wrdreg s31;
	v0 =	vsel vm15, $0x41600000, v0  }
.LBB2_20:
0x11: {  	s0 =	simm.s32 $0x3  }
0x12: {  	_ =	swait.ge [sflag:s0], $0x4000  }
0x13: {  	[sflag:s0] =	ssyncset.done $0x0  }
0x14: {  	s1 =	simm.s32 $0x4;
	[sflag:s0] =	ssyncadd.s32 $0xFFFFC000  }
0x15: {  	_ =	swait.ge [sflag:s1], $0x4000  }
0x16: {  	s21 =	sadd.s32 $0x1, s21;
	s31 =	rddreg [dreg:$0x8]  }
0x17: {  	p0 =	sne.s32 s21, s31  }
.Ltmp1:
0x18: {  	_ = 	snop;
	(pc) =	sbr.rel @!p0 .LBB2_21-.Ltmp1, $3  }
0x19: {  	_ =	sdelay $0x1  }
0x1a: {  	[sflag:s1] =	ssyncset.done $0x0  }
0x1b: {  	[sflag:s1] =	ssyncadd.s32 $0xFFFFC000  }
.LBB2_1:
0x1c: {  	s0 =	rddreg [dreg:$0x2];
	s1 =	simm.s32 $0x12000  }
0x1d: {  	[tilespmem:s1], [sflag:$0x5] =	stream.linear.gather [hbm4b:s0+s4], $0x4000, $0x38;
	[tilespmem:$0x16000] =	vst v63  }
0x1e: {  	_ =	swait.ge [sflag:s12], $0x4000  }
0x1f: {  	[sflag:s12] =	ssyncset.done $0x0  }
0x20: {  	s29 =	rddreg [dreg:$0x6];
	[sflag:s12] =	ssyncadd.s32 $0xFFFFC000  }
0x21: {  	[tilespmem:s13], [sflag:$0x5] =	stream.linear.gather [hbm4b:s29+s4], $0x2000, $0x38;
	[tilespmem:$0x16000] =	vst v63  }
0x22: {  	_ =	swait.ge [sflag:s12], $0x2000  }
0x23: {  	[sflag:s12] =	ssyncset.done $0x0  }
0x24: {  	s30 =	rddreg [dreg:$0x5];
	[sflag:s12] =	ssyncadd.s32 $0xFFFFE000  }
0x25: {  	[tilespmem:s4], [sflag:$0x1] =	stream.linear.gather [hbm4b:s30+s4], $0x4000, $0x38;
	[tilespmem:$0x16000] =	vst v63  }
0x26: {  	s22 =	simm.s32 $0x0;
	s31 =	rddreg [dreg:$0x7]  }
0x27: {  	[tilespmem:s14], [sflag:$0x2] =	stream.linear.gather [hbm4b:s31+s4], $0x4000, $0x38;
	[tilespmem:$0x16000] =	vst v63  }
.LBB2_2:
0x28: {  	_ =	swait.ge [sflag:s15], $0x4000;
	s23 =	sshll.u32 s22, $0x8  }
0x29: {  	p0 =	seq.s32 s22, $0x0;
	[sflag:s15] =	ssyncset.done $0x0;
	v9 =	vmov s23  }
0x2a: {  	s0 =	simm.s32 @!p0 $0x3;
	[sflag:s15] =	ssyncadd.s32 $0xFFFFC000;
	v2 =	vor.u32 $0x1, v9  }
0x2b: {  	v4 =	vor.u32 $0x10, v9;
	_ =	swait.ge @!p0 [sflag:s0], $0x4000  }
0x2c: {  	v5 =	vor.u32 $0x11, v9;
	[sflag:s0] =	ssyncset.done @!p0 $0x0  }
0x2d: {  	v6 =	vor.u32 $0x12, v9;
	[sflag:s0] =	ssyncadd.s32 @!p0 $0xFFFFC000  }
0x2e: {  	v7 =	vor.u32 $0x13, v9;
	v1 =	vld.idx.msk [tilespmem:v9+s13+$0x0], $0xffff  }
0x2f: {  	v2 =	vld.idx.msk [tilespmem:v2+s13+$0x0], $0xffff  }
0x30: {  	v4 =	vld.idx.msk [tilespmem:v4+s13+$0x0], $0xffff  }
0x31: {  	s26 =	simm.s32 $0x0;
	s1 =	simm.s32 $0x10;
	v5 =	vld.idx.msk [tilespmem:v5+s13+$0x0], $0xffff  }
0x32: {  	s3 =	sand.u32 $0x70, s1;
	s0 =	sand.u32 $0x3C00, s26;
	v6 =	vld.idx.msk [tilespmem:v6+s13+$0x0], $0xffff  }
0x33: {  	s7 =	simm.s32 $0x0;
	s24 =	sor.u32 s0, s3;
	v7 =	vld.idx.msk [tilespmem:v7+s13+$0x0], $0xffff  }
0x34: {  	s8 =	sand.u32 $0x60, s7;
	v8 =	vld [tilespmem:s24+$0x12080]  }
0x35: {  	s25 =	sor.u32 s8, s0;
	v10 =	vld [tilespmem:s24+$0x12000]  }
0x36: {  	s10 =	sadd.s32 $0x12000, s0;
	v11 =	vld [tilespmem:s25+$0x12000]  }
0x37: {  	v3 =	vor.u32 $0x3, v9;
	s29 =	sor.u32 s8, s10;
	v14 =	vld [tilespmem:s25+$0x12080]  }
0x38: {  	v13 =	vor.u32 $0x2, v9;
	s3 =	sor.u32 s3, s10;
	v12 =	vld [tilespmem:s29+$0x180]  }
0x39: {  	v15 =	vld [tilespmem:s3+$0x100]  }
0x3a: {  	v16 =	vld [tilespmem:s29+$0x100]  }
0x3b: {  	v17 =	vor.u32 $0x14, v9;
	v19 =	vld [tilespmem:s3+$0x180];
	v18 =	vmul.f32 v10, v4;
	v20 =	vmul.f32 v8, v2  }
0x3c: {  	v3 =	vld.idx.msk [tilespmem:v3+s13+$0x0], $0xffff;
	v10 =	vmul.f32 v10, v1;
	v21 =	vmul.f32 v8, v5  }
0x3d: {  	v8 =	vld.idx.msk [tilespmem:v13+s13+$0x0], $0xffff;
	v22 =	vmul.f32 v11, v4;
	v11 =	vmul.f32 v11, v1  }
0x3e: {  	v23 =	vor.u32 $0x4, v9;
	v13 =	vmul.f32 v12, v7;
	v24 =	vmul.f32 v15, v6  }
0x3f: {  	v25 =	vmul.f32 v16, v6;
	v20 =	vadd.f32 v20, v10;
	v10 =	vmul.f32 v14, v5  }
0x40: {  	v9 =	vld.idx.msk [tilespmem:v17+s13+$0x0], $0xffff;
	v17 =	vmul.f32 v19, v7;
	v18 =	vadd.f32 v21, v18;
	v14 =	vmul.f32 v14, v2  }
0x41: {  	v12 =	vmul.f32 v12, v3;
	v13 =	vadd.f32 v13, v25;
	v21 =	vadd.f32 v10, v22  }
0x42: {  	v17 =	vadd.f32 v17, v24;
	v11 =	vadd.f32 v14, v11;
	v16 =	vmul.f32 v16, v8  }
0x43: {  	s30 =	scvt.s32.f32 s1;
	s3 =	simm.s32 $0x100;
	v14 =	vmul.f32 v19, v3;
	v15 =	vmul.f32 v15, v8;
	v13 =	vadd.f32 v13, v21  }
0x44: {  	s20 =	simm.s32 $0x20;
	s31 =	scvt.s32.f32 s7;
	s11 =	sand.u32 $0x3C00, s3;
	v10 =	vld.idx.msk [tilespmem:v23+s13+$0x0], $0xffff;
	v12 =	vadd.f32 v12, v16;
	v16 =	vadd.f32 v17, v18  }
0x45: {  	s6 =	simm.s32 $0x30;
	s29 =	sand.u32 $0x60, s20;
	v14 =	vadd.f32 v14, v15;
	v15 =	vadd.f32 s30, v0;
	s30 =	sadd.s32 $0x12000, s11  }
0x46: {  	s19 =	sand.u32 $0x70, s6;
	v18 =	vadd.f32 s31, v0;
	v13 =	vadd.f32 v13, v9;
	s31 =	sor.u32 s29, s30  }
0x47: {  	s7 =	sor.u32 s19, s30;
	v11 =	vadd.f32 v12, v11;
	v12 =	vadd.f32 v16, v9;
	v33 =	vld [tilespmem:s31+$0x180]  }
0x48: {  	v14 =	vadd.f32 v14, v20;
	v57 =	vld [tilespmem:s7+$0x180];
	v16 =	vadd.f32 $1.258291200e+07, v13  }
0x49: {  	v17 =	vadd.f32 $1.258291200e+07, v12;
	v11 =	vadd.f32 v11, v10  }
0x4a: {  	v14 =	vadd.f32 v14, v10;
	v16 =	vadd.f32 $-1.258291200e+07, v16  }
0x4b: {  	v17 =	vadd.f32 $-1.258291200e+07, v17;
	v19 =	vadd.f32 $1.258291200e+07, v11  }
0x4c: {  	v22 =	vadd.f32 $1.258291200e+07, v14;
	v20 =	vsub.f32 v18, v16  }
0x4d: {  	v13 =	vsub.f32 v13, v16;
	v38 =	vmul.f32 v33, v7;
	v41 =	vmul.f32 v57, v7  }
0x4e: {  	v33 =	vmul.f32 v33, v3;
	v21 =	vsub.f32 v15, v17;
	v19 =	vadd.f32 $-1.258291200e+07, v19  }
0x4f: {  	s28 =	sor.u32 s29, s11;
	v22 =	vadd.f32 $-1.258291200e+07, v22;
	v36 =	vsub.f32 v12, v17;
	v20 =	vmax.f32 v20, $1.000000000e+00  }
0x50: {  	v12 =	vld [tilespmem:s28+$0x12080];
	v37 =	vsub.f32 $1.000000000e+00, v13;
	v21 =	vmax.f32 v21, $1.000000000e+00;
	v18 =	vsub.f32 v18, v19  }
0x51: {  	v17 =	vld [tilespmem:s31+$0x100];
	v20 =	vmin.f32 v20, $2.047000000e+03;
	v15 =	vsub.f32 v15, v22;
	v31 =	vsub.f32 v14, v22  }
0x52: {  	v19 =	vsub.f32 v11, v19;
	v39 =	vsub.f32 $1.000000000e+00, v36;
	v21 =	vmin.f32 v21, $2.047000000e+03  }
0x53: {  	v20 =	vtrunc.f32 v20;
	v21 =	vtrunc.f32 v21;
	v18 =	vmax.f32 v18, $1.000000000e+00  }
0x54: {  	v20 =	vcvt.f32.s32 v20;
	v15 =	vmax.f32 v15, $1.000000000e+00;
	v11 =	vsub.f32 $1.000000000e+00, v31  }
0x55: {  	v18 =	vmin.f32 v18, $2.047000000e+03;
	v21 =	vcvt.f32.s32 v21;
	v43 =	vmul.f32 v12, v5  }
0x56: {  	v14 =	vmin.f32 v15, $2.047000000e+03;
	v12 =	vmul.f32 v12, v2;
	v58 =	vmul.f32 v17, v6  }
0x57: {  	v17 =	vmul.f32 v17, v8;
	v23 =	vand.u32 $0x7F, v20;
	v24 =	vadd.s32 $0xFFFFFFFF, v20  }
0x58: {  	v18 =	vtrunc.f32 v18;
	v20 =	vshll.u32 v20, $0x3;
	v14 =	vtrunc.f32 v14  }
0x59: {  	v25 =	vshll.u32 v24, $0x3;
	v18 =	vcvt.f32.s32 v18;
	v26 =	vshll.u32 v21, $0x3  }
0x5a: {  	v24 =	vand.u32 $0x7F, v24;
	v28 =	vadd.s32 $0xFFFFFFFF, v21;
	v14 =	vcvt.f32.s32 v14  }
0x5b: {  	v20 =	vand.u32 $0xFFFFFC00, v20;
	v17 =	vadd.f32 v33, v17;
	v25 =	vand.u32 $0xFFFFFC00, v25  }
0x5c: {  	s26 =	sor.u32 s11, s19;
	v26 =	vand.u32 $0xFFFFFC00, v26;
	v15 =	vshll.u32 v28, $0x3;
	v22 =	vand.u32 $0x7F, v28  }
0x5d: {  	v28 =	vld [tilespmem:s26+$0x12000];
	v27 =	vadd.s32 $0xFFFFFFFF, v18;
	v15 =	vand.u32 $0xFFFFFC00, v15;
	v24 =	vor.u32 v25, v24  }
0x5e: {  	v29 =	vshll.u32 v18, $0x3;
	v15 =	vor.u32 v15, v22;
	v22 =	vor.u32 $0x80, v24;
	v24 =	vld [tilespmem:s26+$0x12080]  }
0x5f: {  	v25 =	vor.u32 $0x80, v15;
	v15 =	vor.u32 v20, v23;
	v20 =	vshll.u32 v14, $0x3;
	v23 =	vld [tilespmem:s28+$0x12000]  }
0x60: {  	v56 =	vld [tilespmem:s7+$0x100];
	v32 =	vadd.s32 $0xFFFFFFFF, v14;
	v14 =	vand.u32 $0x7F, v14;
	v20 =	vand.u32 $0xFFFFFC00, v20  }
0x61: {  	v30 =	vshll.u32 v27, $0x3;
	v34 =	vshll.u32 v32, $0x3;
	v14 =	vor.u32 v14, v20  }
0x62: {  	v55 =	vand.u32 $0xFFFFFC00, v34;
	v20 =	vand.u32 $0x7F, v32;
	v35 =	vmul.f32 v28, v4  }
0x63: {  	v28 =	vmul.f32 v28, v1;
	v20 =	vor.u32 v20, v55;
	v16 =	vmul.f32 v24, v2;
	v22 =	vld.idx.msk [tilespmem:v22+s4+$0x0], $0xffff  }
0x64: {  	v27 =	vand.u32 $0x7F, v27;
	v40 =	vmul.f32 v23, v4;
	v23 =	vmul.f32 v23, v1  }
0x65: {  	v34 =	vmul.f32 v56, v8;
	v15 =	vor.u32 $0x80, v15;
	v24 =	vmul.f32 v24, v5  }
0x66: {  	v16 =	vadd.f32 v16, v28;
	v28 =	vmul.f32 v56, v6;
	v14 =	vld.idx.msk [tilespmem:v14+s4+$0x0], $0xffff;
	v12 =	vadd.f32 v12, v23  }
0x67: {  	s0 =	scvt.s32.f32 s6;
	v32 =	vmul.f32 v57, v3;
	v24 =	vadd.f32 v24, v35;
	v40 =	vadd.f32 v43, v40  }
0x68: {  	v28 =	vadd.f32 v41, v28;
	v20 =	vld.idx.msk [tilespmem:v20+s4+$0x0], $0xffff;
	v59 =	vmul.f32 v13, v22;
	v13 =	vadd.f32 v17, v12  }
0x69: {  	v23 =	vadd.f32 v38, v58;
	v17 =	vand.u32 $0x7F, v21;
	v21 =	vadd.f32 s0, v0  }
0x6a: {  	v24 =	vadd.f32 v28, v24;
	v17 =	vor.u32 v26, v17;
	v13 =	vadd.f32 v13, v10  }
0x6b: {  	v17 =	vor.u32 $0x80, v17;
	v28 =	vmul.f32 v11, v14;
	v14 =	vadd.f32 v23, v40  }
0x6c: {  	s1 =	scvt.s32.f32 s20;
	v23 =	vadd.f32 v32, v34;
	v11 =	vadd.f32 v24, v9;
	v24 =	vand.u32 $0xFFFFFC00, v29  }
0x6d: {  	v29 =	vld.idx.msk [tilespmem:v15+s4+$0x0], $0xffff;
	v26 =	vadd.f32 $1.258291200e+07, v13;
	v20 =	vmul.f32 v31, v20;
	v12 =	vadd.f32 v14, v9  }
0x6e: {  	v14 =	vand.u32 $0x7F, v18;
	v18 =	vadd.f32 s1, v0;
	v22 =	vadd.f32 $1.258291200e+07, v11  }
0x6f: {  	v16 =	vadd.f32 v23, v16;
	v23 =	vand.u32 $0xFFFFFC00, v30;
	v15 =	vadd.f32 $1.258291200e+07, v12  }
0x70: {  	v24 =	vor.u32 v14, v24;
	v20 =	vadd.f32 v28, v20;
	v14 =	vadd.f32 $-1.258291200e+07, v22  }
0x71: {  	v27 =	vor.u32 v27, v23;
	v22 =	vadd.f32 v16, v10;
	v15 =	vadd.f32 $-1.258291200e+07, v15  }
0x72: {  	v16 =	vadd.f32 $-1.258291200e+07, v26;
	v60 =	vld.idx.msk [tilespmem:v17+s4+$0x0], $0xffff;
	v23 =	vmul.f32 v37, v29;
	v31 =	vsub.f32 v21, v14  }
0x73: {  	v28 =	vadd.f32 $1.258291200e+07, v22;
	v30 =	vsub.f32 v18, v15  }
0x74: {  	v25 =	vld.idx.msk [tilespmem:v25+s4+$0x0], $0xffff;
	v61 =	vadd.f32 v23, v59;
	v18 =	vsub.f32 v18, v16  }
0x75: {  	v29 =	vmax.f32 v31, $1.000000000e+00;
	v24 =	vld.idx.msk [tilespmem:v24+s4+$0x0], $0xffff;
	v23 =	vadd.f32 $-1.258291200e+07, v28;
	v26 =	vmax.f32 v30, $1.000000000e+00  }
0x76: {  	v62 =	vld.idx.msk [tilespmem:v27+s4+$0x0], $0xffff;
	v29 =	vmin.f32 v29, $2.047000000e+03;
	v18 =	vmax.f32 v18, $1.000000000e+00;
	v26 =	vmin.f32 v26, $2.047000000e+03  }
0x77: {  	v28 =	vmul.f32 v39, v60;
	v18 =	vmin.f32 v18, $2.047000000e+03;
	v17 =	vtrunc.f32 v26  }
0x78: {  	v26 =	vtrunc.f32 v29;
	v18 =	vtrunc.f32 v18  }
0x79: {  	v42 =	vsub.f32 $1.000000000e+00, v19;
	v29 =	vcvt.f32.s32 v17;
	v17 =	vcvt.f32.s32 v26  }
0x7a: {  	v26 =	vmul.f32 v36, v25;
	v18 =	vcvt.f32.s32 v18  }
0x7b: {  	v33 =	vsub.f32 v21, v23;
	v30 =	vmul.f32 v42, v24;
	v24 =	vmul.f32 v19, v62  }
0x7c: {  	v27 =	vand.u32 $0x7F, v29;
	v25 =	vadd.s32 $0xFFFFFFFF, v29;
	v63 =	vshll.u32 v17, $0x3  }
0x7d: {  	v29 =	vshll.u32 v29, $0x3;
	v34 =	vadd.s32 $0xFFFFFFFF, v17;
	v21 =	vshll.u32 v25, $0x3  }
0x7e: {  	[tilespmem:s24+$0x8000] =	vst v20;
	v32 =	vand.u32 $0x7F, v25;
	v25 =	vadd.s32 $0xFFFFFFFF, v18;
	v19 =	vand.u32 $0xFFFFFC00, v63  }
0x7f: {  	s3 =	simm.s32 $0x50;
	s0 =	simm.s32 $0x2;
	s1 =	simm.s32 $0x200;
	[tilespmem:s25+$0x8080] =	vst v61;
	v31 =	vand.u32 $0xFFFFFC00, v21;
	v21 =	vshll.u32 v18, $0x3;
	v20 =	vshll.u32 v25, $0x3  }
.LBB2_3:
0x80: {  	s7 =	sadd.s32 $0xFFFFFFF0, s3;
	s8 =	sand.u32 $0x3C00, s1;
	s10 =	sand.u32 $0x70, s3;
	v23 =	vsub.f32 v22, v23;
	v22 =	vmax.f32 v33, $1.000000000e+00;
	v24 =	vadd.f32 v30, v24  }
0x81: {  	v30 =	vshll.u32 v34, $0x3;
	v26 =	vadd.f32 v28, v26;
	s11 =	sand.u32 $0x60, s7;
	s29 =	sadd.s32 $0x12000, s8;
	s30 =	sor.u32 s8, s10;
	v22 =	vmin.f32 v22, $2.047000000e+03  }
0x82: {  	v33 =	vand.u32 $0x7F, v34;
	v30 =	vand.u32 $0xFFFFFC00, v30;
	s8 =	sor.u32 s11, s8;
	s11 =	sor.u32 s11, s29;
	v28 =	vld [tilespmem:s30+$0x12080];
	s10 =	sor.u32 s10, s29;
	v22 =	vtrunc.f32 v22;
	[tilespmem:s25+$0x8000] =	vst v24  }
0x83: {  	s0 =	sadd.s32 $0x2, s0;
	v24 =	vor.u32 v31, v32;
	v30 =	vor.u32 v30, v33;
	v34 =	vld [tilespmem:s30+$0x12000];
	v22 =	vcvt.f32.s32 v22;
	[tilespmem:s24+$0x8080] =	vst v26;
	s24 =	smov.u32 s26;
	s26 =	smov.u32 s30  }
0x84: {  	v29 =	vand.u32 $0xFFFFFC00, v29;
	p1 =	slt.u32 s0, $0x7E;
	s25 =	smov.u32 s28;
	v31 =	vor.u32 $0x80, v24;
	v30 =	vor.u32 $0x80, v30;
	s28 =	smov.u32 s8;
	v26 =	vld [tilespmem:s8+$0x12000]  }
0x85: {  	v24 =	vor.u32 v29, v27;
	v32 =	vld [tilespmem:s11+$0x180];
	v27 =	vshll.u32 v22, $0x3;
	v29 =	vadd.s32 $0xFFFFFFFF, v22  }
0x86: {  	v22 =	vand.u32 $0x7F, v22;
	v27 =	vand.u32 $0xFFFFFC00, v27;
	v33 =	vshll.u32 v29, $0x3  }
0x87: {  	v35 =	vld [tilespmem:s28+$0x12080];
	v22 =	vor.u32 v22, v27;
	v27 =	vand.u32 $0x7F, v29;
	v29 =	vand.u32 $0xFFFFFC00, v33  }
0x88: {  	v37 =	vor.u32 $0x80, v24;
	v33 =	vld [tilespmem:s10+$0x100];
	v36 =	vmul.f32 v34, v4;
	v27 =	vor.u32 v27, v29  }
0x89: {  	v12 =	vsub.f32 v12, v15;
	v38 =	vsub.f32 v11, v14;
	v29 =	vld [tilespmem:s10+$0x180]  }
0x8a: {  	v24 =	vsub.f32 v13, v16;
	v13 =	vsub.f32 $1.000000000e+00, v23;
	v11 =	vmul.f32 v28, v2  }
0x8b: {  	v16 =	vmul.f32 v28, v5;
	v28 =	vsub.f32 $1.000000000e+00, v12;
	v15 =	vmul.f32 v34, v1;
	v14 =	vld [tilespmem:s11+$0x100]  }
0x8c: {  	v25 =	vand.u32 $0x7F, v25;
	v39 =	vsub.f32 $1.000000000e+00, v38;
	v34 =	vmul.f32 v32, v7  }
0x8d: {  	v40 =	vmul.f32 v26, v4;
	v15 =	vadd.f32 v11, v15;
	v11 =	vmul.f32 v33, v6;
	v22 =	vld.idx.msk [tilespmem:v22+s4+$0x0], $0xffff  }
0x8e: {  	v42 =	vsub.f32 $1.000000000e+00, v24;
	v26 =	vmul.f32 v26, v1;
	v41 =	vmul.f32 v29, v7;
	v31 =	vld.idx.msk [tilespmem:v31+s4+$0x0], $0xffff  }
0x8f: {  	v32 =	vmul.f32 v32, v3;
	v16 =	vadd.f32 v16, v36;
	v43 =	vmul.f32 v35, v5  }
0x90: {  	v35 =	vmul.f32 v35, v2;
	v36 =	vmul.f32 v14, v6;
	v11 =	vadd.f32 v41, v11  }
0x91: {  	v33 =	vmul.f32 v33, v8;
	v40 =	vadd.f32 v43, v40;
	v14 =	vmul.f32 v14, v8  }
0x92: {  	v26 =	vadd.f32 v35, v26;
	v29 =	vmul.f32 v29, v3;
	v34 =	vadd.f32 v34, v36  }
0x93: {  	v14 =	vadd.f32 v32, v14;
	v11 =	vadd.f32 v11, v16;
	v32 =	vmul.f32 v13, v22  }
0x94: {  	s8 =	scvt.s32.f32 s3;
	v16 =	vadd.f32 v29, v33;
	v29 =	vmul.f32 v12, v31;
	v13 =	vadd.f32 v34, v40  }
0x95: {  	v17 =	vand.u32 $0x7F, v17;
	s7 =	scvt.s32.f32 s7;
	v14 =	vadd.f32 v14, v26;
	v11 =	vadd.f32 v11, v9;
	v26 =	vld.idx.msk [tilespmem:v27+s4+$0x0], $0xffff  }
0x96: {  	v18 =	vand.u32 $0x7F, v18;
	v31 =	vadd.f32 s8, v0;
	v12 =	vadd.f32 v13, v9  }
0x97: {  	v21 =	vand.u32 $0xFFFFFC00, v21;
	v27 =	vadd.f32 s7, v0;
	v22 =	vadd.f32 $1.258291200e+07, v11;
	v33 =	vld.idx.msk [tilespmem:v37+s4+$0x0], $0xffff  }
0x98: {  	v18 =	vor.u32 v18, v21;
	v13 =	vadd.f32 v14, v10;
	v14 =	vadd.f32 $1.258291200e+07, v12  }
0x99: {  	v20 =	vand.u32 $0xFFFFFC00, v20;
	v17 =	vor.u32 v19, v17;
	v16 =	vadd.f32 v16, v15  }
0x9a: {  	v17 =	vor.u32 $0x80, v17;
	v15 =	vadd.f32 $-1.258291200e+07, v14;
	v14 =	vadd.f32 $-1.258291200e+07, v22  }
0x9b: {  	v19 =	vadd.f32 $1.258291200e+07, v13;
	v22 =	vadd.f32 v16, v10;
	v21 =	vmul.f32 v23, v26  }
0x9c: {  	v20 =	vor.u32 v25, v20;
	v23 =	vsub.f32 v27, v15;
	v26 =	vsub.f32 v31, v14;
	v25 =	vld.idx.msk [tilespmem:v30+s4+$0x0], $0xffff  }
0x9d: {  	v16 =	vadd.f32 $-1.258291200e+07, v19;
	v19 =	vmul.f32 v28, v33;
	v21 =	vadd.f32 v32, v21  }
0x9e: {  	v28 =	vadd.f32 $1.258291200e+07, v22;
	v23 =	vmax.f32 v23, $1.000000000e+00;
	v26 =	vmax.f32 v26, $1.000000000e+00  }
0x9f: {  	v27 =	vsub.f32 v27, v16;
	v23 =	vmin.f32 v23, $2.047000000e+03;
	v26 =	vmin.f32 v26, $2.047000000e+03;
	v34 =	vld.idx.msk [tilespmem:v17+s4+$0x0], $0xffff  }
0xa0: {  	v17 =	vtrunc.f32 v23;
	v26 =	vtrunc.f32 v26;
	v30 =	vld.idx.msk [tilespmem:v18+s4+$0x0], $0xffff;
	v18 =	vadd.f32 v19, v29;
	[tilespmem:s24+$0x8000] =	vst v21  }
0xa1: {  	v19 =	vmax.f32 v27, $1.000000000e+00;
	v23 =	vadd.f32 $-1.258291200e+07, v28;
	v21 =	vcvt.f32.s32 v17;
	v20 =	vld.idx.msk [tilespmem:v20+s4+$0x0], $0xffff  }
0xa2: {  	v19 =	vmin.f32 v19, $2.047000000e+03;
	v17 =	vcvt.f32.s32 v26;
	v26 =	vmul.f32 v38, v25;
	[tilespmem:s25+$0x8080] =	vst v18  }
0xa3: {  	v33 =	vsub.f32 v31, v23;
	v27 =	vand.u32 $0x7F, v21;
	v25 =	vadd.s32 $0xFFFFFFFF, v21  }
.Ltmp2:
0xa4: {  	v18 =	vtrunc.f32 v19;
	v35 =	vshll.u32 v17, $0x3;
	v19 =	vshll.u32 v25, $0x3;
	(pc) =	sbr.rel @p1 .LBB2_3-.Ltmp2, $4  }
0xa5: {  	v18 =	vcvt.f32.s32 v18;
	v29 =	vshll.u32 v21, $0x3;
	v31 =	vand.u32 $0xFFFFFC00, v19  }
0xa6: {  	v32 =	vand.u32 $0x7F, v25;
	v28 =	vmul.f32 v39, v34;
	v30 =	vmul.f32 v42, v30  }
0xa7: {  	v34 =	vadd.s32 $0xFFFFFFFF, v17;
	v25 =	vadd.s32 $0xFFFFFFFF, v18;
	v24 =	vmul.f32 v24, v20  }
0xa8: {  	s1 =	sadd.s32 $0x100, s1;
	s3 =	sadd.s32 $0x20, s3;
	v21 =	vshll.u32 v18, $0x3;
	v19 =	vand.u32 $0xFFFFFC00, v35;
	v20 =	vshll.u32 v25, $0x3  }
0xa9: {  	v1 =	vmax.f32 v33, $1.000000000e+00;
	v2 =	vshll.u32 v34, $0x3  }
0xaa: {  	v3 =	vand.u32 $0x7F, v34;
	v4 =	vor.u32 v31, v32;
	v1 =	vmin.f32 v1, $2.047000000e+03  }
0xab: {  	v7 =	vand.u32 $0xFFFFFC00, v29;
	v2 =	vand.u32 $0xFFFFFC00, v2;
	v1 =	vtrunc.f32 v1  }
0xac: {  	v9 =	vand.u32 $0x7F, v17;
	v2 =	vor.u32 v2, v3;
	v1 =	vcvt.f32.s32 v1  }
0xad: {  	v4 =	vor.u32 $0x80, v4;
	v3 =	vor.u32 v7, v27;
	v2 =	vor.u32 $0x80, v2  }
0xae: {  	v3 =	vor.u32 $0x80, v3;
	v5 =	vshll.u32 v1, $0x3;
	v6 =	vadd.s32 $0xFFFFFFFF, v1  }
0xaf: {  	v1 =	vand.u32 $0x7F, v1;
	v5 =	vand.u32 $0xFFFFFC00, v5;
	v8 =	vshll.u32 v6, $0x3  }
0xb0: {  	v1 =	vor.u32 v1, v5;
	v5 =	vand.u32 $0x7F, v6;
	v6 =	vand.u32 $0xFFFFFC00, v8  }
0xb1: {  	v7 =	vand.u32 $0x7F, v18;
	v8 =	vand.u32 $0xFFFFFC00, v21;
	v5 =	vor.u32 v5, v6  }
0xb2: {  	v4 =	vld.idx.msk [tilespmem:v4+s4+$0x0], $0xffff;
	v6 =	vand.u32 $0x7F, v25;
	v7 =	vor.u32 v7, v8;
	v8 =	vand.u32 $0xFFFFFC00, v20  }
0xb3: {  	v9 =	vor.u32 v19, v9;
	v3 =	vld.idx.msk [tilespmem:v3+s4+$0x0], $0xffff;
	v6 =	vor.u32 v6, v8  }
0xb4: {  	v2 =	vld.idx.msk [tilespmem:v2+s4+$0x0], $0xffff;
	v8 =	vor.u32 $0x80, v9  }
0xb5: {  	v1 =	vld.idx.msk [tilespmem:v1+s4+$0x0], $0xffff  }
0xb6: {  	v10 =	vsub.f32 v12, v15;
	v5 =	vld.idx.msk [tilespmem:v5+s4+$0x0], $0xffff  }
0xb7: {  	v12 =	vadd.f32 v30, v24;
	v9 =	vsub.f32 v22, v23;
	v7 =	vld.idx.msk [tilespmem:v7+s4+$0x0], $0xffff  }
0xb8: {  	v11 =	vsub.f32 v11, v14;
	v14 =	vsub.f32 $1.000000000e+00, v10;
	v6 =	vld.idx.msk [tilespmem:v6+s4+$0x0], $0xffff  }
0xb9: {  	v13 =	vsub.f32 v13, v16;
	v15 =	vsub.f32 $1.000000000e+00, v9;
	v8 =	vld.idx.msk [tilespmem:v8+s4+$0x0], $0xffff  }
0xba: {  	v4 =	vmul.f32 v10, v4;
	v10 =	vadd.f32 v28, v26;
	v3 =	vmul.f32 v14, v3  }
0xbb: {  	s0 =	sor.u32 $0x20, s23;
	v14 =	vsub.f32 $1.000000000e+00, v13;
	v1 =	vmul.f32 v15, v1;
	v5 =	vmul.f32 v9, v5  }
0xbc: {  	[tilespmem:s25+$0x8000] =	vst v12;
	v12 =	vmov s0;
	v3 =	vadd.f32 v3, v4;
	v9 =	vsub.f32 $1.000000000e+00, v11  }
0xbd: {  	v4 =	vmul.f32 v14, v7;
	v1 =	vadd.f32 v1, v5;
	v5 =	vmul.f32 v13, v6  }
0xbe: {  	v2 =	vmul.f32 v11, v2;
	[tilespmem:s28+$0x8080] =	vst v3;
	v7 =	vor.u32 $0x21, v12;
	v6 =	vmul.f32 v9, v8  }
0xbf: {  	v3 =	vor.u32 $0x23, v12;
	[tilespmem:s26+$0x8000] =	vst v1;
	v1 =	vadd.f32 v4, v5  }
0xc0: {  	[tilespmem:s24+$0x8080] =	vst v10;
	v2 =	vadd.f32 v6, v2  }
0xc1: {  	v4 =	vor.u32 $0x22, v12;
	[tilespmem:s28+$0x8000] =	vst v1  }
0xc2: {  	v5 =	vor.u32 $0x30, v12;
	[tilespmem:s26+$0x8080] =	vst v2  }
0xc3: {  	v6 =	vor.u32 $0x31, v12;
	v1 =	vld.idx.msk [tilespmem:v7+s13+$0x0], $0xffff  }
0xc4: {  	v3 =	vld.idx.msk [tilespmem:v3+s13+$0x0], $0xffff  }
0xc5: {  	v9 =	vld.idx.msk [tilespmem:v12+s13+$0x0], $0xffff  }
0xc6: {  	s3 =	simm.s32 $0x0;
	s26 =	simm.s32 $0x0;
	v2 =	vld.idx.msk [tilespmem:v4+s13+$0x0], $0xffff  }
0xc7: {  	s1 =	simm.s32 $0x10;
	s8 =	sand.u32 $0x60, s3;
	s0 =	sand.u32 $0x3C00, s26;
	v4 =	vld.idx.msk [tilespmem:v5+s13+$0x0], $0xffff  }
0xc8: {  	s7 =	sand.u32 $0x70, s1;
	s24 =	sor.u32 s8, s0;
	v5 =	vld.idx.msk [tilespmem:v6+s13+$0x0], $0xffff  }
0xc9: {  	v7 =	vor.u32 $0x32, v12;
	s25 =	sor.u32 s0, s7;
	s10 =	sadd.s32 $0x12000, s0;
	v10 =	vld [tilespmem:s24+$0x12180]  }
0xca: {  	v8 =	vor.u32 $0x33, v12;
	s29 =	sor.u32 s7, s10;
	v17 =	vld [tilespmem:s25+$0x12100]  }
0xcb: {  	s30 =	sor.u32 s8, s10;
	v13 =	vld [tilespmem:s29+$0x80]  }
0xcc: {  	v15 =	vld [tilespmem:s30+$0x0]  }
0xcd: {  	v16 =	vld [tilespmem:s30+$0x80]  }
0xce: {  	v6 =	vld.idx.msk [tilespmem:v7+s13+$0x0], $0xffff  }
0xcf: {  	v7 =	vld.idx.msk [tilespmem:v8+s13+$0x0], $0xffff  }
0xd0: {  	v8 =	vld [tilespmem:s25+$0x12180]  }
0xd1: {  	v14 =	vld [tilespmem:s24+$0x12100]  }
0xd2: {  	v11 =	vor.u32 $0x34, v12;
	v20 =	vmul.f32 v10, v3;
	v25 =	vmul.f32 v17, v2  }
0xd3: {  	v21 =	vmul.f32 v13, v1;
	v23 =	vmul.f32 v15, v4  }
0xd4: {  	v12 =	vor.u32 $0x24, v12;
	v19 =	vld [tilespmem:s29+$0x0];
	v24 =	vmul.f32 v16, v5;
	v16 =	vmul.f32 v16, v1  }
0xd5: {  	v15 =	vmul.f32 v15, v9;
	v18 =	vmul.f32 v8, v3  }
0xd6: {  	v22 =	vmul.f32 v14, v6;
	v10 =	vmul.f32 v10, v7  }
0xd7: {  	v11 =	vld.idx.msk [tilespmem:v11+s13+$0x0], $0xffff;
	v8 =	vmul.f32 v8, v7;
	v17 =	vmul.f32 v17, v6  }
0xd8: {  	v14 =	vmul.f32 v14, v2;
	v10 =	vadd.f32 v10, v22;
	v22 =	vadd.f32 v24, v23  }
0xd9: {  	v12 =	vld.idx.msk [tilespmem:v12+s13+$0x0], $0xffff;
	v15 =	vadd.f32 v16, v15;
	v23 =	vmul.f32 v19, v9;
	v18 =	vadd.f32 v18, v25  }
0xda: {  	v13 =	vmul.f32 v13, v5;
	v14 =	vadd.f32 v20, v14;
	v10 =	vadd.f32 v10, v22  }
0xdb: {  	v8 =	vadd.f32 v8, v17;
	v17 =	vmul.f32 v19, v4;
	v20 =	vadd.f32 v21, v23  }
0xdc: {  	v14 =	vadd.f32 v14, v15;
	v10 =	vadd.f32 v10, v11  }
0xdd: {  	s1 =	scvt.s32.f32 s1;
	v13 =	vadd.f32 v13, v17;
	v18 =	vadd.f32 v18, v20  }
0xde: {  	s6 =	simm.s32 $0x30;
	s31 =	scvt.s32.f32 s3;
	s3 =	simm.s32 $0x100;
	v14 =	vadd.f32 v14, v12;
	v16 =	vadd.f32 $1.258291200e+07, v10  }
0xdf: {  	s11 =	simm.s32 $0x20;
	s10 =	sand.u32 $0x70, s6;
	v17 =	vadd.f32 v18, v12;
	v18 =	vadd.f32 s1, v0;
	s1 =	sand.u32 $0x3C00, s3  }
0xe0: {  	s19 =	sand.u32 $0x60, s11;
	v19 =	vadd.f32 s31, v0;
	v8 =	vadd.f32 v8, v13;
	s26 =	sor.u32 s1, s10  }
0xe1: {  	v20 =	vadd.f32 $1.258291200e+07, v14;
	s20 =	sadd.s32 $0x12000, s1;
	s28 =	sor.u32 s19, s1;
	v13 =	vadd.f32 $-1.258291200e+07, v16;
	v31 =	vld [tilespmem:s26+$0x12100]  }
0xe2: {  	v15 =	vadd.f32 $1.258291200e+07, v17;
	v16 =	vadd.f32 v8, v11;
	s29 =	sor.u32 s10, s20;
	v49 =	vld [tilespmem:s28+$0x12100]  }
0xe3: {  	v20 =	vadd.f32 $-1.258291200e+07, v20;
	v29 =	vld [tilespmem:s29+$0x80];
	v8 =	vsub.f32 v19, v13  }
0xe4: {  	s30 =	sor.u32 s19, s20;
	v36 =	vld [tilespmem:s29+$0x0];
	v15 =	vadd.f32 $-1.258291200e+07, v15;
	v21 =	vadd.f32 $1.258291200e+07, v16  }
0xe5: {  	v37 =	vld [tilespmem:s30+$0x0];
	v19 =	vsub.f32 v19, v20;
	v8 =	vmax.f32 v8, $1.000000000e+00  }
0xe6: {  	v38 =	vld [tilespmem:s30+$0x80];
	v22 =	vsub.f32 v18, v15;
	v21 =	vadd.f32 $-1.258291200e+07, v21;
	v40 =	vmul.f32 v31, v2  }
0xe7: {  	v8 =	vmin.f32 v8, $2.047000000e+03;
	v31 =	vmul.f32 v31, v6;
	v41 =	vmul.f32 v49, v6  }
0xe8: {  	v34 =	vmul.f32 v49, v2;
	v23 =	vtrunc.f32 v8;
	v8 =	vsub.f32 v10, v13  }
0xe9: {  	v10 =	vmax.f32 v22, $1.000000000e+00;
	v18 =	vsub.f32 v18, v21;
	v39 =	vmul.f32 v29, v1  }
0xea: {  	v13 =	vsub.f32 v14, v20;
	v42 =	vmul.f32 v36, v9;
	v29 =	vmul.f32 v29, v5  }
0xeb: {  	v50 =	vmul.f32 v38, v1;
	v51 =	vmul.f32 v37, v9;
	v10 =	vmin.f32 v10, $2.047000000e+03  }
0xec: {  	v17 =	vsub.f32 v17, v15;
	v22 =	vcvt.f32.s32 v23;
	v23 =	vtrunc.f32 v10  }
0xed: {  	v14 =	vmax.f32 v18, $1.000000000e+00;
	v30 =	vsub.f32 $1.000000000e+00, v13;
	v52 =	vadd.f32 v39, v42  }
0xee: {  	v53 =	vadd.f32 v50, v51;
	v24 =	vadd.s32 $0xFFFFFFFF, v22;
	v14 =	vmin.f32 v14, $2.047000000e+03  }
0xef: {  	v25 =	vld [tilespmem:s28+$0x12180];
	v18 =	vcvt.f32.s32 v23;
	v20 =	vshll.u32 v22, $0x3;
	v10 =	vshll.u32 v24, $0x3  }
0xf0: {  	v14 =	vtrunc.f32 v14;
	v20 =	vand.u32 $0xFFFFFC00, v20;
	v15 =	vand.u32 $0xFFFFFC00, v10  }
0xf1: {  	v10 =	vsub.f32 v16, v21;
	v16 =	vmax.f32 v19, $1.000000000e+00;
	v19 =	vand.u32 $0x7F, v22  }
0xf2: {  	v22 =	vshll.u32 v18, $0x3;
	v23 =	vadd.s32 $0xFFFFFFFF, v18;
	v14 =	vcvt.f32.s32 v14  }
0xf3: {  	v18 =	vand.u32 $0x7F, v18;
	v16 =	vmin.f32 v16, $2.047000000e+03;
	v26 =	vand.u32 $0x7F, v23  }
0xf4: {  	v19 =	vor.u32 v20, v19;
	v20 =	vshll.u32 v23, $0x3;
	v23 =	vmul.f32 v25, v3  }
0xf5: {  	v25 =	vmul.f32 v25, v7;
	v22 =	vand.u32 $0xFFFFFC00, v22;
	v16 =	vtrunc.f32 v16  }
0xf6: {  	v21 =	vld [tilespmem:s26+$0x12180];
	v47 =	vadd.s32 $0xFFFFFFFF, v14;
	v20 =	vand.u32 $0xFFFFFC00, v20;
	v19 =	vor.u32 $0x180, v19  }
0xf7: {  	v18 =	vor.u32 v22, v18;
	v22 =	vmul.f32 v37, v4;
	v16 =	vcvt.f32.s32 v16  }
0xf8: {  	v23 =	vadd.f32 v23, v34;
	v20 =	vor.u32 v20, v26;
	v26 =	vmul.f32 v38, v5  }
0xf9: {  	v25 =	vadd.f32 v25, v41;
	v18 =	vor.u32 $0x100, v18;
	v54 =	vshll.u32 v47, $0x3  }
0xfa: {  	v20 =	vor.u32 $0x100, v20;
	v56 =	vand.u32 $0xFFFFFC00, v54;
	v27 =	vshll.u32 v16, $0x3  }
0xfb: {  	v28 =	vadd.s32 $0xFFFFFFFF, v16;
	v35 =	vmul.f32 v21, v3;
	v16 =	vand.u32 $0x7F, v16  }
0xfc: {  	v21 =	vmul.f32 v21, v7;
	v22 =	vadd.f32 v26, v22;
	v26 =	vmul.f32 v36, v4  }
0xfd: {  	s31 =	scvt.s32.f32 s11;
	v27 =	vand.u32 $0xFFFFFC00, v27;
	v48 =	vshll.u32 v28, $0x3;
	v28 =	vand.u32 $0x7F, v28  }
0xfe: {  	v33 =	vand.u32 $0xFFFFFC00, v48;
	v35 =	vadd.f32 v35, v40;
	v21 =	vadd.f32 v21, v31  }
0xff: {  	v16 =	vor.u32 v27, v16;
	v27 =	vadd.f32 s31, v0;
	v22 =	vadd.f32 v25, v22  }
0x100: {  	v26 =	vadd.f32 v29, v26;
	v29 =	vor.u32 $0x100, v16;
	v16 =	vadd.f32 v23, v53  }
0x101: {  	v28 =	vor.u32 v33, v28;
	v31 =	vadd.f32 v35, v52;
	v22 =	vadd.f32 v22, v11  }
0x102: {  	s0 =	scvt.s32.f32 s6;
	v23 =	vand.u32 $0x7F, v24;
	v21 =	vadd.f32 v21, v26;
	v20 =	vld.idx.msk [tilespmem:v20+s4+$0x0], $0xffff;
	v55 =	vadd.f32 v16, v12  }
0x103: {  	v26 =	vor.u32 $0x100, v28;
	v25 =	vadd.f32 v31, v12;
	v28 =	vadd.f32 $1.258291200e+07, v22  }
0x104: {  	v15 =	vor.u32 v15, v23;
	v31 =	vadd.f32 s0, v0;
	v57 =	vadd.f32 $1.258291200e+07, v55  }
0x105: {  	v18 =	vld.idx.msk [tilespmem:v18+s4+$0x0], $0xffff;
	v16 =	vand.u32 $0x7F, v47;
	v58 =	vadd.f32 v21, v11;
	v24 =	vadd.f32 $1.258291200e+07, v25  }
0x106: {  	v16 =	vor.u32 v56, v16;
	v28 =	vadd.f32 $-1.258291200e+07, v28;
	v32 =	vadd.f32 $-1.258291200e+07, v57  }
0x107: {  	v62 =	vmul.f32 v17, v20;
	v17 =	vsub.f32 $1.000000000e+00, v17;
	v24 =	vadd.f32 $-1.258291200e+07, v24  }
0x108: {  	v59 =	vor.u32 $0x180, v16;
	v16 =	vsub.f32 v22, v28;
	v21 =	vsub.f32 v27, v28  }
0x109: {  	v22 =	vand.u32 $0x7F, v14;
	v28 =	vadd.f32 $1.258291200e+07, v58;
	v14 =	vshll.u32 v14, $0x3  }
0x10a: {  	v26 =	vld.idx.msk [tilespmem:v26+s4+$0x0], $0xffff;
	v14 =	vand.u32 $0xFFFFFC00, v14;
	v27 =	vsub.f32 v27, v32;
	v17 =	vmul.f32 v17, v18  }
0x10b: {  	v63 =	vld.idx.msk [tilespmem:v29+s4+$0x0], $0xffff;
	v60 =	vsub.f32 v31, v24;
	v21 =	vmax.f32 v21, $1.000000000e+00;
	v61 =	vadd.f32 $-1.258291200e+07, v28  }
0x10c: {  	v22 =	vor.u32 v14, v22;
	v14 =	vsub.f32 v25, v24;
	v21 =	vmin.f32 v21, $2.047000000e+03  }
0x10d: {  	v25 =	vor.u32 $0x180, v15;
	v20 =	vmax.f32 v60, $1.000000000e+00;
	v21 =	vtrunc.f32 v21  }
0x10e: {  	v31 =	vsub.f32 v31, v61;
	v20 =	vmin.f32 v20, $2.047000000e+03;
	v28 =	vcvt.f32.s32 v21  }
0x10f: {  	v29 =	vtrunc.f32 v20;
	v20 =	vmul.f32 v13, v26;
	v26 =	vor.u32 $0x180, v22  }
0x110: {  	v23 =	vmul.f32 v30, v63;
	v21 =	vadd.f32 v17, v62;
	v18 =	vadd.s32 $0xFFFFFFFF, v28  }
0x111: {  	v17 =	vld.idx.msk [tilespmem:v19+s4+$0x0], $0xffff;
	v13 =	vsub.f32 v55, v32;
	v19 =	vmax.f32 v31, $1.000000000e+00;
	v15 =	vshll.u32 v18, $0x3  }
0x112: {  	s3 =	simm.s32 $0x50;
	s1 =	simm.s32 $0x200;
	s0 =	simm.s32 $0x2;
	v24 =	vld.idx.msk [tilespmem:v59+s4+$0x0], $0xffff;
	v22 =	vsub.f32 v58, v61;
	v19 =	vmin.f32 v19, $2.047000000e+03;
	v15 =	vand.u32 $0xFFFFFC00, v15  }
.LBB2_5:
0x113: {  	s7 =	sadd.s32 $0xFFFFFFF0, s3;
	s8 =	sand.u32 $0x3C00, s1;
	s10 =	sand.u32 $0x70, s3;
	v27 =	vmax.f32 v27, $1.000000000e+00;
	v30 =	vand.u32 $0x7F, v28;
	v29 =	vcvt.f32.s32 v29  }
0x114: {  	v28 =	vshll.u32 v28, $0x3;
	v19 =	vtrunc.f32 v19;
	v31 =	vsub.f32 $1.000000000e+00, v8;
	s11 =	sand.u32 $0x60, s7;
	s30 =	sadd.s32 $0x12000, s8;
	s29 =	sor.u32 s8, s10;
	v26 =	vld.idx.msk [tilespmem:v26+s4+$0x0], $0xffff  }
0x115: {  	v27 =	vmin.f32 v27, $2.047000000e+03;
	s31 =	sor.u32 s11, s30;
	s11 =	sor.u32 s11, s8;
	s8 =	sor.u32 s10, s30;
	v32 =	vshll.u32 v29, $0x3;
	v33 =	vadd.s32 $0xFFFFFFFF, v29;
	v25 =	vld.idx.msk [tilespmem:v25+s4+$0x0], $0xffff;
	[tilespmem:s25+$0x8100] =	vst v21  }
0x116: {  	s0 =	sadd.s32 $0x2, s0;
	v35 =	vsub.f32 $1.000000000e+00, v10;
	v27 =	vtrunc.f32 v27;
	v21 =	vcvt.f32.s32 v19;
	v34 =	vld [tilespmem:s29+$0x12180]  }
0x117: {  	p1 =	slt.u32 s0, $0x7E;
	v19 =	vsub.f32 $1.000000000e+00, v13;
	v27 =	vcvt.f32.s32 v27;
	v24 =	vmul.f32 v10, v24;
	v10 =	vmovc v22  }
0x118: {  	v20 =	vadd.f32 v23, v20;
	v36 =	vand.u32 $0x7F, v33;
	v37 =	vadd.s32 $0xFFFFFFFF, v21;
	v22 =	vld [tilespmem:s29+$0x12100]  }
0x119: {  	v17 =	vmul.f32 v31, v17;
	v38 =	vshll.u32 v27, $0x3;
	v39 =	vadd.s32 $0xFFFFFFFF, v27;
	v23 =	vld [tilespmem:s11+$0x12180]  }
0x11a: {  	v28 =	vand.u32 $0xFFFFFC00, v28;
	v38 =	vand.u32 $0xFFFFFC00, v38;
	v40 =	vshll.u32 v39, $0x3;
	v31 =	vld [tilespmem:s8+$0x80];
	[tilespmem:s24+$0x8100] =	vst v20  }
0x11b: {  	v27 =	vand.u32 $0x7F, v27;
	v40 =	vand.u32 $0xFFFFFC00, v40;
	v20 =	vld [tilespmem:s11+$0x12100];
	v41 =	vmul.f32 v34, v3  }
0x11c: {  	v39 =	vand.u32 $0x7F, v39;
	v26 =	vmul.f32 v35, v26;
	v34 =	vmul.f32 v34, v7;
	v42 =	vld [tilespmem:s8+$0x0]  }
0x11d: {  	v28 =	vor.u32 v28, v30;
	v30 =	vshll.u32 v33, $0x3;
	v25 =	vmul.f32 v8, v25;
	v8 =	vmovc v16;
	v35 =	vld [tilespmem:s31+$0x0]  }
0x11e: {  	v30 =	vand.u32 $0xFFFFFC00, v30;
	v24 =	vadd.f32 v26, v24;
	v16 =	vld [tilespmem:s31+$0x80];
	v33 =	vmul.f32 v23, v3  }
0x11f: {  	v29 =	vand.u32 $0x7F, v29;
	v17 =	vadd.f32 v17, v25;
	v26 =	vmul.f32 v31, v1  }
0x120: {  	v28 =	vor.u32 $0x180, v28;
	v25 =	vmul.f32 v22, v2;
	v22 =	vmul.f32 v22, v6;
	[tilespmem:s25+$0x8180] =	vst v24;
	s25 =	smov.u32 s26;
	s26 =	smov.u32 s29  }
0x121: {  	v32 =	vand.u32 $0xFFFFFC00, v32;
	v23 =	vmul.f32 v23, v7;
	v24 =	vmul.f32 v20, v6;
	[tilespmem:s24+$0x8180] =	vst v17;
	s24 =	smov.u32 s28;
	s28 =	smov.u32 s11  }
0x122: {  	v29 =	vor.u32 v32, v29;
	v17 =	vmul.f32 v20, v2;
	v20 =	vmul.f32 v42, v9  }
0x123: {  	v25 =	vadd.f32 v41, v25;
	v31 =	vmul.f32 v31, v5;
	v32 =	vmul.f32 v35, v4  }
0x124: {  	v30 =	vor.u32 v30, v36;
	v41 =	vmul.f32 v16, v1;
	v33 =	vadd.f32 v33, v17  }
0x125: {  	v23 =	vadd.f32 v23, v24;
	v24 =	vor.u32 $0x100, v30;
	v16 =	vmul.f32 v16, v5;
	v17 =	vld.idx.msk [tilespmem:v28+s4+$0x0], $0xffff  }
0x126: {  	s7 =	scvt.s32.f32 s7;
	v22 =	vadd.f32 v34, v22;
	v20 =	vadd.f32 v26, v20;
	v28 =	vmul.f32 v35, v9  }
0x127: {  	v27 =	vor.u32 v38, v27;
	v26 =	vmul.f32 v42, v4;
	v16 =	vadd.f32 v16, v32  }
0x128: {  	v30 =	vadd.f32 s7, v0;
	v20 =	vadd.f32 v25, v20;
	v25 =	vor.u32 v40, v39  }
0x129: {  	v28 =	vadd.f32 v41, v28;
	v16 =	vadd.f32 v23, v16;
	v23 =	vor.u32 $0x100, v29  }
0x12a: {  	v26 =	vadd.f32 v31, v26;
	v20 =	vadd.f32 v20, v12;
	v29 =	vor.u32 $0x100, v27  }
0x12b: {  	v18 =	vand.u32 $0x7F, v18;
	s7 =	scvt.s32.f32 s3;
	v27 =	vadd.f32 v33, v28;
	v16 =	vadd.f32 v16, v11  }
0x12c: {  	v25 =	vor.u32 $0x100, v25;
	v22 =	vadd.f32 v22, v26;
	v26 =	vadd.f32 $1.258291200e+07, v20  }
0x12d: {  	v31 =	vadd.f32 s7, v0;
	v32 =	vshll.u32 v37, $0x3;
	v28 =	vadd.f32 $1.258291200e+07, v16;
	v24 =	vld.idx.msk [tilespmem:v24+s4+$0x0], $0xffff  }
0x12e: {  	v32 =	vand.u32 $0xFFFFFC00, v32;
	v33 =	vadd.f32 v27, v12;
	v27 =	vand.u32 $0x7F, v37;
	v23 =	vld.idx.msk [tilespmem:v23+s4+$0x0], $0xffff  }
0x12f: {  	v26 =	vadd.f32 $-1.258291200e+07, v26;
	v27 =	vor.u32 v32, v27;
	v28 =	vadd.f32 $-1.258291200e+07, v28  }
0x130: {  	v22 =	vadd.f32 v22, v11;
	v32 =	vadd.f32 $1.258291200e+07, v33;
	v34 =	vor.u32 $0x180, v27  }
0x131: {  	v16 =	vsub.f32 v16, v28;
	v27 =	vsub.f32 v30, v28;
	v28 =	vand.u32 $0x7F, v21;
	v25 =	vld.idx.msk [tilespmem:v25+s4+$0x0], $0xffff  }
0x132: {  	v35 =	vadd.f32 $1.258291200e+07, v22;
	v36 =	vsub.f32 v31, v26;
	v21 =	vshll.u32 v21, $0x3  }
0x133: {  	v32 =	vadd.f32 $-1.258291200e+07, v32;
	v21 =	vand.u32 $0xFFFFFC00, v21;
	v27 =	vmax.f32 v27, $1.000000000e+00  }
0x134: {  	v35 =	vadd.f32 $-1.258291200e+07, v35;
	v37 =	vmin.f32 v27, $2.047000000e+03;
	v24 =	vmul.f32 v14, v24  }
0x135: {  	v27 =	vsub.f32 v30, v32;
	v30 =	vmax.f32 v36, $1.000000000e+00;
	v14 =	vsub.f32 $1.000000000e+00, v14;
	v36 =	vld.idx.msk [tilespmem:v29+s4+$0x0], $0xffff  }
0x136: {  	v21 =	vor.u32 v21, v28;
	v37 =	vtrunc.f32 v37;
	v29 =	vmin.f32 v30, $2.047000000e+03  }
0x137: {  	v23 =	vmul.f32 v14, v23;
	v30 =	vsub.f32 v31, v35;
	v29 =	vtrunc.f32 v29  }
.Ltmp3:
0x138: {  	v28 =	vcvt.f32.s32 v37;
	v14 =	vsub.f32 v20, v26;
	v20 =	vmul.f32 v13, v25;
	(pc) =	sbr.rel @p1 .LBB2_5-.Ltmp3, $4  }
0x139: {  	v15 =	vor.u32 v15, v18;
	v26 =	vor.u32 $0x180, v21;
	v21 =	vadd.f32 v23, v24  }
0x13a: {  	v13 =	vsub.f32 v33, v32;
	v18 =	vadd.s32 $0xFFFFFFFF, v28;
	v25 =	vor.u32 $0x180, v15  }
0x13b: {  	v15 =	vshll.u32 v18, $0x3;
	v30 =	vmax.f32 v30, $1.000000000e+00;
	v23 =	vmul.f32 v19, v36;
	v24 =	vld.idx.msk [tilespmem:v34+s4+$0x0], $0xffff  }
0x13c: {  	s1 =	sadd.s32 $0x100, s1;
	s3 =	sadd.s32 $0x20, s3;
	v22 =	vsub.f32 v22, v35;
	v15 =	vand.u32 $0xFFFFFC00, v15;
	v19 =	vmin.f32 v30, $2.047000000e+03  }
0x13d: {  	v1 =	vmax.f32 v27, $1.000000000e+00;
	v2 =	vcvt.f32.s32 v29;
	v3 =	vand.u32 $0x7F, v28  }
0x13e: {  	v4 =	vtrunc.f32 v19;
	v6 =	vshll.u32 v28, $0x3;
	v1 =	vmin.f32 v1, $2.047000000e+03  }
0x13f: {  	v4 =	vcvt.f32.s32 v4;
	v6 =	vand.u32 $0xFFFFFC00, v6;
	v1 =	vtrunc.f32 v1  }
0x140: {  	v5 =	vadd.s32 $0xFFFFFFFF, v2;
	v7 =	vshll.u32 v2, $0x3;
	v3 =	vor.u32 v6, v3  }
0x141: {  	v2 =	vand.u32 $0x7F, v2;
	v1 =	vcvt.f32.s32 v1;
	v9 =	vand.u32 $0x7F, v5  }
0x142: {  	v11 =	vadd.s32 $0xFFFFFFFF, v4;
	v5 =	vshll.u32 v5, $0x3;
	v6 =	vand.u32 $0xFFFFFC00, v7  }
0x143: {  	v3 =	vor.u32 $0x180, v3;
	v5 =	vand.u32 $0xFFFFFC00, v5;
	v2 =	vor.u32 v6, v2  }
0x144: {  	v7 =	vshll.u32 v11, $0x3;
	v11 =	vand.u32 $0x7F, v11;
	v12 =	vshll.u32 v1, $0x3  }
0x145: {  	v19 =	vadd.s32 $0xFFFFFFFF, v1;
	v1 =	vand.u32 $0x7F, v1;
	v5 =	vor.u32 v5, v9  }
0x146: {  	v2 =	vor.u32 $0x100, v2;
	v7 =	vand.u32 $0xFFFFFC00, v7;
	v12 =	vand.u32 $0xFFFFFC00, v12  }
0x147: {  	v27 =	vshll.u32 v19, $0x3;
	v19 =	vand.u32 $0x7F, v19;
	v5 =	vor.u32 $0x100, v5  }
0x148: {  	v7 =	vor.u32 v7, v11;
	v27 =	vand.u32 $0xFFFFFC00, v27;
	v1 =	vor.u32 v12, v1  }
0x149: {  	v9 =	vld.idx.msk [tilespmem:v26+s4+$0x0], $0xffff;
	v12 =	vshll.u32 v4, $0x3;
	v4 =	vand.u32 $0x7F, v4;
	v7 =	vor.u32 $0x180, v7  }
0x14a: {  	v6 =	vor.u32 v27, v19;
	v1 =	vor.u32 $0x100, v1;
	v19 =	vld.idx.msk [tilespmem:v25+s4+$0x0], $0xffff;
	v11 =	vand.u32 $0xFFFFFC00, v12  }
0x14b: {  	v3 =	vld.idx.msk [tilespmem:v3+s4+$0x0], $0xffff;
	v12 =	vand.u32 $0x7F, v18;
	v6 =	vor.u32 $0x100, v6;
	v4 =	vor.u32 v11, v4  }
0x14c: {  	v11 =	vor.u32 v15, v12;
	v4 =	vor.u32 $0x180, v4;
	v2 =	vld.idx.msk [tilespmem:v2+s4+$0x0], $0xffff  }
0x14d: {  	v11 =	vor.u32 $0x180, v11;
	v5 =	vld.idx.msk [tilespmem:v5+s4+$0x0], $0xffff  }
0x14e: {  	v12 =	vsub.f32 $1.000000000e+00, v10;
	v7 =	vld.idx.msk [tilespmem:v7+s4+$0x0], $0xffff  }
0x14f: {  	v15 =	vsub.f32 $1.000000000e+00, v8;
	v1 =	vld.idx.msk [tilespmem:v1+s4+$0x0], $0xffff  }
0x150: {  	v10 =	vmul.f32 v10, v24;
	v9 =	vmul.f32 v12, v9;
	v6 =	vld.idx.msk [tilespmem:v6+s4+$0x0], $0xffff  }
0x151: {  	v12 =	vmul.f32 v15, v17;
	v15 =	vsub.f32 $1.000000000e+00, v14;
	v4 =	vld.idx.msk [tilespmem:v4+s4+$0x0], $0xffff  }
0x152: {  	v18 =	vsub.f32 $1.000000000e+00, v13;
	v8 =	vmul.f32 v8, v19;
	v9 =	vadd.f32 v9, v10;
	v10 =	vld.idx.msk [tilespmem:v11+s4+$0x0], $0xffff  }
0x153: {  	v17 =	vadd.f32 v23, v20;
	v2 =	vmul.f32 v15, v2;
	v5 =	vmul.f32 v14, v5  }
0x154: {  	[tilespmem:s25+$0x8100] =	vst v21;
	v8 =	vadd.f32 v12, v8;
	v11 =	vsub.f32 $1.000000000e+00, v22;
	v1 =	vmul.f32 v18, v1  }
0x155: {  	s0 =	sor.u32 $0x40, s23;
	[tilespmem:s24+$0x8100] =	vst v17;
	v2 =	vadd.f32 v2, v5;
	v5 =	vsub.f32 $1.000000000e+00, v16;
	v6 =	vmul.f32 v13, v6  }
0x156: {  	[tilespmem:s25+$0x8180] =	vst v9;
	v9 =	vmov s0;
	v7 =	vmul.f32 v22, v7;
	v4 =	vmul.f32 v11, v4  }
0x157: {  	[tilespmem:s24+$0x8180] =	vst v8;
	v3 =	vmul.f32 v5, v3;
	v5 =	vmul.f32 v16, v10;
	v1 =	vadd.f32 v1, v6  }
0x158: {  	[tilespmem:s26+$0x8100] =	vst v2;
	v2 =	vadd.f32 v4, v7  }
0x159: {  	s10 =	simm.s32 $0x0;
	[tilespmem:s28+$0x8100] =	vst v1;
	v1 =	vadd.f32 v3, v5  }
0x15a: {  	s1 =	simm.s32 $0x10;
	s0 =	sand.u32 $0x3C00, s10;
	[tilespmem:s26+$0x8180] =	vst v2  }
0x15b: {  	s7 =	simm.s32 $0x0;
	s3 =	sand.u32 $0x70, s1;
	s8 =	sadd.s32 $0x12000, s0;
	[tilespmem:s28+$0x8180] =	vst v1  }
0x15c: {  	s24 =	sand.u32 $0x60, s7;
	s10 =	sor.u32 s3, s8;
	v1 =	vld.idx.msk [tilespmem:v9+s13+$0x0], $0xffff  }
0x15d: {  	s8 =	sor.u32 s24, s8;
	v11 =	vld [tilespmem:s10+$0x80]  }
0x15e: {  	v10 =	vld [tilespmem:s8+$0x0]  }
0x15f: {  	v12 =	vld [tilespmem:s10+$0x0]  }
0x160: {  	v4 =	vor.u32 $0x41, v9;
	v13 =	vld [tilespmem:s10+$0x180]  }
0x161: {  	v14 =	vld [tilespmem:s8+$0x180]  }
0x162: {  	s11 =	simm.s32 $0x100;
	v15 =	vld [tilespmem:s8+$0x100]  }
0x163: {  	s20 =	simm.s32 $0x30;
	s11 =	sand.u32 $0x3C00, s11;
	v5 =	vor.u32 $0x43, v9;
	v16 =	vld [tilespmem:s8+$0x80]  }
0x164: {  	s29 =	sadd.s32 $0x12000, s11;
	v6 =	vor.u32 $0x50, v9;
	s26 =	sand.u32 $0x70, s20;
	v20 =	vld [tilespmem:s10+$0x100]  }
0x165: {  	v7 =	vor.u32 $0x51, v9;
	s8 =	sor.u32 s26, s29;
	v2 =	vld.idx.msk [tilespmem:v4+s13+$0x0], $0xffff  }
0x166: {  	v3 =	vor.u32 $0x42, v9;
	v33 =	vld [tilespmem:s8+$0x80]  }
0x167: {  	v8 =	vor.u32 $0x52, v9;
	v34 =	vld [tilespmem:s8+$0x0]  }
0x168: {  	v4 =	vld.idx.msk [tilespmem:v5+s13+$0x0], $0xffff  }
0x169: {  	v5 =	vld.idx.msk [tilespmem:v6+s13+$0x0], $0xffff  }
0x16a: {  	v6 =	vld.idx.msk [tilespmem:v7+s13+$0x0], $0xffff;
	v7 =	vor.u32 $0x53, v9  }
0x16b: {  	v3 =	vld.idx.msk [tilespmem:v3+s13+$0x0], $0xffff;
	v18 =	vmul.f32 v10, v1  }
0x16c: {  	v17 =	vor.u32 $0x44, v9;
	v8 =	vld.idx.msk [tilespmem:v8+s13+$0x0], $0xffff;
	v19 =	vmul.f32 v12, v1;
	v21 =	vmul.f32 v11, v2  }
0x16d: {  	v25 =	vmul.f32 v16, v2;
	v35 =	vmul.f32 v34, v1  }
0x16e: {  	v37 =	vmul.f32 v33, v2;
	v22 =	vmul.f32 v13, v4  }
0x16f: {  	v7 =	vld.idx.msk [tilespmem:v7+s13+$0x0], $0xffff;
	v10 =	vmul.f32 v10, v5;
	v24 =	vmul.f32 v14, v4  }
0x170: {  	v23 =	vor.u32 $0x54, v9;
	s7 =	scvt.s32.f32 s7;
	v26 =	vmul.f32 v15, v3;
	v16 =	vmul.f32 v16, v6  }
0x171: {  	v9 =	vld.idx.msk [tilespmem:v17+s13+$0x0], $0xffff;
	v17 =	vmul.f32 v20, v3;
	v15 =	vmul.f32 v15, v8;
	v18 =	vadd.f32 v25, v18  }
0x172: {  	v11 =	vmul.f32 v11, v6;
	v19 =	vadd.f32 v21, v19;
	v21 =	vadd.f32 s7, v0  }
0x173: {  	s19 =	simm.s32 $0x20;
	v12 =	vmul.f32 v12, v5;
	v35 =	vadd.f32 v37, v35;
	v24 =	vadd.f32 v24, v26  }
0x174: {  	s7 =	scvt.s32.f32 s19;
	v16 =	vadd.f32 v16, v10;
	v17 =	vadd.f32 v22, v17;
	v14 =	vmul.f32 v14, v7  }
0x175: {  	v10 =	vld.idx.msk [tilespmem:v23+s13+$0x0], $0xffff;
	v11 =	vadd.f32 v11, v12;
	v18 =	vadd.f32 v24, v18  }
0x176: {  	s1 =	scvt.s32.f32 s1;
	s25 =	sand.u32 $0x60, s19;
	v55 =	vadd.f32 s7, v0;
	v14 =	vadd.f32 v14, v15  }
0x177: {  	s31 =	sor.u32 s25, s29;
	v13 =	vmul.f32 v13, v7;
	v18 =	vadd.f32 v18, v9;
	v15 =	vadd.f32 v17, v19  }
0x178: {  	v53 =	vld [tilespmem:s31+$0x80];
	v17 =	vadd.f32 s1, v0;
	v19 =	vmul.f32 v20, v8;
	v14 =	vadd.f32 v14, v16  }
0x179: {  	v36 =	vld [tilespmem:s8+$0x100];
	v15 =	vadd.f32 v15, v9;
	v16 =	vadd.f32 $1.258291200e+07, v18  }
0x17a: {  	v13 =	vadd.f32 v13, v19;
	v14 =	vadd.f32 v14, v10  }
0x17b: {  	v19 =	vadd.f32 $1.258291200e+07, v15;
	v16 =	vadd.f32 $-1.258291200e+07, v16  }
0x17c: {  	v11 =	vadd.f32 v13, v11;
	v12 =	vadd.f32 $1.258291200e+07, v14  }
0x17d: {  	v42 =	vmul.f32 v53, v2;
	v19 =	vadd.f32 $-1.258291200e+07, v19;
	v20 =	vsub.f32 v21, v16  }
0x17e: {  	v54 =	vmul.f32 v36, v3;
	v11 =	vadd.f32 v11, v10;
	v12 =	vadd.f32 $-1.258291200e+07, v12  }
0x17f: {  	s1 =	scvt.s32.f32 s20;
	v13 =	vsub.f32 v17, v19;
	v20 =	vmax.f32 v20, $1.000000000e+00;
	v19 =	vsub.f32 v15, v19  }
0x180: {  	v15 =	vmin.f32 v20, $2.047000000e+03;
	v20 =	vadd.f32 $1.258291200e+07, v11;
	v21 =	vsub.f32 v21, v12  }
0x181: {  	v56 =	vadd.f32 s1, v0;
	v18 =	vsub.f32 v18, v16;
	v13 =	vmax.f32 v13, $1.000000000e+00  }
0x182: {  	v15 =	vtrunc.f32 v15;
	v20 =	vadd.f32 $-1.258291200e+07, v20;
	v21 =	vmax.f32 v21, $1.000000000e+00  }
0x183: {  	v13 =	vmin.f32 v13, $2.047000000e+03;
	v15 =	vcvt.f32.s32 v15;
	v21 =	vmin.f32 v21, $2.047000000e+03  }
0x184: {  	v13 =	vtrunc.f32 v13;
	v17 =	vsub.f32 v17, v20;
	v21 =	vtrunc.f32 v21  }
0x185: {  	v13 =	vcvt.f32.s32 v13;
	v22 =	vadd.s32 $0xFFFFFFFF, v15;
	v26 =	vcvt.f32.s32 v21  }
0x186: {  	v21 =	vshll.u32 v15, $0x3;
	v17 =	vmax.f32 v17, $1.000000000e+00;
	v15 =	vand.u32 $0x7F, v15  }
0x187: {  	v21 =	vand.u32 $0xFFFFFC00, v21;
	v24 =	vshll.u32 v26, $0x3;
	v25 =	vadd.s32 $0xFFFFFFFF, v26  }
0x188: {  	v17 =	vmin.f32 v17, $2.047000000e+03;
	v27 =	vand.u32 $0xFFFFFC00, v24;
	v24 =	vshll.u32 v25, $0x3  }
0x189: {  	v15 =	vor.u32 v21, v15;
	v21 =	vand.u32 $0xFFFFFC00, v24;
	v24 =	vtrunc.f32 v17  }
0x18a: {  	v29 =	vsub.f32 v11, v20;
	v17 =	vor.u32 $0x200, v15;
	v15 =	vcvt.f32.s32 v24  }
0x18b: {  	v23 =	vand.u32 $0x7F, v22;
	v22 =	vshll.u32 v22, $0x3;
	v24 =	vadd.s32 $0xFFFFFFFF, v13  }
0x18c: {  	v11 =	vshll.u32 v24, $0x3;
	v20 =	vand.u32 $0x7F, v24;
	v24 =	vadd.s32 $0xFFFFFFFF, v15  }
0x18d: {  	v30 =	vld [tilespmem:s31+$0x0];
	v11 =	vand.u32 $0xFFFFFC00, v11;
	v32 =	vand.u32 $0x7F, v24;
	v24 =	vshll.u32 v24, $0x3  }
0x18e: {  	v31 =	vshll.u32 v15, $0x3;
	v15 =	vand.u32 $0x7F, v15;
	v24 =	vand.u32 $0xFFFFFC00, v24  }
0x18f: {  	v31 =	vand.u32 $0xFFFFFC00, v31;
	v11 =	vor.u32 v11, v20;
	v20 =	vor.u32 v24, v32  }
0x190: {  	v24 =	vor.u32 $0x200, v11;
	v11 =	vsub.f32 v14, v12;
	v12 =	vand.u32 $0xFFFFFC00, v22;
	v14 =	vld [tilespmem:s31+$0x180]  }
0x191: {  	v15 =	vor.u32 v31, v15;
	v22 =	vor.u32 v12, v23;
	v23 =	vand.u32 $0x7F, v25;
	v25 =	vld [tilespmem:s31+$0x100]  }
0x192: {  	v16 =	vmul.f32 v30, v1;
	v28 =	vshll.u32 v13, $0x3;
	v31 =	vld [tilespmem:s8+$0x180];
	v15 =	vor.u32 $0x280, v15  }
0x193: {  	v30 =	vmul.f32 v30, v5;
	v28 =	vand.u32 $0xFFFFFC00, v28;
	v13 =	vand.u32 $0x7F, v13  }
0x194: {  	v16 =	vadd.f32 v42, v16;
	v43 =	vsub.f32 $1.000000000e+00, v19;
	v28 =	vor.u32 v28, v13  }
0x195: {  	v28 =	vor.u32 $0x200, v28;
	v39 =	vmul.f32 v14, v7;
	v14 =	vmul.f32 v14, v4  }
0x196: {  	v22 =	vor.u32 $0x200, v22;
	v40 =	vmul.f32 v25, v8;
	v25 =	vmul.f32 v25, v3  }
0x197: {  	v41 =	vsub.f32 $1.000000000e+00, v29;
	v32 =	vmul.f32 v53, v6;
	v38 =	vmul.f32 v31, v4;
	v15 =	vld.idx.msk [tilespmem:v15+s4+$0x0], $0xffff  }
0x198: {  	v13 =	vsub.f32 $1.000000000e+00, v18;
	v20 =	vor.u32 $0x280, v20;
	v24 =	vld.idx.msk [tilespmem:v24+s4+$0x0], $0xffff;
	v14 =	vadd.f32 v14, v25  }
0x199: {  	v25 =	vor.u32 v21, v23;
	v23 =	vadd.f32 v32, v30;
	v30 =	vadd.f32 v38, v54  }
0x19a: {  	v33 =	vmul.f32 v33, v6;
	v12 =	vsub.f32 $1.000000000e+00, v11;
	v58 =	vld.idx.msk [tilespmem:v28+s4+$0x0], $0xffff;
	v14 =	vadd.f32 v14, v16  }
0x19b: {  	v31 =	vmul.f32 v31, v7;
	v22 =	vld.idx.msk [tilespmem:v22+s4+$0x0], $0xffff;
	v16 =	vadd.f32 v39, v40;
	v30 =	vadd.f32 v30, v35  }
0x19c: {  	v21 =	vmul.f32 v41, v15;
	v15 =	vadd.f32 v14, v9;
	v14 =	vmul.f32 v36, v8  }
0x19d: {  	v24 =	vmul.f32 v19, v24;
	v16 =	vadd.f32 v16, v23;
	v57 =	vadd.f32 v30, v9  }
0x19e: {  	v19 =	vld.idx.msk [tilespmem:v20+s4+$0x0], $0xffff;
	v30 =	vmul.f32 v34, v5;
	v20 =	vadd.f32 $1.258291200e+07, v15;
	v14 =	vadd.f32 v31, v14  }
0x19f: {  	v35 =	vmul.f32 v43, v58;
	v16 =	vadd.f32 v16, v10;
	v31 =	vadd.f32 $1.258291200e+07, v57  }
0x1a0: {  	v23 =	vmul.f32 v18, v22;
	v18 =	vadd.f32 $-1.258291200e+07, v20;
	v20 =	vadd.f32 v33, v30  }
0x1a1: {  	v22 =	vand.u32 $0x7F, v26;
	v26 =	vadd.f32 $1.258291200e+07, v16;
	v31 =	vadd.f32 $-1.258291200e+07, v31  }
0x1a2: {  	v22 =	vor.u32 v27, v22;
	v30 =	vsub.f32 v55, v18;
	v14 =	vadd.f32 v14, v20  }
0x1a3: {  	v27 =	vor.u32 $0x280, v22;
	v29 =	vmul.f32 v29, v19;
	v20 =	vadd.f32 $-1.258291200e+07, v26  }
0x1a4: {  	v22 =	vsub.f32 v56, v31;
	v19 =	vmax.f32 v30, $1.000000000e+00;
	v30 =	vadd.f32 v14, v10  }
0x1a5: {  	v14 =	vsub.f32 v57, v31;
	v26 =	vsub.f32 v55, v20;
	v19 =	vmin.f32 v19, $2.047000000e+03  }
0x1a6: {  	v22 =	vmax.f32 v22, $1.000000000e+00;
	v19 =	vtrunc.f32 v19;
	v28 =	vadd.f32 $1.258291200e+07, v30  }
0x1a7: {  	v22 =	vmin.f32 v22, $2.047000000e+03;
	v26 =	vmax.f32 v26, $1.000000000e+00;
	v59 =	vcvt.f32.s32 v19  }
0x1a8: {  	v19 =	vtrunc.f32 v22;
	v22 =	vmin.f32 v26, $2.047000000e+03;
	v34 =	vadd.f32 $-1.258291200e+07, v28  }
0x1a9: {  	v28 =	vcvt.f32.s32 v19;
	v19 =	vtrunc.f32 v22;
	v26 =	vadd.s32 $0xFFFFFFFF, v59  }
0x1aa: {  	v22 =	vshll.u32 v59, $0x3;
	v19 =	vcvt.f32.s32 v19;
	v31 =	vand.u32 $0x7F, v26  }
0x1ab: {  	v60 =	vsub.f32 v56, v34;
	v61 =	vand.u32 $0xFFFFFC00, v22;
	v33 =	vshll.u32 v26, $0x3  }
0x1ac: {  	v26 =	vand.u32 $0x7F, v59;
	v22 =	vshll.u32 v19, $0x3;
	v32 =	vadd.s32 $0xFFFFFFFF, v19  }
0x1ad: {  	s28 =	simm.s32 $0x50;
	s7 =	simm.s32 $0x2;
	s1 =	sor.u32 $0x8000, s0;
	v17 =	vld.idx.msk [tilespmem:v17+s4+$0x0], $0xffff;
	v37 =	vor.u32 v61, v26;
	v62 =	vmax.f32 v60, $1.000000000e+00;
	v63 =	vshll.u32 v32, $0x3  }
0x1ae: {  	s0 =	sor.u32 $0x8000, s11;
	s11 =	simm.s32 $0x200;
	s30 =	sor.u32 s3, s1;
	v22 =	vand.u32 $0xFFFFFC00, v22;
	v26 =	vand.u32 $0xFFFFFC00, v63;
	v36 =	vmin.f32 v62, $2.047000000e+03  }
.LBB2_7:
0x1af: {  	s29 =	sadd.s32 $0xFFFFFFF0, s28;
	s3 =	sand.u32 $0x3C00, s11;
	s7 =	sadd.s32 $0x2, s7;
	v37 =	vor.u32 $0x200, v37;
	v38 =	vshll.u32 v28, $0x3;
	v25 =	vor.u32 $0x280, v25  }
0x1b0: {  	s6 =	sand.u32 $0x70, s28;
	v36 =	vtrunc.f32 v36;
	v24 =	vadd.f32 v35, v24;
	v21 =	vadd.f32 v21, v29;
	s10 =	sand.u32 $0x60, s29;
	s31 =	sadd.s32 $0x12000, s3  }
0x1b1: {  	v29 =	vsub.f32 v30, v34;
	v34 =	vadd.s32 $0xFFFFFFFF, v28;
	p1 =	slt.u32 s7, $0x7E;
	v30 =	vcvt.f32.s32 v36;
	s8 =	sor.u32 s10, s31;
	s31 =	sor.u32 s6, s31  }
0x1b2: {  	v13 =	vmul.f32 v13, v17;
	s19 =	sor.u32 $0x8000, s3;
	v36 =	vand.u32 $0x7F, v34;
	v34 =	vshll.u32 v34, $0x3;
	s3 =	smov.u32 s26;
	s26 =	smov.u32 s6;
	v35 =	vld [tilespmem:s31+$0x80];
	[tilespmem:s30+$0x200] =	vst v24  }
0x1b3: {  	v17 =	vand.u32 $0xFFFFFC00, v34;
	v34 =	vshll.u32 v30, $0x3;
	v39 =	vadd.s32 $0xFFFFFFFF, v30;
	v24 =	vld [tilespmem:s8+$0x0];
	[tilespmem:s30+$0x280] =	vst v21  }
0x1b4: {  	v13 =	vadd.f32 v13, v23;
	v21 =	vand.u32 $0x7F, v39;
	v39 =	vshll.u32 v39, $0x3;
	v27 =	vld.idx.msk [tilespmem:v27+s4+$0x0], $0xffff  }
0x1b5: {  	s6 =	sor.u32 s24, s1;
	s24 =	smov.u32 s25;
	s25 =	smov.u32 s10;
	v23 =	vand.u32 $0x7F, v30;
	v30 =	vand.u32 $0xFFFFFC00, v34;
	v34 =	vand.u32 $0xFFFFFC00, v39;
	v25 =	vld.idx.msk [tilespmem:v25+s4+$0x0], $0xffff  }
0x1b6: {  	s1 =	smov.u32 s0;
	s0 =	smov.u32 s19;
	v36 =	vor.u32 v17, v36;
	v23 =	vor.u32 v30, v23;
	v21 =	vor.u32 v34, v21;
	v39 =	vld [tilespmem:s31+$0x0];
	[tilespmem:s6+$0x200] =	vst v13  }
0x1b7: {  	v30 =	vor.u32 $0x200, v36;
	v23 =	vor.u32 $0x280, v23;
	v21 =	vor.u32 $0x280, v21;
	v17 =	vld.idx.msk [tilespmem:v37+s4+$0x0], $0xffff  }
0x1b8: {  	v18 =	vsub.f32 v15, v18;
	v15 =	vsub.f32 v16, v20;
	v13 =	vand.u32 $0xFFFFFC00, v33;
	v34 =	vld [tilespmem:s31+$0x180]  }
0x1b9: {  	v32 =	vand.u32 $0x7F, v32;
	v31 =	vor.u32 v13, v31;
	v20 =	vmul.f32 v24, v1;
	v16 =	vld [tilespmem:s8+$0x180]  }
0x1ba: {  	v36 =	vsub.f32 $1.000000000e+00, v15;
	v13 =	vand.u32 $0x7F, v28;
	v28 =	vand.u32 $0xFFFFFC00, v38;
	v33 =	vld [tilespmem:s8+$0x100]  }
0x1bb: {  	v28 =	vor.u32 v28, v13;
	v27 =	vmul.f32 v12, v27;
	v37 =	vld [tilespmem:s8+$0x80];
	v38 =	vmul.f32 v39, v1  }
0x1bc: {  	v41 =	vmul.f32 v35, v2;
	v13 =	vsub.f32 $1.000000000e+00, v18;
	v12 =	vmovc v36;
	v25 =	vmul.f32 v11, v25;
	v11 =	vmovc v15;
	v40 =	vld [tilespmem:s31+$0x100]  }
0x1bd: {  	v35 =	vmul.f32 v35, v6;
	v31 =	vor.u32 $0x200, v31;
	v15 =	vmul.f32 v34, v4  }
0x1be: {  	v24 =	vmul.f32 v24, v5;
	s8 =	scvt.s32.f32 s28;
	v25 =	vadd.f32 v27, v25;
	v36 =	vmul.f32 v16, v7;
	v23 =	vld.idx.msk [tilespmem:v23+s4+$0x0], $0xffff  }
0x1bf: {  	v42 =	vsub.f32 $1.000000000e+00, v29;
	v16 =	vmul.f32 v16, v4;
	v27 =	vmul.f32 v33, v8  }
0x1c0: {  	v44 =	vsub.f32 $1.000000000e+00, v14;
	v33 =	vmul.f32 v33, v3;
	v43 =	vmul.f32 v37, v2;
	v30 =	vld.idx.msk [tilespmem:v30+s4+$0x0], $0xffff;
	[tilespmem:s6+$0x280] =	vst v25  }
0x1c1: {  	v38 =	vadd.f32 v41, v38;
	v37 =	vmul.f32 v37, v6;
	v41 =	vmul.f32 v40, v3;
	v45 =	vld.idx.msk [tilespmem:v21+s4+$0x0], $0xffff  }
0x1c2: {  	s6 =	scvt.s32.f32 s29;
	v25 =	vor.u32 v26, v32;
	v16 =	vadd.f32 v16, v33;
	v20 =	vadd.f32 v43, v20  }
0x1c3: {  	v28 =	vor.u32 $0x200, v28;
	v24 =	vadd.f32 v37, v24;
	v15 =	vadd.f32 v15, v41;
	v26 =	vld.idx.msk [tilespmem:v31+s4+$0x0], $0xffff  }
0x1c4: {  	v31 =	vadd.f32 s6, v0;
	v21 =	vmul.f32 v42, v23;
	v16 =	vadd.f32 v16, v20  }
0x1c5: {  	v20 =	vadd.f32 v36, v27;
	v27 =	vmul.f32 v34, v7;
	v23 =	vadd.f32 v15, v38  }
0x1c6: {  	v32 =	vadd.f32 s8, v0;
	v15 =	vadd.f32 v16, v9;
	v16 =	vmul.f32 v40, v8  }
0x1c7: {  	v20 =	vadd.f32 v20, v24;
	v24 =	vmul.f32 v14, v30;
	v33 =	vadd.f32 v23, v9  }
0x1c8: {  	v30 =	vmul.f32 v39, v5;
	v14 =	vadd.f32 $1.258291200e+07, v15;
	v27 =	vadd.f32 v27, v16  }
0x1c9: {  	v16 =	vadd.f32 v20, v10;
	v23 =	vmul.f32 v18, v26;
	v20 =	vadd.f32 $1.258291200e+07, v33;
	v26 =	vld.idx.msk [tilespmem:v28+s4+$0x0], $0xffff  }
0x1ca: {  	v19 =	vand.u32 $0x7F, v19;
	v18 =	vadd.f32 $-1.258291200e+07, v14;
	v14 =	vadd.f32 v35, v30  }
0x1cb: {  	v19 =	vor.u32 v22, v19;
	v28 =	vadd.f32 $1.258291200e+07, v16;
	v34 =	vadd.f32 $-1.258291200e+07, v20  }
0x1cc: {  	v22 =	vsub.f32 v31, v18;
	v14 =	vadd.f32 v27, v14;
	v27 =	vor.u32 $0x280, v19  }
0x1cd: {  	v29 =	vmul.f32 v29, v45;
	v20 =	vadd.f32 $-1.258291200e+07, v28;
	v19 =	vsub.f32 v32, v34  }
0x1ce: {  	v22 =	vmax.f32 v22, $1.000000000e+00;
	v30 =	vadd.f32 v14, v10;
	v14 =	vsub.f32 v33, v34  }
0x1cf: {  	v28 =	vsub.f32 v31, v20;
	v22 =	vmin.f32 v22, $2.047000000e+03;
	v19 =	vmax.f32 v19, $1.000000000e+00  }
0x1d0: {  	v22 =	vtrunc.f32 v22;
	v31 =	vadd.f32 $1.258291200e+07, v30;
	v19 =	vmin.f32 v19, $2.047000000e+03  }
0x1d1: {  	v28 =	vmax.f32 v28, $1.000000000e+00;
	v22 =	vcvt.f32.s32 v22;
	v19 =	vtrunc.f32 v19  }
0x1d2: {  	v33 =	vmin.f32 v28, $2.047000000e+03;
	v34 =	vadd.f32 $-1.258291200e+07, v31;
	v28 =	vcvt.f32.s32 v19  }
0x1d3: {  	v19 =	vtrunc.f32 v33;
	v33 =	vshll.u32 v22, $0x3;
	v35 =	vadd.s32 $0xFFFFFFFF, v22  }
.Ltmp4:
0x1d4: {  	v19 =	vcvt.f32.s32 v19;
	v31 =	vand.u32 $0x7F, v35;
	v36 =	vsub.f32 v32, v34;
	(pc) =	sbr.rel @p1 .LBB2_7-.Ltmp4, $4  }
0x1d5: {  	v37 =	vand.u32 $0xFFFFFC00, v33;
	v33 =	vshll.u32 v35, $0x3;
	v35 =	vmul.f32 v44, v26  }
0x1d6: {  	v26 =	vshll.u32 v19, $0x3;
	v32 =	vadd.s32 $0xFFFFFFFF, v19;
	v36 =	vmax.f32 v36, $1.000000000e+00  }
0x1d7: {  	v38 =	vand.u32 $0x7F, v22;
	v22 =	vand.u32 $0xFFFFFC00, v26;
	v26 =	vshll.u32 v32, $0x3  }
0x1d8: {  	s11 =	sadd.s32 $0x100, s11;
	s30 =	sor.u32 s3, s1;
	s28 =	sadd.s32 $0x20, s28;
	v37 =	vor.u32 v37, v38;
	v26 =	vand.u32 $0xFFFFFC00, v26;
	v36 =	vmin.f32 v36, $2.047000000e+03  }
0x1d9: {  	v1 =	vor.u32 $0x200, v37;
	v2 =	vtrunc.f32 v36  }
0x1da: {  	v3 =	vshll.u32 v28, $0x3;
	v4 =	vadd.s32 $0xFFFFFFFF, v28;
	v5 =	vor.u32 $0x280, v25  }
0x1db: {  	v10 =	vand.u32 $0x7F, v32;
	v2 =	vcvt.f32.s32 v2;
	v6 =	vand.u32 $0x7F, v4  }
0x1dc: {  	v4 =	vshll.u32 v4, $0x3;
	v3 =	vand.u32 $0xFFFFFC00, v3;
	v10 =	vor.u32 v26, v10  }
0x1dd: {  	v4 =	vand.u32 $0xFFFFFC00, v4;
	v10 =	vor.u32 $0x280, v10;
	v7 =	vshll.u32 v2, $0x3  }
0x1de: {  	v8 =	vadd.s32 $0xFFFFFFFF, v2;
	v2 =	vand.u32 $0x7F, v2;
	v4 =	vor.u32 v4, v6  }
0x1df: {  	v9 =	vshll.u32 v8, $0x3;
	v7 =	vand.u32 $0xFFFFFC00, v7;
	v8 =	vand.u32 $0x7F, v8  }
0x1e0: {  	v4 =	vor.u32 $0x200, v4;
	v2 =	vor.u32 v7, v2;
	v7 =	vand.u32 $0x7F, v28  }
0x1e1: {  	v9 =	vand.u32 $0xFFFFFC00, v9;
	v5 =	vld.idx.msk [tilespmem:v5+s4+$0x0], $0xffff;
	v2 =	vor.u32 $0x280, v2;
	v3 =	vor.u32 v3, v7  }
0x1e2: {  	v1 =	vld.idx.msk [tilespmem:v1+s4+$0x0], $0xffff;
	v6 =	vor.u32 v9, v8;
	v9 =	vand.u32 $0xFFFFFC00, v33;
	v3 =	vor.u32 $0x200, v3  }
0x1e3: {  	v8 =	vld.idx.msk [tilespmem:v27+s4+$0x0], $0xffff;
	v6 =	vor.u32 $0x280, v6;
	v7 =	vor.u32 v9, v31;
	v9 =	vand.u32 $0x7F, v19  }
0x1e4: {  	v10 =	vld.idx.msk [tilespmem:v10+s4+$0x0], $0xffff;
	v7 =	vor.u32 $0x200, v7;
	v9 =	vor.u32 v22, v9  }
0x1e5: {  	v9 =	vor.u32 $0x280, v9;
	v4 =	vld.idx.msk [tilespmem:v4+s4+$0x0], $0xffff  }
0x1e6: {  	v2 =	vld.idx.msk [tilespmem:v2+s4+$0x0], $0xffff  }
0x1e7: {  	v13 =	vmul.f32 v13, v17;
	v17 =	vadd.f32 v35, v24;
	v21 =	vadd.f32 v21, v29;
	v3 =	vld.idx.msk [tilespmem:v3+s4+$0x0], $0xffff  }
0x1e8: {  	v15 =	vsub.f32 v15, v18;
	v19 =	vsub.f32 v30, v34;
	v6 =	vld.idx.msk [tilespmem:v6+s4+$0x0], $0xffff  }
0x1e9: {  	v13 =	vadd.f32 v13, v23;
	v5 =	vmul.f32 v11, v5;
	v8 =	vmul.f32 v12, v8;
	v7 =	vld.idx.msk [tilespmem:v7+s4+$0x0], $0xffff  }
0x1ea: {  	s3 =	sor.u32 $0x60, s23;
	v18 =	vsub.f32 $1.000000000e+00, v19;
	v11 =	vsub.f32 $1.000000000e+00, v14;
	v9 =	vld.idx.msk [tilespmem:v9+s4+$0x0], $0xffff  }
0x1eb: {  	v12 =	vsub.f32 v16, v20;
	v5 =	vadd.f32 v8, v5;
	v8 =	vmov s3  }
0x1ec: {  	[tilespmem:s30+$0x200] =	vst v17;
	v4 =	vmul.f32 v14, v4;
	v14 =	vsub.f32 $1.000000000e+00, v15;
	v3 =	vmul.f32 v11, v3  }
0x1ed: {  	s1 =	sor.u32 s24, s1;
	[tilespmem:s30+$0x280] =	vst v21;
	v2 =	vmul.f32 v18, v2;
	v6 =	vmul.f32 v19, v6;
	v11 =	vsub.f32 $1.000000000e+00, v12  }
0x1ee: {  	[tilespmem:s1+$0x200] =	vst v13;
	v1 =	vmul.f32 v14, v1;
	v7 =	vmul.f32 v15, v7;
	v3 =	vadd.f32 v3, v4  }
0x1ef: {  	s24 =	sor.u32 s26, s0;
	[tilespmem:s1+$0x280] =	vst v5;
	v5 =	vmul.f32 v12, v10;
	v2 =	vadd.f32 v2, v6;
	v4 =	vmul.f32 v11, v9  }
0x1f0: {  	v1 =	vadd.f32 v1, v7;
	[tilespmem:s24+$0x200] =	vst v3;
	v3 =	vor.u32 $0x61, v8  }
0x1f1: {  	s25 =	sor.u32 s25, s0;
	[tilespmem:s24+$0x280] =	vst v2;
	v2 =	vadd.f32 v4, v5;
	v4 =	vor.u32 $0x62, v8  }
0x1f2: {  	v5 =	vor.u32 $0x63, v8;
	[tilespmem:s25+$0x200] =	vst v1  }
0x1f3: {  	v6 =	vor.u32 $0x70, v8;
	[tilespmem:s25+$0x280] =	vst v2  }
0x1f4: {  	v7 =	vor.u32 $0x71, v8;
	v1 =	vld.idx.msk [tilespmem:v8+s13+$0x0], $0xffff  }
0x1f5: {  	v9 =	vor.u32 $0x73, v8;
	v2 =	vld.idx.msk [tilespmem:v3+s13+$0x0], $0xffff  }
0x1f6: {  	v3 =	vld.idx.msk [tilespmem:v4+s13+$0x0], $0xffff  }
0x1f7: {  	s25 =	simm.s32 $0x0;
	v4 =	vld.idx.msk [tilespmem:v5+s13+$0x0], $0xffff  }
0x1f8: {  	s26 =	simm.s32 $0x10;
	s6 =	sand.u32 $0x3C00, s25;
	v5 =	vld.idx.msk [tilespmem:v6+s13+$0x0], $0xffff  }
0x1f9: {  	s7 =	sand.u32 $0x70, s26;
	s1 =	sadd.s32 $0x12000, s6;
	v6 =	vld.idx.msk [tilespmem:v7+s13+$0x0], $0xffff  }
0x1fa: {  	v10 =	vor.u32 $0x64, v8;
	v14 =	vor.u32 $0x74, v8;
	v7 =	vor.u32 $0x72, v8;
	s3 =	sor.u32 s7, s1;
	v8 =	vld.idx.msk [tilespmem:v9+s13+$0x0], $0xffff  }
0x1fb: {  	v11 =	vld [tilespmem:s3+$0x0]  }
0x1fc: {  	v12 =	vld [tilespmem:s3+$0x80]  }
0x1fd: {  	v13 =	vld [tilespmem:s3+$0x100]  }
0x1fe: {  	v15 =	vld [tilespmem:s3+$0x180]  }
0x1ff: {  	s8 =	simm.s32 $0x0;
	v9 =	vld.idx.msk [tilespmem:v10+s13+$0x0], $0xffff  }
0x200: {  	s6 =	sand.u32 $0x60, s8;
	v7 =	vld.idx.msk [tilespmem:v7+s13+$0x0], $0xffff  }
0x201: {  	v10 =	vld.idx.msk [tilespmem:v14+s13+$0x0], $0xffff;
	s1 =	sor.u32 s6, s1  }
0x202: {  	v20 =	vld [tilespmem:s1+$0x80];
	v16 =	vmul.f32 v11, v1;
	v17 =	vmul.f32 v12, v2  }
0x203: {  	v21 =	vld [tilespmem:s1+$0x100];
	v14 =	vmul.f32 v13, v3;
	v18 =	vmul.f32 v15, v4  }
0x204: {  	s11 =	simm.s32 $0x100;
	s0 =	scvt.s32.f32 s26;
	v11 =	vmul.f32 v11, v5;
	v12 =	vmul.f32 v12, v6;
	v16 =	vadd.f32 v17, v16;
	v17 =	vld [tilespmem:s1+$0x180]  }
0x205: {  	s20 =	simm.s32 $0x30;
	s19 =	sand.u32 $0x3C00, s11;
	v19 =	vld [tilespmem:s1+$0x0];
	v15 =	vmul.f32 v15, v8;
	v14 =	vadd.f32 v18, v14;
	v13 =	vmul.f32 v13, v7  }
0x206: {  	s23 =	sand.u32 $0x70, s20;
	v23 =	vadd.f32 s0, v0;
	s0 =	scvt.s32.f32 s20;
	v11 =	vadd.f32 v12, v11;
	s1 =	sadd.s32 $0x12000, s19  }
0x207: {  	s24 =	simm.s32 $0x20;
	s3 =	sor.u32 s23, s1;
	v12 =	vadd.f32 v15, v13;
	v13 =	vadd.f32 v14, v16;
	v14 =	vmul.f32 v20, v2  }
0x208: {  	v41 =	vadd.f32 s0, v0;
	s26 =	sand.u32 $0x60, s24;
	s7 =	scvt.s32.f32 s24;
	v28 =	vld [tilespmem:s3+$0x180];
	v15 =	vmul.f32 v21, v3;
	v21 =	vmul.f32 v21, v7  }
0x209: {  	s1 =	sor.u32 s26, s1;
	v16 =	vmul.f32 v17, v4;
	v11 =	vadd.f32 v12, v11;
	v13 =	vadd.f32 v13, v9  }
0x20a: {  	v30 =	vadd.f32 s7, v0;
	v39 =	vld [tilespmem:s1+$0x80];
	v17 =	vmul.f32 v17, v8;
	v12 =	vmul.f32 v19, v1  }
0x20b: {  	v62 =	vld [tilespmem:s1+$0x180];
	v20 =	vmul.f32 v20, v6;
	v11 =	vadd.f32 v11, v10;
	v18 =	vadd.f32 $1.258291200e+07, v13  }
0x20c: {  	v19 =	vmul.f32 v19, v5;
	v17 =	vadd.f32 v17, v21;
	v12 =	vadd.f32 v14, v12  }
0x20d: {  	v60 =	vmul.f32 v28, v4;
	v22 =	vadd.f32 $1.258291200e+07, v11;
	v18 =	vadd.f32 $-1.258291200e+07, v18  }
0x20e: {  	v28 =	vmul.f32 v28, v8;
	v14 =	vadd.f32 v16, v15;
	v19 =	vadd.f32 v20, v19  }
0x20f: {  	s10 =	scvt.s32.f32 s8;
	v63 =	vmul.f32 v39, v6;
	v15 =	vadd.f32 $-1.258291200e+07, v22;
	v16 =	vsub.f32 v23, v18  }
0x210: {  	v35 =	vmul.f32 v62, v8;
	v12 =	vadd.f32 v14, v12;
	v17 =	vadd.f32 v17, v19  }
0x211: {  	v19 =	vadd.f32 s10, v0;
	v14 =	vsub.f32 v23, v15;
	v16 =	vmax.f32 v16, $1.000000000e+00  }
0x212: {  	v12 =	vadd.f32 v12, v9;
	v17 =	vadd.f32 v17, v10;
	v16 =	vmin.f32 v16, $2.047000000e+03  }
0x213: {  	v13 =	vsub.f32 v13, v18;
	v14 =	vmax.f32 v14, $1.000000000e+00;
	v16 =	vtrunc.f32 v16  }
0x214: {  	v20 =	vadd.f32 $1.258291200e+07, v12;
	v14 =	vmin.f32 v14, $2.047000000e+03;
	v16 =	vcvt.f32.s32 v16  }
0x215: {  	v31 =	vsub.f32 $1.000000000e+00, v13;
	v11 =	vsub.f32 v11, v15;
	v14 =	vtrunc.f32 v14  }
0x216: {  	v20 =	vadd.f32 $-1.258291200e+07, v20;
	v14 =	vcvt.f32.s32 v14;
	v21 =	vshll.u32 v16, $0x3  }
0x217: {  	v22 =	vadd.s32 $0xFFFFFFFF, v16;
	v16 =	vand.u32 $0x7F, v16;
	v21 =	vand.u32 $0xFFFFFC00, v21  }
0x218: {  	v23 =	vshll.u32 v22, $0x3;
	v22 =	vand.u32 $0x7F, v22;
	v16 =	vor.u32 v21, v16  }
0x219: {  	v21 =	vand.u32 $0xFFFFFC00, v23;
	v23 =	vadd.f32 $1.258291200e+07, v17;
	v24 =	vand.u32 $0x7F, v14  }
0x21a: {  	v16 =	vor.u32 $0x300, v16;
	v21 =	vor.u32 v21, v22;
	v22 =	vshll.u32 v14, $0x3  }
0x21b: {  	v14 =	vadd.s32 $0xFFFFFFFF, v14;
	v21 =	vor.u32 $0x300, v21;
	v23 =	vadd.f32 $-1.258291200e+07, v23  }
0x21c: {  	v22 =	vand.u32 $0xFFFFFC00, v22;
	v25 =	vand.u32 $0x7F, v14;
	v14 =	vshll.u32 v14, $0x3  }
0x21d: {  	v22 =	vor.u32 v22, v24;
	v24 =	vsub.f32 v19, v20;
	v14 =	vand.u32 $0xFFFFFC00, v14  }
0x21e: {  	v61 =	vsub.f32 $1.000000000e+00, v11;
	v19 =	vsub.f32 v19, v23;
	v14 =	vor.u32 v14, v25;
	v25 =	vld [tilespmem:s3+$0x100]  }
0x21f: {  	v12 =	vsub.f32 v12, v20;
	v22 =	vor.u32 $0x380, v22;
	v24 =	vmax.f32 v24, $1.000000000e+00;
	v26 =	vld.idx.msk [tilespmem:v16+s4+$0x0], $0xffff  }
0x220: {  	v14 =	vor.u32 $0x380, v14;
	v16 =	vmin.f32 v24, $2.047000000e+03;
	v19 =	vmax.f32 v19, $1.000000000e+00;
	v24 =	vld [tilespmem:s3+$0x0]  }
0x221: {  	v20 =	vld.idx.msk [tilespmem:v21+s4+$0x0], $0xffff;
	v21 =	vtrunc.f32 v16;
	v16 =	vsub.f32 v17, v23;
	v19 =	vmin.f32 v19, $2.047000000e+03  }
0x222: {  	v23 =	vld [tilespmem:s3+$0x80];
	v17 =	vsub.f32 $1.000000000e+00, v12;
	v21 =	vcvt.f32.s32 v21;
	v19 =	vtrunc.f32 v19  }
0x223: {  	v18 =	vsub.f32 $1.000000000e+00, v16;
	v19 =	vcvt.f32.s32 v19;
	v59 =	vmul.f32 v25, v3  }
0x224: {  	v38 =	vld [tilespmem:s1+$0x0];
	v25 =	vmul.f32 v25, v7;
	v27 =	vshll.u32 v21, $0x3;
	v29 =	vadd.s32 $0xFFFFFFFF, v21  }
0x225: {  	v40 =	vld [tilespmem:s1+$0x100];
	v21 =	vand.u32 $0x7F, v21;
	v56 =	vadd.s32 $0xFFFFFFFF, v19;
	v15 =	vshll.u32 v29, $0x3  }
0x226: {  	v14 =	vld.idx.msk [tilespmem:v14+s4+$0x0], $0xffff;
	v26 =	vmul.f32 v31, v26;
	v58 =	vshll.u32 v19, $0x3;
	v13 =	vmul.f32 v13, v20  }
0x227: {  	v27 =	vand.u32 $0xFFFFFC00, v27;
	v20 =	vld.idx.msk [tilespmem:v22+s4+$0x0], $0xffff;
	v22 =	vmul.f32 v24, v1;
	v31 =	vmul.f32 v23, v2  }
0x228: {  	v25 =	vadd.f32 v28, v25;
	v24 =	vmul.f32 v24, v5;
	v23 =	vmul.f32 v23, v6  }
0x229: {  	v57 =	vshll.u32 v56, $0x3;
	v22 =	vadd.f32 v31, v22;
	v31 =	vadd.f32 v60, v59  }
0x22a: {  	s23 =	simm.s32 $0x200;
	v15 =	vand.u32 $0xFFFFFC00, v15;
	v23 =	vadd.f32 v23, v24;
	v24 =	vadd.f32 v26, v13  }
0x22b: {  	s24 =	simm.s32 $0x50;
	s6 =	sand.u32 $0x3C00, s23;
	v11 =	vmul.f32 v11, v14;
	v14 =	vand.u32 $0x7F, v29;
	v29 =	vmul.f32 v38, v5  }
0x22c: {  	s7 =	sand.u32 $0x70, s24;
	s0 =	sadd.s32 $0x12000, s6;
	v13 =	vadd.f32 v25, v23;
	v25 =	vmul.f32 v40, v3;
	v40 =	vmul.f32 v40, v7  }
0x22d: {  	s1 =	sor.u32 s7, s0;
	v33 =	vand.u32 $0xFFFFFC00, v57;
	v22 =	vadd.f32 v31, v22;
	v20 =	vmul.f32 v61, v20  }
0x22e: {  	v57 =	vld [tilespmem:s1+$0x80];
	v14 =	vor.u32 v15, v14;
	v29 =	vadd.f32 v63, v29;
	v15 =	vadd.f32 v35, v40  }
0x22f: {  	v14 =	vor.u32 $0x300, v14;
	v23 =	vadd.f32 v20, v11;
	v20 =	vadd.f32 v22, v9  }
0x230: {  	v26 =	vadd.f32 v13, v10;
	v11 =	vmul.f32 v38, v1;
	v22 =	vmul.f32 v39, v2  }
0x231: {  	v59 =	vld [tilespmem:s1+$0x180];
	v13 =	vmul.f32 v62, v4;
	v15 =	vadd.f32 v15, v29;
	v31 =	vadd.f32 $1.258291200e+07, v20  }
0x232: {  	v28 =	vand.u32 $0xFFFFFC00, v58;
	v11 =	vadd.f32 v22, v11;
	v22 =	vadd.f32 $1.258291200e+07, v26  }
0x233: {  	v36 =	vmul.f32 v57, v6;
	v13 =	vadd.f32 v13, v25;
	v31 =	vadd.f32 $-1.258291200e+07, v31  }
0x234: {  	v25 =	vand.u32 $0x7F, v56;
	v44 =	vadd.f32 v15, v10;
	v22 =	vadd.f32 $-1.258291200e+07, v22  }
0x235: {  	v25 =	vor.u32 v33, v25;
	v11 =	vadd.f32 v13, v11;
	v42 =	vsub.f32 v41, v31  }
0x236: {  	v38 =	vmul.f32 v59, v8;
	v25 =	vor.u32 $0x380, v25;
	v14 =	vld.idx.msk [tilespmem:v14+s4+$0x0], $0xffff;
	v43 =	vsub.f32 v41, v22  }
0x237: {  	v45 =	vadd.f32 $1.258291200e+07, v44;
	v11 =	vadd.f32 v11, v9;
	v13 =	vmax.f32 v42, $1.000000000e+00  }
0x238: {  	v20 =	vsub.f32 v20, v31;
	v29 =	vmax.f32 v43, $1.000000000e+00;
	v13 =	vmin.f32 v13, $2.047000000e+03  }
0x239: {  	v22 =	vsub.f32 v26, v22;
	v29 =	vmin.f32 v29, $2.047000000e+03;
	v13 =	vtrunc.f32 v13  }
0x23a: {  	v15 =	vtrunc.f32 v29;
	v29 =	vadd.f32 $1.258291200e+07, v11;
	v13 =	vcvt.f32.s32 v13  }
0x23b: {  	v33 =	vadd.f32 $-1.258291200e+07, v45;
	v14 =	vmul.f32 v12, v14;
	v15 =	vcvt.f32.s32 v15  }
0x23c: {  	v31 =	vsub.f32 $1.000000000e+00, v20;
	v29 =	vadd.f32 $-1.258291200e+07, v29;
	v46 =	vand.u32 $0x7F, v13  }
0x23d: {  	v47 =	vshll.u32 v13, $0x3;
	v48 =	vand.u32 $0x7F, v15;
	v49 =	vshll.u32 v15, $0x3  }
0x23e: {  	s8 =	simm.s32 $0x40;
	v13 =	vadd.s32 $0xFFFFFFFF, v13;
	v15 =	vadd.s32 $0xFFFFFFFF, v15;
	v35 =	vand.u32 $0xFFFFFC00, v47  }
0x23f: {  	s11 =	sand.u32 $0x60, s8;
	v50 =	vand.u32 $0x7F, v13;
	v37 =	vand.u32 $0xFFFFFC00, v49;
	v51 =	vand.u32 $0x7F, v15  }
0x240: {  	s0 =	sor.u32 s11, s0;
	v13 =	vshll.u32 v13, $0x3;
	v15 =	vshll.u32 v15, $0x3;
	v34 =	vor.u32 v35, v46  }
0x241: {  	v63 =	vld [tilespmem:s0+$0x80];
	v13 =	vand.u32 $0xFFFFFC00, v13;
	v52 =	vor.u32 v37, v48;
	v15 =	vand.u32 $0xFFFFFC00, v15  }
0x242: {  	v34 =	vor.u32 $0x300, v34;
	v13 =	vor.u32 v13, v50;
	v15 =	vor.u32 v15, v51  }
0x243: {  	v55 =	vld [tilespmem:s1+$0x0];
	v35 =	vor.u32 $0x380, v52;
	v13 =	vor.u32 $0x300, v13;
	v53 =	vor.u32 $0x380, v15  }
0x244: {  	v15 =	vand.u32 $0x7F, v19;
	v19 =	vor.u32 v27, v21;
	v21 =	vld.idx.msk [tilespmem:v25+s4+$0x0], $0xffff;
	v25 =	vsub.f32 v30, v29  }
0x245: {  	v41 =	vsub.f32 $1.000000000e+00, v22;
	v27 =	vor.u32 $0x300, v19;
	v19 =	vsub.f32 v30, v33  }
0x246: {  	v47 =	vmul.f32 v63, v6;
	v46 =	vmul.f32 v63, v2;
	v25 =	vmax.f32 v25, $1.000000000e+00  }
0x247: {  	v15 =	vor.u32 v28, v15;
	v25 =	vmin.f32 v25, $2.047000000e+03;
	v19 =	vmax.f32 v19, $1.000000000e+00;
	v30 =	vld.idx.msk [tilespmem:v34+s4+$0x0], $0xffff  }
0x248: {  	s19 =	scvt.s32.f32 s24;
	v34 =	vor.u32 $0x380, v15;
	v15 =	vsub.f32 v11, v29;
	v29 =	vld.idx.msk [tilespmem:v35+s4+$0x0], $0xffff;
	v11 =	vsub.f32 v44, v33  }
0x249: {  	v33 =	vmul.f32 v55, v5;
	v54 =	vld.idx.msk [tilespmem:v13+s4+$0x0], $0xffff;
	v13 =	vmin.f32 v19, $2.047000000e+03;
	v19 =	vtrunc.f32 v25  }
0x24a: {  	s10 =	scvt.s32.f32 s8;
	v51 =	vadd.f32 s19, v0;
	v25 =	vld.idx.msk [tilespmem:v53+s4+$0x0], $0xffff;
	v16 =	vmul.f32 v16, v21;
	v19 =	vcvt.f32.s32 v19  }
0x24b: {  	v12 =	vsub.f32 $1.000000000e+00, v15;
	v28 =	vtrunc.f32 v13;
	v13 =	vsub.f32 $1.000000000e+00, v11  }
0x24c: {  	v26 =	vld [tilespmem:s1+$0x100];
	v56 =	vcvt.f32.s32 v28;
	v28 =	vadd.f32 s10, v0;
	v21 =	vshll.u32 v19, $0x3  }
0x24d: {  	v58 =	vadd.s32 $0xFFFFFFFF, v19;
	v44 =	vand.u32 $0x7F, v19;
	v19 =	vadd.f32 v36, v33  }
0x24e: {  	v60 =	vadd.s32 $0xFFFFFFFF, v56;
	v30 =	vmul.f32 v31, v30;
	v20 =	vmul.f32 v20, v54  }
0x24f: {  	v61 =	vshll.u32 v58, $0x3;
	v29 =	vmul.f32 v41, v29;
	v22 =	vmul.f32 v22, v25  }
0x250: {  	v25 =	vld [tilespmem:s0+$0x0];
	v40 =	vadd.f32 v30, v20;
	v20 =	vmul.f32 v55, v1;
	v30 =	vmul.f32 v57, v2  }
0x251: {  	v31 =	vadd.f32 v29, v22;
	v22 =	vmul.f32 v26, v3;
	v29 =	vmul.f32 v59, v4  }
0x252: {  	v43 =	vshll.u32 v56, $0x3;
	v21 =	vand.u32 $0xFFFFFC00, v21;
	v20 =	vadd.f32 v30, v20;
	v30 =	vld [tilespmem:s0+$0x100]  }
0x253: {  	v37 =	vand.u32 $0x7F, v58;
	v26 =	vmul.f32 v26, v7;
	v22 =	vadd.f32 v29, v22;
	v29 =	vld [tilespmem:s0+$0x180]  }
0x254: {  	v35 =	vand.u32 $0x7F, v56;
	v42 =	vshll.u32 v60, $0x3;
	v62 =	vand.u32 $0xFFFFFC00, v61  }
0x255: {  	v26 =	vadd.f32 v38, v26;
	v45 =	vmul.f32 v25, v1;
	v25 =	vmul.f32 v25, v5  }
0x256: {  	v43 =	vand.u32 $0xFFFFFC00, v43;
	v39 =	vand.u32 $0x7F, v60;
	v20 =	vadd.f32 v22, v20  }
0x257: {  	v50 =	vor.u32 v21, v44;
	v19 =	vadd.f32 v26, v19;
	v25 =	vadd.f32 v47, v25  }
0x258: {  	v20 =	vadd.f32 v20, v9;
	v22 =	vmul.f32 v30, v3;
	v26 =	vmul.f32 v29, v4  }
0x259: {  	v19 =	vadd.f32 v19, v10;
	v30 =	vmul.f32 v30, v7;
	v29 =	vmul.f32 v29, v8  }
0x25a: {  	v42 =	vand.u32 $0xFFFFFC00, v42;
	v26 =	vadd.f32 v26, v22;
	v22 =	vadd.f32 $1.258291200e+07, v20  }
0x25b: {  	v32 =	vor.u32 v62, v37;
	v49 =	vadd.f32 $1.258291200e+07, v19;
	v29 =	vadd.f32 v29, v30  }
0x25c: {  	v35 =	vor.u32 v43, v35;
	v33 =	vadd.f32 v46, v45;
	v21 =	vadd.f32 $-1.258291200e+07, v22  }
0x25d: {  	v53 =	vor.u32 $0x300, v50;
	v22 =	vadd.f32 $-1.258291200e+07, v49;
	v25 =	vadd.f32 v29, v25  }
0x25e: {  	v48 =	vor.u32 v42, v39;
	v26 =	vadd.f32 v26, v33;
	v30 =	vsub.f32 v51, v21  }
0x25f: {  	v52 =	vld.idx.msk [tilespmem:v27+s4+$0x0], $0xffff;
	v32 =	vor.u32 $0x300, v32;
	v29 =	vsub.f32 v51, v22;
	v27 =	vadd.f32 v25, v10  }
0x260: {  	v34 =	vld.idx.msk [tilespmem:v34+s4+$0x0], $0xffff;
	v55 =	vor.u32 $0x380, v35;
	v54 =	vadd.f32 v26, v9;
	v26 =	vmax.f32 v30, $1.000000000e+00  }
0x261: {  	v30 =	vadd.f32 $1.258291200e+07, v27;
	v25 =	vmin.f32 v26, $2.047000000e+03;
	v26 =	vmax.f32 v29, $1.000000000e+00  }
0x262: {  	v29 =	vadd.f32 $1.258291200e+07, v54;
	v26 =	vmin.f32 v26, $2.047000000e+03;
	v25 =	vtrunc.f32 v25  }
0x263: {  	s3 =	sand.u32 $0x7, s25;
	v36 =	vor.u32 $0x380, v48;
	v56 =	vcvt.f32.s32 v25;
	v25 =	vtrunc.f32 v26  }
0x264: {  	s20 =	sand.u32 $0x3, s25;
	s26 =	simm.s32 $0x1;
	s6 =	sshll.u32 s3, $0x4;
	v30 =	vadd.f32 $-1.258291200e+07, v30;
	v57 =	vadd.f32 $-1.258291200e+07, v29;
	v29 =	vcvt.f32.s32 v25  }
0x265: {  	s7 =	simm.s32 $0x2;
	s3 =	sadd.s32 $0x10, s6;
	s0 =	sshll.u32 s20, $0x5;
	v26 =	vmul.f32 v17, v52;
	v25 =	vmul.f32 v18, v34;
	v17 =	vand.u32 $0x7F, v56  }
0x266: {  	s6 =	sand.u32 $0x3, s7;
	s1 =	sand.u32 $0x3, s26;
	s0 =	sadd.s32 $0x0, s0;
	v18 =	vshll.u32 v56, $0x3;
	v35 =	vadd.s32 $0xFFFFFFFF, v56;
	v58 =	vand.u32 $0x7F, v29  }
0x267: {  	s26 =	sor.u32 $0x300, s0;
	s28 =	sor.u32 $0x380, s0;
	s0 =	simm.s32 $0x2;
	v59 =	vshll.u32 v29, $0x3;
	v18 =	vand.u32 $0xFFFFFC00, v18;
	v29 =	vadd.s32 $0xFFFFFFFF, v29  }
0x268: {  	s8 =	sor.u32 $0x300, s3;
	s6 =	sshll.u32 s6, $0x5;
	s10 =	sand.u32 $0x7, s0;
	v60 =	vand.u32 $0x7F, v35;
	v61 =	vand.u32 $0xFFFFFC00, v59;
	v62 =	vand.u32 $0x7F, v29  }
0x269: {  	s3 =	sor.u32 $0x380, s3;
	s11 =	sadd.s32 $0x200, s6;
	v32 =	vld.idx.msk [tilespmem:v32+s4+$0x0], $0xffff;
	s7 =	sshll.u32 s10, $0x4;
	v17 =	vor.u32 v18, v17;
	v18 =	vshll.u32 v35, $0x3;
	v63 =	vshll.u32 v29, $0x3  }
0x26a: {  	s31 =	sor.u32 $0x300, s11;
	s30 =	sor.u32 $0x380, s11;
	[tilespmem:s8+$0x8000] =	vst v24;
	s7 =	sadd.s32 $0x110, s7;
	v33 =	vor.u32 $0x300, v17;
	v17 =	vand.u32 $0xFFFFFC00, v18;
	v18 =	vor.u32 v61, v58  }
0x26b: {  	s11 =	simm.s32 $0x3;
	[tilespmem:s3+$0x8000] =	vst v23;
	s1 =	sshll.u32 s1, $0x5;
	s19 =	sor.u32 $0x300, s7;
	v29 =	vld.idx.msk [tilespmem:v36+s4+$0x0], $0xffff;
	v24 =	vor.u32 v17, v60;
	v34 =	vor.u32 $0x380, v18;
	v18 =	vand.u32 $0xFFFFFC00, v63  }
0x26c: {  	s3 =	simm.s32 $0x110;
	s1 =	sadd.s32 $0x100, s1;
	s20 =	sor.u32 $0x380, s7;
	[tilespmem:s19+$0x8000] =	vst v40;
	v23 =	vsub.f32 v28, v57;
	v17 =	vld.idx.msk [tilespmem:v53+s4+$0x0], $0xffff;
	v35 =	vor.u32 $0x300, v24;
	v24 =	vor.u32 v18, v62  }
0x26d: {  	s25 =	sor.u32 $0x300, s1;
	s29 =	sor.u32 $0x380, s1;
	s1 =	simm.s32 $0x4;
	[tilespmem:s20+$0x8000] =	vst v31;
	v31 =	vsub.f32 v54, v57;
	v28 =	vsub.f32 v28, v30;
	v18 =	vld.idx.msk [tilespmem:v55+s4+$0x0], $0xffff;
	v24 =	vor.u32 $0x380, v24  }
.LBB2_9:
0x26e: {  	s6 =	sand.u32 $0x3, s11;
	v27 =	vsub.f32 v27, v30;
	v23 =	vmax.f32 v23, $1.000000000e+00;
	v30 =	vmul.f32 v15, v32  }
0x26f: {  	s23 =	sadd.s32 $0x100, s23;
	s6 =	sshll.u32 s6, $0x5;
	v32 =	vmin.f32 v23, $2.047000000e+03;
	v28 =	vmax.f32 v28, $1.000000000e+00;
	v23 =	vsub.f32 $1.000000000e+00, v31;
	v33 =	vld.idx.msk [tilespmem:v33+s4+$0x0], $0xffff;
	v15 =	vmovc v31  }
0x270: {  	s24 =	sadd.s32 $0x20, s24;
	s7 =	sand.u32 $0x3C00, s23;
	s6 =	sadd.s32 s6, s23;
	v31 =	vmin.f32 v28, $2.047000000e+03;
	v32 =	vtrunc.f32 v32;
	v28 =	vsub.f32 $1.000000000e+00, v27;
	v34 =	vld.idx.msk [tilespmem:v34+s4+$0x0], $0xffff  }
0x271: {  	v26 =	vadd.f32 v26, v14;
	s8 =	sadd.s32 $0xFFFFFFF0, s24;
	s10 =	sand.u32 $0x70, s24;
	s7 =	sadd.s32 $0x12000, s7;
	v14 =	vmovc v30;
	v32 =	vcvt.f32.s32 v32;
	v31 =	vtrunc.f32 v31;
	v35 =	vld.idx.msk [tilespmem:v35+s4+$0x0], $0xffff  }
0x272: {  	v25 =	vadd.f32 v25, v16;
	v16 =	vmul.f32 v11, v29;
	s19 =	sand.u32 $0x60, s8;
	s8 =	scvt.s32.f32 s8;
	v11 =	vmovc v27;
	s10 =	sor.u32 s10, s7;
	v30 =	vcvt.f32.s32 v31;
	v31 =	vld.idx.msk [tilespmem:v24+s4+$0x0], $0xffff  }
0x273: {  	v20 =	vsub.f32 v20, v21;
	s7 =	sor.u32 s19, s7;
	s19 =	sor.u32 $0x300, s6;
	s6 =	sor.u32 $0x380, s6;
	v27 =	vld [tilespmem:s10+$0x0];
	v29 =	vshll.u32 v32, $0x3;
	v36 =	vadd.s32 $0xFFFFFFFF, v32;
	[tilespmem:s26+$0x8000] =	vst v26  }
0x274: {  	v19 =	vsub.f32 v19, v22;
	v24 =	vadd.f32 s8, v0;
	s26 =	smov.u32 s25;
	s25 =	smov.u32 s31;
	s31 =	smov.u32 s19;
	v21 =	vld [tilespmem:s10+$0x80];
	v26 =	vadd.s32 $0xFFFFFFFF, v30;
	[tilespmem:s28+$0x8000] =	vst v25  }
0x275: {  	v38 =	vsub.f32 $1.000000000e+00, v20;
	v25 =	vshll.u32 v36, $0x3;
	s28 =	smov.u32 s29;
	s29 =	smov.u32 s30;
	s30 =	smov.u32 s6;
	v22 =	vld [tilespmem:s10+$0x100];
	v37 =	vshll.u32 v26, $0x3  }
0x276: {  	s0 =	sadd.s32 $0x2, s0;
	v41 =	vsub.f32 $1.000000000e+00, v19;
	v40 =	vshll.u32 v30, $0x3;
	v25 =	vand.u32 $0xFFFFFC00, v25;
	v39 =	vld [tilespmem:s10+$0x180]  }
0x277: {  	s6 =	sand.u32 $0x7, s0;
	v33 =	vmul.f32 v38, v33;
	v37 =	vand.u32 $0xFFFFFC00, v37;
	v20 =	vmul.f32 v20, v35;
	v42 =	vld [tilespmem:s7+$0x0]  }
0x278: {  	s1 =	sadd.s32 $0x2, s1;
	s3 =	sadd.s32 $0x100, s3;
	v29 =	vand.u32 $0xFFFFFC00, v29;
	s6 =	sshll.u32 s6, $0x4;
	v34 =	vmul.f32 v41, v34;
	v19 =	vmul.f32 v19, v31;
	v35 =	vld [tilespmem:s7+$0x80]  }
0x279: {  	p1 =	slt.u32 s1, $0x7E;
	v36 =	vand.u32 $0x7F, v36;
	v38 =	vand.u32 $0xFFFFFC00, v40;
	s6 =	sadd.s32 s6, s3;
	v20 =	vadd.f32 v33, v20;
	v31 =	vld [tilespmem:s7+$0x100]  }
0x27a: {  	v40 =	vmul.f32 v27, v1;
	v41 =	vmul.f32 v21, v2;
	v19 =	vadd.f32 v34, v19;
	v33 =	vld [tilespmem:s7+$0x180];
	s7 =	sor.u32 $0x300, s6  }
0x27b: {  	v26 =	vand.u32 $0x7F, v26;
	v34 =	vmul.f32 v22, v3;
	s6 =	sor.u32 $0x380, s6;
	v43 =	vmul.f32 v39, v4;
	[tilespmem:s7+$0x8000] =	vst v20  }
0x27c: {  	v21 =	vmul.f32 v21, v6;
	v20 =	vmul.f32 v27, v5;
	v27 =	vand.u32 $0x7F, v32;
	[tilespmem:s6+$0x8000] =	vst v19  }
0x27d: {  	v30 =	vand.u32 $0x7F, v30;
	v19 =	vmul.f32 v22, v7;
	v22 =	vmul.f32 v39, v8  }
0x27e: {  	v32 =	vmul.f32 v42, v1;
	v39 =	vadd.f32 v41, v40;
	v34 =	vadd.f32 v43, v34  }
0x27f: {  	v40 =	vmul.f32 v35, v2;
	v20 =	vadd.f32 v21, v20;
	v19 =	vadd.f32 v22, v19  }
0x280: {  	v21 =	vmul.f32 v31, v3;
	v22 =	vmul.f32 v33, v4;
	v34 =	vadd.f32 v34, v39  }
0x281: {  	v35 =	vmul.f32 v35, v6;
	v39 =	vmul.f32 v42, v5;
	v19 =	vadd.f32 v19, v20  }
0x282: {  	v31 =	vmul.f32 v31, v7;
	v33 =	vmul.f32 v33, v8;
	v20 =	vadd.f32 v34, v9  }
0x283: {  	v25 =	vor.u32 v25, v36;
	v32 =	vadd.f32 v40, v32;
	v19 =	vadd.f32 v19, v10  }
0x284: {  	v26 =	vor.u32 v37, v26;
	s6 =	scvt.s32.f32 s24;
	v34 =	vadd.f32 v22, v21;
	v21 =	vadd.f32 $1.258291200e+07, v20  }
0x285: {  	v27 =	vor.u32 v29, v27;
	v35 =	vadd.f32 v35, v39;
	v22 =	vadd.f32 $1.258291200e+07, v19  }
0x286: {  	v30 =	vor.u32 v38, v30;
	v29 =	vadd.f32 s6, v0;
	v21 =	vadd.f32 $-1.258291200e+07, v21  }
0x287: {  	v25 =	vor.u32 $0x300, v25;
	v31 =	vadd.f32 v33, v31;
	v22 =	vadd.f32 $-1.258291200e+07, v22  }
0x288: {  	v26 =	vor.u32 $0x380, v26;
	v32 =	vadd.f32 v34, v32;
	v33 =	vsub.f32 v29, v21  }
0x289: {  	v31 =	vadd.f32 v31, v35;
	v34 =	vor.u32 $0x300, v27;
	v29 =	vsub.f32 v29, v22  }
0x28a: {  	v36 =	vadd.f32 v32, v9;
	v32 =	vmax.f32 v33, $1.000000000e+00;
	v33 =	vor.u32 $0x380, v30  }
0x28b: {  	v27 =	vadd.f32 v31, v10;
	v30 =	vmin.f32 v32, $2.047000000e+03;
	v29 =	vmax.f32 v29, $1.000000000e+00  }
0x28c: {  	v31 =	vadd.f32 $1.258291200e+07, v36;
	v29 =	vmin.f32 v29, $2.047000000e+03;
	v30 =	vtrunc.f32 v30;
	v32 =	vld.idx.msk [tilespmem:v25+s4+$0x0], $0xffff  }
0x28d: {  	v25 =	vadd.f32 $1.258291200e+07, v27;
	v35 =	vcvt.f32.s32 v30;
	v30 =	vtrunc.f32 v29;
	v29 =	vld.idx.msk [tilespmem:v26+s4+$0x0], $0xffff  }
0x28e: {  	v31 =	vadd.f32 $-1.258291200e+07, v31;
	v37 =	vcvt.f32.s32 v30;
	v26 =	vmul.f32 v12, v17;
	v12 =	vmovc v23;
	v17 =	vld.idx.msk [tilespmem:v34+s4+$0x0], $0xffff  }
0x28f: {  	v30 =	vadd.f32 $-1.258291200e+07, v25;
	v23 =	vand.u32 $0x7F, v35;
	v25 =	vmul.f32 v13, v18;
	v13 =	vmovc v28;
	v18 =	vld.idx.msk [tilespmem:v33+s4+$0x0], $0xffff  }
0x290: {  	v28 =	vshll.u32 v35, $0x3;
	v34 =	vand.u32 $0x7F, v37;
	v33 =	vshll.u32 v37, $0x3  }
0x291: {  	v35 =	vadd.s32 $0xFFFFFFFF, v35;
	v28 =	vand.u32 $0xFFFFFC00, v28;
	v37 =	vadd.s32 $0xFFFFFFFF, v37  }
0x292: {  	v38 =	vand.u32 $0x7F, v35;
	v39 =	vand.u32 $0xFFFFFC00, v33;
	v40 =	vand.u32 $0x7F, v37  }
.Ltmp5:
0x293: {  	v23 =	vor.u32 v28, v23;
	v28 =	vshll.u32 v35, $0x3;
	v35 =	vshll.u32 v37, $0x3;
	(pc) =	sbr.rel @p1 .LBB2_9-.Ltmp5, $4  }
0x294: {  	v33 =	vor.u32 $0x300, v23;
	v23 =	vand.u32 $0xFFFFFC00, v28;
	v28 =	vor.u32 v39, v34  }
0x295: {  	v37 =	vor.u32 v23, v38;
	v34 =	vor.u32 $0x380, v28;
	v28 =	vand.u32 $0xFFFFFC00, v35  }
0x296: {  	v23 =	vsub.f32 v24, v31;
	v35 =	vor.u32 $0x300, v37;
	v37 =	vor.u32 v28, v40  }
0x297: {  	s11 =	sadd.s32 $0x1, s11;
	v31 =	vsub.f32 v36, v31;
	v28 =	vsub.f32 v24, v30;
	v24 =	vor.u32 $0x380, v37  }
0x298: {  	v1 =	vmax.f32 v23, $1.000000000e+00  }
0x299: {  	v1 =	vmin.f32 v1, $2.047000000e+03;
	v2 =	vmax.f32 v28, $1.000000000e+00  }
0x29a: {  	v2 =	vmin.f32 v2, $2.047000000e+03;
	v1 =	vtrunc.f32 v1  }
0x29b: {  	v1 =	vcvt.f32.s32 v1;
	v2 =	vtrunc.f32 v2  }
0x29c: {  	v2 =	vcvt.f32.s32 v2  }
0x29d: {  	v3 =	vadd.s32 $0xFFFFFFFF, v1  }
0x29e: {  	v4 =	vshll.u32 v1, $0x3;
	v1 =	vand.u32 $0x7F, v1;
	v5 =	vadd.s32 $0xFFFFFFFF, v2  }
0x29f: {  	v6 =	vshll.u32 v3, $0x3;
	v8 =	vshll.u32 v2, $0x3;
	v4 =	vand.u32 $0xFFFFFC00, v4  }
0x2a0: {  	v3 =	vand.u32 $0x7F, v3;
	v2 =	vand.u32 $0x7F, v2;
	v7 =	vshll.u32 v5, $0x3  }
0x2a1: {  	v6 =	vand.u32 $0xFFFFFC00, v6;
	v8 =	vand.u32 $0xFFFFFC00, v8;
	v1 =	vor.u32 v4, v1  }
0x2a2: {  	v5 =	vand.u32 $0x7F, v5;
	v3 =	vor.u32 v6, v3;
	v1 =	vor.u32 $0x300, v1  }
0x2a3: {  	v7 =	vand.u32 $0xFFFFFC00, v7;
	v6 =	vld.idx.msk [tilespmem:v33+s4+$0x0], $0xffff;
	v2 =	vor.u32 v8, v2;
	v3 =	vor.u32 $0x300, v3  }
0x2a4: {  	v8 =	vld.idx.msk [tilespmem:v24+s4+$0x0], $0xffff;
	v5 =	vor.u32 v7, v5;
	v2 =	vor.u32 $0x380, v2  }
0x2a5: {  	v7 =	vld.idx.msk [tilespmem:v35+s4+$0x0], $0xffff;
	v4 =	vor.u32 $0x380, v5  }
0x2a6: {  	v9 =	vsub.f32 v20, v21;
	v5 =	vld.idx.msk [tilespmem:v34+s4+$0x0], $0xffff  }
0x2a7: {  	v10 =	vsub.f32 v19, v22;
	v1 =	vld.idx.msk [tilespmem:v1+s4+$0x0], $0xffff  }
0x2a8: {  	v19 =	vsub.f32 v27, v30;
	v20 =	vsub.f32 $1.000000000e+00, v9;
	v3 =	vld.idx.msk [tilespmem:v3+s4+$0x0], $0xffff  }
0x2a9: {  	v15 =	vmul.f32 v15, v32;
	s0 =	sadd.s32 $0x2, s0;
	v11 =	vmul.f32 v11, v29;
	v22 =	vsub.f32 $1.000000000e+00, v10;
	v2 =	vld.idx.msk [tilespmem:v2+s4+$0x0], $0xffff  }
0x2aa: {  	v14 =	vadd.f32 v26, v14;
	s0 =	sand.u32 $0x7, s0;
	v6 =	vmul.f32 v20, v6;
	v7 =	vmul.f32 v9, v7;
	v4 =	vld.idx.msk [tilespmem:v4+s4+$0x0], $0xffff  }
0x2ab: {  	s1 =	sadd.s32 $0x100, s3;
	s0 =	sshll.u32 s0, $0x4;
	v8 =	vmul.f32 v10, v8;
	v9 =	vadd.f32 v25, v16;
	v5 =	vmul.f32 v22, v5  }
0x2ac: {  	v21 =	vsub.f32 $1.000000000e+00, v31;
	[tilespmem:s26+$0x8000] =	vst v14;
	s0 =	sadd.s32 s0, s1;
	v6 =	vadd.f32 v6, v7;
	v7 =	vmul.f32 v12, v17  }
0x2ad: {  	s1 =	sor.u32 $0x300, s0;
	v10 =	vsub.f32 $1.000000000e+00, v19;
	[tilespmem:s28+$0x8000] =	vst v9;
	v5 =	vadd.f32 v5, v8;
	v8 =	vmul.f32 v13, v18  }
0x2ae: {  	s0 =	sor.u32 $0x380, s0;
	[tilespmem:s1+$0x8000] =	vst v6;
	v6 =	vadd.f32 v7, v15;
	v1 =	vmul.f32 v21, v1;
	v3 =	vmul.f32 v31, v3  }
0x2af: {  	[tilespmem:s0+$0x8000] =	vst v5;
	v5 =	vadd.f32 v8, v11;
	v2 =	vmul.f32 v10, v2;
	v4 =	vmul.f32 v19, v4  }
0x2b0: {  	[tilespmem:s25+$0x8000] =	vst v6;
	v1 =	vadd.f32 v1, v3  }
0x2b1: {  	s24 =	sshll.u32 s22, $0xC;
	[tilespmem:s29+$0x8000] =	vst v5;
	v2 =	vadd.f32 v2, v4  }
0x2b2: {  	s0 =	sadd.s32 s5, s24;
	[tilespmem:s31+$0x8000] =	vst v1  }
0x2b3: {  	p1 =	seq.s32 s22, $0x1F;
	s25 =	sadd.s32 s2, s0;
	[tilespmem:s30+$0x8000] =	vst v2  }
0x2b4: {  	[hbm4b:s25+s4] =	stream.linear.scatter [tilespmem:s16], [sflag:$0x3], $0x4000, $0x38;
	[tilespmem:$0x16000] =	vst v63  }
0x2b5: {  	s1 =	simm.s32 @!p1 $0x0;
	s0 =	sadd.s32 @!p1 s0, s9  }
0x2b6: {  	[tilespmem:s1], [sflag:$0x1] =	stream.linear.gather @!p1 [hbm4b:s0+s1], $0x4000, $0x38;
	[tilespmem:$0x16000] =	vst v63  }
0x2b7: {  	s0 =	sshllo.u32 s22, $0x1  }
0x2b8: {  	_ =	swait.ge [sflag:s17], $0x4000;
	s24 =	sshll.u32 s0, $0x7  }
0x2b9: {  	[sflag:s17] =	ssyncset.done $0x0;
	v9 =	vmov s24  }
0x2ba: {  	s1 =	simm.s32 @!p0 $0x4;
	[sflag:s17] =	ssyncadd.s32 $0xFFFFC000;
	v2 =	vor.u32 $0x1, v9  }
0x2bb: {  	v4 =	vor.u32 $0x10, v9;
	_ =	swait.ge @!p0 [sflag:s1], $0x4000  }
0x2bc: {  	v5 =	vor.u32 $0x11, v9;
	[sflag:s1] =	ssyncset.done @!p0 $0x0  }
0x2bd: {  	v6 =	vor.u32 $0x12, v9;
	[sflag:s1] =	ssyncadd.s32 @!p0 $0xFFFFC000  }
0x2be: {  	v7 =	vor.u32 $0x13, v9;
	v1 =	vld.idx.msk [tilespmem:v9+s13+$0x0], $0xffff  }
0x2bf: {  	v2 =	vld.idx.msk [tilespmem:v2+s13+$0x0], $0xffff  }
0x2c0: {  	v4 =	vld.idx.msk [tilespmem:v4+s13+$0x0], $0xffff  }
0x2c1: {  	s26 =	simm.s32 $0x0;
	s30 =	simm.s32 $0x10;
	v5 =	vld.idx.msk [tilespmem:v5+s13+$0x0], $0xffff  }
0x2c2: {  	s6 =	sand.u32 $0x70, s30;
	s1 =	sand.u32 $0x3C00, s26;
	v6 =	vld.idx.msk [tilespmem:v6+s13+$0x0], $0xffff  }
0x2c3: {  	s7 =	simm.s32 $0x0;
	s25 =	sor.u32 s1, s6;
	v7 =	vld.idx.msk [tilespmem:v7+s13+$0x0], $0xffff  }
0x2c4: {  	s8 =	sand.u32 $0x60, s7;
	v8 =	vld [tilespmem:s25+$0x12080]  }
0x2c5: {  	s26 =	sor.u32 s8, s1;
	v10 =	vld [tilespmem:s25+$0x12000]  }
0x2c6: {  	s10 =	sadd.s32 $0x12000, s1;
	v11 =	vld [tilespmem:s26+$0x12000]  }
0x2c7: {  	v3 =	vor.u32 $0x3, v9;
	s31 =	sor.u32 s8, s10;
	v14 =	vld [tilespmem:s26+$0x12080]  }
0x2c8: {  	v13 =	vor.u32 $0x2, v9;
	s6 =	sor.u32 s6, s10;
	v12 =	vld [tilespmem:s31+$0x180]  }
0x2c9: {  	v15 =	vld [tilespmem:s6+$0x100]  }
0x2ca: {  	v16 =	vld [tilespmem:s31+$0x100]  }
0x2cb: {  	v17 =	vor.u32 $0x14, v9;
	v19 =	vld [tilespmem:s6+$0x180];
	v18 =	vmul.f32 v10, v4;
	v20 =	vmul.f32 v8, v2  }
0x2cc: {  	v3 =	vld.idx.msk [tilespmem:v3+s13+$0x0], $0xffff;
	v10 =	vmul.f32 v10, v1;
	v21 =	vmul.f32 v8, v5  }
0x2cd: {  	v8 =	vld.idx.msk [tilespmem:v13+s13+$0x0], $0xffff;
	v22 =	vmul.f32 v11, v4;
	v11 =	vmul.f32 v11, v1  }
0x2ce: {  	v23 =	vor.u32 $0x4, v9;
	v13 =	vmul.f32 v12, v7;
	v24 =	vmul.f32 v15, v6  }
0x2cf: {  	v25 =	vmul.f32 v16, v6;
	v20 =	vadd.f32 v20, v10;
	v10 =	vmul.f32 v14, v5  }
0x2d0: {  	v9 =	vld.idx.msk [tilespmem:v17+s13+$0x0], $0xffff;
	v17 =	vmul.f32 v19, v7;
	v18 =	vadd.f32 v21, v18;
	v14 =	vmul.f32 v14, v2  }
0x2d1: {  	s20 =	simm.s32 $0x20;
	s10 =	simm.s32 $0x100;
	v12 =	vmul.f32 v12, v3;
	v13 =	vadd.f32 v13, v25;
	v21 =	vadd.f32 v10, v22  }
0x2d2: {  	s23 =	sand.u32 $0x60, s20;
	s11 =	sand.u32 $0x3C00, s10;
	v17 =	vadd.f32 v17, v24;
	v11 =	vadd.f32 v14, v11;
	v16 =	vmul.f32 v16, v8  }
0x2d3: {  	s1 =	simm.s32 $0x30;
	s6 =	scvt.s32.f32 s30;
	s30 =	sadd.s32 $0x12000, s11;
	v14 =	vmul.f32 v19, v3;
	v15 =	vmul.f32 v15, v8;
	v13 =	vadd.f32 v13, v21  }
0x2d4: {  	s8 =	scvt.s32.f32 s7;
	s19 =	sand.u32 $0x70, s1;
	s31 =	sor.u32 s23, s30;
	v10 =	vld.idx.msk [tilespmem:v23+s13+$0x0], $0xffff;
	v12 =	vadd.f32 v12, v16;
	v16 =	vadd.f32 v17, v18  }
0x2d5: {  	s7 =	sor.u32 s19, s30;
	v52 =	vld [tilespmem:s31+$0x180];
	v14 =	vadd.f32 v14, v15;
	v15 =	vadd.f32 s6, v0  }
0x2d6: {  	v57 =	vld [tilespmem:s7+$0x180];
	v18 =	vadd.f32 s8, v0;
	v13 =	vadd.f32 v13, v9  }
0x2d7: {  	v11 =	vadd.f32 v12, v11;
	v12 =	vadd.f32 v16, v9  }
0x2d8: {  	v14 =	vadd.f32 v14, v20;
	v16 =	vadd.f32 $1.258291200e+07, v13  }
0x2d9: {  	v55 =	vld [tilespmem:s7+$0x100];
	v17 =	vadd.f32 $1.258291200e+07, v12;
	v11 =	vadd.f32 v11, v10  }
0x2da: {  	v38 =	vmul.f32 v52, v7;
	v14 =	vadd.f32 v14, v10;
	v16 =	vadd.f32 $-1.258291200e+07, v16  }
0x2db: {  	v41 =	vmul.f32 v57, v7;
	v17 =	vadd.f32 $-1.258291200e+07, v17;
	v19 =	vadd.f32 $1.258291200e+07, v11  }
0x2dc: {  	v33 =	vmul.f32 v52, v3;
	v22 =	vadd.f32 $1.258291200e+07, v14;
	v20 =	vsub.f32 v18, v16  }
0x2dd: {  	v32 =	vmul.f32 v57, v3;
	v13 =	vsub.f32 v13, v16;
	v21 =	vsub.f32 v15, v17  }
0x2de: {  	v34 =	vmul.f32 v55, v8;
	v19 =	vadd.f32 $-1.258291200e+07, v19;
	v22 =	vadd.f32 $-1.258291200e+07, v22  }
0x2df: {  	s29 =	sor.u32 s23, s11;
	v36 =	vsub.f32 v12, v17;
	v20 =	vmax.f32 v20, $1.000000000e+00;
	v37 =	vsub.f32 $1.000000000e+00, v13  }
0x2e0: {  	v12 =	vld [tilespmem:s29+$0x12080];
	v21 =	vmax.f32 v21, $1.000000000e+00;
	v18 =	vsub.f32 v18, v19;
	v15 =	vsub.f32 v15, v22  }
0x2e1: {  	v17 =	vld [tilespmem:s31+$0x100];
	v20 =	vmin.f32 v20, $2.047000000e+03;
	v31 =	vsub.f32 v14, v22;
	v19 =	vsub.f32 v11, v19  }
0x2e2: {  	v39 =	vsub.f32 $1.000000000e+00, v36;
	v21 =	vmin.f32 v21, $2.047000000e+03;
	v20 =	vtrunc.f32 v20  }
0x2e3: {  	v21 =	vtrunc.f32 v21;
	v18 =	vmax.f32 v18, $1.000000000e+00;
	v20 =	vcvt.f32.s32 v20  }
0x2e4: {  	v15 =	vmax.f32 v15, $1.000000000e+00;
	v11 =	vsub.f32 $1.000000000e+00, v31;
	v21 =	vcvt.f32.s32 v21  }
0x2e5: {  	v18 =	vmin.f32 v18, $2.047000000e+03;
	v43 =	vmul.f32 v12, v5;
	v12 =	vmul.f32 v12, v2  }
0x2e6: {  	v14 =	vmin.f32 v15, $2.047000000e+03;
	v58 =	vmul.f32 v17, v6;
	v17 =	vmul.f32 v17, v8  }
0x2e7: {  	v23 =	vand.u32 $0x7F, v20;
	v24 =	vadd.s32 $0xFFFFFFFF, v20;
	v18 =	vtrunc.f32 v18  }
0x2e8: {  	v20 =	vshll.u32 v20, $0x3;
	v14 =	vtrunc.f32 v14;
	v25 =	vshll.u32 v24, $0x3  }
0x2e9: {  	v18 =	vcvt.f32.s32 v18;
	v26 =	vshll.u32 v21, $0x3;
	v24 =	vand.u32 $0x7F, v24  }
0x2ea: {  	v28 =	vadd.s32 $0xFFFFFFFF, v21;
	v14 =	vcvt.f32.s32 v14;
	v20 =	vand.u32 $0xFFFFFC00, v20  }
0x2eb: {  	s28 =	sor.u32 s11, s19;
	v17 =	vadd.f32 v33, v17;
	v25 =	vand.u32 $0xFFFFFC00, v25;
	v15 =	vshll.u32 v28, $0x3  }
0x2ec: {  	v22 =	vand.u32 $0x7F, v28;
	v28 =	vld [tilespmem:s28+$0x12000];
	v15 =	vand.u32 $0xFFFFFC00, v15;
	v24 =	vor.u32 v25, v24  }
0x2ed: {  	v26 =	vand.u32 $0xFFFFFC00, v26;
	v15 =	vor.u32 v15, v22;
	v22 =	vor.u32 $0x80, v24;
	v24 =	vld [tilespmem:s28+$0x12080]  }
0x2ee: {  	v25 =	vor.u32 $0x80, v15;
	v15 =	vor.u32 v20, v23;
	v20 =	vshll.u32 v14, $0x3;
	v23 =	vld [tilespmem:s29+$0x12000]  }
0x2ef: {  	v51 =	vadd.s32 $0xFFFFFFFF, v14;
	v14 =	vand.u32 $0x7F, v14;
	v20 =	vand.u32 $0xFFFFFC00, v20  }
0x2f0: {  	v27 =	vadd.s32 $0xFFFFFFFF, v18;
	v53 =	vshll.u32 v51, $0x3;
	v14 =	vor.u32 v14, v20  }
0x2f1: {  	v54 =	vand.u32 $0xFFFFFC00, v53;
	v20 =	vand.u32 $0x7F, v51;
	v56 =	vmul.f32 v28, v4  }
0x2f2: {  	v28 =	vmul.f32 v28, v1;
	v20 =	vor.u32 v20, v54;
	v16 =	vmul.f32 v24, v2;
	v22 =	vld.idx.msk [tilespmem:v22+s14+$0x0], $0xffff  }
0x2f3: {  	v29 =	vshll.u32 v18, $0x3;
	v40 =	vmul.f32 v23, v4;
	v23 =	vmul.f32 v23, v1  }
0x2f4: {  	v30 =	vshll.u32 v27, $0x3;
	v27 =	vand.u32 $0x7F, v27;
	v24 =	vmul.f32 v24, v5  }
0x2f5: {  	v16 =	vadd.f32 v16, v28;
	v28 =	vmul.f32 v55, v6;
	v14 =	vld.idx.msk [tilespmem:v14+s14+$0x0], $0xffff;
	v12 =	vadd.f32 v12, v23  }
0x2f6: {  	s1 =	scvt.s32.f32 s1;
	v15 =	vor.u32 $0x80, v15;
	v24 =	vadd.f32 v24, v56;
	v40 =	vadd.f32 v43, v40  }
0x2f7: {  	v28 =	vadd.f32 v41, v28;
	v20 =	vld.idx.msk [tilespmem:v20+s14+$0x0], $0xffff;
	v59 =	vmul.f32 v13, v22;
	v13 =	vadd.f32 v17, v12  }
0x2f8: {  	v23 =	vadd.f32 v38, v58;
	v17 =	vand.u32 $0x7F, v21;
	v21 =	vadd.f32 s1, v0  }
0x2f9: {  	v24 =	vadd.f32 v28, v24;
	v17 =	vor.u32 v26, v17;
	v13 =	vadd.f32 v13, v10  }
0x2fa: {  	v17 =	vor.u32 $0x80, v17;
	v28 =	vmul.f32 v11, v14;
	v14 =	vadd.f32 v23, v40  }
0x2fb: {  	s3 =	scvt.s32.f32 s20;
	v23 =	vadd.f32 v32, v34;
	v11 =	vadd.f32 v24, v9;
	v24 =	vand.u32 $0xFFFFFC00, v29  }
0x2fc: {  	v29 =	vld.idx.msk [tilespmem:v15+s14+$0x0], $0xffff;
	v26 =	vadd.f32 $1.258291200e+07, v13;
	v20 =	vmul.f32 v31, v20;
	v12 =	vadd.f32 v14, v9  }
0x2fd: {  	v14 =	vand.u32 $0x7F, v18;
	v18 =	vadd.f32 s3, v0;
	v22 =	vadd.f32 $1.258291200e+07, v11  }
0x2fe: {  	v16 =	vadd.f32 v23, v16;
	v23 =	vand.u32 $0xFFFFFC00, v30;
	v15 =	vadd.f32 $1.258291200e+07, v12  }
0x2ff: {  	v24 =	vor.u32 v14, v24;
	v20 =	vadd.f32 v28, v20;
	v14 =	vadd.f32 $-1.258291200e+07, v22  }
0x300: {  	v27 =	vor.u32 v27, v23;
	v22 =	vadd.f32 v16, v10;
	v15 =	vadd.f32 $-1.258291200e+07, v15  }
0x301: {  	v16 =	vadd.f32 $-1.258291200e+07, v26;
	v60 =	vld.idx.msk [tilespmem:v17+s14+$0x0], $0xffff;
	v23 =	vmul.f32 v37, v29;
	v31 =	vsub.f32 v21, v14  }
0x302: {  	v28 =	vadd.f32 $1.258291200e+07, v22;
	v30 =	vsub.f32 v18, v15  }
0x303: {  	v25 =	vld.idx.msk [tilespmem:v25+s14+$0x0], $0xffff;
	v61 =	vadd.f32 v23, v59;
	v18 =	vsub.f32 v18, v16  }
0x304: {  	v29 =	vmax.f32 v31, $1.000000000e+00;
	v24 =	vld.idx.msk [tilespmem:v24+s14+$0x0], $0xffff;
	v23 =	vadd.f32 $-1.258291200e+07, v28;
	v26 =	vmax.f32 v30, $1.000000000e+00  }
0x305: {  	v62 =	vld.idx.msk [tilespmem:v27+s14+$0x0], $0xffff;
	v29 =	vmin.f32 v29, $2.047000000e+03;
	v18 =	vmax.f32 v18, $1.000000000e+00;
	v26 =	vmin.f32 v26, $2.047000000e+03  }
0x306: {  	v28 =	vmul.f32 v39, v60;
	v18 =	vmin.f32 v18, $2.047000000e+03;
	v17 =	vtrunc.f32 v26  }
0x307: {  	v26 =	vtrunc.f32 v29;
	v18 =	vtrunc.f32 v18  }
0x308: {  	v42 =	vsub.f32 $1.000000000e+00, v19;
	v29 =	vcvt.f32.s32 v17;
	v17 =	vcvt.f32.s32 v26  }
0x309: {  	v26 =	vmul.f32 v36, v25;
	v18 =	vcvt.f32.s32 v18  }
0x30a: {  	v33 =	vsub.f32 v21, v23;
	v30 =	vmul.f32 v42, v24;
	v24 =	vmul.f32 v19, v62  }
0x30b: {  	v27 =	vand.u32 $0x7F, v29;
	v25 =	vadd.s32 $0xFFFFFFFF, v29;
	v63 =	vshll.u32 v17, $0x3  }
0x30c: {  	s0 =	sshll.u32 s0, $0xB;
	v29 =	vshll.u32 v29, $0x3;
	v34 =	vadd.s32 $0xFFFFFFFF, v17;
	v21 =	vshll.u32 v25, $0x3  }
0x30d: {  	s23 =	sadd.s32 s5, s0;
	[tilespmem:s25+$0xC000] =	vst v20;
	v32 =	vand.u32 $0x7F, v25;
	v25 =	vadd.s32 $0xFFFFFFFF, v18;
	v19 =	vand.u32 $0xFFFFFC00, v63  }
0x30e: {  	s0 =	simm.s32 $0x2;
	s1 =	simm.s32 $0x200;
	s3 =	simm.s32 $0x50;
	[tilespmem:s26+$0xC080] =	vst v61;
	v31 =	vand.u32 $0xFFFFFC00, v21;
	v21 =	vshll.u32 v18, $0x3;
	v20 =	vshll.u32 v25, $0x3  }
.LBB2_11:
0x30f: {  	s7 =	sadd.s32 $0xFFFFFFF0, s3;
	s6 =	sand.u32 $0x3C00, s1;
	s8 =	sand.u32 $0x70, s3;
	v23 =	vsub.f32 v22, v23;
	v22 =	vmax.f32 v33, $1.000000000e+00;
	v24 =	vadd.f32 v30, v24  }
0x310: {  	v30 =	vshll.u32 v34, $0x3;
	v26 =	vadd.f32 v28, v26;
	s10 =	sand.u32 $0x60, s7;
	s11 =	sadd.s32 $0x12000, s6;
	s19 =	sor.u32 s6, s8;
	v22 =	vmin.f32 v22, $2.047000000e+03  }
0x311: {  	v33 =	vand.u32 $0x7F, v34;
	v30 =	vand.u32 $0xFFFFFC00, v30;
	s6 =	sor.u32 s10, s6;
	s10 =	sor.u32 s10, s11;
	v28 =	vld [tilespmem:s19+$0x12080];
	s8 =	sor.u32 s8, s11;
	v22 =	vtrunc.f32 v22;
	[tilespmem:s26+$0xC000] =	vst v24  }
0x312: {  	s0 =	sadd.s32 $0x2, s0;
	v24 =	vor.u32 v31, v32;
	v30 =	vor.u32 v30, v33;
	v34 =	vld [tilespmem:s19+$0x12000];
	v22 =	vcvt.f32.s32 v22;
	[tilespmem:s25+$0xC080] =	vst v26;
	s25 =	smov.u32 s28;
	s28 =	smov.u32 s19  }
0x313: {  	v29 =	vand.u32 $0xFFFFFC00, v29;
	p0 =	slt.u32 s0, $0x7E;
	s26 =	smov.u32 s29;
	v31 =	vor.u32 $0x80, v24;
	v30 =	vor.u32 $0x80, v30;
	s29 =	smov.u32 s6;
	v26 =	vld [tilespmem:s6+$0x12000]  }
0x314: {  	v24 =	vor.u32 v29, v27;
	v32 =	vld [tilespmem:s10+$0x180];
	v27 =	vshll.u32 v22, $0x3;
	v29 =	vadd.s32 $0xFFFFFFFF, v22  }
0x315: {  	v22 =	vand.u32 $0x7F, v22;
	v27 =	vand.u32 $0xFFFFFC00, v27;
	v33 =	vshll.u32 v29, $0x3  }
0x316: {  	v35 =	vld [tilespmem:s29+$0x12080];
	v22 =	vor.u32 v22, v27;
	v27 =	vand.u32 $0x7F, v29;
	v29 =	vand.u32 $0xFFFFFC00, v33  }
0x317: {  	v37 =	vor.u32 $0x80, v24;
	v33 =	vld [tilespmem:s8+$0x100];
	v36 =	vmul.f32 v34, v4;
	v27 =	vor.u32 v27, v29  }
0x318: {  	v12 =	vsub.f32 v12, v15;
	v38 =	vsub.f32 v11, v14;
	v29 =	vld [tilespmem:s8+$0x180]  }
0x319: {  	v24 =	vsub.f32 v13, v16;
	v13 =	vsub.f32 $1.000000000e+00, v23;
	v11 =	vmul.f32 v28, v2  }
0x31a: {  	v16 =	vmul.f32 v28, v5;
	v28 =	vsub.f32 $1.000000000e+00, v12;
	v15 =	vmul.f32 v34, v1;
	v14 =	vld [tilespmem:s10+$0x100]  }
0x31b: {  	v25 =	vand.u32 $0x7F, v25;
	v39 =	vsub.f32 $1.000000000e+00, v38;
	v34 =	vmul.f32 v32, v7  }
0x31c: {  	v40 =	vmul.f32 v26, v4;
	v15 =	vadd.f32 v11, v15;
	v11 =	vmul.f32 v33, v6;
	v22 =	vld.idx.msk [tilespmem:v22+s14+$0x0], $0xffff  }
0x31d: {  	v42 =	vsub.f32 $1.000000000e+00, v24;
	v26 =	vmul.f32 v26, v1;
	v41 =	vmul.f32 v29, v7;
	v31 =	vld.idx.msk [tilespmem:v31+s14+$0x0], $0xffff  }
0x31e: {  	v32 =	vmul.f32 v32, v3;
	v16 =	vadd.f32 v16, v36;
	v43 =	vmul.f32 v35, v5  }
0x31f: {  	v35 =	vmul.f32 v35, v2;
	v36 =	vmul.f32 v14, v6;
	v11 =	vadd.f32 v41, v11  }
0x320: {  	v33 =	vmul.f32 v33, v8;
	v40 =	vadd.f32 v43, v40;
	v14 =	vmul.f32 v14, v8  }
0x321: {  	v26 =	vadd.f32 v35, v26;
	v29 =	vmul.f32 v29, v3;
	v34 =	vadd.f32 v34, v36  }
0x322: {  	v14 =	vadd.f32 v32, v14;
	v11 =	vadd.f32 v11, v16;
	v32 =	vmul.f32 v13, v22  }
0x323: {  	s6 =	scvt.s32.f32 s3;
	v16 =	vadd.f32 v29, v33;
	v29 =	vmul.f32 v12, v31;
	v13 =	vadd.f32 v34, v40  }
0x324: {  	v17 =	vand.u32 $0x7F, v17;
	s7 =	scvt.s32.f32 s7;
	v14 =	vadd.f32 v14, v26;
	v11 =	vadd.f32 v11, v9;
	v26 =	vld.idx.msk [tilespmem:v27+s14+$0x0], $0xffff  }
0x325: {  	v18 =	vand.u32 $0x7F, v18;
	v31 =	vadd.f32 s6, v0;
	v12 =	vadd.f32 v13, v9  }
0x326: {  	v21 =	vand.u32 $0xFFFFFC00, v21;
	v27 =	vadd.f32 s7, v0;
	v22 =	vadd.f32 $1.258291200e+07, v11;
	v33 =	vld.idx.msk [tilespmem:v37+s14+$0x0], $0xffff  }
0x327: {  	v18 =	vor.u32 v18, v21;
	v13 =	vadd.f32 v14, v10;
	v14 =	vadd.f32 $1.258291200e+07, v12  }
0x328: {  	v20 =	vand.u32 $0xFFFFFC00, v20;
	v17 =	vor.u32 v19, v17;
	v16 =	vadd.f32 v16, v15  }
0x329: {  	v17 =	vor.u32 $0x80, v17;
	v15 =	vadd.f32 $-1.258291200e+07, v14;
	v14 =	vadd.f32 $-1.258291200e+07, v22  }
0x32a: {  	v19 =	vadd.f32 $1.258291200e+07, v13;
	v22 =	vadd.f32 v16, v10;
	v21 =	vmul.f32 v23, v26  }
0x32b: {  	v20 =	vor.u32 v25, v20;
	v23 =	vsub.f32 v27, v15;
	v26 =	vsub.f32 v31, v14;
	v25 =	vld.idx.msk [tilespmem:v30+s14+$0x0], $0xffff  }
0x32c: {  	v16 =	vadd.f32 $-1.258291200e+07, v19;
	v19 =	vmul.f32 v28, v33;
	v21 =	vadd.f32 v32, v21  }
0x32d: {  	v28 =	vadd.f32 $1.258291200e+07, v22;
	v23 =	vmax.f32 v23, $1.000000000e+00;
	v26 =	vmax.f32 v26, $1.000000000e+00  }
0x32e: {  	v27 =	vsub.f32 v27, v16;
	v23 =	vmin.f32 v23, $2.047000000e+03;
	v26 =	vmin.f32 v26, $2.047000000e+03;
	v34 =	vld.idx.msk [tilespmem:v17+s14+$0x0], $0xffff  }
0x32f: {  	v17 =	vtrunc.f32 v23;
	v26 =	vtrunc.f32 v26;
	v30 =	vld.idx.msk [tilespmem:v18+s14+$0x0], $0xffff;
	v18 =	vadd.f32 v19, v29;
	[tilespmem:s25+$0xC000] =	vst v21  }
0x330: {  	v19 =	vmax.f32 v27, $1.000000000e+00;
	v23 =	vadd.f32 $-1.258291200e+07, v28;
	v21 =	vcvt.f32.s32 v17;
	v20 =	vld.idx.msk [tilespmem:v20+s14+$0x0], $0xffff  }
0x331: {  	v19 =	vmin.f32 v19, $2.047000000e+03;
	v17 =	vcvt.f32.s32 v26;
	v26 =	vmul.f32 v38, v25;
	[tilespmem:s26+$0xC080] =	vst v18  }
0x332: {  	v33 =	vsub.f32 v31, v23;
	v27 =	vand.u32 $0x7F, v21;
	v25 =	vadd.s32 $0xFFFFFFFF, v21  }
.Ltmp6:
0x333: {  	v18 =	vtrunc.f32 v19;
	v35 =	vshll.u32 v17, $0x3;
	v19 =	vshll.u32 v25, $0x3;
	(pc) =	sbr.rel @p0 .LBB2_11-.Ltmp6, $4  }
0x334: {  	v18 =	vcvt.f32.s32 v18;
	v29 =	vshll.u32 v21, $0x3;
	v31 =	vand.u32 $0xFFFFFC00, v19  }
0x335: {  	v32 =	vand.u32 $0x7F, v25;
	v28 =	vmul.f32 v39, v34;
	v30 =	vmul.f32 v42, v30  }
0x336: {  	v34 =	vadd.s32 $0xFFFFFFFF, v17;
	v25 =	vadd.s32 $0xFFFFFFFF, v18;
	v24 =	vmul.f32 v24, v20  }
0x337: {  	s1 =	sadd.s32 $0x100, s1;
	s3 =	sadd.s32 $0x20, s3;
	v21 =	vshll.u32 v18, $0x3;
	v19 =	vand.u32 $0xFFFFFC00, v35;
	v20 =	vshll.u32 v25, $0x3  }
0x338: {  	v1 =	vmax.f32 v33, $1.000000000e+00;
	v2 =	vshll.u32 v34, $0x3  }
0x339: {  	v3 =	vand.u32 $0x7F, v34;
	v4 =	vor.u32 v31, v32;
	v1 =	vmin.f32 v1, $2.047000000e+03  }
0x33a: {  	v7 =	vand.u32 $0xFFFFFC00, v29;
	v2 =	vand.u32 $0xFFFFFC00, v2;
	v1 =	vtrunc.f32 v1  }
0x33b: {  	v9 =	vand.u32 $0x7F, v17;
	v2 =	vor.u32 v2, v3;
	v1 =	vcvt.f32.s32 v1  }
0x33c: {  	v4 =	vor.u32 $0x80, v4;
	v3 =	vor.u32 v7, v27;
	v2 =	vor.u32 $0x80, v2  }
0x33d: {  	v3 =	vor.u32 $0x80, v3;
	v5 =	vshll.u32 v1, $0x3;
	v6 =	vadd.s32 $0xFFFFFFFF, v1  }
0x33e: {  	v1 =	vand.u32 $0x7F, v1;
	v5 =	vand.u32 $0xFFFFFC00, v5;
	v8 =	vshll.u32 v6, $0x3  }
0x33f: {  	v1 =	vor.u32 v1, v5;
	v5 =	vand.u32 $0x7F, v6;
	v6 =	vand.u32 $0xFFFFFC00, v8  }
0x340: {  	v7 =	vand.u32 $0x7F, v18;
	v8 =	vand.u32 $0xFFFFFC00, v21;
	v5 =	vor.u32 v5, v6  }
0x341: {  	v4 =	vld.idx.msk [tilespmem:v4+s14+$0x0], $0xffff;
	v6 =	vand.u32 $0x7F, v25;
	v7 =	vor.u32 v7, v8;
	v8 =	vand.u32 $0xFFFFFC00, v20  }
0x342: {  	v9 =	vor.u32 v19, v9;
	v3 =	vld.idx.msk [tilespmem:v3+s14+$0x0], $0xffff;
	v6 =	vor.u32 v6, v8  }
0x343: {  	v2 =	vld.idx.msk [tilespmem:v2+s14+$0x0], $0xffff;
	v8 =	vor.u32 $0x80, v9  }
0x344: {  	v1 =	vld.idx.msk [tilespmem:v1+s14+$0x0], $0xffff  }
0x345: {  	v10 =	vsub.f32 v12, v15;
	v5 =	vld.idx.msk [tilespmem:v5+s14+$0x0], $0xffff  }
0x346: {  	v12 =	vadd.f32 v30, v24;
	v9 =	vsub.f32 v22, v23;
	v7 =	vld.idx.msk [tilespmem:v7+s14+$0x0], $0xffff  }
0x347: {  	v11 =	vsub.f32 v11, v14;
	v14 =	vsub.f32 $1.000000000e+00, v10;
	v6 =	vld.idx.msk [tilespmem:v6+s14+$0x0], $0xffff  }
0x348: {  	v13 =	vsub.f32 v13, v16;
	v15 =	vsub.f32 $1.000000000e+00, v9;
	v8 =	vld.idx.msk [tilespmem:v8+s14+$0x0], $0xffff  }
0x349: {  	v4 =	vmul.f32 v10, v4;
	v10 =	vadd.f32 v28, v26;
	v3 =	vmul.f32 v14, v3  }
0x34a: {  	s0 =	sor.u32 $0x20, s24;
	v14 =	vsub.f32 $1.000000000e+00, v13;
	v1 =	vmul.f32 v15, v1;
	v5 =	vmul.f32 v9, v5  }
0x34b: {  	[tilespmem:s26+$0xC000] =	vst v12;
	v12 =	vmov s0;
	v3 =	vadd.f32 v3, v4;
	v9 =	vsub.f32 $1.000000000e+00, v11  }
0x34c: {  	v4 =	vmul.f32 v14, v7;
	v1 =	vadd.f32 v1, v5;
	v5 =	vmul.f32 v13, v6  }
0x34d: {  	v2 =	vmul.f32 v11, v2;
	[tilespmem:s29+$0xC080] =	vst v3;
	v7 =	vor.u32 $0x21, v12;
	v6 =	vmul.f32 v9, v8  }
0x34e: {  	v3 =	vor.u32 $0x23, v12;
	[tilespmem:s28+$0xC000] =	vst v1;
	v1 =	vadd.f32 v4, v5  }
0x34f: {  	[tilespmem:s25+$0xC080] =	vst v10;
	v2 =	vadd.f32 v6, v2  }
0x350: {  	[tilespmem:s29+$0xC000] =	vst v1  }
0x351: {  	s3 =	simm.s32 $0x0;
	s26 =	simm.s32 $0x0;
	[tilespmem:s28+$0xC080] =	vst v2  }
0x352: {  	s1 =	simm.s32 $0x10;
	s7 =	sand.u32 $0x60, s3;
	s0 =	sand.u32 $0x3C00, s26;
	v1 =	vld.idx.msk [tilespmem:v7+s13+$0x0], $0xffff  }
0x353: {  	s6 =	sand.u32 $0x70, s1;
	s8 =	sadd.s32 $0x12000, s0;
	s25 =	sor.u32 s7, s0;
	v3 =	vld.idx.msk [tilespmem:v3+s13+$0x0], $0xffff  }
0x354: {  	s30 =	sor.u32 s6, s8;
	v10 =	vld [tilespmem:s25+$0x12180]  }
0x355: {  	s31 =	sor.u32 s7, s8;
	v13 =	vld [tilespmem:s30+$0x80]  }
0x356: {  	v15 =	vld [tilespmem:s31+$0x0]  }
0x357: {  	s26 =	sor.u32 s0, s6;
	s7 =	simm.s32 $0x100;
	v16 =	vld [tilespmem:s31+$0x80]  }
0x358: {  	s6 =	scvt.s32.f32 s1;
	s0 =	simm.s32 $0x30;
	s1 =	sand.u32 $0x3C00, s7;
	v17 =	vld [tilespmem:s26+$0x12100]  }
0x359: {  	s8 =	sand.u32 $0x70, s0;
	s19 =	sadd.s32 $0x12000, s1;
	v9 =	vld.idx.msk [tilespmem:v12+s13+$0x0], $0xffff  }
0x35a: {  	s10 =	simm.s32 $0x20;
	s20 =	sor.u32 s8, s19;
	v4 =	vor.u32 $0x22, v12;
	v19 =	vld [tilespmem:s30+$0x0]  }
0x35b: {  	s11 =	sand.u32 $0x60, s10;
	v5 =	vor.u32 $0x30, v12;
	v29 =	vld [tilespmem:s20+$0x80]  }
0x35c: {  	v6 =	vor.u32 $0x31, v12;
	s30 =	sor.u32 s11, s19;
	v36 =	vld [tilespmem:s20+$0x0]  }
0x35d: {  	v7 =	vor.u32 $0x32, v12;
	v37 =	vld [tilespmem:s30+$0x0]  }
0x35e: {  	v8 =	vor.u32 $0x33, v12;
	v38 =	vld [tilespmem:s30+$0x80]  }
0x35f: {  	v2 =	vld.idx.msk [tilespmem:v4+s13+$0x0], $0xffff  }
0x360: {  	v4 =	vld.idx.msk [tilespmem:v5+s13+$0x0], $0xffff  }
0x361: {  	v5 =	vld.idx.msk [tilespmem:v6+s13+$0x0], $0xffff  }
0x362: {  	v6 =	vld.idx.msk [tilespmem:v7+s13+$0x0], $0xffff  }
0x363: {  	v7 =	vld.idx.msk [tilespmem:v8+s13+$0x0], $0xffff;
	v20 =	vmul.f32 v10, v3  }
0x364: {  	v8 =	vld [tilespmem:s26+$0x12180];
	v21 =	vmul.f32 v13, v1;
	v39 =	vmul.f32 v29, v1  }
0x365: {  	v14 =	vld [tilespmem:s25+$0x12100];
	v42 =	vmul.f32 v36, v9;
	v50 =	vmul.f32 v38, v1  }
0x366: {  	v11 =	vor.u32 $0x34, v12;
	v51 =	vmul.f32 v37, v9;
	v23 =	vmul.f32 v15, v4  }
0x367: {  	v24 =	vmul.f32 v16, v5;
	v25 =	vmul.f32 v17, v2  }
0x368: {  	v12 =	vor.u32 $0x24, v12;
	v13 =	vmul.f32 v13, v5;
	v16 =	vmul.f32 v16, v1  }
0x369: {  	v15 =	vmul.f32 v15, v9;
	v52 =	vadd.f32 v39, v42;
	v18 =	vmul.f32 v8, v3  }
0x36a: {  	v53 =	vadd.f32 v50, v51;
	v22 =	vmul.f32 v14, v6;
	v10 =	vmul.f32 v10, v7  }
0x36b: {  	v11 =	vld.idx.msk [tilespmem:v11+s13+$0x0], $0xffff;
	v15 =	vadd.f32 v16, v15;
	v8 =	vmul.f32 v8, v7;
	v14 =	vmul.f32 v14, v2  }
0x36c: {  	v17 =	vmul.f32 v17, v6;
	v10 =	vadd.f32 v10, v22;
	v22 =	vadd.f32 v24, v23  }
0x36d: {  	s3 =	scvt.s32.f32 s3;
	v23 =	vmul.f32 v19, v9;
	v18 =	vadd.f32 v18, v25;
	v14 =	vadd.f32 v20, v14  }
0x36e: {  	v12 =	vld.idx.msk [tilespmem:v12+s13+$0x0], $0xffff;
	v8 =	vadd.f32 v8, v17;
	v17 =	vmul.f32 v19, v4;
	v10 =	vadd.f32 v10, v22  }
0x36f: {  	s28 =	sor.u32 s1, s8;
	v19 =	vadd.f32 s3, v0;
	v20 =	vadd.f32 v21, v23  }
0x370: {  	s29 =	sor.u32 s11, s1;
	v31 =	vld [tilespmem:s28+$0x12100];
	v13 =	vadd.f32 v13, v17;
	v10 =	vadd.f32 v10, v11  }
0x371: {  	v49 =	vld [tilespmem:s29+$0x12100];
	v14 =	vadd.f32 v14, v15;
	v18 =	vadd.f32 v18, v20  }
0x372: {  	v8 =	vadd.f32 v8, v13;
	v16 =	vadd.f32 $1.258291200e+07, v10  }
0x373: {  	v14 =	vadd.f32 v14, v12;
	v17 =	vadd.f32 v18, v12  }
0x374: {  	v18 =	vadd.f32 s6, v0;
	v13 =	vadd.f32 $-1.258291200e+07, v16  }
0x375: {  	v40 =	vmul.f32 v31, v2;
	v15 =	vadd.f32 $1.258291200e+07, v17;
	v16 =	vadd.f32 v8, v11  }
0x376: {  	v34 =	vmul.f32 v49, v2;
	v20 =	vadd.f32 $1.258291200e+07, v14;
	v8 =	vsub.f32 v19, v13  }
0x377: {  	v29 =	vmul.f32 v29, v5;
	v15 =	vadd.f32 $-1.258291200e+07, v15;
	v21 =	vadd.f32 $1.258291200e+07, v16  }
0x378: {  	v31 =	vmul.f32 v31, v6;
	v20 =	vadd.f32 $-1.258291200e+07, v20;
	v8 =	vmax.f32 v8, $1.000000000e+00  }
0x379: {  	v22 =	vsub.f32 v18, v15;
	v21 =	vadd.f32 $-1.258291200e+07, v21;
	v8 =	vmin.f32 v8, $2.047000000e+03  }
0x37a: {  	v41 =	vmul.f32 v49, v6;
	v19 =	vsub.f32 v19, v20;
	v23 =	vtrunc.f32 v8  }
0x37b: {  	v8 =	vsub.f32 v10, v13;
	v10 =	vmax.f32 v22, $1.000000000e+00;
	v18 =	vsub.f32 v18, v21  }
0x37c: {  	v13 =	vsub.f32 v14, v20;
	v22 =	vcvt.f32.s32 v23;
	v10 =	vmin.f32 v10, $2.047000000e+03  }
0x37d: {  	v17 =	vsub.f32 v17, v15;
	v23 =	vtrunc.f32 v10;
	v14 =	vmax.f32 v18, $1.000000000e+00  }
0x37e: {  	v30 =	vsub.f32 $1.000000000e+00, v13;
	v24 =	vadd.s32 $0xFFFFFFFF, v22;
	v14 =	vmin.f32 v14, $2.047000000e+03  }
0x37f: {  	v25 =	vld [tilespmem:s29+$0x12180];
	v18 =	vcvt.f32.s32 v23;
	v20 =	vshll.u32 v22, $0x3;
	v10 =	vshll.u32 v24, $0x3  }
0x380: {  	v14 =	vtrunc.f32 v14;
	v20 =	vand.u32 $0xFFFFFC00, v20;
	v15 =	vand.u32 $0xFFFFFC00, v10  }
0x381: {  	v10 =	vsub.f32 v16, v21;
	v16 =	vmax.f32 v19, $1.000000000e+00;
	v19 =	vand.u32 $0x7F, v22  }
0x382: {  	v22 =	vshll.u32 v18, $0x3;
	v23 =	vadd.s32 $0xFFFFFFFF, v18;
	v14 =	vcvt.f32.s32 v14  }
0x383: {  	v18 =	vand.u32 $0x7F, v18;
	v16 =	vmin.f32 v16, $2.047000000e+03;
	v26 =	vand.u32 $0x7F, v23  }
0x384: {  	v19 =	vor.u32 v20, v19;
	v20 =	vshll.u32 v23, $0x3;
	v23 =	vmul.f32 v25, v3  }
0x385: {  	v25 =	vmul.f32 v25, v7;
	v22 =	vand.u32 $0xFFFFFC00, v22;
	v16 =	vtrunc.f32 v16  }
0x386: {  	v21 =	vld [tilespmem:s28+$0x12180];
	v47 =	vadd.s32 $0xFFFFFFFF, v14;
	v20 =	vand.u32 $0xFFFFFC00, v20;
	v19 =	vor.u32 $0x180, v19  }
0x387: {  	v18 =	vor.u32 v22, v18;
	v22 =	vmul.f32 v37, v4;
	v16 =	vcvt.f32.s32 v16  }
0x388: {  	v23 =	vadd.f32 v23, v34;
	v20 =	vor.u32 v20, v26;
	v26 =	vmul.f32 v38, v5  }
0x389: {  	v25 =	vadd.f32 v25, v41;
	v18 =	vor.u32 $0x100, v18;
	v54 =	vshll.u32 v47, $0x3  }
0x38a: {  	v20 =	vor.u32 $0x100, v20;
	v56 =	vand.u32 $0xFFFFFC00, v54;
	v27 =	vshll.u32 v16, $0x3  }
0x38b: {  	v28 =	vadd.s32 $0xFFFFFFFF, v16;
	v35 =	vmul.f32 v21, v3;
	v16 =	vand.u32 $0x7F, v16  }
0x38c: {  	v21 =	vmul.f32 v21, v7;
	v22 =	vadd.f32 v26, v22;
	v26 =	vmul.f32 v36, v4  }
0x38d: {  	s31 =	scvt.s32.f32 s10;
	v27 =	vand.u32 $0xFFFFFC00, v27;
	v48 =	vshll.u32 v28, $0x3;
	v28 =	vand.u32 $0x7F, v28  }
0x38e: {  	v33 =	vand.u32 $0xFFFFFC00, v48;
	v35 =	vadd.f32 v35, v40;
	v21 =	vadd.f32 v21, v31  }
0x38f: {  	v16 =	vor.u32 v27, v16;
	v27 =	vadd.f32 s31, v0;
	v22 =	vadd.f32 v25, v22  }
0x390: {  	v26 =	vadd.f32 v29, v26;
	v29 =	vor.u32 $0x100, v16;
	v16 =	vadd.f32 v23, v53  }
0x391: {  	v28 =	vor.u32 v33, v28;
	v31 =	vadd.f32 v35, v52;
	v22 =	vadd.f32 v22, v11  }
0x392: {  	s0 =	scvt.s32.f32 s0;
	v23 =	vand.u32 $0x7F, v24;
	v21 =	vadd.f32 v21, v26;
	v20 =	vld.idx.msk [tilespmem:v20+s14+$0x0], $0xffff;
	v55 =	vadd.f32 v16, v12  }
0x393: {  	v26 =	vor.u32 $0x100, v28;
	v25 =	vadd.f32 v31, v12;
	v28 =	vadd.f32 $1.258291200e+07, v22  }
0x394: {  	v15 =	vor.u32 v15, v23;
	v31 =	vadd.f32 s0, v0;
	v57 =	vadd.f32 $1.258291200e+07, v55  }
0x395: {  	v18 =	vld.idx.msk [tilespmem:v18+s14+$0x0], $0xffff;
	v16 =	vand.u32 $0x7F, v47;
	v58 =	vadd.f32 v21, v11;
	v24 =	vadd.f32 $1.258291200e+07, v25  }
0x396: {  	v16 =	vor.u32 v56, v16;
	v28 =	vadd.f32 $-1.258291200e+07, v28;
	v32 =	vadd.f32 $-1.258291200e+07, v57  }
0x397: {  	v62 =	vmul.f32 v17, v20;
	v17 =	vsub.f32 $1.000000000e+00, v17;
	v24 =	vadd.f32 $-1.258291200e+07, v24  }
0x398: {  	v59 =	vor.u32 $0x180, v16;
	v16 =	vsub.f32 v22, v28;
	v21 =	vsub.f32 v27, v28  }
0x399: {  	v22 =	vand.u32 $0x7F, v14;
	v28 =	vadd.f32 $1.258291200e+07, v58;
	v14 =	vshll.u32 v14, $0x3  }
0x39a: {  	v26 =	vld.idx.msk [tilespmem:v26+s14+$0x0], $0xffff;
	v14 =	vand.u32 $0xFFFFFC00, v14;
	v27 =	vsub.f32 v27, v32;
	v17 =	vmul.f32 v17, v18  }
0x39b: {  	v63 =	vld.idx.msk [tilespmem:v29+s14+$0x0], $0xffff;
	v60 =	vsub.f32 v31, v24;
	v21 =	vmax.f32 v21, $1.000000000e+00;
	v61 =	vadd.f32 $-1.258291200e+07, v28  }
0x39c: {  	v22 =	vor.u32 v14, v22;
	v14 =	vsub.f32 v25, v24;
	v21 =	vmin.f32 v21, $2.047000000e+03  }
0x39d: {  	v25 =	vor.u32 $0x180, v15;
	v20 =	vmax.f32 v60, $1.000000000e+00;
	v21 =	vtrunc.f32 v21  }
0x39e: {  	v31 =	vsub.f32 v31, v61;
	v20 =	vmin.f32 v20, $2.047000000e+03;
	v28 =	vcvt.f32.s32 v21  }
0x39f: {  	v29 =	vtrunc.f32 v20;
	v20 =	vmul.f32 v13, v26;
	v26 =	vor.u32 $0x180, v22  }
0x3a0: {  	v23 =	vmul.f32 v30, v63;
	v21 =	vadd.f32 v17, v62;
	v18 =	vadd.s32 $0xFFFFFFFF, v28  }
0x3a1: {  	v17 =	vld.idx.msk [tilespmem:v19+s14+$0x0], $0xffff;
	v13 =	vsub.f32 v55, v32;
	v19 =	vmax.f32 v31, $1.000000000e+00;
	v15 =	vshll.u32 v18, $0x3  }
0x3a2: {  	s1 =	simm.s32 $0x200;
	s3 =	simm.s32 $0x50;
	s0 =	simm.s32 $0x2;
	v24 =	vld.idx.msk [tilespmem:v59+s14+$0x0], $0xffff;
	v22 =	vsub.f32 v58, v61;
	v19 =	vmin.f32 v19, $2.047000000e+03;
	v15 =	vand.u32 $0xFFFFFC00, v15  }
.LBB2_13:
0x3a3: {  	s7 =	sadd.s32 $0xFFFFFFF0, s3;
	s6 =	sand.u32 $0x3C00, s1;
	s8 =	sand.u32 $0x70, s3;
	v27 =	vmax.f32 v27, $1.000000000e+00;
	v30 =	vand.u32 $0x7F, v28;
	v29 =	vcvt.f32.s32 v29  }
0x3a4: {  	v28 =	vshll.u32 v28, $0x3;
	v19 =	vtrunc.f32 v19;
	v31 =	vsub.f32 $1.000000000e+00, v8;
	s10 =	sand.u32 $0x60, s7;
	s19 =	sadd.s32 $0x12000, s6;
	s30 =	sor.u32 s6, s8;
	v26 =	vld.idx.msk [tilespmem:v26+s14+$0x0], $0xffff  }
0x3a5: {  	v27 =	vmin.f32 v27, $2.047000000e+03;
	s31 =	sor.u32 s10, s19;
	s11 =	sor.u32 s10, s6;
	s6 =	sor.u32 s8, s19;
	v32 =	vshll.u32 v29, $0x3;
	v33 =	vadd.s32 $0xFFFFFFFF, v29;
	v25 =	vld.idx.msk [tilespmem:v25+s14+$0x0], $0xffff;
	[tilespmem:s26+$0xC100] =	vst v21  }
0x3a6: {  	s0 =	sadd.s32 $0x2, s0;
	v35 =	vsub.f32 $1.000000000e+00, v10;
	v27 =	vtrunc.f32 v27;
	v21 =	vcvt.f32.s32 v19;
	v34 =	vld [tilespmem:s30+$0x12180]  }
0x3a7: {  	p0 =	slt.u32 s0, $0x7E;
	v19 =	vsub.f32 $1.000000000e+00, v13;
	v27 =	vcvt.f32.s32 v27;
	v24 =	vmul.f32 v10, v24;
	v10 =	vmovc v22  }
0x3a8: {  	v20 =	vadd.f32 v23, v20;
	v36 =	vand.u32 $0x7F, v33;
	v37 =	vadd.s32 $0xFFFFFFFF, v21;
	v22 =	vld [tilespmem:s30+$0x12100]  }
0x3a9: {  	v17 =	vmul.f32 v31, v17;
	v38 =	vshll.u32 v27, $0x3;
	v39 =	vadd.s32 $0xFFFFFFFF, v27;
	v23 =	vld [tilespmem:s11+$0x12180]  }
0x3aa: {  	v28 =	vand.u32 $0xFFFFFC00, v28;
	v38 =	vand.u32 $0xFFFFFC00, v38;
	v40 =	vshll.u32 v39, $0x3;
	v31 =	vld [tilespmem:s6+$0x80];
	[tilespmem:s25+$0xC100] =	vst v20  }
0x3ab: {  	v27 =	vand.u32 $0x7F, v27;
	v40 =	vand.u32 $0xFFFFFC00, v40;
	v20 =	vld [tilespmem:s11+$0x12100];
	v41 =	vmul.f32 v34, v3  }
0x3ac: {  	v39 =	vand.u32 $0x7F, v39;
	v26 =	vmul.f32 v35, v26;
	v34 =	vmul.f32 v34, v7;
	v42 =	vld [tilespmem:s6+$0x0]  }
0x3ad: {  	v28 =	vor.u32 v28, v30;
	v30 =	vshll.u32 v33, $0x3;
	v25 =	vmul.f32 v8, v25;
	v8 =	vmovc v16;
	v35 =	vld [tilespmem:s31+$0x0]  }
0x3ae: {  	v30 =	vand.u32 $0xFFFFFC00, v30;
	v24 =	vadd.f32 v26, v24;
	v16 =	vld [tilespmem:s31+$0x80];
	v33 =	vmul.f32 v23, v3  }
0x3af: {  	v29 =	vand.u32 $0x7F, v29;
	v17 =	vadd.f32 v17, v25;
	v26 =	vmul.f32 v31, v1  }
0x3b0: {  	v28 =	vor.u32 $0x180, v28;
	v25 =	vmul.f32 v22, v2;
	v22 =	vmul.f32 v22, v6;
	[tilespmem:s26+$0xC180] =	vst v24;
	s26 =	smov.u32 s28;
	s28 =	smov.u32 s30  }
0x3b1: {  	v32 =	vand.u32 $0xFFFFFC00, v32;
	v23 =	vmul.f32 v23, v7;
	v24 =	vmul.f32 v20, v6;
	[tilespmem:s25+$0xC180] =	vst v17;
	s25 =	smov.u32 s29;
	s29 =	smov.u32 s11  }
0x3b2: {  	v29 =	vor.u32 v32, v29;
	v17 =	vmul.f32 v20, v2;
	v20 =	vmul.f32 v42, v9  }
0x3b3: {  	v25 =	vadd.f32 v41, v25;
	v31 =	vmul.f32 v31, v5;
	v32 =	vmul.f32 v35, v4  }
0x3b4: {  	v30 =	vor.u32 v30, v36;
	v41 =	vmul.f32 v16, v1;
	v33 =	vadd.f32 v33, v17  }
0x3b5: {  	v23 =	vadd.f32 v23, v24;
	v24 =	vor.u32 $0x100, v30;
	v16 =	vmul.f32 v16, v5;
	v17 =	vld.idx.msk [tilespmem:v28+s14+$0x0], $0xffff  }
0x3b6: {  	s6 =	scvt.s32.f32 s7;
	v22 =	vadd.f32 v34, v22;
	v20 =	vadd.f32 v26, v20;
	v28 =	vmul.f32 v35, v9  }
0x3b7: {  	v27 =	vor.u32 v38, v27;
	v26 =	vmul.f32 v42, v4;
	v16 =	vadd.f32 v16, v32  }
0x3b8: {  	v30 =	vadd.f32 s6, v0;
	v20 =	vadd.f32 v25, v20;
	v25 =	vor.u32 v40, v39  }
0x3b9: {  	v28 =	vadd.f32 v41, v28;
	v16 =	vadd.f32 v23, v16;
	v23 =	vor.u32 $0x100, v29  }
0x3ba: {  	v26 =	vadd.f32 v31, v26;
	v20 =	vadd.f32 v20, v12;
	v29 =	vor.u32 $0x100, v27  }
0x3bb: {  	v18 =	vand.u32 $0x7F, v18;
	s6 =	scvt.s32.f32 s3;
	v27 =	vadd.f32 v33, v28;
	v16 =	vadd.f32 v16, v11  }
0x3bc: {  	v25 =	vor.u32 $0x100, v25;
	v22 =	vadd.f32 v22, v26;
	v26 =	vadd.f32 $1.258291200e+07, v20  }
0x3bd: {  	v31 =	vadd.f32 s6, v0;
	v32 =	vshll.u32 v37, $0x3;
	v28 =	vadd.f32 $1.258291200e+07, v16;
	v24 =	vld.idx.msk [tilespmem:v24+s14+$0x0], $0xffff  }
0x3be: {  	v32 =	vand.u32 $0xFFFFFC00, v32;
	v33 =	vadd.f32 v27, v12;
	v27 =	vand.u32 $0x7F, v37;
	v23 =	vld.idx.msk [tilespmem:v23+s14+$0x0], $0xffff  }
0x3bf: {  	v26 =	vadd.f32 $-1.258291200e+07, v26;
	v27 =	vor.u32 v32, v27;
	v28 =	vadd.f32 $-1.258291200e+07, v28  }
0x3c0: {  	v22 =	vadd.f32 v22, v11;
	v32 =	vadd.f32 $1.258291200e+07, v33;
	v34 =	vor.u32 $0x180, v27  }
0x3c1: {  	v16 =	vsub.f32 v16, v28;
	v27 =	vsub.f32 v30, v28;
	v28 =	vand.u32 $0x7F, v21;
	v25 =	vld.idx.msk [tilespmem:v25+s14+$0x0], $0xffff  }
0x3c2: {  	v35 =	vadd.f32 $1.258291200e+07, v22;
	v36 =	vsub.f32 v31, v26;
	v21 =	vshll.u32 v21, $0x3  }
0x3c3: {  	v32 =	vadd.f32 $-1.258291200e+07, v32;
	v21 =	vand.u32 $0xFFFFFC00, v21;
	v27 =	vmax.f32 v27, $1.000000000e+00  }
0x3c4: {  	v35 =	vadd.f32 $-1.258291200e+07, v35;
	v37 =	vmin.f32 v27, $2.047000000e+03;
	v24 =	vmul.f32 v14, v24  }
0x3c5: {  	v27 =	vsub.f32 v30, v32;
	v30 =	vmax.f32 v36, $1.000000000e+00;
	v14 =	vsub.f32 $1.000000000e+00, v14;
	v36 =	vld.idx.msk [tilespmem:v29+s14+$0x0], $0xffff  }
0x3c6: {  	v21 =	vor.u32 v21, v28;
	v37 =	vtrunc.f32 v37;
	v29 =	vmin.f32 v30, $2.047000000e+03  }
0x3c7: {  	v23 =	vmul.f32 v14, v23;
	v30 =	vsub.f32 v31, v35;
	v29 =	vtrunc.f32 v29  }
.Ltmp7:
0x3c8: {  	v28 =	vcvt.f32.s32 v37;
	v14 =	vsub.f32 v20, v26;
	v20 =	vmul.f32 v13, v25;
	(pc) =	sbr.rel @p0 .LBB2_13-.Ltmp7, $4  }
0x3c9: {  	v15 =	vor.u32 v15, v18;
	v26 =	vor.u32 $0x180, v21;
	v21 =	vadd.f32 v23, v24  }
0x3ca: {  	v13 =	vsub.f32 v33, v32;
	v18 =	vadd.s32 $0xFFFFFFFF, v28;
	v25 =	vor.u32 $0x180, v15  }
0x3cb: {  	v15 =	vshll.u32 v18, $0x3;
	v30 =	vmax.f32 v30, $1.000000000e+00;
	v23 =	vmul.f32 v19, v36;
	v24 =	vld.idx.msk [tilespmem:v34+s14+$0x0], $0xffff  }
0x3cc: {  	s1 =	sadd.s32 $0x100, s1;
	s3 =	sadd.s32 $0x20, s3;
	v22 =	vsub.f32 v22, v35;
	v15 =	vand.u32 $0xFFFFFC00, v15;
	v19 =	vmin.f32 v30, $2.047000000e+03  }
0x3cd: {  	v1 =	vmax.f32 v27, $1.000000000e+00;
	v2 =	vcvt.f32.s32 v29;
	v3 =	vand.u32 $0x7F, v28  }
0x3ce: {  	v4 =	vtrunc.f32 v19;
	v6 =	vshll.u32 v28, $0x3;
	v1 =	vmin.f32 v1, $2.047000000e+03  }
0x3cf: {  	v4 =	vcvt.f32.s32 v4;
	v6 =	vand.u32 $0xFFFFFC00, v6;
	v1 =	vtrunc.f32 v1  }
0x3d0: {  	v5 =	vadd.s32 $0xFFFFFFFF, v2;
	v7 =	vshll.u32 v2, $0x3;
	v3 =	vor.u32 v6, v3  }
0x3d1: {  	v2 =	vand.u32 $0x7F, v2;
	v1 =	vcvt.f32.s32 v1;
	v9 =	vand.u32 $0x7F, v5  }
0x3d2: {  	v11 =	vadd.s32 $0xFFFFFFFF, v4;
	v5 =	vshll.u32 v5, $0x3;
	v6 =	vand.u32 $0xFFFFFC00, v7  }
0x3d3: {  	v3 =	vor.u32 $0x180, v3;
	v5 =	vand.u32 $0xFFFFFC00, v5;
	v2 =	vor.u32 v6, v2  }
0x3d4: {  	v7 =	vshll.u32 v11, $0x3;
	v11 =	vand.u32 $0x7F, v11;
	v12 =	vshll.u32 v1, $0x3  }
0x3d5: {  	v19 =	vadd.s32 $0xFFFFFFFF, v1;
	v1 =	vand.u32 $0x7F, v1;
	v5 =	vor.u32 v5, v9  }
0x3d6: {  	v2 =	vor.u32 $0x100, v2;
	v7 =	vand.u32 $0xFFFFFC00, v7;
	v12 =	vand.u32 $0xFFFFFC00, v12  }
0x3d7: {  	v27 =	vshll.u32 v19, $0x3;
	v19 =	vand.u32 $0x7F, v19;
	v5 =	vor.u32 $0x100, v5  }
0x3d8: {  	v7 =	vor.u32 v7, v11;
	v27 =	vand.u32 $0xFFFFFC00, v27;
	v1 =	vor.u32 v12, v1  }
0x3d9: {  	v9 =	vld.idx.msk [tilespmem:v26+s14+$0x0], $0xffff;
	v12 =	vshll.u32 v4, $0x3;
	v4 =	vand.u32 $0x7F, v4;
	v7 =	vor.u32 $0x180, v7  }
0x3da: {  	v6 =	vor.u32 v27, v19;
	v1 =	vor.u32 $0x100, v1;
	v19 =	vld.idx.msk [tilespmem:v25+s14+$0x0], $0xffff;
	v11 =	vand.u32 $0xFFFFFC00, v12  }
0x3db: {  	v3 =	vld.idx.msk [tilespmem:v3+s14+$0x0], $0xffff;
	v12 =	vand.u32 $0x7F, v18;
	v6 =	vor.u32 $0x100, v6;
	v4 =	vor.u32 v11, v4  }
0x3dc: {  	v11 =	vor.u32 v15, v12;
	v4 =	vor.u32 $0x180, v4;
	v2 =	vld.idx.msk [tilespmem:v2+s14+$0x0], $0xffff  }
0x3dd: {  	v11 =	vor.u32 $0x180, v11;
	v5 =	vld.idx.msk [tilespmem:v5+s14+$0x0], $0xffff  }
0x3de: {  	v12 =	vsub.f32 $1.000000000e+00, v10;
	v7 =	vld.idx.msk [tilespmem:v7+s14+$0x0], $0xffff  }
0x3df: {  	v15 =	vsub.f32 $1.000000000e+00, v8;
	v1 =	vld.idx.msk [tilespmem:v1+s14+$0x0], $0xffff  }
0x3e0: {  	v10 =	vmul.f32 v10, v24;
	v9 =	vmul.f32 v12, v9;
	v6 =	vld.idx.msk [tilespmem:v6+s14+$0x0], $0xffff  }
0x3e1: {  	v12 =	vmul.f32 v15, v17;
	v15 =	vsub.f32 $1.000000000e+00, v14;
	v4 =	vld.idx.msk [tilespmem:v4+s14+$0x0], $0xffff  }
0x3e2: {  	v18 =	vsub.f32 $1.000000000e+00, v13;
	v8 =	vmul.f32 v8, v19;
	v9 =	vadd.f32 v9, v10;
	v10 =	vld.idx.msk [tilespmem:v11+s14+$0x0], $0xffff  }
0x3e3: {  	v17 =	vadd.f32 v23, v20;
	v2 =	vmul.f32 v15, v2;
	v5 =	vmul.f32 v14, v5  }
0x3e4: {  	[tilespmem:s26+$0xC100] =	vst v21;
	v8 =	vadd.f32 v12, v8;
	v11 =	vsub.f32 $1.000000000e+00, v22;
	v1 =	vmul.f32 v18, v1  }
0x3e5: {  	s0 =	sor.u32 $0x40, s24;
	[tilespmem:s25+$0xC100] =	vst v17;
	v2 =	vadd.f32 v2, v5;
	v5 =	vsub.f32 $1.000000000e+00, v16;
	v6 =	vmul.f32 v13, v6  }
0x3e6: {  	[tilespmem:s26+$0xC180] =	vst v9;
	v9 =	vmov s0;
	v7 =	vmul.f32 v22, v7;
	v4 =	vmul.f32 v11, v4  }
0x3e7: {  	[tilespmem:s25+$0xC180] =	vst v8;
	v3 =	vmul.f32 v5, v3;
	v5 =	vmul.f32 v16, v10;
	v1 =	vadd.f32 v1, v6  }
0x3e8: {  	[tilespmem:s28+$0xC100] =	vst v2;
	v2 =	vadd.f32 v4, v7  }
0x3e9: {  	s25 =	simm.s32 $0x0;
	[tilespmem:s29+$0xC100] =	vst v1;
	v1 =	vadd.f32 v3, v5  }
0x3ea: {  	s1 =	simm.s32 $0x10;
	s0 =	sand.u32 $0x3C00, s25;
	[tilespmem:s28+$0xC180] =	vst v2  }
0x3eb: {  	s6 =	simm.s32 $0x0;
	s3 =	sand.u32 $0x70, s1;
	s7 =	sadd.s32 $0x12000, s0;
	[tilespmem:s29+$0xC180] =	vst v1  }
0x3ec: {  	s25 =	sand.u32 $0x60, s6;
	s8 =	sor.u32 s3, s7;
	v1 =	vld.idx.msk [tilespmem:v9+s13+$0x0], $0xffff  }
0x3ed: {  	s7 =	sor.u32 s25, s7;
	v11 =	vld [tilespmem:s8+$0x80]  }
0x3ee: {  	v10 =	vld [tilespmem:s7+$0x0]  }
0x3ef: {  	v4 =	vor.u32 $0x41, v9;
	v12 =	vld [tilespmem:s8+$0x0]  }
0x3f0: {  	v3 =	vor.u32 $0x42, v9;
	v13 =	vld [tilespmem:s8+$0x180]  }
0x3f1: {  	v5 =	vor.u32 $0x43, v9;
	v14 =	vld [tilespmem:s7+$0x180]  }
0x3f2: {  	v6 =	vor.u32 $0x50, v9;
	v15 =	vld [tilespmem:s7+$0x100]  }
0x3f3: {  	v7 =	vor.u32 $0x51, v9;
	v16 =	vld [tilespmem:s7+$0x80]  }
0x3f4: {  	v2 =	vld.idx.msk [tilespmem:v4+s13+$0x0], $0xffff  }
0x3f5: {  	v3 =	vld.idx.msk [tilespmem:v3+s13+$0x0], $0xffff  }
0x3f6: {  	v8 =	vor.u32 $0x52, v9;
	v4 =	vld.idx.msk [tilespmem:v5+s13+$0x0], $0xffff  }
0x3f7: {  	v5 =	vld.idx.msk [tilespmem:v6+s13+$0x0], $0xffff  }
0x3f8: {  	v6 =	vld.idx.msk [tilespmem:v7+s13+$0x0], $0xffff;
	v7 =	vor.u32 $0x53, v9  }
0x3f9: {  	v17 =	vor.u32 $0x44, v9  }
0x3fa: {  	v20 =	vld [tilespmem:s8+$0x100];
	v18 =	vmul.f32 v10, v1  }
0x3fb: {  	v8 =	vld.idx.msk [tilespmem:v8+s13+$0x0], $0xffff;
	v19 =	vmul.f32 v12, v1;
	v21 =	vmul.f32 v11, v2  }
0x3fc: {  	s30 =	simm.s32 $0x20;
	s10 =	simm.s32 $0x30;
	s26 =	simm.s32 $0x100;
	v25 =	vmul.f32 v16, v2;
	v22 =	vmul.f32 v13, v4  }
0x3fd: {  	v23 =	vor.u32 $0x54, v9;
	s11 =	sand.u32 $0x3C00, s26;
	s26 =	sand.u32 $0x60, s30;
	s6 =	scvt.s32.f32 s6;
	v7 =	vld.idx.msk [tilespmem:v7+s13+$0x0], $0xffff;
	v24 =	vmul.f32 v14, v4;
	v26 =	vmul.f32 v15, v3  }
0x3fe: {  	s30 =	scvt.s32.f32 s30;
	s19 =	sadd.s32 $0x12000, s11;
	s28 =	sand.u32 $0x70, s10;
	v9 =	vld.idx.msk [tilespmem:v17+s13+$0x0], $0xffff;
	v10 =	vmul.f32 v10, v5;
	v18 =	vadd.f32 v25, v18;
	v19 =	vadd.f32 v21, v19  }
0x3ff: {  	v16 =	vmul.f32 v16, v6;
	v21 =	vadd.f32 s6, v0;
	s6 =	sor.u32 s28, s19;
	v24 =	vadd.f32 v24, v26  }
0x400: {  	v55 =	vadd.f32 s30, v0;
	v17 =	vmul.f32 v20, v3;
	v15 =	vmul.f32 v15, v8;
	v34 =	vld [tilespmem:s6+$0x0]  }
0x401: {  	v11 =	vmul.f32 v11, v6;
	v12 =	vmul.f32 v12, v5;
	v33 =	vld [tilespmem:s6+$0x80];
	v18 =	vadd.f32 v24, v18  }
0x402: {  	v16 =	vadd.f32 v16, v10;
	v17 =	vadd.f32 v22, v17;
	v14 =	vmul.f32 v14, v7  }
0x403: {  	s1 =	scvt.s32.f32 s1;
	v10 =	vld.idx.msk [tilespmem:v23+s13+$0x0], $0xffff;
	v11 =	vadd.f32 v11, v12;
	v18 =	vadd.f32 v18, v9  }
0x404: {  	v13 =	vmul.f32 v13, v7;
	v14 =	vadd.f32 v14, v15;
	v15 =	vadd.f32 v17, v19  }
0x405: {  	s20 =	sor.u32 s26, s19;
	v17 =	vadd.f32 s1, v0;
	v19 =	vmul.f32 v20, v8;
	v35 =	vmul.f32 v34, v1  }
0x406: {  	v53 =	vld [tilespmem:s20+$0x80];
	v37 =	vmul.f32 v33, v2;
	v14 =	vadd.f32 v14, v16;
	v15 =	vadd.f32 v15, v9  }
0x407: {  	v36 =	vld [tilespmem:s6+$0x100];
	v16 =	vadd.f32 $1.258291200e+07, v18;
	v13 =	vadd.f32 v13, v19  }
0x408: {  	v35 =	vadd.f32 v37, v35;
	v14 =	vadd.f32 v14, v10  }
0x409: {  	v19 =	vadd.f32 $1.258291200e+07, v15;
	v16 =	vadd.f32 $-1.258291200e+07, v16  }
0x40a: {  	v11 =	vadd.f32 v13, v11;
	v12 =	vadd.f32 $1.258291200e+07, v14  }
0x40b: {  	v42 =	vmul.f32 v53, v2;
	v19 =	vadd.f32 $-1.258291200e+07, v19;
	v20 =	vsub.f32 v21, v16  }
0x40c: {  	v54 =	vmul.f32 v36, v3;
	v11 =	vadd.f32 v11, v10;
	v12 =	vadd.f32 $-1.258291200e+07, v12  }
0x40d: {  	s1 =	scvt.s32.f32 s10;
	v13 =	vsub.f32 v17, v19;
	v20 =	vmax.f32 v20, $1.000000000e+00;
	v19 =	vsub.f32 v15, v19  }
0x40e: {  	v15 =	vmin.f32 v20, $2.047000000e+03;
	v20 =	vadd.f32 $1.258291200e+07, v11;
	v21 =	vsub.f32 v21, v12  }
0x40f: {  	v56 =	vadd.f32 s1, v0;
	v18 =	vsub.f32 v18, v16;
	v13 =	vmax.f32 v13, $1.000000000e+00  }
0x410: {  	v15 =	vtrunc.f32 v15;
	v20 =	vadd.f32 $-1.258291200e+07, v20;
	v21 =	vmax.f32 v21, $1.000000000e+00  }
0x411: {  	v13 =	vmin.f32 v13, $2.047000000e+03;
	v15 =	vcvt.f32.s32 v15;
	v21 =	vmin.f32 v21, $2.047000000e+03  }
0x412: {  	v13 =	vtrunc.f32 v13;
	v17 =	vsub.f32 v17, v20;
	v21 =	vtrunc.f32 v21  }
0x413: {  	v13 =	vcvt.f32.s32 v13;
	v22 =	vadd.s32 $0xFFFFFFFF, v15;
	v26 =	vcvt.f32.s32 v21  }
0x414: {  	v21 =	vshll.u32 v15, $0x3;
	v17 =	vmax.f32 v17, $1.000000000e+00;
	v15 =	vand.u32 $0x7F, v15  }
0x415: {  	v21 =	vand.u32 $0xFFFFFC00, v21;
	v24 =	vshll.u32 v26, $0x3;
	v25 =	vadd.s32 $0xFFFFFFFF, v26  }
0x416: {  	v17 =	vmin.f32 v17, $2.047000000e+03;
	v27 =	vand.u32 $0xFFFFFC00, v24;
	v24 =	vshll.u32 v25, $0x3  }
0x417: {  	v15 =	vor.u32 v21, v15;
	v21 =	vand.u32 $0xFFFFFC00, v24;
	v24 =	vtrunc.f32 v17  }
0x418: {  	v29 =	vsub.f32 v11, v20;
	v17 =	vor.u32 $0x200, v15;
	v15 =	vcvt.f32.s32 v24  }
0x419: {  	v23 =	vand.u32 $0x7F, v22;
	v22 =	vshll.u32 v22, $0x3;
	v24 =	vadd.s32 $0xFFFFFFFF, v13  }
0x41a: {  	v11 =	vshll.u32 v24, $0x3;
	v20 =	vand.u32 $0x7F, v24;
	v24 =	vadd.s32 $0xFFFFFFFF, v15  }
0x41b: {  	v30 =	vld [tilespmem:s20+$0x0];
	v11 =	vand.u32 $0xFFFFFC00, v11;
	v32 =	vand.u32 $0x7F, v24;
	v24 =	vshll.u32 v24, $0x3  }
0x41c: {  	v31 =	vshll.u32 v15, $0x3;
	v15 =	vand.u32 $0x7F, v15;
	v24 =	vand.u32 $0xFFFFFC00, v24  }
0x41d: {  	v31 =	vand.u32 $0xFFFFFC00, v31;
	v11 =	vor.u32 v11, v20;
	v20 =	vor.u32 v24, v32  }
0x41e: {  	v24 =	vor.u32 $0x200, v11;
	v11 =	vsub.f32 v14, v12;
	v12 =	vand.u32 $0xFFFFFC00, v22;
	v14 =	vld [tilespmem:s20+$0x180]  }
0x41f: {  	v15 =	vor.u32 v31, v15;
	v22 =	vor.u32 v12, v23;
	v23 =	vand.u32 $0x7F, v25;
	v25 =	vld [tilespmem:s20+$0x100]  }
0x420: {  	v16 =	vmul.f32 v30, v1;
	v28 =	vshll.u32 v13, $0x3;
	v31 =	vld [tilespmem:s6+$0x180];
	v15 =	vor.u32 $0x280, v15  }
0x421: {  	v30 =	vmul.f32 v30, v5;
	v28 =	vand.u32 $0xFFFFFC00, v28;
	v13 =	vand.u32 $0x7F, v13  }
0x422: {  	v16 =	vadd.f32 v42, v16;
	v43 =	vsub.f32 $1.000000000e+00, v19;
	v28 =	vor.u32 v28, v13  }
0x423: {  	v28 =	vor.u32 $0x200, v28;
	v39 =	vmul.f32 v14, v7;
	v14 =	vmul.f32 v14, v4  }
0x424: {  	v22 =	vor.u32 $0x200, v22;
	v40 =	vmul.f32 v25, v8;
	v25 =	vmul.f32 v25, v3  }
0x425: {  	v41 =	vsub.f32 $1.000000000e+00, v29;
	v32 =	vmul.f32 v53, v6;
	v38 =	vmul.f32 v31, v4;
	v15 =	vld.idx.msk [tilespmem:v15+s14+$0x0], $0xffff  }
0x426: {  	v13 =	vsub.f32 $1.000000000e+00, v18;
	v20 =	vor.u32 $0x280, v20;
	v24 =	vld.idx.msk [tilespmem:v24+s14+$0x0], $0xffff;
	v14 =	vadd.f32 v14, v25  }
0x427: {  	v25 =	vor.u32 v21, v23;
	v23 =	vadd.f32 v32, v30;
	v30 =	vadd.f32 v38, v54  }
0x428: {  	v33 =	vmul.f32 v33, v6;
	v12 =	vsub.f32 $1.000000000e+00, v11;
	v58 =	vld.idx.msk [tilespmem:v28+s14+$0x0], $0xffff;
	v14 =	vadd.f32 v14, v16  }
0x429: {  	v31 =	vmul.f32 v31, v7;
	v22 =	vld.idx.msk [tilespmem:v22+s14+$0x0], $0xffff;
	v16 =	vadd.f32 v39, v40;
	v30 =	vadd.f32 v30, v35  }
0x42a: {  	v21 =	vmul.f32 v41, v15;
	v15 =	vadd.f32 v14, v9;
	v14 =	vmul.f32 v36, v8  }
0x42b: {  	v24 =	vmul.f32 v19, v24;
	v16 =	vadd.f32 v16, v23;
	v57 =	vadd.f32 v30, v9  }
0x42c: {  	v19 =	vld.idx.msk [tilespmem:v20+s14+$0x0], $0xffff;
	v30 =	vmul.f32 v34, v5;
	v20 =	vadd.f32 $1.258291200e+07, v15;
	v14 =	vadd.f32 v31, v14  }
0x42d: {  	v35 =	vmul.f32 v43, v58;
	v16 =	vadd.f32 v16, v10;
	v31 =	vadd.f32 $1.258291200e+07, v57  }
0x42e: {  	v23 =	vmul.f32 v18, v22;
	v18 =	vadd.f32 $-1.258291200e+07, v20;
	v20 =	vadd.f32 v33, v30  }
0x42f: {  	v22 =	vand.u32 $0x7F, v26;
	v26 =	vadd.f32 $1.258291200e+07, v16;
	v31 =	vadd.f32 $-1.258291200e+07, v31  }
0x430: {  	v22 =	vor.u32 v27, v22;
	v30 =	vsub.f32 v55, v18;
	v14 =	vadd.f32 v14, v20  }
0x431: {  	v27 =	vor.u32 $0x280, v22;
	v29 =	vmul.f32 v29, v19;
	v20 =	vadd.f32 $-1.258291200e+07, v26  }
0x432: {  	v22 =	vsub.f32 v56, v31;
	v19 =	vmax.f32 v30, $1.000000000e+00;
	v30 =	vadd.f32 v14, v10  }
0x433: {  	v14 =	vsub.f32 v57, v31;
	v26 =	vsub.f32 v55, v20;
	v19 =	vmin.f32 v19, $2.047000000e+03  }
0x434: {  	v22 =	vmax.f32 v22, $1.000000000e+00;
	v19 =	vtrunc.f32 v19;
	v28 =	vadd.f32 $1.258291200e+07, v30  }
0x435: {  	v22 =	vmin.f32 v22, $2.047000000e+03;
	v26 =	vmax.f32 v26, $1.000000000e+00;
	v59 =	vcvt.f32.s32 v19  }
0x436: {  	v19 =	vtrunc.f32 v22;
	v22 =	vmin.f32 v26, $2.047000000e+03;
	v34 =	vadd.f32 $-1.258291200e+07, v28  }
0x437: {  	v28 =	vcvt.f32.s32 v19;
	v19 =	vtrunc.f32 v22;
	v26 =	vadd.s32 $0xFFFFFFFF, v59  }
0x438: {  	v22 =	vshll.u32 v59, $0x3;
	v19 =	vcvt.f32.s32 v19;
	v31 =	vand.u32 $0x7F, v26  }
0x439: {  	v60 =	vsub.f32 v56, v34;
	v61 =	vand.u32 $0xFFFFFC00, v22;
	v33 =	vshll.u32 v26, $0x3  }
0x43a: {  	v26 =	vand.u32 $0x7F, v59;
	v22 =	vshll.u32 v19, $0x3;
	v32 =	vadd.s32 $0xFFFFFFFF, v19  }
0x43b: {  	s29 =	simm.s32 $0x50;
	s7 =	simm.s32 $0x2;
	s1 =	sor.u32 $0xC000, s0;
	v17 =	vld.idx.msk [tilespmem:v17+s14+$0x0], $0xffff;
	v37 =	vor.u32 v61, v26;
	v62 =	vmax.f32 v60, $1.000000000e+00;
	v63 =	vshll.u32 v32, $0x3  }
0x43c: {  	s0 =	sor.u32 $0xC000, s11;
	s11 =	simm.s32 $0x200;
	s31 =	sor.u32 s3, s1;
	v22 =	vand.u32 $0xFFFFFC00, v22;
	v26 =	vand.u32 $0xFFFFFC00, v63;
	v36 =	vmin.f32 v62, $2.047000000e+03  }
.LBB2_15:
0x43d: {  	s30 =	sadd.s32 $0xFFFFFFF0, s29;
	s3 =	sand.u32 $0x3C00, s11;
	s7 =	sadd.s32 $0x2, s7;
	v37 =	vor.u32 $0x200, v37;
	v38 =	vshll.u32 v28, $0x3;
	v25 =	vor.u32 $0x280, v25  }
0x43e: {  	s19 =	sand.u32 $0x70, s29;
	v36 =	vtrunc.f32 v36;
	v24 =	vadd.f32 v35, v24;
	v21 =	vadd.f32 v21, v29;
	s6 =	sand.u32 $0x60, s30;
	s8 =	sadd.s32 $0x12000, s3  }
0x43f: {  	v29 =	vsub.f32 v30, v34;
	v34 =	vadd.s32 $0xFFFFFFFF, v28;
	p0 =	slt.u32 s7, $0x7E;
	v30 =	vcvt.f32.s32 v36;
	s10 =	sor.u32 s6, s8;
	s8 =	sor.u32 s19, s8  }
0x440: {  	v13 =	vmul.f32 v13, v17;
	s20 =	sor.u32 $0xC000, s3;
	v36 =	vand.u32 $0x7F, v34;
	v34 =	vshll.u32 v34, $0x3;
	s3 =	smov.u32 s28;
	s28 =	smov.u32 s19;
	v35 =	vld [tilespmem:s8+$0x80];
	[tilespmem:s31+$0x200] =	vst v24  }
0x441: {  	v17 =	vand.u32 $0xFFFFFC00, v34;
	v34 =	vshll.u32 v30, $0x3;
	v39 =	vadd.s32 $0xFFFFFFFF, v30;
	v24 =	vld [tilespmem:s10+$0x0];
	[tilespmem:s31+$0x280] =	vst v21  }
0x442: {  	v13 =	vadd.f32 v13, v23;
	v21 =	vand.u32 $0x7F, v39;
	v39 =	vshll.u32 v39, $0x3;
	v27 =	vld.idx.msk [tilespmem:v27+s14+$0x0], $0xffff  }
0x443: {  	s19 =	sor.u32 s25, s1;
	s25 =	smov.u32 s26;
	s26 =	smov.u32 s6;
	v23 =	vand.u32 $0x7F, v30;
	v30 =	vand.u32 $0xFFFFFC00, v34;
	v34 =	vand.u32 $0xFFFFFC00, v39;
	v25 =	vld.idx.msk [tilespmem:v25+s14+$0x0], $0xffff  }
0x444: {  	s1 =	smov.u32 s0;
	s0 =	smov.u32 s20;
	v36 =	vor.u32 v17, v36;
	v23 =	vor.u32 v30, v23;
	v21 =	vor.u32 v34, v21;
	v39 =	vld [tilespmem:s8+$0x0];
	[tilespmem:s19+$0x200] =	vst v13  }
0x445: {  	v30 =	vor.u32 $0x200, v36;
	v23 =	vor.u32 $0x280, v23;
	v21 =	vor.u32 $0x280, v21;
	v17 =	vld.idx.msk [tilespmem:v37+s14+$0x0], $0xffff  }
0x446: {  	v18 =	vsub.f32 v15, v18;
	v15 =	vsub.f32 v16, v20;
	v13 =	vand.u32 $0xFFFFFC00, v33;
	v34 =	vld [tilespmem:s8+$0x180]  }
0x447: {  	v32 =	vand.u32 $0x7F, v32;
	v31 =	vor.u32 v13, v31;
	v20 =	vmul.f32 v24, v1;
	v16 =	vld [tilespmem:s10+$0x180]  }
0x448: {  	v36 =	vsub.f32 $1.000000000e+00, v15;
	v13 =	vand.u32 $0x7F, v28;
	v28 =	vand.u32 $0xFFFFFC00, v38;
	v33 =	vld [tilespmem:s10+$0x100]  }
0x449: {  	v28 =	vor.u32 v28, v13;
	v27 =	vmul.f32 v12, v27;
	v37 =	vld [tilespmem:s10+$0x80];
	v38 =	vmul.f32 v39, v1  }
0x44a: {  	v41 =	vmul.f32 v35, v2;
	v13 =	vsub.f32 $1.000000000e+00, v18;
	v12 =	vmovc v36;
	v25 =	vmul.f32 v11, v25;
	v11 =	vmovc v15;
	v40 =	vld [tilespmem:s8+$0x100]  }
0x44b: {  	v35 =	vmul.f32 v35, v6;
	v31 =	vor.u32 $0x200, v31;
	v15 =	vmul.f32 v34, v4  }
0x44c: {  	s6 =	scvt.s32.f32 s29;
	v24 =	vmul.f32 v24, v5;
	v25 =	vadd.f32 v27, v25;
	v36 =	vmul.f32 v16, v7;
	v23 =	vld.idx.msk [tilespmem:v23+s14+$0x0], $0xffff  }
0x44d: {  	v42 =	vsub.f32 $1.000000000e+00, v29;
	v16 =	vmul.f32 v16, v4;
	v27 =	vmul.f32 v33, v8  }
0x44e: {  	v44 =	vsub.f32 $1.000000000e+00, v14;
	v33 =	vmul.f32 v33, v3;
	v43 =	vmul.f32 v37, v2;
	v30 =	vld.idx.msk [tilespmem:v30+s14+$0x0], $0xffff;
	[tilespmem:s19+$0x280] =	vst v25  }
0x44f: {  	v38 =	vadd.f32 v41, v38;
	v37 =	vmul.f32 v37, v6;
	v41 =	vmul.f32 v40, v3;
	v45 =	vld.idx.msk [tilespmem:v21+s14+$0x0], $0xffff  }
0x450: {  	s8 =	scvt.s32.f32 s30;
	v25 =	vor.u32 v26, v32;
	v16 =	vadd.f32 v16, v33;
	v20 =	vadd.f32 v43, v20  }
0x451: {  	v28 =	vor.u32 $0x200, v28;
	v24 =	vadd.f32 v37, v24;
	v15 =	vadd.f32 v15, v41;
	v26 =	vld.idx.msk [tilespmem:v31+s14+$0x0], $0xffff  }
0x452: {  	v31 =	vadd.f32 s8, v0;
	v21 =	vmul.f32 v42, v23;
	v16 =	vadd.f32 v16, v20  }
0x453: {  	v20 =	vadd.f32 v36, v27;
	v27 =	vmul.f32 v34, v7;
	v23 =	vadd.f32 v15, v38  }
0x454: {  	v32 =	vadd.f32 s6, v0;
	v15 =	vadd.f32 v16, v9;
	v16 =	vmul.f32 v40, v8  }
0x455: {  	v20 =	vadd.f32 v20, v24;
	v24 =	vmul.f32 v14, v30;
	v33 =	vadd.f32 v23, v9  }
0x456: {  	v30 =	vmul.f32 v39, v5;
	v14 =	vadd.f32 $1.258291200e+07, v15;
	v27 =	vadd.f32 v27, v16  }
0x457: {  	v16 =	vadd.f32 v20, v10;
	v23 =	vmul.f32 v18, v26;
	v20 =	vadd.f32 $1.258291200e+07, v33;
	v26 =	vld.idx.msk [tilespmem:v28+s14+$0x0], $0xffff  }
0x458: {  	v19 =	vand.u32 $0x7F, v19;
	v18 =	vadd.f32 $-1.258291200e+07, v14;
	v14 =	vadd.f32 v35, v30  }
0x459: {  	v19 =	vor.u32 v22, v19;
	v28 =	vadd.f32 $1.258291200e+07, v16;
	v34 =	vadd.f32 $-1.258291200e+07, v20  }
0x45a: {  	v22 =	vsub.f32 v31, v18;
	v14 =	vadd.f32 v27, v14;
	v27 =	vor.u32 $0x280, v19  }
0x45b: {  	v29 =	vmul.f32 v29, v45;
	v20 =	vadd.f32 $-1.258291200e+07, v28;
	v19 =	vsub.f32 v32, v34  }
0x45c: {  	v22 =	vmax.f32 v22, $1.000000000e+00;
	v30 =	vadd.f32 v14, v10;
	v14 =	vsub.f32 v33, v34  }
0x45d: {  	v28 =	vsub.f32 v31, v20;
	v22 =	vmin.f32 v22, $2.047000000e+03;
	v19 =	vmax.f32 v19, $1.000000000e+00  }
0x45e: {  	v22 =	vtrunc.f32 v22;
	v31 =	vadd.f32 $1.258291200e+07, v30;
	v19 =	vmin.f32 v19, $2.047000000e+03  }
0x45f: {  	v28 =	vmax.f32 v28, $1.000000000e+00;
	v22 =	vcvt.f32.s32 v22;
	v19 =	vtrunc.f32 v19  }
0x460: {  	v33 =	vmin.f32 v28, $2.047000000e+03;
	v34 =	vadd.f32 $-1.258291200e+07, v31;
	v28 =	vcvt.f32.s32 v19  }
0x461: {  	v19 =	vtrunc.f32 v33;
	v33 =	vshll.u32 v22, $0x3;
	v35 =	vadd.s32 $0xFFFFFFFF, v22  }
.Ltmp8:
0x462: {  	v19 =	vcvt.f32.s32 v19;
	v31 =	vand.u32 $0x7F, v35;
	v36 =	vsub.f32 v32, v34;
	(pc) =	sbr.rel @p0 .LBB2_15-.Ltmp8, $4  }
0x463: {  	v37 =	vand.u32 $0xFFFFFC00, v33;
	v33 =	vshll.u32 v35, $0x3;
	v35 =	vmul.f32 v44, v26  }
0x464: {  	v26 =	vshll.u32 v19, $0x3;
	v32 =	vadd.s32 $0xFFFFFFFF, v19;
	v36 =	vmax.f32 v36, $1.000000000e+00  }
0x465: {  	v38 =	vand.u32 $0x7F, v22;
	v22 =	vand.u32 $0xFFFFFC00, v26;
	v26 =	vshll.u32 v32, $0x3  }
0x466: {  	s11 =	sadd.s32 $0x100, s11;
	s29 =	sadd.s32 $0x20, s29;
	s31 =	sor.u32 s3, s1;
	v37 =	vor.u32 v37, v38;
	v26 =	vand.u32 $0xFFFFFC00, v26;
	v36 =	vmin.f32 v36, $2.047000000e+03  }
0x467: {  	v1 =	vor.u32 $0x200, v37;
	v2 =	vtrunc.f32 v36  }
0x468: {  	v3 =	vshll.u32 v28, $0x3;
	v4 =	vadd.s32 $0xFFFFFFFF, v28;
	v5 =	vor.u32 $0x280, v25  }
0x469: {  	v10 =	vand.u32 $0x7F, v32;
	v2 =	vcvt.f32.s32 v2;
	v6 =	vand.u32 $0x7F, v4  }
0x46a: {  	v4 =	vshll.u32 v4, $0x3;
	v3 =	vand.u32 $0xFFFFFC00, v3;
	v10 =	vor.u32 v26, v10  }
0x46b: {  	v4 =	vand.u32 $0xFFFFFC00, v4;
	v10 =	vor.u32 $0x280, v10;
	v7 =	vshll.u32 v2, $0x3  }
0x46c: {  	v8 =	vadd.s32 $0xFFFFFFFF, v2;
	v2 =	vand.u32 $0x7F, v2;
	v4 =	vor.u32 v4, v6  }
0x46d: {  	v9 =	vshll.u32 v8, $0x3;
	v7 =	vand.u32 $0xFFFFFC00, v7;
	v8 =	vand.u32 $0x7F, v8  }
0x46e: {  	v4 =	vor.u32 $0x200, v4;
	v2 =	vor.u32 v7, v2;
	v7 =	vand.u32 $0x7F, v28  }
0x46f: {  	v9 =	vand.u32 $0xFFFFFC00, v9;
	v5 =	vld.idx.msk [tilespmem:v5+s14+$0x0], $0xffff;
	v2 =	vor.u32 $0x280, v2;
	v3 =	vor.u32 v3, v7  }
0x470: {  	v1 =	vld.idx.msk [tilespmem:v1+s14+$0x0], $0xffff;
	v6 =	vor.u32 v9, v8;
	v9 =	vand.u32 $0xFFFFFC00, v33;
	v3 =	vor.u32 $0x200, v3  }
0x471: {  	v8 =	vld.idx.msk [tilespmem:v27+s14+$0x0], $0xffff;
	v6 =	vor.u32 $0x280, v6;
	v7 =	vor.u32 v9, v31;
	v9 =	vand.u32 $0x7F, v19  }
0x472: {  	v10 =	vld.idx.msk [tilespmem:v10+s14+$0x0], $0xffff;
	v7 =	vor.u32 $0x200, v7;
	v9 =	vor.u32 v22, v9  }
0x473: {  	v9 =	vor.u32 $0x280, v9;
	v4 =	vld.idx.msk [tilespmem:v4+s14+$0x0], $0xffff  }
0x474: {  	v2 =	vld.idx.msk [tilespmem:v2+s14+$0x0], $0xffff  }
0x475: {  	v13 =	vmul.f32 v13, v17;
	v17 =	vadd.f32 v35, v24;
	v21 =	vadd.f32 v21, v29;
	v3 =	vld.idx.msk [tilespmem:v3+s14+$0x0], $0xffff  }
0x476: {  	v15 =	vsub.f32 v15, v18;
	v19 =	vsub.f32 v30, v34;
	v6 =	vld.idx.msk [tilespmem:v6+s14+$0x0], $0xffff  }
0x477: {  	v13 =	vadd.f32 v13, v23;
	v5 =	vmul.f32 v11, v5;
	v8 =	vmul.f32 v12, v8;
	v7 =	vld.idx.msk [tilespmem:v7+s14+$0x0], $0xffff  }
0x478: {  	s3 =	sor.u32 $0x60, s24;
	v18 =	vsub.f32 $1.000000000e+00, v19;
	v11 =	vsub.f32 $1.000000000e+00, v14;
	v9 =	vld.idx.msk [tilespmem:v9+s14+$0x0], $0xffff  }
0x479: {  	v12 =	vsub.f32 v16, v20;
	v5 =	vadd.f32 v8, v5;
	v8 =	vmov s3  }
0x47a: {  	[tilespmem:s31+$0x200] =	vst v17;
	v4 =	vmul.f32 v14, v4;
	v14 =	vsub.f32 $1.000000000e+00, v15;
	v3 =	vmul.f32 v11, v3  }
0x47b: {  	s1 =	sor.u32 s25, s1;
	[tilespmem:s31+$0x280] =	vst v21;
	v2 =	vmul.f32 v18, v2;
	v6 =	vmul.f32 v19, v6;
	v11 =	vsub.f32 $1.000000000e+00, v12  }
0x47c: {  	[tilespmem:s1+$0x200] =	vst v13;
	v1 =	vmul.f32 v14, v1;
	v7 =	vmul.f32 v15, v7;
	v3 =	vadd.f32 v3, v4  }
0x47d: {  	s25 =	sor.u32 s28, s0;
	[tilespmem:s1+$0x280] =	vst v5;
	v5 =	vmul.f32 v12, v10;
	v2 =	vadd.f32 v2, v6;
	v4 =	vmul.f32 v11, v9  }
0x47e: {  	v1 =	vadd.f32 v1, v7;
	[tilespmem:s25+$0x200] =	vst v3  }
0x47f: {  	s6 =	sor.u32 s26, s0;
	s26 =	simm.s32 $0x0;
	[tilespmem:s25+$0x280] =	vst v2;
	v2 =	vadd.f32 v4, v5  }
0x480: {  	s7 =	simm.s32 $0x10;
	s8 =	sand.u32 $0x3C00, s26;
	[tilespmem:s6+$0x200] =	vst v1  }
0x481: {  	s10 =	sand.u32 $0x70, s7;
	s1 =	sadd.s32 $0x12000, s8;
	v3 =	vor.u32 $0x61, v8;
	[tilespmem:s6+$0x280] =	vst v2  }
0x482: {  	s3 =	sor.u32 s10, s1;
	v4 =	vor.u32 $0x62, v8;
	v1 =	vld.idx.msk [tilespmem:v8+s13+$0x0], $0xffff  }
0x483: {  	v5 =	vor.u32 $0x63, v8;
	v11 =	vld [tilespmem:s3+$0x0]  }
0x484: {  	v6 =	vor.u32 $0x70, v8;
	v12 =	vld [tilespmem:s3+$0x80]  }
0x485: {  	v7 =	vor.u32 $0x71, v8;
	v13 =	vld [tilespmem:s3+$0x100]  }
0x486: {  	v2 =	vld.idx.msk [tilespmem:v3+s13+$0x0], $0xffff  }
0x487: {  	v3 =	vld.idx.msk [tilespmem:v4+s13+$0x0], $0xffff  }
0x488: {  	v4 =	vld.idx.msk [tilespmem:v5+s13+$0x0], $0xffff  }
0x489: {  	s11 =	simm.s32 $0x0;
	v9 =	vor.u32 $0x73, v8;
	v5 =	vld.idx.msk [tilespmem:v6+s13+$0x0], $0xffff  }
0x48a: {  	s6 =	sand.u32 $0x60, s11;
	v6 =	vld.idx.msk [tilespmem:v7+s13+$0x0], $0xffff;
	v7 =	vor.u32 $0x72, v8  }
0x48b: {  	v10 =	vor.u32 $0x64, v8;
	v15 =	vld [tilespmem:s3+$0x180];
	s1 =	sor.u32 s6, s1  }
0x48c: {  	v14 =	vor.u32 $0x74, v8;
	v20 =	vld [tilespmem:s1+$0x80]  }
0x48d: {  	v21 =	vld [tilespmem:s1+$0x100]  }
0x48e: {  	v8 =	vld.idx.msk [tilespmem:v9+s13+$0x0], $0xffff  }
0x48f: {  	v7 =	vld.idx.msk [tilespmem:v7+s13+$0x0], $0xffff  }
0x490: {  	v9 =	vld.idx.msk [tilespmem:v10+s13+$0x0], $0xffff;
	v16 =	vmul.f32 v11, v1;
	v17 =	vmul.f32 v12, v2  }
0x491: {  	v10 =	vld.idx.msk [tilespmem:v14+s13+$0x0], $0xffff  }
0x492: {  	v14 =	vmul.f32 v13, v3;
	v18 =	vmul.f32 v15, v4;
	v16 =	vadd.f32 v17, v16;
	v17 =	vld [tilespmem:s1+$0x180]  }
0x493: {  	s20 =	simm.s32 $0x100;
	s0 =	scvt.s32.f32 s7;
	v11 =	vmul.f32 v11, v5;
	v12 =	vmul.f32 v12, v6  }
0x494: {  	s24 =	sand.u32 $0x3C00, s20;
	s25 =	simm.s32 $0x30;
	v19 =	vld [tilespmem:s1+$0x0];
	v15 =	vmul.f32 v15, v8;
	v14 =	vadd.f32 v18, v14;
	v13 =	vmul.f32 v13, v7  }
0x495: {  	v23 =	vadd.f32 s0, v0;
	s7 =	sand.u32 $0x70, s25;
	s0 =	scvt.s32.f32 s25;
	v11 =	vadd.f32 v12, v11;
	s1 =	sadd.s32 $0x12000, s24  }
0x496: {  	s8 =	simm.s32 $0x20;
	s3 =	sor.u32 s7, s1;
	v12 =	vadd.f32 v15, v13;
	v13 =	vadd.f32 v14, v16;
	v14 =	vmul.f32 v20, v2  }
0x497: {  	s10 =	sand.u32 $0x60, s8;
	v41 =	vadd.f32 s0, v0;
	s7 =	scvt.s32.f32 s8;
	v28 =	vld [tilespmem:s3+$0x180];
	v15 =	vmul.f32 v21, v3;
	v16 =	vmul.f32 v17, v4  }
0x498: {  	s1 =	sor.u32 s10, s1;
	v21 =	vmul.f32 v21, v7;
	v11 =	vadd.f32 v12, v11;
	v13 =	vadd.f32 v13, v9  }
0x499: {  	v39 =	vld [tilespmem:s1+$0x80];
	v30 =	vadd.f32 s7, v0;
	v17 =	vmul.f32 v17, v8;
	v12 =	vmul.f32 v19, v1  }
0x49a: {  	v62 =	vld [tilespmem:s1+$0x180];
	v20 =	vmul.f32 v20, v6;
	v11 =	vadd.f32 v11, v10;
	v18 =	vadd.f32 $1.258291200e+07, v13  }
0x49b: {  	v19 =	vmul.f32 v19, v5;
	v17 =	vadd.f32 v17, v21;
	v12 =	vadd.f32 v14, v12  }
0x49c: {  	v60 =	vmul.f32 v28, v4;
	v22 =	vadd.f32 $1.258291200e+07, v11;
	v18 =	vadd.f32 $-1.258291200e+07, v18  }
0x49d: {  	v28 =	vmul.f32 v28, v8;
	v14 =	vadd.f32 v16, v15;
	v19 =	vadd.f32 v20, v19  }
0x49e: {  	s19 =	scvt.s32.f32 s11;
	v63 =	vmul.f32 v39, v6;
	v15 =	vadd.f32 $-1.258291200e+07, v22;
	v16 =	vsub.f32 v23, v18  }
0x49f: {  	v35 =	vmul.f32 v62, v8;
	v12 =	vadd.f32 v14, v12;
	v17 =	vadd.f32 v17, v19  }
0x4a0: {  	v19 =	vadd.f32 s19, v0;
	v14 =	vsub.f32 v23, v15;
	v16 =	vmax.f32 v16, $1.000000000e+00  }
0x4a1: {  	v12 =	vadd.f32 v12, v9;
	v17 =	vadd.f32 v17, v10;
	v16 =	vmin.f32 v16, $2.047000000e+03  }
0x4a2: {  	v13 =	vsub.f32 v13, v18;
	v14 =	vmax.f32 v14, $1.000000000e+00;
	v16 =	vtrunc.f32 v16  }
0x4a3: {  	v20 =	vadd.f32 $1.258291200e+07, v12;
	v14 =	vmin.f32 v14, $2.047000000e+03;
	v16 =	vcvt.f32.s32 v16  }
0x4a4: {  	v31 =	vsub.f32 $1.000000000e+00, v13;
	v11 =	vsub.f32 v11, v15;
	v14 =	vtrunc.f32 v14  }
0x4a5: {  	v20 =	vadd.f32 $-1.258291200e+07, v20;
	v14 =	vcvt.f32.s32 v14;
	v21 =	vshll.u32 v16, $0x3  }
0x4a6: {  	v22 =	vadd.s32 $0xFFFFFFFF, v16;
	v16 =	vand.u32 $0x7F, v16;
	v21 =	vand.u32 $0xFFFFFC00, v21  }
0x4a7: {  	v23 =	vshll.u32 v22, $0x3;
	v22 =	vand.u32 $0x7F, v22;
	v16 =	vor.u32 v21, v16  }
0x4a8: {  	v21 =	vand.u32 $0xFFFFFC00, v23;
	v23 =	vadd.f32 $1.258291200e+07, v17;
	v24 =	vand.u32 $0x7F, v14  }
0x4a9: {  	v16 =	vor.u32 $0x300, v16;
	v21 =	vor.u32 v21, v22;
	v22 =	vshll.u32 v14, $0x3  }
0x4aa: {  	v14 =	vadd.s32 $0xFFFFFFFF, v14;
	v21 =	vor.u32 $0x300, v21;
	v23 =	vadd.f32 $-1.258291200e+07, v23  }
0x4ab: {  	v22 =	vand.u32 $0xFFFFFC00, v22;
	v25 =	vand.u32 $0x7F, v14;
	v14 =	vshll.u32 v14, $0x3  }
0x4ac: {  	v22 =	vor.u32 v22, v24;
	v24 =	vsub.f32 v19, v20;
	v14 =	vand.u32 $0xFFFFFC00, v14  }
0x4ad: {  	v61 =	vsub.f32 $1.000000000e+00, v11;
	v19 =	vsub.f32 v19, v23;
	v14 =	vor.u32 v14, v25;
	v25 =	vld [tilespmem:s3+$0x100]  }
0x4ae: {  	v12 =	vsub.f32 v12, v20;
	v22 =	vor.u32 $0x380, v22;
	v24 =	vmax.f32 v24, $1.000000000e+00;
	v26 =	vld.idx.msk [tilespmem:v16+s14+$0x0], $0xffff  }
0x4af: {  	v14 =	vor.u32 $0x380, v14;
	v16 =	vmin.f32 v24, $2.047000000e+03;
	v19 =	vmax.f32 v19, $1.000000000e+00;
	v24 =	vld [tilespmem:s3+$0x0]  }
0x4b0: {  	v20 =	vld.idx.msk [tilespmem:v21+s14+$0x0], $0xffff;
	v21 =	vtrunc.f32 v16;
	v16 =	vsub.f32 v17, v23;
	v19 =	vmin.f32 v19, $2.047000000e+03  }
0x4b1: {  	v23 =	vld [tilespmem:s3+$0x80];
	v17 =	vsub.f32 $1.000000000e+00, v12;
	v21 =	vcvt.f32.s32 v21;
	v19 =	vtrunc.f32 v19  }
0x4b2: {  	v18 =	vsub.f32 $1.000000000e+00, v16;
	v19 =	vcvt.f32.s32 v19;
	v59 =	vmul.f32 v25, v3  }
0x4b3: {  	v38 =	vld [tilespmem:s1+$0x0];
	v25 =	vmul.f32 v25, v7;
	v27 =	vshll.u32 v21, $0x3;
	v29 =	vadd.s32 $0xFFFFFFFF, v21  }
0x4b4: {  	v40 =	vld [tilespmem:s1+$0x100];
	v21 =	vand.u32 $0x7F, v21;
	v56 =	vadd.s32 $0xFFFFFFFF, v19;
	v15 =	vshll.u32 v29, $0x3  }
0x4b5: {  	v14 =	vld.idx.msk [tilespmem:v14+s14+$0x0], $0xffff;
	v26 =	vmul.f32 v31, v26;
	v58 =	vshll.u32 v19, $0x3;
	v13 =	vmul.f32 v13, v20  }
0x4b6: {  	v27 =	vand.u32 $0xFFFFFC00, v27;
	v20 =	vld.idx.msk [tilespmem:v22+s14+$0x0], $0xffff;
	v22 =	vmul.f32 v24, v1;
	v31 =	vmul.f32 v23, v2  }
0x4b7: {  	v25 =	vadd.f32 v28, v25;
	v24 =	vmul.f32 v24, v5;
	v23 =	vmul.f32 v23, v6  }
0x4b8: {  	v57 =	vshll.u32 v56, $0x3;
	v22 =	vadd.f32 v31, v22;
	v31 =	vadd.f32 v60, v59  }
0x4b9: {  	s24 =	simm.s32 $0x200;
	v15 =	vand.u32 $0xFFFFFC00, v15;
	v23 =	vadd.f32 v23, v24;
	v24 =	vadd.f32 v26, v13  }
0x4ba: {  	s25 =	simm.s32 $0x50;
	s11 =	sand.u32 $0x3C00, s24;
	v11 =	vmul.f32 v11, v14;
	v14 =	vand.u32 $0x7F, v29;
	v29 =	vmul.f32 v38, v5  }
0x4bb: {  	s0 =	sadd.s32 $0x12000, s11;
	s19 =	sand.u32 $0x70, s25;
	v13 =	vadd.f32 v25, v23;
	v25 =	vmul.f32 v40, v3;
	v40 =	vmul.f32 v40, v7  }
0x4bc: {  	s1 =	sor.u32 s19, s0;
	v33 =	vand.u32 $0xFFFFFC00, v57;
	v22 =	vadd.f32 v31, v22;
	v20 =	vmul.f32 v61, v20  }
0x4bd: {  	v57 =	vld [tilespmem:s1+$0x80];
	v14 =	vor.u32 v15, v14;
	v29 =	vadd.f32 v63, v29;
	v15 =	vadd.f32 v35, v40  }
0x4be: {  	v14 =	vor.u32 $0x300, v14;
	v23 =	vadd.f32 v20, v11;
	v20 =	vadd.f32 v22, v9  }
0x4bf: {  	v26 =	vadd.f32 v13, v10;
	v11 =	vmul.f32 v38, v1;
	v22 =	vmul.f32 v39, v2  }
0x4c0: {  	v59 =	vld [tilespmem:s1+$0x180];
	v13 =	vmul.f32 v62, v4;
	v15 =	vadd.f32 v15, v29;
	v31 =	vadd.f32 $1.258291200e+07, v20  }
0x4c1: {  	v28 =	vand.u32 $0xFFFFFC00, v58;
	v11 =	vadd.f32 v22, v11;
	v22 =	vadd.f32 $1.258291200e+07, v26  }
0x4c2: {  	v36 =	vmul.f32 v57, v6;
	v13 =	vadd.f32 v13, v25;
	v31 =	vadd.f32 $-1.258291200e+07, v31  }
0x4c3: {  	v25 =	vand.u32 $0x7F, v56;
	v44 =	vadd.f32 v15, v10;
	v22 =	vadd.f32 $-1.258291200e+07, v22  }
0x4c4: {  	v25 =	vor.u32 v33, v25;
	v11 =	vadd.f32 v13, v11;
	v42 =	vsub.f32 v41, v31  }
0x4c5: {  	v38 =	vmul.f32 v59, v8;
	v25 =	vor.u32 $0x380, v25;
	v14 =	vld.idx.msk [tilespmem:v14+s14+$0x0], $0xffff;
	v43 =	vsub.f32 v41, v22  }
0x4c6: {  	v45 =	vadd.f32 $1.258291200e+07, v44;
	v11 =	vadd.f32 v11, v9;
	v13 =	vmax.f32 v42, $1.000000000e+00  }
0x4c7: {  	v20 =	vsub.f32 v20, v31;
	v29 =	vmax.f32 v43, $1.000000000e+00;
	v13 =	vmin.f32 v13, $2.047000000e+03  }
0x4c8: {  	v22 =	vsub.f32 v26, v22;
	v29 =	vmin.f32 v29, $2.047000000e+03;
	v13 =	vtrunc.f32 v13  }
0x4c9: {  	v15 =	vtrunc.f32 v29;
	v29 =	vadd.f32 $1.258291200e+07, v11;
	v13 =	vcvt.f32.s32 v13  }
0x4ca: {  	v33 =	vadd.f32 $-1.258291200e+07, v45;
	v14 =	vmul.f32 v12, v14;
	v15 =	vcvt.f32.s32 v15  }
0x4cb: {  	v31 =	vsub.f32 $1.000000000e+00, v20;
	v29 =	vadd.f32 $-1.258291200e+07, v29;
	v46 =	vand.u32 $0x7F, v13  }
0x4cc: {  	v47 =	vshll.u32 v13, $0x3;
	v48 =	vand.u32 $0x7F, v15;
	v49 =	vshll.u32 v15, $0x3  }
0x4cd: {  	s20 =	simm.s32 $0x40;
	v13 =	vadd.s32 $0xFFFFFFFF, v13;
	v15 =	vadd.s32 $0xFFFFFFFF, v15;
	v35 =	vand.u32 $0xFFFFFC00, v47  }
0x4ce: {  	s8 =	sand.u32 $0x60, s20;
	v50 =	vand.u32 $0x7F, v13;
	v37 =	vand.u32 $0xFFFFFC00, v49;
	v51 =	vand.u32 $0x7F, v15  }
0x4cf: {  	s0 =	sor.u32 s8, s0;
	v13 =	vshll.u32 v13, $0x3;
	v15 =	vshll.u32 v15, $0x3;
	v34 =	vor.u32 v35, v46  }
0x4d0: {  	v63 =	vld [tilespmem:s0+$0x80];
	v13 =	vand.u32 $0xFFFFFC00, v13;
	v52 =	vor.u32 v37, v48;
	v15 =	vand.u32 $0xFFFFFC00, v15  }
0x4d1: {  	v34 =	vor.u32 $0x300, v34;
	v13 =	vor.u32 v13, v50;
	v15 =	vor.u32 v15, v51  }
0x4d2: {  	v55 =	vld [tilespmem:s1+$0x0];
	v35 =	vor.u32 $0x380, v52;
	v13 =	vor.u32 $0x300, v13;
	v53 =	vor.u32 $0x380, v15  }
0x4d3: {  	v15 =	vand.u32 $0x7F, v19;
	v19 =	vor.u32 v27, v21;
	v21 =	vld.idx.msk [tilespmem:v25+s14+$0x0], $0xffff;
	v25 =	vsub.f32 v30, v29  }
0x4d4: {  	v41 =	vsub.f32 $1.000000000e+00, v22;
	v27 =	vor.u32 $0x300, v19;
	v19 =	vsub.f32 v30, v33  }
0x4d5: {  	v47 =	vmul.f32 v63, v6;
	v46 =	vmul.f32 v63, v2;
	v25 =	vmax.f32 v25, $1.000000000e+00  }
0x4d6: {  	v15 =	vor.u32 v28, v15;
	v25 =	vmin.f32 v25, $2.047000000e+03;
	v19 =	vmax.f32 v19, $1.000000000e+00;
	v30 =	vld.idx.msk [tilespmem:v34+s14+$0x0], $0xffff  }
0x4d7: {  	s10 =	scvt.s32.f32 s25;
	v34 =	vor.u32 $0x380, v15;
	v15 =	vsub.f32 v11, v29;
	v29 =	vld.idx.msk [tilespmem:v35+s14+$0x0], $0xffff;
	v11 =	vsub.f32 v44, v33  }
0x4d8: {  	v33 =	vmul.f32 v55, v5;
	v54 =	vld.idx.msk [tilespmem:v13+s14+$0x0], $0xffff;
	v13 =	vmin.f32 v19, $2.047000000e+03;
	v19 =	vtrunc.f32 v25  }
0x4d9: {  	s7 =	scvt.s32.f32 s20;
	v51 =	vadd.f32 s10, v0;
	v25 =	vld.idx.msk [tilespmem:v53+s14+$0x0], $0xffff;
	v16 =	vmul.f32 v16, v21;
	v19 =	vcvt.f32.s32 v19  }
0x4da: {  	v12 =	vsub.f32 $1.000000000e+00, v15;
	v28 =	vtrunc.f32 v13;
	v13 =	vsub.f32 $1.000000000e+00, v11  }
0x4db: {  	v26 =	vld [tilespmem:s1+$0x100];
	v56 =	vcvt.f32.s32 v28;
	v28 =	vadd.f32 s7, v0;
	v21 =	vshll.u32 v19, $0x3  }
0x4dc: {  	v58 =	vadd.s32 $0xFFFFFFFF, v19;
	v44 =	vand.u32 $0x7F, v19;
	v19 =	vadd.f32 v36, v33  }
0x4dd: {  	v60 =	vadd.s32 $0xFFFFFFFF, v56;
	v30 =	vmul.f32 v31, v30;
	v20 =	vmul.f32 v20, v54  }
0x4de: {  	v61 =	vshll.u32 v58, $0x3;
	v29 =	vmul.f32 v41, v29;
	v22 =	vmul.f32 v22, v25  }
0x4df: {  	v25 =	vld [tilespmem:s0+$0x0];
	v40 =	vadd.f32 v30, v20;
	v20 =	vmul.f32 v55, v1;
	v30 =	vmul.f32 v57, v2  }
0x4e0: {  	v31 =	vadd.f32 v29, v22;
	v22 =	vmul.f32 v26, v3;
	v29 =	vmul.f32 v59, v4  }
0x4e1: {  	v43 =	vshll.u32 v56, $0x3;
	v21 =	vand.u32 $0xFFFFFC00, v21;
	v20 =	vadd.f32 v30, v20;
	v30 =	vld [tilespmem:s0+$0x100]  }
0x4e2: {  	v37 =	vand.u32 $0x7F, v58;
	v26 =	vmul.f32 v26, v7;
	v22 =	vadd.f32 v29, v22;
	v29 =	vld [tilespmem:s0+$0x180]  }
0x4e3: {  	v35 =	vand.u32 $0x7F, v56;
	v42 =	vshll.u32 v60, $0x3;
	v62 =	vand.u32 $0xFFFFFC00, v61  }
0x4e4: {  	v26 =	vadd.f32 v38, v26;
	v45 =	vmul.f32 v25, v1;
	v25 =	vmul.f32 v25, v5  }
0x4e5: {  	v43 =	vand.u32 $0xFFFFFC00, v43;
	v39 =	vand.u32 $0x7F, v60;
	v20 =	vadd.f32 v22, v20  }
0x4e6: {  	v50 =	vor.u32 v21, v44;
	v19 =	vadd.f32 v26, v19;
	v25 =	vadd.f32 v47, v25  }
0x4e7: {  	v20 =	vadd.f32 v20, v9;
	v22 =	vmul.f32 v30, v3;
	v26 =	vmul.f32 v29, v4  }
0x4e8: {  	v19 =	vadd.f32 v19, v10;
	v30 =	vmul.f32 v30, v7;
	v29 =	vmul.f32 v29, v8  }
0x4e9: {  	v42 =	vand.u32 $0xFFFFFC00, v42;
	v26 =	vadd.f32 v26, v22;
	v22 =	vadd.f32 $1.258291200e+07, v20  }
0x4ea: {  	v32 =	vor.u32 v62, v37;
	v49 =	vadd.f32 $1.258291200e+07, v19;
	v29 =	vadd.f32 v29, v30  }
0x4eb: {  	v35 =	vor.u32 v43, v35;
	v33 =	vadd.f32 v46, v45;
	v22 =	vadd.f32 $-1.258291200e+07, v22  }
0x4ec: {  	v53 =	vor.u32 $0x300, v50;
	v21 =	vadd.f32 $-1.258291200e+07, v49;
	v25 =	vadd.f32 v29, v25  }
0x4ed: {  	v48 =	vor.u32 v42, v39;
	v26 =	vadd.f32 v26, v33;
	v30 =	vsub.f32 v51, v22  }
0x4ee: {  	v52 =	vld.idx.msk [tilespmem:v27+s14+$0x0], $0xffff;
	v32 =	vor.u32 $0x300, v32;
	v29 =	vsub.f32 v51, v21;
	v27 =	vadd.f32 v25, v10  }
0x4ef: {  	v34 =	vld.idx.msk [tilespmem:v34+s14+$0x0], $0xffff;
	v55 =	vor.u32 $0x380, v35;
	v54 =	vadd.f32 v26, v9;
	v26 =	vmax.f32 v30, $1.000000000e+00  }
0x4f0: {  	v30 =	vadd.f32 $1.258291200e+07, v27;
	v25 =	vmin.f32 v26, $2.047000000e+03;
	v26 =	vmax.f32 v29, $1.000000000e+00  }
0x4f1: {  	s19 =	simm.s32 $0x1;
	v29 =	vadd.f32 $1.258291200e+07, v54;
	v26 =	vmin.f32 v26, $2.047000000e+03;
	v25 =	vtrunc.f32 v25  }
0x4f2: {  	s1 =	sand.u32 $0x3, s19;
	v36 =	vor.u32 $0x380, v48;
	v56 =	vcvt.f32.s32 v25;
	v25 =	vtrunc.f32 v26  }
0x4f3: {  	s6 =	sand.u32 $0x7, s26;
	s1 =	sshll.u32 s1, $0x5;
	v30 =	vadd.f32 $-1.258291200e+07, v30;
	v57 =	vadd.f32 $-1.258291200e+07, v29;
	v29 =	vcvt.f32.s32 v25  }
0x4f4: {  	s11 =	sand.u32 $0x3, s26;
	s20 =	sadd.s32 $0x100, s1;
	s1 =	sshll.u32 s6, $0x4;
	v26 =	vmul.f32 v17, v52;
	v25 =	vmul.f32 v18, v34;
	v17 =	vand.u32 $0x7F, v56  }
0x4f5: {  	s3 =	simm.s32 $0x2;
	s26 =	sor.u32 $0x300, s20;
	s1 =	sadd.s32 $0x10, s1;
	v18 =	vshll.u32 v56, $0x3;
	v35 =	vadd.s32 $0xFFFFFFFF, v56;
	v58 =	vand.u32 $0x7F, v29  }
0x4f6: {  	s8 =	sor.u32 $0x300, s1;
	s10 =	sand.u32 $0x7, s3;
	s7 =	simm.s32 $0x2;
	v59 =	vshll.u32 v29, $0x3;
	v18 =	vand.u32 $0xFFFFFC00, v18;
	v29 =	vadd.s32 $0xFFFFFFFF, v29  }
0x4f7: {  	s1 =	sor.u32 $0x380, s1;
	[tilespmem:s8+$0xC000] =	vst v24;
	s6 =	sand.u32 $0x3, s7;
	s7 =	sshll.u32 s10, $0x4;
	v60 =	vand.u32 $0x7F, v35;
	v61 =	vand.u32 $0xFFFFFC00, v59;
	v62 =	vand.u32 $0x7F, v29  }
0x4f8: {  	s30 =	sor.u32 $0x380, s20;
	[tilespmem:s1+$0xC000] =	vst v23;
	s1 =	simm.s32 $0x110;
	s7 =	sadd.s32 $0x110, s7;
	v32 =	vld.idx.msk [tilespmem:v32+s14+$0x0], $0xffff;
	v17 =	vor.u32 v18, v17;
	v18 =	vshll.u32 v35, $0x3;
	v63 =	vshll.u32 v29, $0x3  }
0x4f9: {  	s6 =	sshll.u32 s6, $0x5;
	s19 =	sor.u32 $0x300, s7;
	s0 =	sshll.u32 s11, $0x5;
	v33 =	vor.u32 $0x300, v17;
	v17 =	vand.u32 $0xFFFFFC00, v18;
	v18 =	vor.u32 v61, v58  }
0x4fa: {  	s20 =	sor.u32 $0x380, s7;
	s11 =	sadd.s32 $0x200, s6;
	s0 =	sadd.s32 $0x0, s0;
	v29 =	vld.idx.msk [tilespmem:v36+s14+$0x0], $0xffff;
	v24 =	vor.u32 v17, v60;
	v34 =	vor.u32 $0x380, v18;
	v18 =	vand.u32 $0xFFFFFC00, v63  }
0x4fb: {  	s7 =	simm.s32 $0x3;
	[tilespmem:s19+$0xC000] =	vst v40;
	s31 =	sor.u32 $0x300, s11;
	s28 =	sor.u32 $0x300, s0;
	v23 =	vsub.f32 v28, v57;
	v17 =	vld.idx.msk [tilespmem:v53+s14+$0x0], $0xffff;
	v35 =	vor.u32 $0x300, v24;
	v24 =	vor.u32 v18, v62  }
0x4fc: {  	[tilespmem:s20+$0xC000] =	vst v31;
	s29 =	sor.u32 $0x380, s0;
	s0 =	sor.u32 $0x380, s11;
	s11 =	simm.s32 $0x4;
	v31 =	vsub.f32 v54, v57;
	v28 =	vsub.f32 v28, v30;
	v18 =	vld.idx.msk [tilespmem:v55+s14+$0x0], $0xffff;
	v24 =	vor.u32 $0x380, v24  }
.LBB2_17:
0x4fd: {  	s6 =	sand.u32 $0x3, s7;
	v27 =	vsub.f32 v27, v30;
	v23 =	vmax.f32 v23, $1.000000000e+00;
	v30 =	vmul.f32 v15, v32  }
0x4fe: {  	s24 =	sadd.s32 $0x100, s24;
	s6 =	sshll.u32 s6, $0x5;
	v32 =	vmin.f32 v23, $2.047000000e+03;
	v28 =	vmax.f32 v28, $1.000000000e+00;
	v23 =	vsub.f32 $1.000000000e+00, v31;
	v33 =	vld.idx.msk [tilespmem:v33+s14+$0x0], $0xffff;
	v15 =	vmovc v31  }
0x4ff: {  	s25 =	sadd.s32 $0x20, s25;
	s8 =	sand.u32 $0x3C00, s24;
	s6 =	sadd.s32 s6, s24;
	v31 =	vmin.f32 v28, $2.047000000e+03;
	v32 =	vtrunc.f32 v32;
	v28 =	vsub.f32 $1.000000000e+00, v27;
	v34 =	vld.idx.msk [tilespmem:v34+s14+$0x0], $0xffff  }
0x500: {  	v26 =	vadd.f32 v26, v14;
	s10 =	sadd.s32 $0xFFFFFFF0, s25;
	s19 =	sand.u32 $0x70, s25;
	s8 =	sadd.s32 $0x12000, s8;
	v14 =	vmovc v30;
	v32 =	vcvt.f32.s32 v32;
	v31 =	vtrunc.f32 v31;
	v35 =	vld.idx.msk [tilespmem:v35+s14+$0x0], $0xffff  }
0x501: {  	v25 =	vadd.f32 v25, v16;
	v16 =	vmul.f32 v11, v29;
	s20 =	sand.u32 $0x60, s10;
	s10 =	scvt.s32.f32 s10;
	v11 =	vmovc v27;
	s19 =	sor.u32 s19, s8;
	v30 =	vcvt.f32.s32 v31;
	v31 =	vld.idx.msk [tilespmem:v24+s14+$0x0], $0xffff  }
0x502: {  	v20 =	vsub.f32 v20, v22;
	s8 =	sor.u32 s20, s8;
	s20 =	sor.u32 $0x300, s6;
	s6 =	sor.u32 $0x380, s6;
	v27 =	vld [tilespmem:s19+$0x0];
	v29 =	vshll.u32 v32, $0x3;
	v36 =	vadd.s32 $0xFFFFFFFF, v32;
	[tilespmem:s28+$0xC000] =	vst v26  }
0x503: {  	v19 =	vsub.f32 v19, v21;
	v24 =	vadd.f32 s10, v0;
	s28 =	smov.u32 s26;
	s26 =	smov.u32 s31;
	s31 =	smov.u32 s20;
	v22 =	vld [tilespmem:s19+$0x80];
	v26 =	vadd.s32 $0xFFFFFFFF, v30;
	[tilespmem:s29+$0xC000] =	vst v25  }
0x504: {  	v38 =	vsub.f32 $1.000000000e+00, v20;
	v25 =	vshll.u32 v36, $0x3;
	s29 =	smov.u32 s30;
	s30 =	smov.u32 s0;
	s0 =	smov.u32 s6;
	v21 =	vld [tilespmem:s19+$0x100];
	v37 =	vshll.u32 v26, $0x3  }
0x505: {  	s3 =	sadd.s32 $0x2, s3;
	v41 =	vsub.f32 $1.000000000e+00, v19;
	v40 =	vshll.u32 v30, $0x3;
	v25 =	vand.u32 $0xFFFFFC00, v25;
	v39 =	vld [tilespmem:s19+$0x180]  }
0x506: {  	s6 =	sand.u32 $0x7, s3;
	v33 =	vmul.f32 v38, v33;
	v37 =	vand.u32 $0xFFFFFC00, v37;
	v20 =	vmul.f32 v20, v35;
	v42 =	vld [tilespmem:s8+$0x0]  }
0x507: {  	s11 =	sadd.s32 $0x2, s11;
	s1 =	sadd.s32 $0x100, s1;
	v29 =	vand.u32 $0xFFFFFC00, v29;
	s6 =	sshll.u32 s6, $0x4;
	v34 =	vmul.f32 v41, v34;
	v19 =	vmul.f32 v19, v31;
	v35 =	vld [tilespmem:s8+$0x80]  }
0x508: {  	p0 =	slt.u32 s11, $0x7E;
	v36 =	vand.u32 $0x7F, v36;
	v38 =	vand.u32 $0xFFFFFC00, v40;
	s6 =	sadd.s32 s6, s1;
	v20 =	vadd.f32 v33, v20;
	v31 =	vld [tilespmem:s8+$0x100]  }
0x509: {  	v40 =	vmul.f32 v27, v1;
	v41 =	vmul.f32 v22, v2;
	v19 =	vadd.f32 v34, v19;
	v33 =	vld [tilespmem:s8+$0x180];
	s8 =	sor.u32 $0x300, s6  }
0x50a: {  	v26 =	vand.u32 $0x7F, v26;
	v34 =	vmul.f32 v21, v3;
	s6 =	sor.u32 $0x380, s6;
	v43 =	vmul.f32 v39, v4;
	[tilespmem:s8+$0xC000] =	vst v20  }
0x50b: {  	v22 =	vmul.f32 v22, v6;
	v20 =	vmul.f32 v27, v5;
	v27 =	vand.u32 $0x7F, v32;
	[tilespmem:s6+$0xC000] =	vst v19  }
0x50c: {  	v30 =	vand.u32 $0x7F, v30;
	v19 =	vmul.f32 v21, v7;
	v21 =	vmul.f32 v39, v8  }
0x50d: {  	v32 =	vmul.f32 v42, v1;
	v39 =	vadd.f32 v41, v40;
	v34 =	vadd.f32 v43, v34  }
0x50e: {  	v40 =	vmul.f32 v35, v2;
	v20 =	vadd.f32 v22, v20;
	v19 =	vadd.f32 v21, v19  }
0x50f: {  	v21 =	vmul.f32 v31, v3;
	v22 =	vmul.f32 v33, v4;
	v34 =	vadd.f32 v34, v39  }
0x510: {  	v35 =	vmul.f32 v35, v6;
	v39 =	vmul.f32 v42, v5;
	v19 =	vadd.f32 v19, v20  }
0x511: {  	v31 =	vmul.f32 v31, v7;
	v33 =	vmul.f32 v33, v8;
	v20 =	vadd.f32 v34, v9  }
0x512: {  	v25 =	vor.u32 v25, v36;
	v32 =	vadd.f32 v40, v32;
	v19 =	vadd.f32 v19, v10  }
0x513: {  	v26 =	vor.u32 v37, v26;
	s6 =	scvt.s32.f32 s25;
	v34 =	vadd.f32 v22, v21;
	v21 =	vadd.f32 $1.258291200e+07, v20  }
0x514: {  	v27 =	vor.u32 v29, v27;
	v35 =	vadd.f32 v35, v39;
	v36 =	vadd.f32 $1.258291200e+07, v19  }
0x515: {  	v30 =	vor.u32 v38, v30;
	v29 =	vadd.f32 s6, v0;
	v22 =	vadd.f32 $-1.258291200e+07, v21  }
0x516: {  	v25 =	vor.u32 $0x300, v25;
	v31 =	vadd.f32 v33, v31;
	v21 =	vadd.f32 $-1.258291200e+07, v36  }
0x517: {  	v26 =	vor.u32 $0x380, v26;
	v32 =	vadd.f32 v34, v32;
	v33 =	vsub.f32 v29, v22  }
0x518: {  	v31 =	vadd.f32 v31, v35;
	v34 =	vor.u32 $0x300, v27;
	v29 =	vsub.f32 v29, v21  }
0x519: {  	v36 =	vadd.f32 v32, v9;
	v32 =	vmax.f32 v33, $1.000000000e+00;
	v33 =	vor.u32 $0x380, v30  }
0x51a: {  	v27 =	vadd.f32 v31, v10;
	v30 =	vmin.f32 v32, $2.047000000e+03;
	v29 =	vmax.f32 v29, $1.000000000e+00  }
0x51b: {  	v31 =	vadd.f32 $1.258291200e+07, v36;
	v29 =	vmin.f32 v29, $2.047000000e+03;
	v30 =	vtrunc.f32 v30;
	v32 =	vld.idx.msk [tilespmem:v25+s14+$0x0], $0xffff  }
0x51c: {  	v25 =	vadd.f32 $1.258291200e+07, v27;
	v35 =	vcvt.f32.s32 v30;
	v30 =	vtrunc.f32 v29;
	v29 =	vld.idx.msk [tilespmem:v26+s14+$0x0], $0xffff  }
0x51d: {  	v31 =	vadd.f32 $-1.258291200e+07, v31;
	v37 =	vcvt.f32.s32 v30;
	v26 =	vmul.f32 v12, v17;
	v12 =	vmovc v23;
	v17 =	vld.idx.msk [tilespmem:v34+s14+$0x0], $0xffff  }
0x51e: {  	v30 =	vadd.f32 $-1.258291200e+07, v25;
	v23 =	vand.u32 $0x7F, v35;
	v25 =	vmul.f32 v13, v18;
	v13 =	vmovc v28;
	v18 =	vld.idx.msk [tilespmem:v33+s14+$0x0], $0xffff  }
0x51f: {  	v28 =	vshll.u32 v35, $0x3;
	v34 =	vand.u32 $0x7F, v37;
	v33 =	vshll.u32 v37, $0x3  }
0x520: {  	v35 =	vadd.s32 $0xFFFFFFFF, v35;
	v28 =	vand.u32 $0xFFFFFC00, v28;
	v37 =	vadd.s32 $0xFFFFFFFF, v37  }
0x521: {  	v38 =	vand.u32 $0x7F, v35;
	v39 =	vand.u32 $0xFFFFFC00, v33;
	v40 =	vand.u32 $0x7F, v37  }
.Ltmp9:
0x522: {  	v23 =	vor.u32 v28, v23;
	v28 =	vshll.u32 v35, $0x3;
	v35 =	vshll.u32 v37, $0x3;
	(pc) =	sbr.rel @p0 .LBB2_17-.Ltmp9, $4  }
0x523: {  	v33 =	vor.u32 $0x300, v23;
	v23 =	vand.u32 $0xFFFFFC00, v28;
	v28 =	vor.u32 v39, v34  }
0x524: {  	v37 =	vor.u32 v23, v38;
	v34 =	vor.u32 $0x380, v28;
	v28 =	vand.u32 $0xFFFFFC00, v35  }
0x525: {  	v23 =	vsub.f32 v24, v31;
	v35 =	vor.u32 $0x300, v37;
	v37 =	vor.u32 v28, v40  }
0x526: {  	s7 =	sadd.s32 $0x1, s7;
	v31 =	vsub.f32 v36, v31;
	v28 =	vsub.f32 v24, v30;
	v24 =	vor.u32 $0x380, v37  }
0x527: {  	v1 =	vmax.f32 v23, $1.000000000e+00  }
0x528: {  	v1 =	vmin.f32 v1, $2.047000000e+03  }
0x529: {  	v2 =	vmax.f32 v28, $1.000000000e+00;
	v1 =	vtrunc.f32 v1  }
0x52a: {  	v2 =	vmin.f32 v2, $2.047000000e+03;
	v1 =	vcvt.f32.s32 v1  }
0x52b: {  	v2 =	vtrunc.f32 v2  }
0x52c: {  	v2 =	vcvt.f32.s32 v2;
	v3 =	vadd.s32 $0xFFFFFFFF, v1  }
0x52d: {  	v50 =	vshll.u32 v1, $0x3;
	v1 =	vand.u32 $0x7F, v1;
	v4 =	vshll.u32 v3, $0x3  }
0x52e: {  	v5 =	vadd.s32 $0xFFFFFFFF, v2;
	v3 =	vand.u32 $0x7F, v3;
	v51 =	vshll.u32 v2, $0x3  }
0x52f: {  	v2 =	vand.u32 $0x7F, v2;
	v4 =	vand.u32 $0xFFFFFC00, v4;
	v6 =	vshll.u32 v5, $0x3  }
0x530: {  	v5 =	vand.u32 $0x7F, v5;
	v3 =	vor.u32 v4, v3;
	v6 =	vand.u32 $0xFFFFFC00, v6  }
0x531: {  	v4 =	vand.u32 $0xFFFFFC00, v50;
	v5 =	vor.u32 v6, v5;
	v3 =	vor.u32 $0x300, v3  }
0x532: {  	v52 =	vld.idx.msk [tilespmem:v33+s14+$0x0], $0xffff;
	v1 =	vor.u32 v4, v1;
	v4 =	vand.u32 $0xFFFFFC00, v51;
	v5 =	vor.u32 $0x380, v5  }
0x533: {  	v53 =	vld.idx.msk [tilespmem:v34+s14+$0x0], $0xffff;
	v2 =	vor.u32 v4, v2;
	v1 =	vor.u32 $0x300, v1  }
0x534: {  	v7 =	vld.idx.msk [tilespmem:v35+s14+$0x0], $0xffff;
	v2 =	vor.u32 $0x380, v2  }
0x535: {  	v9 =	vld.idx.msk [tilespmem:v24+s14+$0x0], $0xffff  }
0x536: {  	v8 =	vsub.f32 v20, v22;
	v3 =	vld.idx.msk [tilespmem:v3+s14+$0x0], $0xffff  }
0x537: {  	v10 =	vsub.f32 v19, v21;
	v54 =	vsub.f32 v27, v30;
	v15 =	vmul.f32 v15, v32;
	v5 =	vld.idx.msk [tilespmem:v5+s14+$0x0], $0xffff  }
0x538: {  	v14 =	vadd.f32 v26, v14;
	v57 =	vadd.f32 v25, v16;
	v59 =	vmul.f32 v12, v17;
	v1 =	vld.idx.msk [tilespmem:v1+s14+$0x0], $0xffff  }
0x539: {  	v11 =	vmul.f32 v11, v29;
	v55 =	vsub.f32 $1.000000000e+00, v31;
	v20 =	vsub.f32 $1.000000000e+00, v8;
	v2 =	vld.idx.msk [tilespmem:v2+s14+$0x0], $0xffff  }
0x53a: {  	s3 =	sadd.s32 $0x2, s3;
	v60 =	vmul.f32 v13, v18;
	v56 =	vsub.f32 $1.000000000e+00, v10;
	v58 =	vsub.f32 $1.000000000e+00, v54  }
0x53b: {  	s3 =	sand.u32 $0x7, s3;
	[tilespmem:s28+$0xC000] =	vst v14;
	v61 =	vadd.f32 v59, v15;
	v7 =	vmul.f32 v8, v7;
	v6 =	vmul.f32 v20, v52  }
0x53c: {  	s1 =	sadd.s32 $0x100, s1;
	s3 =	sshll.u32 s3, $0x4;
	v63 =	vadd.f32 v60, v11;
	[tilespmem:s29+$0xC000] =	vst v57;
	v9 =	vmul.f32 v10, v9;
	v4 =	vmul.f32 v56, v53  }
0x53d: {  	s1 =	sadd.s32 s3, s1;
	[tilespmem:s26+$0xC000] =	vst v61;
	v6 =	vadd.f32 v6, v7;
	v3 =	vmul.f32 v31, v3;
	v1 =	vmul.f32 v55, v1  }
0x53e: {  	s3 =	sor.u32 $0x300, s1;
	[tilespmem:s30+$0xC000] =	vst v63;
	v4 =	vadd.f32 v4, v9;
	v62 =	vmul.f32 v54, v5;
	v2 =	vmul.f32 v58, v2  }
.Ltmp10:
0x53f: {  	s1 =	sor.u32 $0x380, s1;
	[tilespmem:s3+$0xC000] =	vst v6;
	v1 =	vadd.f32 v1, v3;
	(pc) =	sbr.rel @p1 .LBB2_20-.Ltmp10, $4  }
0x540: {  	[tilespmem:s1+$0xC000] =	vst v4;
	v2 =	vadd.f32 v2, v62  }
0x541: {  	[tilespmem:s31+$0xC000] =	vst v1  }
0x542: {  	s31 =	sadd.s32 s2, s23;
	[tilespmem:s0+$0xC000] =	vst v2  }
0x543: {  	[hbm4b:s31+s4] =	stream.linear.scatter [tilespmem:s18], [sflag:$0x4], $0x4000, $0x38;
	[tilespmem:$0x16000] =	vst v63  }
.Ltmp11:
0x544: {  	(pc) =	sbr.rel .LBB2_2-.Ltmp11, $3  }
0x545: {  	_ =	sdelay $0x1  }
0x546: {  	s0 =	sadd.s32 s23, s9;
	s22 =	sadd.s32 $0x1, s22  }
0x547: {  	[tilespmem:s14], [sflag:$0x2] =	stream.linear.gather [hbm4b:s0+s4], $0x4000, $0x38;
	[tilespmem:$0x16000] =	vst v63  }
.LBB2_21:
0x548: {  	_ =	sfence.sel $0x180000  }
0x549: {  	[bflag:$0x0] =	sbarrier.arrive $0xFFFF  }
0x54a: {  	_ =	strace $0x90000047  }
0x54b: {  	s0 =	stileid.u32;
	[bflag:$0x2] =	sbarrier.arrive $0xFFFF  }
0x54c: {  	p0 =	sne.s32 s0, $0x0;
	s0 =	rddreg [dreg:$0x4]  }
0x54d: {  	s0 =	sadd.s32 @!p0 $0x100000, s0  }
0x54e: {  	[sflag:s0] =	ssyncadd.tile.s32 @!p0 $0x1;
	_ =	shalt  }
.Lfunc_end2:
_tile_overlayer_lowered:
.L_overlay_start_2:
0x54f: {  	(tag) =	ssettag $0x2  }
0x550: {  	s0 =	rddreg [dreg:$0x0];
	s2 =	stileid.u32  }
0x551: {  	s1 =	rddreg [dreg:$0x1];
	p0 =	sne.s32 s2, $0x0  }
0x552: {  	s3 =	rddreg [dreg:$0x2];
	[bflag:$0x3] =	sbarrier.arrive $0xFFFF;
	s2 =	simm.s32 @!p0 $0x1C05  }
0x553: {  	[timem:s3], [sflag:s2] =	dma.local @!p0 [hbm:s0], s1  }
0x554: {  	s0 =	simm.s32 @!p0 $0x5  }
0x555: {  	_ =	swait.ge @!p0 [sflag:s0], s1  }
0x556: {  	s1 =	ssub.s32 @!p0 $0x0, s1;
	[sflag:s0] =	ssyncset.done @!p0 $0x0  }
0x557: {  	[sflag:s0] =	ssyncadd.s32 @!p0 s1  }
0x558: {  	[bflag:$0x3] =	sbarrier.arrive $0xFFFF  }
0x559: {  	_ =	shalt  }

</sc_bundles>
